<compile_context>
chip_gen: v7x
topology: tpu7x:2x2x1
jax: 0.10.2.dev20260603
libtpu: 0.0.44.dev20260713+nightly
codegen_flags: <defaults>
</compile_context>

<pallas_src>
import functools

import numpy as np
import jax
import jax.numpy as jnp
from jax import lax
from jax.experimental import pallas as pl
from jax.experimental.pallas import tpu as pltpu
from jax.experimental.pallas import tpu_sc as plsc

N_CORES = 2
N_SUB = 16
NW = N_CORES * N_SUB
BATCH = 128
ROW_BLK = 1280


def _sc_mesh():
    return plsc.VectorSubcoreMesh(core_axis_name="c", subcore_axis_name="s")


def _make_deg_kernel(NP, K, H):
    RPS = NP // N_SUB

    @functools.partial(
        pl.kernel,
        out_type=jax.ShapeDtypeStruct((N_CORES, NP, H), jnp.float32),
        mesh=_sc_mesh(),
        compiler_params=pltpu.CompilerParams(use_tc_tiling_on_sc=False),
        scratch_types=[
            pltpu.VMEM((K, BATCH), jnp.int32),
            pltpu.VMEM((BATCH, H), jnp.float32),
            pltpu.VMEM_SHARED((NP, H), jnp.float32),
        ],
    )
    def deg_kernel(dst_hbm, ones_hbm, zeros_hbm, out_hbm, dst_v, ones_v, acc):
        cid = lax.axis_index("c")
        sid = lax.axis_index("s")
        wid = cid * N_SUB + sid
        pltpu.sync_copy(dst_hbm.at[wid], dst_v)
        pltpu.sync_copy(ones_hbm, ones_v)
        pltpu.sync_copy(zeros_hbm.at[pl.ds(sid * RPS, RPS)],
                        acc.at[pl.ds(sid * RPS, RPS)])
        plsc.subcore_barrier()

        def body(j, carry):
            pltpu.sync_copy(ones_v, acc.at[dst_v.at[j]], add=True)
            return carry

        lax.fori_loop(0, K, body, 0)
        plsc.subcore_barrier()
        pltpu.sync_copy(acc.at[pl.ds(sid * RPS, RPS)],
                        out_hbm.at[cid, pl.ds(sid * RPS, RPS)])

    return deg_kernel


NBUF = 4


def _make_conv_kernel(NP, K, H):
    RPS = NP // N_SUB
    NG = K // NBUF

    @functools.partial(
        pl.kernel,
        out_type=jax.ShapeDtypeStruct((N_CORES, NP, H), jnp.float32),
        mesh=_sc_mesh(),
        compiler_params=pltpu.CompilerParams(use_tc_tiling_on_sc=False),
        scratch_types=[
            pltpu.VMEM((K, BATCH), jnp.int32),
            pltpu.VMEM((K, BATCH), jnp.int32),
            pltpu.VMEM_SHARED((NP, H), jnp.float32),
        ] + [pltpu.VMEM((BATCH, H), jnp.float32) for _ in range(2 * NBUF)]
          + [pltpu.SemaphoreType.DMA for _ in range(2 * NBUF)]
          + [pltpu.SemaphoreType.DMA, pltpu.SemaphoreType.DMA],
    )
    def conv_kernel(table_hbm, src_hbm, dst_hbm, zeros_hbm, out_hbm,
                    src_v, dst_v, acc, *bufs_and_sems):
        rows = (bufs_and_sems[:NBUF], bufs_and_sems[NBUF:2 * NBUF])
        gsem = (bufs_and_sems[2 * NBUF:3 * NBUF],
                bufs_and_sems[3 * NBUF:4 * NBUF])
        ssem = bufs_and_sems[4 * NBUF:4 * NBUF + 2]
        cid = lax.axis_index("c")
        sid = lax.axis_index("s")
        wid = cid * N_SUB + sid
        pltpu.sync_copy(src_hbm.at[wid], src_v)
        pltpu.sync_copy(dst_hbm.at[wid], dst_v)
        pltpu.sync_copy(zeros_hbm.at[pl.ds(sid * RPS, RPS)],
                        acc.at[pl.ds(sid * RPS, RPS)])
        plsc.subcore_barrier()

        for h in (0, 1):
            for b in range(NBUF):
                pltpu.async_copy(table_hbm.at[src_v.at[h * NBUF + b]],
                                 rows[h][b], gsem[h][b])

        def pair(u, carry):
            for h in (0, 1):
                g = 2 * u + h
                for b in range(NBUF):
                    j = g * NBUF + b
                    pltpu.make_async_copy(
                        table_hbm.at[src_v.at[j]], rows[h][b],
                        gsem[h][b]).wait()
                    pltpu.async_copy(rows[h][b], acc.at[dst_v.at[j]],
                                     ssem[h], add=True)
                for b in range(NBUF):
                    pltpu.make_async_copy(
                        rows[h][b], acc.at[dst_v.at[g * NBUF + b]],
                        ssem[h]).wait()
                jn = jnp.minimum((g + 2) * NBUF, K - NBUF)
                for b in range(NBUF):
                    pltpu.async_copy(table_hbm.at[src_v.at[jn + b]],
                                     rows[h][b], gsem[h][b])
            return carry

        lax.fori_loop(0, NG // 2, pair, 0)
        for h in (0, 1):
            for b in range(NBUF):
                pltpu.make_async_copy(
                    table_hbm.at[src_v.at[K - NBUF + b]], rows[h][b],
                    gsem[h][b]).wait()
        plsc.subcore_barrier()
        pltpu.sync_copy(acc.at[pl.ds(sid * RPS, RPS)],
                        out_hbm.at[cid, pl.ds(sid * RPS, RPS)])

    return conv_kernel




def _dot(a, b):
    return jnp.dot(a, b, preferred_element_type=jnp.float32)


def _tc1_body(x4_ref, w4_ref, degp_ref, hs_ref, dinv_ref):
    dinv = lax.rsqrt(1.0 + degp_ref[0] + degp_ref[1])
    h = _dot(x4_ref[...], w4_ref[...])
    dinv_ref[...] = dinv
    hs_ref[...] = h * dinv


def _tc2_body(dinv_ref, p_ref, hs1_ref, b1_ref, w4_ref, hs2_ref):
    dinv = dinv_ref[...]
    t = dinv * (p_ref[0] + p_ref[1] + hs1_ref[...]) + b1_ref[...]
    h1 = jnp.maximum(t, 0.0)
    hs2_ref[...] = _dot(h1, w4_ref[...]) * dinv


def _tc3_body(T, H, dinv_ref, q_ref, hs2_ref, b2_ref, wih_ref, whh_ref,
              linw_ref, bih_ref, bhh_ref, blin_ref, out_ref):
    dinv = dinv_ref[...]
    z = dinv * (q_ref[0] + q_ref[1] + hs2_ref[...]) + b2_ref[...]
    xs = jnp.tanh(z)
    for k in range(4):
        xk = xs[:, 32 * k:32 * k + H]
        giT = lax.dot_general(
            wih_ref[...], xk, (((1,), (1,)), ((), ())),
            preferred_element_type=jnp.float32) + bih_ref[...]
        hT = jnp.zeros((H, xk.shape[0]), jnp.float32)
        for t in range(T):
            if t > 0:
                out_ref[t - 1, :, k] = _dot(linw_ref[...], hT) + blin_ref[...]
            gcT = _dot(whh_ref[...], hT) + bhh_ref[...]
            r = jax.nn.sigmoid(giT[0:H] + gcT[0:H])
            zg = jax.nn.sigmoid(giT[H:2 * H] + gcT[H:2 * H])
            n = jnp.tanh(giT[2 * H:3 * H] + r * gcT[2 * H:3 * H])
            hT = (1.0 - zg) * n + zg * hT
        out_ref[T - 1, :, k] = _dot(linw_ref[...], hT) + blin_ref[...]


def kernel(x, edge_index, c1_W, c1_b, mean_W, mean_b, W_ih, W_hh, b_ih, b_hh,
           lin_W, lin_b):
    N, D = x.shape
    H = c1_W.shape[1]
    G = W_ih.shape[0]
    Z = lin_W.shape[0]
    T = 4
    E = edge_index.shape[1]

    NP = -(-(N + 1) // ROW_BLK) * ROW_BLK
    GRID = NP // ROW_BLK
    K = -(-E // (NW * BATCH))
    K = -(-K // (2 * NBUF)) * (2 * NBUF)
    EPAD = NW * K * BATCH

    f32 = jnp.float32
    PKT = NP // 4
    pad_v = N + np.arange(EPAD - E, dtype=np.int64) % (NP - N)
    pad_pos = jnp.asarray(
        (4 * (pad_v % PKT) + pad_v // PKT).astype(np.int32))

    def pos(v):
        k = ((v >= PKT).astype(jnp.int32) + (v >= 2 * PKT)
             + (v >= 3 * PKT))
        return 4 * v - (4 * PKT - 1) * k

    src = jnp.concatenate([pos(edge_index[0]), pad_pos]).reshape(
        NW, K, BATCH)
    dst = jnp.concatenate([pos(edge_index[1]), pad_pos]).reshape(
        NW, K, BATCH)
    xp = jnp.pad(x, ((0, NP - N), (0, 0)))

    onesH = jnp.ones((BATCH, H), f32)
    zerosH = jnp.zeros((NP, H), f32)

    deg_kernel = _make_deg_kernel(NP, K, H)
    conv_kernel = _make_conv_kernel(NP, K, H)

    bd4 = lambda M: jax.scipy.linalg.block_diag(M, M, M, M)
    t4 = lambda v: jnp.tile(v, 4).reshape(1, 4 * v.shape[0])

    degp = deg_kernel(dst, onesH, zerosH)
    degp_pk = degp.reshape(N_CORES, NP // 4, 128)

    R = ROW_BLK
    PK = R // 4
    pk_spec = pl.BlockSpec((PK, 128), lambda i: (i, 0))
    part_pk_spec = pl.BlockSpec((N_CORES, PK, 128), lambda i: (0, i, 0))
    full_spec = lambda a, b: pl.BlockSpec((a, b), lambda i: (0, 0))

    xp4 = xp.reshape(4, PKT, D).transpose(1, 0, 2).reshape(PKT, 4 * D)

    hs1_pk, dinv_pk = pl.pallas_call(
        _tc1_body,
        grid=(GRID,),
        in_specs=[pl.BlockSpec((PK, 4 * D), lambda i: (i, 0)),
                  full_spec(4 * D, 128), part_pk_spec],
        out_specs=[pk_spec, pk_spec],
        out_shape=[jax.ShapeDtypeStruct((NP // 4, 128), f32),
                   jax.ShapeDtypeStruct((NP // 4, 128), f32)],
    )(xp4, bd4(c1_W), degp_pk)

    p = conv_kernel(hs1_pk.reshape(NP, H), src, dst, zerosH)

    hs2_pk = pl.pallas_call(
        _tc2_body,
        grid=(GRID,),
        in_specs=[pk_spec, part_pk_spec, pk_spec,
                  full_spec(1, 128), full_spec(128, 128)],
        out_specs=pk_spec,
        out_shape=jax.ShapeDtypeStruct((NP // 4, 128), f32),
    )(dinv_pk, p.reshape(N_CORES, NP // 4, 128), hs1_pk,
      t4(c1_b), bd4(mean_W))

    q = conv_kernel(hs2_pk.reshape(NP, H), src, dst, zerosH)

    PKB = 512
    G3 = PKT // PKB
    pk3_spec = pl.BlockSpec((PKB, 128), lambda i: (i, 0))
    outp = pl.pallas_call(
        functools.partial(_tc3_body, T, H),
        grid=(G3,),
        in_specs=[pk3_spec,
                  pl.BlockSpec((N_CORES, PKB, 128), lambda i: (0, i, 0)),
                  pk3_spec, full_spec(1, 128),
                  full_spec(G, H), full_spec(G, H), full_spec(Z, H),
                  full_spec(G, 1), full_spec(G, 1), full_spec(Z, 1)],
        out_specs=pl.BlockSpec((T, Z, 4, PKB), lambda i: (0, 0, 0, i)),
        out_shape=jax.ShapeDtypeStruct((T, Z, 4, PKT), f32),
    )(dinv_pk, q.reshape(N_CORES, NP // 4, 128), hs2_pk, t4(mean_b),
      W_ih, W_hh, lin_W,
      b_ih.reshape(G, 1), b_hh.reshape(G, 1), lin_b.reshape(Z, 1))

    return jnp.swapaxes(outp.reshape(T, Z, NP), 1, 2)[:, :N, :]

# --- scband reference (transcript-rebuilt; emitter-appended) ---
"""Pipeline reference for scband-serial-tgcn-79517024518500 (READ-ONLY COPY).

The authoritative reference and input builder live on the scoring server;
editing this copy changes nothing except your own understanding.
"""

import jax, jax.numpy as jnp
import numpy as np

N = 10000
E = 320000
T = 4
D = 128
H = 32
Z = 16


def setup_inputs(seed: int = 0) -> dict:
    key = jax.random.key(seed)
    ks = jax.random.split(key, 12)
    rng = np.random.default_rng(0)
    inp = {}
    inp["x"] = jax.random.normal(ks[0], (N, D), dtype=jnp.float32)
    inp["edge_index"] = jnp.asarray(rng.integers(0, N, size=(2, E)), dtype=jnp.int32)
    # GCN layer 1 (VGAE.c1): in=D, out=H
    inp["c1_W"] = jax.random.normal(ks[1], (D, H), dtype=jnp.float32) * 0.05
    inp["c1_b"] = jnp.zeros((H,), dtype=jnp.float32)
    # GCN mean head (VGAE.mean): in=H, out=H (eval mode: std head unused)
    inp["mean_W"] = jax.random.normal(ks[2], (H, H), dtype=jnp.float32) * 0.05
    inp["mean_b"] = jnp.zeros((H,), dtype=jnp.float32)
    # GRU (input H, hidden H), PyTorch gate order r, z, n
    inp["W_ih"] = jax.random.normal(ks[3], (3 * H, H), dtype=jnp.float32) * 0.05
    inp["W_hh"] = jax.random.normal(ks[4], (3 * H, H), dtype=jnp.float32) * 0.05
    inp["b_ih"] = jnp.zeros((3 * H,), dtype=jnp.float32)
    inp["b_hh"] = jnp.zeros((3 * H,), dtype=jnp.float32)
    # output linear H -> Z
    inp["lin_W"] = jax.random.normal(ks[5], (Z, H), dtype=jnp.float32) * 0.05
    inp["lin_b"] = jnp.zeros((Z,), dtype=jnp.float32)
    return inp


def _gcn_conv(x, src, dst, W, b):
    # GCNConv with add_self_loops=True (self loops already appended to src/dst)
    h = x @ W
    ones = jnp.ones(src.shape[0], dtype=x.dtype)
    deg = jax.ops.segment_sum(ones, dst, num_segments=N)
    dinv = jnp.where(deg > 0, jax.lax.rsqrt(deg), 0.0)
    norm = dinv[src] * dinv[dst]
    out = jax.ops.segment_sum(h[src] * norm[:, None], dst, num_segments=N)
    return out + b


def reference(x, edge_index, c1_W, c1_b, mean_W, mean_b, W_ih, W_hh, b_ih, b_hh, lin_W, lin_b):
    # add self loops once (same static graph at every timestep; mask_fn(i) -> edge_index)
    loop = jnp.arange(N, dtype=edge_index.dtype)
    src = jnp.concatenate([edge_index[0], loop])
    dst = jnp.concatenate([edge_index[1], loop])

    # encode: VGAE in eval mode returns the mean embedding; dropout = identity
    embeds = []
    for _ in range(T):
        h1 = jax.nn.relu(_gcn_conv(x, src, dst, c1_W, c1_b))
        z = _gcn_conv(h1, src, dst, mean_W, mean_b)
        embeds.append(z)
    embeds = jnp.stack(embeds)  # [T, N, H]

    # Recurrent: GRU over time on tanh(embeds), then linear to z_dim
    xs = jnp.tanh(embeds)
    h = jnp.zeros((N, H), dtype=x.dtype)
    outs = []
    for t in range(T):
        gi = xs[t] @ W_ih.T + b_ih
        gh = h @ W_hh.T + b_hh
        ir, iz, inn = jnp.split(gi, 3, axis=-1)
        hr, hz, hn = jnp.split(gh, 3, axis=-1)
        r = jax.nn.sigmoid(ir + hr)
        zg = jax.nn.sigmoid(iz + hz)
        n = jnp.tanh(inn + r * hn)
        h = (1.0 - zg) * n + zg * h
        outs.append(h)
    gru_out = jnp.stack(outs)  # [T, N, H]
    out = gru_out @ lin_W.T + lin_b  # [T, N, Z]
    return out

if __name__ == "__main__":
    import jax
    _d = setup_inputs()
    print(jax.jit(kernel)(*tuple(_d.values())))

</pallas_src>

<mosaic_0001>
#map = affine_map<(d0, d1) -> (0, 0, 0)>
#map1 = affine_map<(d0, d1) -> (0, 0)>
module attributes {stable_mosaic.version = 14 : i64} {
  func.func @deg_kernel(%arg0: i32, %arg1: i32, %arg2: memref<32x80x128xi32, #tpu.memory_space<hbm>>, %arg3: memref<128x32xf32, #tpu.memory_space<hbm>>, %arg4: memref<10240x32xf32, #tpu.memory_space<hbm>>, %arg5: memref<2x10240x32xf32, #tpu.memory_space<hbm>>, %arg6: memref<80x128xi32, #tpu.memory_space<vmem>>, %arg7: memref<128x32xf32, #tpu.memory_space<vmem>>, %arg8: memref<10240x32xf32, #tpu.memory_space<vmem_shared>>) attributes {dimension_semantics = [#tpu.dimension_semantics<core_parallel>, #tpu.dimension_semantics<subcore_parallel>], iteration_bounds = array<i64: 2, 16>, scalar_prefetch = 0 : i64, scratch_operands = 3 : i64, tpu.core_type = #tpu.core_type<sc_vector_subcore>, window_params = [{transform_indices = #map}, {transform_indices = #map1}, {transform_indices = #map1}, {transform_indices = #map}]} {
    %mul3A = arith.constant 16 : i32
    %mul3A_0 = arith.muli %arg0, %mul3A : i32
    %add3A = arith.addi %mul3A_0, %arg1 : i32
    "tpu.region"() ({
      %run_scoped3A = tpu.sem_alloc : memref<!tpu.dma_semaphore, #tpu.memory_space<semaphore_mem>>
      %dma_start3A = arith.constant 0 : i32
      %dma_start3A_15 = arith.constant 0 : i32
      %dma_start3A_16 = tpu.memref_slice %arg2[%add3A, %dma_start3A, %dma_start3A_15] : memref<32x80x128xi32, #tpu.memory_space<hbm>> -> memref<1x80x128xi32, #tpu.memory_space<hbm>>
      %dma_start3A_17 = tpu.memref_squeeze %dma_start3A_16 : memref<1x80x128xi32, #tpu.memory_space<hbm>> -> memref<80x128xi32, #tpu.memory_space<hbm>>
      %dma_start3A_18 = arith.constant 0 : i32
      %dma_start3A_19 = arith.constant 0 : i32
      %dma_start3A_20 = tpu.memref_slice %arg2[%add3A, %dma_start3A_18, %dma_start3A_19] : memref<32x80x128xi32, #tpu.memory_space<hbm>> -> memref<1x80x128xi32, #tpu.memory_space<hbm>>
      %dma_start3A_21 = tpu.memref_squeeze %dma_start3A_20 : memref<1x80x128xi32, #tpu.memory_space<hbm>> -> memref<80x128xi32, #tpu.memory_space<hbm>>
      tpu.enqueue_dma source(%dma_start3A_21 : memref<80x128xi32, #tpu.memory_space<hbm>>) target(%arg6 : memref<80x128xi32, #tpu.memory_space<vmem>>) target_semaphore(%run_scoped3A : memref<!tpu.dma_semaphore, #tpu.memory_space<semaphore_mem>>)
      %dma_wait3A = arith.constant 0 : i32
      %dma_wait3A_22 = arith.constant 0 : i32
      %dma_wait3A_23 = tpu.memref_slice %arg2[%add3A, %dma_wait3A, %dma_wait3A_22] : memref<32x80x128xi32, #tpu.memory_space<hbm>> -> memref<1x80x128xi32, #tpu.memory_space<hbm>>
      %dma_wait3A_24 = tpu.memref_squeeze %dma_wait3A_23 : memref<1x80x128xi32, #tpu.memory_space<hbm>> -> memref<80x128xi32, #tpu.memory_space<hbm>>
      %dma_wait3A_25 = arith.constant 0 : i32
      %dma_wait3A_26 = arith.constant 0 : i32
      %dma_wait3A_27 = tpu.memref_slice %arg2[%add3A, %dma_wait3A_25, %dma_wait3A_26] : memref<32x80x128xi32, #tpu.memory_space<hbm>> -> memref<1x80x128xi32, #tpu.memory_space<hbm>>
      %dma_wait3A_28 = tpu.memref_squeeze %dma_wait3A_27 : memref<1x80x128xi32, #tpu.memory_space<hbm>> -> memref<80x128xi32, #tpu.memory_space<hbm>>
      tpu.wait_dma2 semaphore(%run_scoped3A : memref<!tpu.dma_semaphore, #tpu.memory_space<semaphore_mem>>) src(%dma_wait3A_28 : memref<80x128xi32, #tpu.memory_space<hbm>>) dst(%arg6 : memref<80x128xi32, #tpu.memory_space<vmem>>)
      tpu.yield
    }) : () -> ()
    "tpu.region"() ({
      %run_scoped3A = tpu.sem_alloc : memref<!tpu.dma_semaphore, #tpu.memory_space<semaphore_mem>>
      tpu.enqueue_dma source(%arg3 : memref<128x32xf32, #tpu.memory_space<hbm>>) target(%arg7 : memref<128x32xf32, #tpu.memory_space<vmem>>) target_semaphore(%run_scoped3A : memref<!tpu.dma_semaphore, #tpu.memory_space<semaphore_mem>>)
      tpu.wait_dma2 semaphore(%run_scoped3A : memref<!tpu.dma_semaphore, #tpu.memory_space<semaphore_mem>>) src(%arg3 : memref<128x32xf32, #tpu.memory_space<hbm>>) dst(%arg7 : memref<128x32xf32, #tpu.memory_space<vmem>>)
      tpu.yield
    }) : () -> ()
    %mul3A_1 = arith.constant 640 : i32
    %mul3A_2 = arith.muli %arg1, %mul3A_1 : i32
    %mul3A_3 = arith.constant 640 : i32
    %mul3A_4 = arith.muli %arg1, %mul3A_3 : i32
    "tpu.region"() ({
      %run_scoped3A = tpu.sem_alloc : memref<!tpu.dma_semaphore, #tpu.memory_space<semaphore_mem>>
      %dma_start3A = arith.constant 0 : i32
      %dma_start3A_15 = tpu.memref_slice %arg8[%mul3A_4, %dma_start3A] : memref<10240x32xf32, #tpu.memory_space<vmem_shared>> -> memref<640x32xf32, #tpu.memory_space<vmem_shared>>
      %dma_start3A_16 = arith.constant 0 : i32
      %dma_start3A_17 = tpu.memref_slice %arg4[%mul3A_2, %dma_start3A_16] : memref<10240x32xf32, #tpu.memory_space<hbm>> -> memref<640x32xf32, #tpu.memory_space<hbm>>
      tpu.enqueue_dma source(%dma_start3A_17 : memref<640x32xf32, #tpu.memory_space<hbm>>) target(%dma_start3A_15 : memref<640x32xf32, #tpu.memory_space<vmem_shared>>) target_semaphore(%run_scoped3A : memref<!tpu.dma_semaphore, #tpu.memory_space<semaphore_mem>>)
      %dma_wait3A = arith.constant 0 : i32
      %dma_wait3A_18 = tpu.memref_slice %arg8[%mul3A_4, %dma_wait3A] : memref<10240x32xf32, #tpu.memory_space<vmem_shared>> -> memref<640x32xf32, #tpu.memory_space<vmem_shared>>
      %dma_wait3A_19 = arith.constant 0 : i32
      %dma_wait3A_20 = tpu.memref_slice %arg4[%mul3A_2, %dma_wait3A_19] : memref<10240x32xf32, #tpu.memory_space<hbm>> -> memref<640x32xf32, #tpu.memory_space<hbm>>
      tpu.wait_dma2 semaphore(%run_scoped3A : memref<!tpu.dma_semaphore, #tpu.memory_space<semaphore_mem>>) src(%dma_wait3A_20 : memref<640x32xf32, #tpu.memory_space<hbm>>) dst(%dma_wait3A_18 : memref<640x32xf32, #tpu.memory_space<vmem_shared>>)
      tpu.yield
    }) : () -> ()
    %barrier3A = arith.constant 0 : index
    tpu.barrier barrier_id(%barrier3A)
    %scan3A = arith.constant 0 : i32
    %scan3A_5 = arith.constant 0 : i32
    %scan3A_6 = arith.constant 80 : i32
    %scan3A_7 = arith.addi %scan3A_5, %scan3A_6 : i32
    %scan3A_8 = arith.constant 1 : i32
    scf.for %scan3A_15 = %scan3A_5 to %scan3A_7 step %scan3A_8  : i32 {
      "tpu.region"() ({
        %run_scoped3A = tpu.sem_alloc : memref<!tpu.dma_semaphore, #tpu.memory_space<semaphore_mem>>
        %dma_start3A = arith.constant 0 : i32
        %dma_start3A_16 = tpu.memref_slice %arg6[%scan3A_15, %dma_start3A] : memref<80x128xi32, #tpu.memory_space<vmem>> -> memref<1x128xi32, #tpu.memory_space<vmem>>
        %dma_start3A_17 = tpu.memref_squeeze %dma_start3A_16 : memref<1x128xi32, #tpu.memory_space<vmem>> -> memref<128xi32, #tpu.memory_space<vmem>>
        %dma_start3A_18 = arith.constant 0 : i32
        %dma_start3A_19 = arith.constant 0 : i32
        %dma_start3A_20 = tpu.memref_slice %arg8[%dma_start3A_18, %dma_start3A_19] : memref<10240x32xf32, #tpu.memory_space<vmem_shared>> -> memref<10240x32xf32, #tpu.memory_space<vmem_shared>>
        tpu.enqueue_indirect_dma source(%arg7 : memref<128x32xf32, #tpu.memory_space<vmem>>) target(%dma_start3A_20 : memref<10240x32xf32, #tpu.memory_space<vmem_shared>>) offsets(%dma_start3A_17 : memref<128xi32, #tpu.memory_space<vmem>>) semaphore(%run_scoped3A : memref<!tpu.dma_semaphore, #tpu.memory_space<semaphore_mem>>) {add = true}
        %dma_wait3A = arith.constant 0 : i32
        %dma_wait3A_21 = tpu.memref_slice %arg6[%scan3A_15, %dma_wait3A] : memref<80x128xi32, #tpu.memory_space<vmem>> -> memref<1x128xi32, #tpu.memory_space<vmem>>
        %dma_wait3A_22 = tpu.memref_squeeze %dma_wait3A_21 : memref<1x128xi32, #tpu.memory_space<vmem>> -> memref<128xi32, #tpu.memory_space<vmem>>
        %dma_wait3A_23 = arith.constant 0 : i32
        %dma_wait3A_24 = arith.constant 0 : i32
        %dma_wait3A_25 = tpu.memref_slice %arg8[%dma_wait3A_23, %dma_wait3A_24] : memref<10240x32xf32, #tpu.memory_space<vmem_shared>> -> memref<10240x32xf32, #tpu.memory_space<vmem_shared>>
        tpu.wait_indirect_dma semaphore(%run_scoped3A : memref<!tpu.dma_semaphore, #tpu.memory_space<semaphore_mem>>) src(%arg7 : memref<128x32xf32, #tpu.memory_space<vmem>>) dst(%dma_wait3A_25 : memref<10240x32xf32, #tpu.memory_space<vmem_shared>>)
        tpu.yield
      }) : () -> ()
    }
    %scan3A_9 = arith.constant 80 : i32
    %barrier3A_10 = arith.constant 0 : index
    tpu.barrier barrier_id(%barrier3A_10)
    %mul3A_11 = arith.constant 640 : i32
    %mul3A_12 = arith.muli %arg1, %mul3A_11 : i32
    %mul3A_13 = arith.constant 640 : i32
    %mul3A_14 = arith.muli %arg1, %mul3A_13 : i32
    "tpu.region"() ({
      %run_scoped3A = tpu.sem_alloc : memref<!tpu.dma_semaphore, #tpu.memory_space<semaphore_mem>>
      %dma_start3A = arith.constant 0 : i32
      %dma_start3A_15 = tpu.memref_slice %arg5[%arg0, %mul3A_14, %dma_start3A] : memref<2x10240x32xf32, #tpu.memory_space<hbm>> -> memref<1x640x32xf32, #tpu.memory_space<hbm>>
      %dma_start3A_16 = tpu.memref_squeeze %dma_start3A_15 : memref<1x640x32xf32, #tpu.memory_space<hbm>> -> memref<640x32xf32, #tpu.memory_space<hbm>>
      %dma_start3A_17 = arith.constant 0 : i32
      %dma_start3A_18 = tpu.memref_slice %arg8[%mul3A_12, %dma_start3A_17] : memref<10240x32xf32, #tpu.memory_space<vmem_shared>> -> memref<640x32xf32, #tpu.memory_space<vmem_shared>>
      tpu.enqueue_dma source(%dma_start3A_18 : memref<640x32xf32, #tpu.memory_space<vmem_shared>>) target(%dma_start3A_16 : memref<640x32xf32, #tpu.memory_space<hbm>>) target_semaphore(%run_scoped3A : memref<!tpu.dma_semaphore, #tpu.memory_space<semaphore_mem>>)
      %dma_wait3A = arith.constant 0 : i32
      %dma_wait3A_19 = tpu.memref_slice %arg5[%arg0, %mul3A_14, %dma_wait3A] : memref<2x10240x32xf32, #tpu.memory_space<hbm>> -> memref<1x640x32xf32, #tpu.memory_space<hbm>>
      %dma_wait3A_20 = tpu.memref_squeeze %dma_wait3A_19 : memref<1x640x32xf32, #tpu.memory_space<hbm>> -> memref<640x32xf32, #tpu.memory_space<hbm>>
      %dma_wait3A_21 = arith.constant 0 : i32
      %dma_wait3A_22 = tpu.memref_slice %arg8[%mul3A_12, %dma_wait3A_21] : memref<10240x32xf32, #tpu.memory_space<vmem_shared>> -> memref<640x32xf32, #tpu.memory_space<vmem_shared>>
      tpu.wait_dma2 semaphore(%run_scoped3A : memref<!tpu.dma_semaphore, #tpu.memory_space<semaphore_mem>>) src(%dma_wait3A_22 : memref<640x32xf32, #tpu.memory_space<vmem_shared>>) dst(%dma_wait3A_20 : memref<640x32xf32, #tpu.memory_space<hbm>>)
      tpu.yield
    }) : () -> ()
    return
  }
}

#map = affine_map<(d0, d1) -> (0, 0)>
#map1 = affine_map<(d0, d1) -> (0, 0, 0)>
module attributes {stable_mosaic.version = 14 : i64} {
  func.func @conv_kernel(%arg0: i32, %arg1: i32, %arg2: memref<10240x32xf32, #tpu.memory_space<hbm>>, %arg3: memref<32x80x128xi32, #tpu.memory_space<hbm>>, %arg4: memref<32x80x128xi32, #tpu.memory_space<hbm>>, %arg5: memref<10240x32xf32, #tpu.memory_space<hbm>>, %arg6: memref<2x10240x32xf32, #tpu.memory_space<hbm>>, %arg7: memref<80x128xi32, #tpu.memory_space<vmem>>, %arg8: memref<80x128xi32, #tpu.memory_space<vmem>>, %arg9: memref<10240x32xf32, #tpu.memory_space<vmem_shared>>, %arg10: memref<128x32xf32, #tpu.memory_space<vmem>>, %arg11: memref<128x32xf32, #tpu.memory_space<vmem>>, %arg12: memref<128x32xf32, #tpu.memory_space<vmem>>, %arg13: memref<128x32xf32, #tpu.memory_space<vmem>>, %arg14: memref<128x32xf32, #tpu.memory_space<vmem>>, %arg15: memref<128x32xf32, #tpu.memory_space<vmem>>, %arg16: memref<128x32xf32, #tpu.memory_space<vmem>>, %arg17: memref<128x32xf32, #tpu.memory_space<vmem>>, %arg18: memref<!tpu.dma_semaphore, #tpu.memory_space<semaphore_mem>>, %arg19: memref<!tpu.dma_semaphore, #tpu.memory_space<semaphore_mem>>, %arg20: memref<!tpu.dma_semaphore, #tpu.memory_space<semaphore_mem>>, %arg21: memref<!tpu.dma_semaphore, #tpu.memory_space<semaphore_mem>>, %arg22: memref<!tpu.dma_semaphore, #tpu.memory_space<semaphore_mem>>, %arg23: memref<!tpu.dma_semaphore, #tpu.memory_space<semaphore_mem>>, %arg24: memref<!tpu.dma_semaphore, #tpu.memory_space<semaphore_mem>>, %arg25: memref<!tpu.dma_semaphore, #tpu.memory_space<semaphore_mem>>, %arg26: memref<!tpu.dma_semaphore, #tpu.memory_space<semaphore_mem>>, %arg27: memref<!tpu.dma_semaphore, #tpu.memory_space<semaphore_mem>>) attributes {dimension_semantics = [#tpu.dimension_semantics<core_parallel>, #tpu.dimension_semantics<subcore_parallel>], iteration_bounds = array<i64: 2, 16>, scalar_prefetch = 0 : i64, scratch_operands = 21 : i64, tpu.core_type = #tpu.core_type<sc_vector_subcore>, window_params = [{transform_indices = #map}, {transform_indices = #map1}, {transform_indices = #map1}, {transform_indices = #map}, {transform_indices = #map1}]} {
    %mul3A = arith.constant 16 : i32
    %mul3A_0 = arith.muli %arg0, %mul3A : i32
    %add3A = arith.addi %mul3A_0, %arg1 : i32
    "tpu.region"() ({
      %run_scoped3A = tpu.sem_alloc : memref<!tpu.dma_semaphore, #tpu.memory_space<semaphore_mem>>
      %dma_start3A_125 = arith.constant 0 : i32
      %dma_start3A_126 = arith.constant 0 : i32
      %dma_start3A_127 = tpu.memref_slice %arg3[%add3A, %dma_start3A_125, %dma_start3A_126] : memref<32x80x128xi32, #tpu.memory_space<hbm>> -> memref<1x80x128xi32, #tpu.memory_space<hbm>>
      %dma_start3A_128 = tpu.memref_squeeze %dma_start3A_127 : memref<1x80x128xi32, #tpu.memory_space<hbm>> -> memref<80x128xi32, #tpu.memory_space<hbm>>
      %dma_start3A_129 = arith.constant 0 : i32
      %dma_start3A_130 = arith.constant 0 : i32
      %dma_start3A_131 = tpu.memref_slice %arg3[%add3A, %dma_start3A_129, %dma_start3A_130] : memref<32x80x128xi32, #tpu.memory_space<hbm>> -> memref<1x80x128xi32, #tpu.memory_space<hbm>>
      %dma_start3A_132 = tpu.memref_squeeze %dma_start3A_131 : memref<1x80x128xi32, #tpu.memory_space<hbm>> -> memref<80x128xi32, #tpu.memory_space<hbm>>
      tpu.enqueue_dma source(%dma_start3A_132 : memref<80x128xi32, #tpu.memory_space<hbm>>) target(%arg7 : memref<80x128xi32, #tpu.memory_space<vmem>>) target_semaphore(%run_scoped3A : memref<!tpu.dma_semaphore, #tpu.memory_space<semaphore_mem>>)
      %dma_wait3A_133 = arith.constant 0 : i32
      %dma_wait3A_134 = arith.constant 0 : i32
      %dma_wait3A_135 = tpu.memref_slice %arg3[%add3A, %dma_wait3A_133, %dma_wait3A_134] : memref<32x80x128xi32, #tpu.memory_space<hbm>> -> memref<1x80x128xi32, #tpu.memory_space<hbm>>
      %dma_wait3A_136 = tpu.memref_squeeze %dma_wait3A_135 : memref<1x80x128xi32, #tpu.memory_space<hbm>> -> memref<80x128xi32, #tpu.memory_space<hbm>>
      %dma_wait3A_137 = arith.constant 0 : i32
      %dma_wait3A_138 = arith.constant 0 : i32
      %dma_wait3A_139 = tpu.memref_slice %arg3[%add3A, %dma_wait3A_137, %dma_wait3A_138] : memref<32x80x128xi32, #tpu.memory_space<hbm>> -> memref<1x80x128xi32, #tpu.memory_space<hbm>>
      %dma_wait3A_140 = tpu.memref_squeeze %dma_wait3A_139 : memref<1x80x128xi32, #tpu.memory_space<hbm>> -> memref<80x128xi32, #tpu.memory_space<hbm>>
      tpu.wait_dma2 semaphore(%run_scoped3A : memref<!tpu.dma_semaphore, #tpu.memory_space<semaphore_mem>>) src(%dma_wait3A_140 : memref<80x128xi32, #tpu.memory_space<hbm>>) dst(%arg7 : memref<80x128xi32, #tpu.memory_space<vmem>>)
      tpu.yield
    }) : () -> ()
    "tpu.region"() ({
      %run_scoped3A = tpu.sem_alloc : memref<!tpu.dma_semaphore, #tpu.memory_space<semaphore_mem>>
      %dma_start3A_125 = arith.constant 0 : i32
      %dma_start3A_126 = arith.constant 0 : i32
      %dma_start3A_127 = tpu.memref_slice %arg4[%add3A, %dma_start3A_125, %dma_start3A_126] : memref<32x80x128xi32, #tpu.memory_space<hbm>> -> memref<1x80x128xi32, #tpu.memory_space<hbm>>
      %dma_start3A_128 = tpu.memref_squeeze %dma_start3A_127 : memref<1x80x128xi32, #tpu.memory_space<hbm>> -> memref<80x128xi32, #tpu.memory_space<hbm>>
      %dma_start3A_129 = arith.constant 0 : i32
      %dma_start3A_130 = arith.constant 0 : i32
      %dma_start3A_131 = tpu.memref_slice %arg4[%add3A, %dma_start3A_129, %dma_start3A_130] : memref<32x80x128xi32, #tpu.memory_space<hbm>> -> memref<1x80x128xi32, #tpu.memory_space<hbm>>
      %dma_start3A_132 = tpu.memref_squeeze %dma_start3A_131 : memref<1x80x128xi32, #tpu.memory_space<hbm>> -> memref<80x128xi32, #tpu.memory_space<hbm>>
      tpu.enqueue_dma source(%dma_start3A_132 : memref<80x128xi32, #tpu.memory_space<hbm>>) target(%arg8 : memref<80x128xi32, #tpu.memory_space<vmem>>) target_semaphore(%run_scoped3A : memref<!tpu.dma_semaphore, #tpu.memory_space<semaphore_mem>>)
      %dma_wait3A_133 = arith.constant 0 : i32
      %dma_wait3A_134 = arith.constant 0 : i32
      %dma_wait3A_135 = tpu.memref_slice %arg4[%add3A, %dma_wait3A_133, %dma_wait3A_134] : memref<32x80x128xi32, #tpu.memory_space<hbm>> -> memref<1x80x128xi32, #tpu.memory_space<hbm>>
      %dma_wait3A_136 = tpu.memref_squeeze %dma_wait3A_135 : memref<1x80x128xi32, #tpu.memory_space<hbm>> -> memref<80x128xi32, #tpu.memory_space<hbm>>
      %dma_wait3A_137 = arith.constant 0 : i32
      %dma_wait3A_138 = arith.constant 0 : i32
      %dma_wait3A_139 = tpu.memref_slice %arg4[%add3A, %dma_wait3A_137, %dma_wait3A_138] : memref<32x80x128xi32, #tpu.memory_space<hbm>> -> memref<1x80x128xi32, #tpu.memory_space<hbm>>
      %dma_wait3A_140 = tpu.memref_squeeze %dma_wait3A_139 : memref<1x80x128xi32, #tpu.memory_space<hbm>> -> memref<80x128xi32, #tpu.memory_space<hbm>>
      tpu.wait_dma2 semaphore(%run_scoped3A : memref<!tpu.dma_semaphore, #tpu.memory_space<semaphore_mem>>) src(%dma_wait3A_140 : memref<80x128xi32, #tpu.memory_space<hbm>>) dst(%arg8 : memref<80x128xi32, #tpu.memory_space<vmem>>)
      tpu.yield
    }) : () -> ()
    %mul3A_1 = arith.constant 640 : i32
    %mul3A_2 = arith.muli %arg1, %mul3A_1 : i32
    %mul3A_3 = arith.constant 640 : i32
    %mul3A_4 = arith.muli %arg1, %mul3A_3 : i32
    "tpu.region"() ({
      %run_scoped3A = tpu.sem_alloc : memref<!tpu.dma_semaphore, #tpu.memory_space<semaphore_mem>>
      %dma_start3A_125 = arith.constant 0 : i32
      %dma_start3A_126 = tpu.memref_slice %arg9[%mul3A_4, %dma_start3A_125] : memref<10240x32xf32, #tpu.memory_space<vmem_shared>> -> memref<640x32xf32, #tpu.memory_space<vmem_shared>>
      %dma_start3A_127 = arith.constant 0 : i32
      %dma_start3A_128 = tpu.memref_slice %arg5[%mul3A_2, %dma_start3A_127] : memref<10240x32xf32, #tpu.memory_space<hbm>> -> memref<640x32xf32, #tpu.memory_space<hbm>>
      tpu.enqueue_dma source(%dma_start3A_128 : memref<640x32xf32, #tpu.memory_space<hbm>>) target(%dma_start3A_126 : memref<640x32xf32, #tpu.memory_space<vmem_shared>>) target_semaphore(%run_scoped3A : memref<!tpu.dma_semaphore, #tpu.memory_space<semaphore_mem>>)
      %dma_wait3A_129 = arith.constant 0 : i32
      %dma_wait3A_130 = tpu.memref_slice %arg9[%mul3A_4, %dma_wait3A_129] : memref<10240x32xf32, #tpu.memory_space<vmem_shared>> -> memref<640x32xf32, #tpu.memory_space<vmem_shared>>
      %dma_wait3A_131 = arith.constant 0 : i32
      %dma_wait3A_132 = tpu.memref_slice %arg5[%mul3A_2, %dma_wait3A_131] : memref<10240x32xf32, #tpu.memory_space<hbm>> -> memref<640x32xf32, #tpu.memory_space<hbm>>
      tpu.wait_dma2 semaphore(%run_scoped3A : memref<!tpu.dma_semaphore, #tpu.memory_space<semaphore_mem>>) src(%dma_wait3A_132 : memref<640x32xf32, #tpu.memory_space<hbm>>) dst(%dma_wait3A_130 : memref<640x32xf32, #tpu.memory_space<vmem_shared>>)
      tpu.yield
    }) : () -> ()
    %barrier3A = arith.constant 0 : index
    tpu.barrier barrier_id(%barrier3A)
    %dma_start3A = arith.constant 0 : i32
    %dma_start3A_5 = arith.constant 0 : i32
    %dma_start3A_6 = tpu.memref_slice %arg7[%dma_start3A, %dma_start3A_5] : memref<80x128xi32, #tpu.memory_space<vmem>> -> memref<1x128xi32, #tpu.memory_space<vmem>>
    %dma_start3A_7 = tpu.memref_squeeze %dma_start3A_6 : memref<1x128xi32, #tpu.memory_space<vmem>> -> memref<128xi32, #tpu.memory_space<vmem>>
    %dma_start3A_8 = arith.constant 0 : i32
    %dma_start3A_9 = arith.constant 0 : i32
    %dma_start3A_10 = tpu.memref_slice %arg2[%dma_start3A_8, %dma_start3A_9] : memref<10240x32xf32, #tpu.memory_space<hbm>> -> memref<10240x32xf32, #tpu.memory_space<hbm>>
    tpu.enqueue_indirect_dma source(%dma_start3A_10 : memref<10240x32xf32, #tpu.memory_space<hbm>>) target(%arg10 : memref<128x32xf32, #tpu.memory_space<vmem>>) offsets(%dma_start3A_7 : memref<128xi32, #tpu.memory_space<vmem>>) semaphore(%arg18 : memref<!tpu.dma_semaphore, #tpu.memory_space<semaphore_mem>>)
    %dma_start3A_11 = arith.constant 1 : i32
    %dma_start3A_12 = arith.constant 0 : i32
    %dma_start3A_13 = tpu.memref_slice %arg7[%dma_start3A_11, %dma_start3A_12] : memref<80x128xi32, #tpu.memory_space<vmem>> -> memref<1x128xi32, #tpu.memory_space<vmem>>
    %dma_start3A_14 = tpu.memref_squeeze %dma_start3A_13 : memref<1x128xi32, #tpu.memory_space<vmem>> -> memref<128xi32, #tpu.memory_space<vmem>>
    %dma_start3A_15 = arith.constant 0 : i32
    %dma_start3A_16 = arith.constant 0 : i32
    %dma_start3A_17 = tpu.memref_slice %arg2[%dma_start3A_15, %dma_start3A_16] : memref<10240x32xf32, #tpu.memory_space<hbm>> -> memref<10240x32xf32, #tpu.memory_space<hbm>>
    tpu.enqueue_indirect_dma source(%dma_start3A_17 : memref<10240x32xf32, #tpu.memory_space<hbm>>) target(%arg11 : memref<128x32xf32, #tpu.memory_space<vmem>>) offsets(%dma_start3A_14 : memref<128xi32, #tpu.memory_space<vmem>>) semaphore(%arg19 : memref<!tpu.dma_semaphore, #tpu.memory_space<semaphore_mem>>)
    %dma_start3A_18 = arith.constant 2 : i32
    %dma_start3A_19 = arith.constant 0 : i32
    %dma_start3A_20 = tpu.memref_slice %arg7[%dma_start3A_18, %dma_start3A_19] : memref<80x128xi32, #tpu.memory_space<vmem>> -> memref<1x128xi32, #tpu.memory_space<vmem>>
    %dma_start3A_21 = tpu.memref_squeeze %dma_start3A_20 : memref<1x128xi32, #tpu.memory_space<vmem>> -> memref<128xi32, #tpu.memory_space<vmem>>
    %dma_start3A_22 = arith.constant 0 : i32
    %dma_start3A_23 = arith.constant 0 : i32
    %dma_start3A_24 = tpu.memref_slice %arg2[%dma_start3A_22, %dma_start3A_23] : memref<10240x32xf32, #tpu.memory_space<hbm>> -> memref<10240x32xf32, #tpu.memory_space<hbm>>
    tpu.enqueue_indirect_dma source(%dma_start3A_24 : memref<10240x32xf32, #tpu.memory_space<hbm>>) target(%arg12 : memref<128x32xf32, #tpu.memory_space<vmem>>) offsets(%dma_start3A_21 : memref<128xi32, #tpu.memory_space<vmem>>) semaphore(%arg20 : memref<!tpu.dma_semaphore, #tpu.memory_space<semaphore_mem>>)
    %dma_start3A_25 = arith.constant 3 : i32
    %dma_start3A_26 = arith.constant 0 : i32
    %dma_start3A_27 = tpu.memref_slice %arg7[%dma_start3A_25, %dma_start3A_26] : memref<80x128xi32, #tpu.memory_space<vmem>> -> memref<1x128xi32, #tpu.memory_space<vmem>>
    %dma_start3A_28 = tpu.memref_squeeze %dma_start3A_27 : memref<1x128xi32, #tpu.memory_space<vmem>> -> memref<128xi32, #tpu.memory_space<vmem>>
    %dma_start3A_29 = arith.constant 0 : i32
    %dma_start3A_30 = arith.constant 0 : i32
    %dma_start3A_31 = tpu.memref_slice %arg2[%dma_start3A_29, %dma_start3A_30] : memref<10240x32xf32, #tpu.memory_space<hbm>> -> memref<10240x32xf32, #tpu.memory_space<hbm>>
    tpu.enqueue_indirect_dma source(%dma_start3A_31 : memref<10240x32xf32, #tpu.memory_space<hbm>>) target(%arg13 : memref<128x32xf32, #tpu.memory_space<vmem>>) offsets(%dma_start3A_28 : memref<128xi32, #tpu.memory_space<vmem>>) semaphore(%arg21 : memref<!tpu.dma_semaphore, #tpu.memory_space<semaphore_mem>>)
    %dma_start3A_32 = arith.constant 4 : i32
    %dma_start3A_33 = arith.constant 0 : i32
    %dma_start3A_34 = tpu.memref_slice %arg7[%dma_start3A_32, %dma_start3A_33] : memref<80x128xi32, #tpu.memory_space<vmem>> -> memref<1x128xi32, #tpu.memory_space<vmem>>
    %dma_start3A_35 = tpu.memref_squeeze %dma_start3A_34 : memref<1x128xi32, #tpu.memory_space<vmem>> -> memref<128xi32, #tpu.memory_space<vmem>>
    %dma_start3A_36 = arith.constant 0 : i32
    %dma_start3A_37 = arith.constant 0 : i32
    %dma_start3A_38 = tpu.memref_slice %arg2[%dma_start3A_36, %dma_start3A_37] : memref<10240x32xf32, #tpu.memory_space<hbm>> -> memref<10240x32xf32, #tpu.memory_space<hbm>>
    tpu.enqueue_indirect_dma source(%dma_start3A_38 : memref<10240x32xf32, #tpu.memory_space<hbm>>) target(%arg14 : memref<128x32xf32, #tpu.memory_space<vmem>>) offsets(%dma_start3A_35 : memref<128xi32, #tpu.memory_space<vmem>>) semaphore(%arg22 : memref<!tpu.dma_semaphore, #tpu.memory_space<semaphore_mem>>)
    %dma_start3A_39 = arith.constant 5 : i32
    %dma_start3A_40 = arith.constant 0 : i32
    %dma_start3A_41 = tpu.memref_slice %arg7[%dma_start3A_39, %dma_start3A_40] : memref<80x128xi32, #tpu.memory_space<vmem>> -> memref<1x128xi32, #tpu.memory_space<vmem>>
    %dma_start3A_42 = tpu.memref_squeeze %dma_start3A_41 : memref<1x128xi32, #tpu.memory_space<vmem>> -> memref<128xi32, #tpu.memory_space<vmem>>
    %dma_start3A_43 = arith.constant 0 : i32
    %dma_start3A_44 = arith.constant 0 : i32
    %dma_start3A_45 = tpu.memref_slice %arg2[%dma_start3A_43, %dma_start3A_44] : memref<10240x32xf32, #tpu.memory_space<hbm>> -> memref<10240x32xf32, #tpu.memory_space<hbm>>
    tpu.enqueue_indirect_dma source(%dma_start3A_45 : memref<10240x32xf32, #tpu.memory_space<hbm>>) target(%arg15 : memref<128x32xf32, #tpu.memory_space<vmem>>) offsets(%dma_start3A_42 : memref<128xi32, #tpu.memory_space<vmem>>) semaphore(%arg23 : memref<!tpu.dma_semaphore, #tpu.memory_space<semaphore_mem>>)
    %dma_start3A_46 = arith.constant 6 : i32
    %dma_start3A_47 = arith.constant 0 : i32
    %dma_start3A_48 = tpu.memref_slice %arg7[%dma_start3A_46, %dma_start3A_47] : memref<80x128xi32, #tpu.memory_space<vmem>> -> memref<1x128xi32, #tpu.memory_space<vmem>>
    %dma_start3A_49 = tpu.memref_squeeze %dma_start3A_48 : memref<1x128xi32, #tpu.memory_space<vmem>> -> memref<128xi32, #tpu.memory_space<vmem>>
    %dma_start3A_50 = arith.constant 0 : i32
    %dma_start3A_51 = arith.constant 0 : i32
    %dma_start3A_52 = tpu.memref_slice %arg2[%dma_start3A_50, %dma_start3A_51] : memref<10240x32xf32, #tpu.memory_space<hbm>> -> memref<10240x32xf32, #tpu.memory_space<hbm>>
    tpu.enqueue_indirect_dma source(%dma_start3A_52 : memref<10240x32xf32, #tpu.memory_space<hbm>>) target(%arg16 : memref<128x32xf32, #tpu.memory_space<vmem>>) offsets(%dma_start3A_49 : memref<128xi32, #tpu.memory_space<vmem>>) semaphore(%arg24 : memref<!tpu.dma_semaphore, #tpu.memory_space<semaphore_mem>>)
    %dma_start3A_53 = arith.constant 7 : i32
    %dma_start3A_54 = arith.constant 0 : i32
    %dma_start3A_55 = tpu.memref_slice %arg7[%dma_start3A_53, %dma_start3A_54] : memref<80x128xi32, #tpu.memory_space<vmem>> -> memref<1x128xi32, #tpu.memory_space<vmem>>
    %dma_start3A_56 = tpu.memref_squeeze %dma_start3A_55 : memref<1x128xi32, #tpu.memory_space<vmem>> -> memref<128xi32, #tpu.memory_space<vmem>>
    %dma_start3A_57 = arith.constant 0 : i32
    %dma_start3A_58 = arith.constant 0 : i32
    %dma_start3A_59 = tpu.memref_slice %arg2[%dma_start3A_57, %dma_start3A_58] : memref<10240x32xf32, #tpu.memory_space<hbm>> -> memref<10240x32xf32, #tpu.memory_space<hbm>>
    tpu.enqueue_indirect_dma source(%dma_start3A_59 : memref<10240x32xf32, #tpu.memory_space<hbm>>) target(%arg17 : memref<128x32xf32, #tpu.memory_space<vmem>>) offsets(%dma_start3A_56 : memref<128xi32, #tpu.memory_space<vmem>>) semaphore(%arg25 : memref<!tpu.dma_semaphore, #tpu.memory_space<semaphore_mem>>)
    %scan3A = arith.constant 0 : i32
    %scan3A_60 = arith.constant 0 : i32
    %scan3A_61 = arith.constant 10 : i32
    %scan3A_62 = arith.addi %scan3A_60, %scan3A_61 : i32
    %scan3A_63 = arith.constant 1 : i32
    scf.for %scan3A_125 = %scan3A_60 to %scan3A_62 step %scan3A_63  : i32 {
      %mul3A_126 = arith.constant 2 : i32
      %mul3A_127 = arith.muli %mul3A_126, %scan3A_125 : i32
      %add3A_128 = arith.constant 0 : i32
      %add3A_129 = arith.addi %mul3A_127, %add3A_128 : i32
      %mul3A_130 = arith.constant 4 : i32
      %mul3A_131 = arith.muli %add3A_129, %mul3A_130 : i32
      %add3A_132 = arith.constant 0 : i32
      %add3A_133 = arith.addi %mul3A_131, %add3A_132 : i32
      %dma_wait3A_134 = arith.constant 0 : i32
      %dma_wait3A_135 = tpu.memref_slice %arg7[%add3A_133, %dma_wait3A_134] : memref<80x128xi32, #tpu.memory_space<vmem>> -> memref<1x128xi32, #tpu.memory_space<vmem>>
      %dma_wait3A_136 = tpu.memref_squeeze %dma_wait3A_135 : memref<1x128xi32, #tpu.memory_space<vmem>> -> memref<128xi32, #tpu.memory_space<vmem>>
      %dma_wait3A_137 = arith.constant 0 : i32
      %dma_wait3A_138 = arith.constant 0 : i32
      %dma_wait3A_139 = tpu.memref_slice %arg2[%dma_wait3A_137, %dma_wait3A_138] : memref<10240x32xf32, #tpu.memory_space<hbm>> -> memref<10240x32xf32, #tpu.memory_space<hbm>>
      tpu.wait_indirect_dma semaphore(%arg18 : memref<!tpu.dma_semaphore, #tpu.memory_space<semaphore_mem>>) src(%dma_wait3A_139 : memref<10240x32xf32, #tpu.memory_space<hbm>>) dst(%arg10 : memref<128x32xf32, #tpu.memory_space<vmem>>)
      %dma_start3A_140 = arith.constant 0 : i32
      %dma_start3A_141 = tpu.memref_slice %arg8[%add3A_133, %dma_start3A_140] : memref<80x128xi32, #tpu.memory_space<vmem>> -> memref<1x128xi32, #tpu.memory_space<vmem>>
      %dma_start3A_142 = tpu.memref_squeeze %dma_start3A_141 : memref<1x128xi32, #tpu.memory_space<vmem>> -> memref<128xi32, #tpu.memory_space<vmem>>
      %dma_start3A_143 = arith.constant 0 : i32
      %dma_start3A_144 = arith.constant 0 : i32
      %dma_start3A_145 = tpu.memref_slice %arg9[%dma_start3A_143, %dma_start3A_144] : memref<10240x32xf32, #tpu.memory_space<vmem_shared>> -> memref<10240x32xf32, #tpu.memory_space<vmem_shared>>
      tpu.enqueue_indirect_dma source(%arg10 : memref<128x32xf32, #tpu.memory_space<vmem>>) target(%dma_start3A_145 : memref<10240x32xf32, #tpu.memory_space<vmem_shared>>) offsets(%dma_start3A_142 : memref<128xi32, #tpu.memory_space<vmem>>) semaphore(%arg26 : memref<!tpu.dma_semaphore, #tpu.memory_space<semaphore_mem>>) {add = true}
      %mul3A_146 = arith.constant 4 : i32
      %mul3A_147 = arith.muli %add3A_129, %mul3A_146 : i32
      %add3A_148 = arith.constant 1 : i32
      %add3A_149 = arith.addi %mul3A_147, %add3A_148 : i32
      %dma_wait3A_150 = arith.constant 0 : i32
      %dma_wait3A_151 = tpu.memref_slice %arg7[%add3A_149, %dma_wait3A_150] : memref<80x128xi32, #tpu.memory_space<vmem>> -> memref<1x128xi32, #tpu.memory_space<vmem>>
      %dma_wait3A_152 = tpu.memref_squeeze %dma_wait3A_151 : memref<1x128xi32, #tpu.memory_space<vmem>> -> memref<128xi32, #tpu.memory_space<vmem>>
      %dma_wait3A_153 = arith.constant 0 : i32
      %dma_wait3A_154 = arith.constant 0 : i32
      %dma_wait3A_155 = tpu.memref_slice %arg2[%dma_wait3A_153, %dma_wait3A_154] : memref<10240x32xf32, #tpu.memory_space<hbm>> -> memref<10240x32xf32, #tpu.memory_space<hbm>>
      tpu.wait_indirect_dma semaphore(%arg19 : memref<!tpu.dma_semaphore, #tpu.memory_space<semaphore_mem>>) src(%dma_wait3A_155 : memref<10240x32xf32, #tpu.memory_space<hbm>>) dst(%arg11 : memref<128x32xf32, #tpu.memory_space<vmem>>)
      %dma_start3A_156 = arith.constant 0 : i32
      %dma_start3A_157 = tpu.memref_slice %arg8[%add3A_149, %dma_start3A_156] : memref<80x128xi32, #tpu.memory_space<vmem>> -> memref<1x128xi32, #tpu.memory_space<vmem>>
      %dma_start3A_158 = tpu.memref_squeeze %dma_start3A_157 : memref<1x128xi32, #tpu.memory_space<vmem>> -> memref<128xi32, #tpu.memory_space<vmem>>
      %dma_start3A_159 = arith.constant 0 : i32
      %dma_start3A_160 = arith.constant 0 : i32
      %dma_start3A_161 = tpu.memref_slice %arg9[%dma_start3A_159, %dma_start3A_160] : memref<10240x32xf32, #tpu.memory_space<vmem_shared>> -> memref<10240x32xf32, #tpu.memory_space<vmem_shared>>
      tpu.enqueue_indirect_dma source(%arg11 : memref<128x32xf32, #tpu.memory_space<vmem>>) target(%dma_start3A_161 : memref<10240x32xf32, #tpu.memory_space<vmem_shared>>) offsets(%dma_start3A_158 : memref<128xi32, #tpu.memory_space<vmem>>) semaphore(%arg26 : memref<!tpu.dma_semaphore, #tpu.memory_space<semaphore_mem>>) {add = true}
      %mul3A_162 = arith.constant 4 : i32
      %mul3A_163 = arith.muli %add3A_129, %mul3A_162 : i32
      %add3A_164 = arith.constant 2 : i32
      %add3A_165 = arith.addi %mul3A_163, %add3A_164 : i32
      %dma_wait3A_166 = arith.constant 0 : i32
      %dma_wait3A_167 = tpu.memref_slice %arg7[%add3A_165, %dma_wait3A_166] : memref<80x128xi32, #tpu.memory_space<vmem>> -> memref<1x128xi32, #tpu.memory_space<vmem>>
      %dma_wait3A_168 = tpu.memref_squeeze %dma_wait3A_167 : memref<1x128xi32, #tpu.memory_space<vmem>> -> memref<128xi32, #tpu.memory_space<vmem>>
      %dma_wait3A_169 = arith.constant 0 : i32
      %dma_wait3A_170 = arith.constant 0 : i32
      %dma_wait3A_171 = tpu.memref_slice %arg2[%dma_wait3A_169, %dma_wait3A_170] : memref<10240x32xf32, #tpu.memory_space<hbm>> -> memref<10240x32xf32, #tpu.memory_space<hbm>>
      tpu.wait_indirect_dma semaphore(%arg20 : memref<!tpu.dma_semaphore, #tpu.memory_space<semaphore_mem>>) src(%dma_wait3A_171 : memref<10240x32xf32, #tpu.memory_space<hbm>>) dst(%arg12 : memref<128x32xf32, #tpu.memory_space<vmem>>)
      %dma_start3A_172 = arith.constant 0 : i32
      %dma_start3A_173 = tpu.memref_slice %arg8[%add3A_165, %dma_start3A_172] : memref<80x128xi32, #tpu.memory_space<vmem>> -> memref<1x128xi32, #tpu.memory_space<vmem>>
      %dma_start3A_174 = tpu.memref_squeeze %dma_start3A_173 : memref<1x128xi32, #tpu.memory_space<vmem>> -> memref<128xi32, #tpu.memory_space<vmem>>
      %dma_start3A_175 = arith.constant 0 : i32
      %dma_start3A_176 = arith.constant 0 : i32
      %dma_start3A_177 = tpu.memref_slice %arg9[%dma_start3A_175, %dma_start3A_176] : memref<10240x32xf32, #tpu.memory_space<vmem_shared>> -> memref<10240x32xf32, #tpu.memory_space<vmem_shared>>
      tpu.enqueue_indirect_dma source(%arg12 : memref<128x32xf32, #tpu.memory_space<vmem>>) target(%dma_start3A_177 : memref<10240x32xf32, #tpu.memory_space<vmem_shared>>) offsets(%dma_start3A_174 : memref<128xi32, #tpu.memory_space<vmem>>) semaphore(%arg26 : memref<!tpu.dma_semaphore, #tpu.memory_space<semaphore_mem>>) {add = true}
      %mul3A_178 = arith.constant 4 : i32
      %mul3A_179 = arith.muli %add3A_129, %mul3A_178 : i32
      %add3A_180 = arith.constant 3 : i32
      %add3A_181 = arith.addi %mul3A_179, %add3A_180 : i32
      %dma_wait3A_182 = arith.constant 0 : i32
      %dma_wait3A_183 = tpu.memref_slice %arg7[%add3A_181, %dma_wait3A_182] : memref<80x128xi32, #tpu.memory_space<vmem>> -> memref<1x128xi32, #tpu.memory_space<vmem>>
      %dma_wait3A_184 = tpu.memref_squeeze %dma_wait3A_183 : memref<1x128xi32, #tpu.memory_space<vmem>> -> memref<128xi32, #tpu.memory_space<vmem>>
      %dma_wait3A_185 = arith.constant 0 : i32
      %dma_wait3A_186 = arith.constant 0 : i32
      %dma_wait3A_187 = tpu.memref_slice %arg2[%dma_wait3A_185, %dma_wait3A_186] : memref<10240x32xf32, #tpu.memory_space<hbm>> -> memref<10240x32xf32, #tpu.memory_space<hbm>>
      tpu.wait_indirect_dma semaphore(%arg21 : memref<!tpu.dma_semaphore, #tpu.memory_space<semaphore_mem>>) src(%dma_wait3A_187 : memref<10240x32xf32, #tpu.memory_space<hbm>>) dst(%arg13 : memref<128x32xf32, #tpu.memory_space<vmem>>)
      %dma_start3A_188 = arith.constant 0 : i32
      %dma_start3A_189 = tpu.memref_slice %arg8[%add3A_181, %dma_start3A_188] : memref<80x128xi32, #tpu.memory_space<vmem>> -> memref<1x128xi32, #tpu.memory_space<vmem>>
      %dma_start3A_190 = tpu.memref_squeeze %dma_start3A_189 : memref<1x128xi32, #tpu.memory_space<vmem>> -> memref<128xi32, #tpu.memory_space<vmem>>
      %dma_start3A_191 = arith.constant 0 : i32
      %dma_start3A_192 = arith.constant 0 : i32
      %dma_start3A_193 = tpu.memref_slice %arg9[%dma_start3A_191, %dma_start3A_192] : memref<10240x32xf32, #tpu.memory_space<vmem_shared>> -> memref<10240x32xf32, #tpu.memory_space<vmem_shared>>
      tpu.enqueue_indirect_dma source(%arg13 : memref<128x32xf32, #tpu.memory_space<vmem>>) target(%dma_start3A_193 : memref<10240x32xf32, #tpu.memory_space<vmem_shared>>) offsets(%dma_start3A_190 : memref<128xi32, #tpu.memory_space<vmem>>) semaphore(%arg26 : memref<!tpu.dma_semaphore, #tpu.memory_space<semaphore_mem>>) {add = true}
      %mul3A_194 = arith.constant 4 : i32
      %mul3A_195 = arith.muli %add3A_129, %mul3A_194 : i32
      %add3A_196 = arith.constant 0 : i32
      %add3A_197 = arith.addi %mul3A_195, %add3A_196 : i32
      %dma_wait3A_198 = arith.constant 0 : i32
      %dma_wait3A_199 = tpu.memref_slice %arg8[%add3A_197, %dma_wait3A_198] : memref<80x128xi32, #tpu.memory_space<vmem>> -> memref<1x128xi32, #tpu.memory_space<vmem>>
      %dma_wait3A_200 = tpu.memref_squeeze %dma_wait3A_199 : memref<1x128xi32, #tpu.memory_space<vmem>> -> memref<128xi32, #tpu.memory_space<vmem>>
      %dma_wait3A_201 = arith.constant 0 : i32
      %dma_wait3A_202 = arith.constant 0 : i32
      %dma_wait3A_203 = tpu.memref_slice %arg9[%dma_wait3A_201, %dma_wait3A_202] : memref<10240x32xf32, #tpu.memory_space<vmem_shared>> -> memref<10240x32xf32, #tpu.memory_space<vmem_shared>>
      tpu.wait_indirect_dma semaphore(%arg26 : memref<!tpu.dma_semaphore, #tpu.memory_space<semaphore_mem>>) src(%arg10 : memref<128x32xf32, #tpu.memory_space<vmem>>) dst(%dma_wait3A_203 : memref<10240x32xf32, #tpu.memory_space<vmem_shared>>)
      %mul3A_204 = arith.constant 4 : i32
      %mul3A_205 = arith.muli %add3A_129, %mul3A_204 : i32
      %add3A_206 = arith.constant 1 : i32
      %add3A_207 = arith.addi %mul3A_205, %add3A_206 : i32
      %dma_wait3A_208 = arith.constant 0 : i32
      %dma_wait3A_209 = tpu.memref_slice %arg8[%add3A_207, %dma_wait3A_208] : memref<80x128xi32, #tpu.memory_space<vmem>> -> memref<1x128xi32, #tpu.memory_space<vmem>>
      %dma_wait3A_210 = tpu.memref_squeeze %dma_wait3A_209 : memref<1x128xi32, #tpu.memory_space<vmem>> -> memref<128xi32, #tpu.memory_space<vmem>>
      %dma_wait3A_211 = arith.constant 0 : i32
      %dma_wait3A_212 = arith.constant 0 : i32
      %dma_wait3A_213 = tpu.memref_slice %arg9[%dma_wait3A_211, %dma_wait3A_212] : memref<10240x32xf32, #tpu.memory_space<vmem_shared>> -> memref<10240x32xf32, #tpu.memory_space<vmem_shared>>
      tpu.wait_indirect_dma semaphore(%arg26 : memref<!tpu.dma_semaphore, #tpu.memory_space<semaphore_mem>>) src(%arg11 : memref<128x32xf32, #tpu.memory_space<vmem>>) dst(%dma_wait3A_213 : memref<10240x32xf32, #tpu.memory_space<vmem_shared>>)
      %mul3A_214 = arith.constant 4 : i32
      %mul3A_215 = arith.muli %add3A_129, %mul3A_214 : i32
      %add3A_216 = arith.constant 2 : i32
      %add3A_217 = arith.addi %mul3A_215, %add3A_216 : i32
      %dma_wait3A_218 = arith.constant 0 : i32
      %dma_wait3A_219 = tpu.memref_slice %arg8[%add3A_217, %dma_wait3A_218] : memref<80x128xi32, #tpu.memory_space<vmem>> -> memref<1x128xi32, #tpu.memory_space<vmem>>
      %dma_wait3A_220 = tpu.memref_squeeze %dma_wait3A_219 : memref<1x128xi32, #tpu.memory_space<vmem>> -> memref<128xi32, #tpu.memory_space<vmem>>
      %dma_wait3A_221 = arith.constant 0 : i32
      %dma_wait3A_222 = arith.constant 0 : i32
      %dma_wait3A_223 = tpu.memref_slice %arg9[%dma_wait3A_221, %dma_wait3A_222] : memref<10240x32xf32, #tpu.memory_space<vmem_shared>> -> memref<10240x32xf32, #tpu.memory_space<vmem_shared>>
      tpu.wait_indirect_dma semaphore(%arg26 : memref<!tpu.dma_semaphore, #tpu.memory_space<semaphore_mem>>) src(%arg12 : memref<128x32xf32, #tpu.memory_space<vmem>>) dst(%dma_wait3A_223 : memref<10240x32xf32, #tpu.memory_space<vmem_shared>>)
      %mul3A_224 = arith.constant 4 : i32
      %mul3A_225 = arith.muli %add3A_129, %mul3A_224 : i32
      %add3A_226 = arith.constant 3 : i32
      %add3A_227 = arith.addi %mul3A_225, %add3A_226 : i32
      %dma_wait3A_228 = arith.constant 0 : i32
      %dma_wait3A_229 = tpu.memref_slice %arg8[%add3A_227, %dma_wait3A_228] : memref<80x128xi32, #tpu.memory_space<vmem>> -> memref<1x128xi32, #tpu.memory_space<vmem>>
      %dma_wait3A_230 = tpu.memref_squeeze %dma_wait3A_229 : memref<1x128xi32, #tpu.memory_space<vmem>> -> memref<128xi32, #tpu.memory_space<vmem>>
      %dma_wait3A_231 = arith.constant 0 : i32
      %dma_wait3A_232 = arith.constant 0 : i32
      %dma_wait3A_233 = tpu.memref_slice %arg9[%dma_wait3A_231, %dma_wait3A_232] : memref<10240x32xf32, #tpu.memory_space<vmem_shared>> -> memref<10240x32xf32, #tpu.memory_space<vmem_shared>>
      tpu.wait_indirect_dma semaphore(%arg26 : memref<!tpu.dma_semaphore, #tpu.memory_space<semaphore_mem>>) src(%arg13 : memref<128x32xf32, #tpu.memory_space<vmem>>) dst(%dma_wait3A_233 : memref<10240x32xf32, #tpu.memory_space<vmem_shared>>)
      %add3A_234 = arith.constant 2 : i32
      %add3A_235 = arith.addi %add3A_129, %add3A_234 : i32
      %mul3A_236 = arith.constant 4 : i32
      %mul3A_237 = arith.muli %add3A_235, %mul3A_236 : i32
      %min3A = arith.constant 76 : i32
      %min3A_238 = arith.minsi %mul3A_237, %min3A : i32
      %add3A_239 = arith.constant 0 : i32
      %add3A_240 = arith.addi %min3A_238, %add3A_239 : i32
      %dma_start3A_241 = arith.constant 0 : i32
      %dma_start3A_242 = tpu.memref_slice %arg7[%add3A_240, %dma_start3A_241] : memref<80x128xi32, #tpu.memory_space<vmem>> -> memref<1x128xi32, #tpu.memory_space<vmem>>
      %dma_start3A_243 = tpu.memref_squeeze %dma_start3A_242 : memref<1x128xi32, #tpu.memory_space<vmem>> -> memref<128xi32, #tpu.memory_space<vmem>>
      %dma_start3A_244 = arith.constant 0 : i32
      %dma_start3A_245 = arith.constant 0 : i32
      %dma_start3A_246 = tpu.memref_slice %arg2[%dma_start3A_244, %dma_start3A_245] : memref<10240x32xf32, #tpu.memory_space<hbm>> -> memref<10240x32xf32, #tpu.memory_space<hbm>>
      tpu.enqueue_indirect_dma source(%dma_start3A_246 : memref<10240x32xf32, #tpu.memory_space<hbm>>) target(%arg10 : memref<128x32xf32, #tpu.memory_space<vmem>>) offsets(%dma_start3A_243 : memref<128xi32, #tpu.memory_space<vmem>>) semaphore(%arg18 : memref<!tpu.dma_semaphore, #tpu.memory_space<semaphore_mem>>)
      %add3A_247 = arith.constant 1 : i32
      %add3A_248 = arith.addi %min3A_238, %add3A_247 : i32
      %dma_start3A_249 = arith.constant 0 : i32
      %dma_start3A_250 = tpu.memref_slice %arg7[%add3A_248, %dma_start3A_249] : memref<80x128xi32, #tpu.memory_space<vmem>> -> memref<1x128xi32, #tpu.memory_space<vmem>>
      %dma_start3A_251 = tpu.memref_squeeze %dma_start3A_250 : memref<1x128xi32, #tpu.memory_space<vmem>> -> memref<128xi32, #tpu.memory_space<vmem>>
      %dma_start3A_252 = arith.constant 0 : i32
      %dma_start3A_253 = arith.constant 0 : i32
      %dma_start3A_254 = tpu.memref_slice %arg2[%dma_start3A_252, %dma_start3A_253] : memref<10240x32xf32, #tpu.memory_space<hbm>> -> memref<10240x32xf32, #tpu.memory_space<hbm>>
      tpu.enqueue_indirect_dma source(%dma_start3A_254 : memref<10240x32xf32, #tpu.memory_space<hbm>>) target(%arg11 : memref<128x32xf32, #tpu.memory_space<vmem>>) offsets(%dma_start3A_251 : memref<128xi32, #tpu.memory_space<vmem>>) semaphore(%arg19 : memref<!tpu.dma_semaphore, #tpu.memory_space<semaphore_mem>>)
      %add3A_255 = arith.constant 2 : i32
      %add3A_256 = arith.addi %min3A_238, %add3A_255 : i32
      %dma_start3A_257 = arith.constant 0 : i32
      %dma_start3A_258 = tpu.memref_slice %arg7[%add3A_256, %dma_start3A_257] : memref<80x128xi32, #tpu.memory_space<vmem>> -> memref<1x128xi32, #tpu.memory_space<vmem>>
      %dma_start3A_259 = tpu.memref_squeeze %dma_start3A_258 : memref<1x128xi32, #tpu.memory_space<vmem>> -> memref<128xi32, #tpu.memory_space<vmem>>
      %dma_start3A_260 = arith.constant 0 : i32
      %dma_start3A_261 = arith.constant 0 : i32
      %dma_start3A_262 = tpu.memref_slice %arg2[%dma_start3A_260, %dma_start3A_261] : memref<10240x32xf32, #tpu.memory_space<hbm>> -> memref<10240x32xf32, #tpu.memory_space<hbm>>
      tpu.enqueue_indirect_dma source(%dma_start3A_262 : memref<10240x32xf32, #tpu.memory_space<hbm>>) target(%arg12 : memref<128x32xf32, #tpu.memory_space<vmem>>) offsets(%dma_start3A_259 : memref<128xi32, #tpu.memory_space<vmem>>) semaphore(%arg20 : memref<!tpu.dma_semaphore, #tpu.memory_space<semaphore_mem>>)
      %add3A_263 = arith.constant 3 : i32
      %add3A_264 = arith.addi %min3A_238, %add3A_263 : i32
      %dma_start3A_265 = arith.constant 0 : i32
      %dma_start3A_266 = tpu.memref_slice %arg7[%add3A_264, %dma_start3A_265] : memref<80x128xi32, #tpu.memory_space<vmem>> -> memref<1x128xi32, #tpu.memory_space<vmem>>
      %dma_start3A_267 = tpu.memref_squeeze %dma_start3A_266 : memref<1x128xi32, #tpu.memory_space<vmem>> -> memref<128xi32, #tpu.memory_space<vmem>>
      %dma_start3A_268 = arith.constant 0 : i32
      %dma_start3A_269 = arith.constant 0 : i32
      %dma_start3A_270 = tpu.memref_slice %arg2[%dma_start3A_268, %dma_start3A_269] : memref<10240x32xf32, #tpu.memory_space<hbm>> -> memref<10240x32xf32, #tpu.memory_space<hbm>>
      tpu.enqueue_indirect_dma source(%dma_start3A_270 : memref<10240x32xf32, #tpu.memory_space<hbm>>) target(%arg13 : memref<128x32xf32, #tpu.memory_space<vmem>>) offsets(%dma_start3A_267 : memref<128xi32, #tpu.memory_space<vmem>>) semaphore(%arg21 : memref<!tpu.dma_semaphore, #tpu.memory_space<semaphore_mem>>)
      %mul3A_271 = arith.constant 2 : i32
      %mul3A_272 = arith.muli %mul3A_271, %scan3A_125 : i32
      %add3A_273 = arith.constant 1 : i32
      %add3A_274 = arith.addi %mul3A_272, %add3A_273 : i32
      %mul3A_275 = arith.constant 4 : i32
      %mul3A_276 = arith.muli %add3A_274, %mul3A_275 : i32
      %add3A_277 = arith.constant 0 : i32
      %add3A_278 = arith.addi %mul3A_276, %add3A_277 : i32
      %dma_wait3A_279 = arith.constant 0 : i32
      %dma_wait3A_280 = tpu.memref_slice %arg7[%add3A_278, %dma_wait3A_279] : memref<80x128xi32, #tpu.memory_space<vmem>> -> memref<1x128xi32, #tpu.memory_space<vmem>>
      %dma_wait3A_281 = tpu.memref_squeeze %dma_wait3A_280 : memref<1x128xi32, #tpu.memory_space<vmem>> -> memref<128xi32, #tpu.memory_space<vmem>>
      %dma_wait3A_282 = arith.constant 0 : i32
      %dma_wait3A_283 = arith.constant 0 : i32
      %dma_wait3A_284 = tpu.memref_slice %arg2[%dma_wait3A_282, %dma_wait3A_283] : memref<10240x32xf32, #tpu.memory_space<hbm>> -> memref<10240x32xf32, #tpu.memory_space<hbm>>
      tpu.wait_indirect_dma semaphore(%arg22 : memref<!tpu.dma_semaphore, #tpu.memory_space<semaphore_mem>>) src(%dma_wait3A_284 : memref<10240x32xf32, #tpu.memory_space<hbm>>) dst(%arg14 : memref<128x32xf32, #tpu.memory_space<vmem>>)
      %dma_start3A_285 = arith.constant 0 : i32
      %dma_start3A_286 = tpu.memref_slice %arg8[%add3A_278, %dma_start3A_285] : memref<80x128xi32, #tpu.memory_space<vmem>> -> memref<1x128xi32, #tpu.memory_space<vmem>>
      %dma_start3A_287 = tpu.memref_squeeze %dma_start3A_286 : memref<1x128xi32, #tpu.memory_space<vmem>> -> memref<128xi32, #tpu.memory_space<vmem>>
      %dma_start3A_288 = arith.constant 0 : i32
      %dma_start3A_289 = arith.constant 0 : i32
      %dma_start3A_290 = tpu.memref_slice %arg9[%dma_start3A_288, %dma_start3A_289] : memref<10240x32xf32, #tpu.memory_space<vmem_shared>> -> memref<10240x32xf32, #tpu.memory_space<vmem_shared>>
      tpu.enqueue_indirect_dma source(%arg14 : memref<128x32xf32, #tpu.memory_space<vmem>>) target(%dma_start3A_290 : memref<10240x32xf32, #tpu.memory_space<vmem_shared>>) offsets(%dma_start3A_287 : memref<128xi32, #tpu.memory_space<vmem>>) semaphore(%arg27 : memref<!tpu.dma_semaphore, #tpu.memory_space<semaphore_mem>>) {add = true}
      %mul3A_291 = arith.constant 4 : i32
      %mul3A_292 = arith.muli %add3A_274, %mul3A_291 : i32
      %add3A_293 = arith.constant 1 : i32
      %add3A_294 = arith.addi %mul3A_292, %add3A_293 : i32
      %dma_wait3A_295 = arith.constant 0 : i32
      %dma_wait3A_296 = tpu.memref_slice %arg7[%add3A_294, %dma_wait3A_295] : memref<80x128xi32, #tpu.memory_space<vmem>> -> memref<1x128xi32, #tpu.memory_space<vmem>>
      %dma_wait3A_297 = tpu.memref_squeeze %dma_wait3A_296 : memref<1x128xi32, #tpu.memory_space<vmem>> -> memref<128xi32, #tpu.memory_space<vmem>>
      %dma_wait3A_298 = arith.constant 0 : i32
      %dma_wait3A_299 = arith.constant 0 : i32
      %dma_wait3A_300 = tpu.memref_slice %arg2[%dma_wait3A_298, %dma_wait3A_299] : memref<10240x32xf32, #tpu.memory_space<hbm>> -> memref<10240x32xf32, #tpu.memory_space<hbm>>
      tpu.wait_indirect_dma semaphore(%arg23 : memref<!tpu.dma_semaphore, #tpu.memory_space<semaphore_mem>>) src(%dma_wait3A_300 : memref<10240x32xf32, #tpu.memory_space<hbm>>) dst(%arg15 : memref<128x32xf32, #tpu.memory_space<vmem>>)
      %dma_start3A_301 = arith.constant 0 : i32
      %dma_start3A_302 = tpu.memref_slice %arg8[%add3A_294, %dma_start3A_301] : memref<80x128xi32, #tpu.memory_space<vmem>> -> memref<1x128xi32, #tpu.memory_space<vmem>>
      %dma_start3A_303 = tpu.memref_squeeze %dma_start3A_302 : memref<1x128xi32, #tpu.memory_space<vmem>> -> memref<128xi32, #tpu.memory_space<vmem>>
      %dma_start3A_304 = arith.constant 0 : i32
      %dma_start3A_305 = arith.constant 0 : i32
      %dma_start3A_306 = tpu.memref_slice %arg9[%dma_start3A_304, %dma_start3A_305] : memref<10240x32xf32, #tpu.memory_space<vmem_shared>> -> memref<10240x32xf32, #tpu.memory_space<vmem_shared>>
      tpu.enqueue_indirect_dma source(%arg15 : memref<128x32xf32, #tpu.memory_space<vmem>>) target(%dma_start3A_306 : memref<10240x32xf32, #tpu.memory_space<vmem_shared>>) offsets(%dma_start3A_303 : memref<128xi32, #tpu.memory_space<vmem>>) semaphore(%arg27 : memref<!tpu.dma_semaphore, #tpu.memory_space<semaphore_mem>>) {add = true}
      %mul3A_307 = arith.constant 4 : i32
      %mul3A_308 = arith.muli %add3A_274, %mul3A_307 : i32
      %add3A_309 = arith.constant 2 : i32
      %add3A_310 = arith.addi %mul3A_308, %add3A_309 : i32
      %dma_wait3A_311 = arith.constant 0 : i32
      %dma_wait3A_312 = tpu.memref_slice %arg7[%add3A_310, %dma_wait3A_311] : memref<80x128xi32, #tpu.memory_space<vmem>> -> memref<1x128xi32, #tpu.memory_space<vmem>>
      %dma_wait3A_313 = tpu.memref_squeeze %dma_wait3A_312 : memref<1x128xi32, #tpu.memory_space<vmem>> -> memref<128xi32, #tpu.memory_space<vmem>>
      %dma_wait3A_314 = arith.constant 0 : i32
      %dma_wait3A_315 = arith.constant 0 : i32
      %dma_wait3A_316 = tpu.memref_slice %arg2[%dma_wait3A_314, %dma_wait3A_315] : memref<10240x32xf32, #tpu.memory_space<hbm>> -> memref<10240x32xf32, #tpu.memory_space<hbm>>
      tpu.wait_indirect_dma semaphore(%arg24 : memref<!tpu.dma_semaphore, #tpu.memory_space<semaphore_mem>>) src(%dma_wait3A_316 : memref<10240x32xf32, #tpu.memory_space<hbm>>) dst(%arg16 : memref<128x32xf32, #tpu.memory_space<vmem>>)
      %dma_start3A_317 = arith.constant 0 : i32
      %dma_start3A_318 = tpu.memref_slice %arg8[%add3A_310, %dma_start3A_317] : memref<80x128xi32, #tpu.memory_space<vmem>> -> memref<1x128xi32, #tpu.memory_space<vmem>>
      %dma_start3A_319 = tpu.memref_squeeze %dma_start3A_318 : memref<1x128xi32, #tpu.memory_space<vmem>> -> memref<128xi32, #tpu.memory_space<vmem>>
      %dma_start3A_320 = arith.constant 0 : i32
      %dma_start3A_321 = arith.constant 0 : i32
      %dma_start3A_322 = tpu.memref_slice %arg9[%dma_start3A_320, %dma_start3A_321] : memref<10240x32xf32, #tpu.memory_space<vmem_shared>> -> memref<10240x32xf32, #tpu.memory_space<vmem_shared>>
      tpu.enqueue_indirect_dma source(%arg16 : memref<128x32xf32, #tpu.memory_space<vmem>>) target(%dma_start3A_322 : memref<10240x32xf32, #tpu.memory_space<vmem_shared>>) offsets(%dma_start3A_319 : memref<128xi32, #tpu.memory_space<vmem>>) semaphore(%arg27 : memref<!tpu.dma_semaphore, #tpu.memory_space<semaphore_mem>>) {add = true}
      %mul3A_323 = arith.constant 4 : i32
      %mul3A_324 = arith.muli %add3A_274, %mul3A_323 : i32
      %add3A_325 = arith.constant 3 : i32
      %add3A_326 = arith.addi %mul3A_324, %add3A_325 : i32
      %dma_wait3A_327 = arith.constant 0 : i32
      %dma_wait3A_328 = tpu.memref_slice %arg7[%add3A_326, %dma_wait3A_327] : memref<80x128xi32, #tpu.memory_space<vmem>> -> memref<1x128xi32, #tpu.memory_space<vmem>>
      %dma_wait3A_329 = tpu.memref_squeeze %dma_wait3A_328 : memref<1x128xi32, #tpu.memory_space<vmem>> -> memref<128xi32, #tpu.memory_space<vmem>>
      %dma_wait3A_330 = arith.constant 0 : i32
      %dma_wait3A_331 = arith.constant 0 : i32
      %dma_wait3A_332 = tpu.memref_slice %arg2[%dma_wait3A_330, %dma_wait3A_331] : memref<10240x32xf32, #tpu.memory_space<hbm>> -> memref<10240x32xf32, #tpu.memory_space<hbm>>
      tpu.wait_indirect_dma semaphore(%arg25 : memref<!tpu.dma_semaphore, #tpu.memory_space<semaphore_mem>>) src(%dma_wait3A_332 : memref<10240x32xf32, #tpu.memory_space<hbm>>) dst(%arg17 : memref<128x32xf32, #tpu.memory_space<vmem>>)
      %dma_start3A_333 = arith.constant 0 : i32
      %dma_start3A_334 = tpu.memref_slice %arg8[%add3A_326, %dma_start3A_333] : memref<80x128xi32, #tpu.memory_space<vmem>> -> memref<1x128xi32, #tpu.memory_space<vmem>>
      %dma_start3A_335 = tpu.memref_squeeze %dma_start3A_334 : memref<1x128xi32, #tpu.memory_space<vmem>> -> memref<128xi32, #tpu.memory_space<vmem>>
      %dma_start3A_336 = arith.constant 0 : i32
      %dma_start3A_337 = arith.constant 0 : i32
      %dma_start3A_338 = tpu.memref_slice %arg9[%dma_start3A_336, %dma_start3A_337] : memref<10240x32xf32, #tpu.memory_space<vmem_shared>> -> memref<10240x32xf32, #tpu.memory_space<vmem_shared>>
      tpu.enqueue_indirect_dma source(%arg17 : memref<128x32xf32, #tpu.memory_space<vmem>>) target(%dma_start3A_338 : memref<10240x32xf32, #tpu.memory_space<vmem_shared>>) offsets(%dma_start3A_335 : memref<128xi32, #tpu.memory_space<vmem>>) semaphore(%arg27 : memref<!tpu.dma_semaphore, #tpu.memory_space<semaphore_mem>>) {add = true}
      %mul3A_339 = arith.constant 4 : i32
      %mul3A_340 = arith.muli %add3A_274, %mul3A_339 : i32
      %add3A_341 = arith.constant 0 : i32
      %add3A_342 = arith.addi %mul3A_340, %add3A_341 : i32
      %dma_wait3A_343 = arith.constant 0 : i32
      %dma_wait3A_344 = tpu.memref_slice %arg8[%add3A_342, %dma_wait3A_343] : memref<80x128xi32, #tpu.memory_space<vmem>> -> memref<1x128xi32, #tpu.memory_space<vmem>>
      %dma_wait3A_345 = tpu.memref_squeeze %dma_wait3A_344 : memref<1x128xi32, #tpu.memory_space<vmem>> -> memref<128xi32, #tpu.memory_space<vmem>>
      %dma_wait3A_346 = arith.constant 0 : i32
      %dma_wait3A_347 = arith.constant 0 : i32
      %dma_wait3A_348 = tpu.memref_slice %arg9[%dma_wait3A_346, %dma_wait3A_347] : memref<10240x32xf32, #tpu.memory_space<vmem_shared>> -> memref<10240x32xf32, #tpu.memory_space<vmem_shared>>
      tpu.wait_indirect_dma semaphore(%arg27 : memref<!tpu.dma_semaphore, #tpu.memory_space<semaphore_mem>>) src(%arg14 : memref<128x32xf32, #tpu.memory_space<vmem>>) dst(%dma_wait3A_348 : memref<10240x32xf32, #tpu.memory_space<vmem_shared>>)
      %mul3A_349 = arith.constant 4 : i32
      %mul3A_350 = arith.muli %add3A_274, %mul3A_349 : i32
      %add3A_351 = arith.constant 1 : i32
      %add3A_352 = arith.addi %mul3A_350, %add3A_351 : i32
      %dma_wait3A_353 = arith.constant 0 : i32
      %dma_wait3A_354 = tpu.memref_slice %arg8[%add3A_352, %dma_wait3A_353] : memref<80x128xi32, #tpu.memory_space<vmem>> -> memref<1x128xi32, #tpu.memory_space<vmem>>
      %dma_wait3A_355 = tpu.memref_squeeze %dma_wait3A_354 : memref<1x128xi32, #tpu.memory_space<vmem>> -> memref<128xi32, #tpu.memory_space<vmem>>
      %dma_wait3A_356 = arith.constant 0 : i32
      %dma_wait3A_357 = arith.constant 0 : i32
      %dma_wait3A_358 = tpu.memref_slice %arg9[%dma_wait3A_356, %dma_wait3A_357] : memref<10240x32xf32, #tpu.memory_space<vmem_shared>> -> memref<10240x32xf32, #tpu.memory_space<vmem_shared>>
      tpu.wait_indirect_dma semaphore(%arg27 : memref<!tpu.dma_semaphore, #tpu.memory_space<semaphore_mem>>) src(%arg15 : memref<128x32xf32, #tpu.memory_space<vmem>>) dst(%dma_wait3A_358 : memref<10240x32xf32, #tpu.memory_space<vmem_shared>>)
      %mul3A_359 = arith.constant 4 : i32
      %mul3A_360 = arith.muli %add3A_274, %mul3A_359 : i32
      %add3A_361 = arith.constant 2 : i32
      %add3A_362 = arith.addi %mul3A_360, %add3A_361 : i32
      %dma_wait3A_363 = arith.constant 0 : i32
      %dma_wait3A_364 = tpu.memref_slice %arg8[%add3A_362, %dma_wait3A_363] : memref<80x128xi32, #tpu.memory_space<vmem>> -> memref<1x128xi32, #tpu.memory_space<vmem>>
      %dma_wait3A_365 = tpu.memref_squeeze %dma_wait3A_364 : memref<1x128xi32, #tpu.memory_space<vmem>> -> memref<128xi32, #tpu.memory_space<vmem>>
      %dma_wait3A_366 = arith.constant 0 : i32
      %dma_wait3A_367 = arith.constant 0 : i32
      %dma_wait3A_368 = tpu.memref_slice %arg9[%dma_wait3A_366, %dma_wait3A_367] : memref<10240x32xf32, #tpu.memory_space<vmem_shared>> -> memref<10240x32xf32, #tpu.memory_space<vmem_shared>>
      tpu.wait_indirect_dma semaphore(%arg27 : memref<!tpu.dma_semaphore, #tpu.memory_space<semaphore_mem>>) src(%arg16 : memref<128x32xf32, #tpu.memory_space<vmem>>) dst(%dma_wait3A_368 : memref<10240x32xf32, #tpu.memory_space<vmem_shared>>)
      %mul3A_369 = arith.constant 4 : i32
      %mul3A_370 = arith.muli %add3A_274, %mul3A_369 : i32
      %add3A_371 = arith.constant 3 : i32
      %add3A_372 = arith.addi %mul3A_370, %add3A_371 : i32
      %dma_wait3A_373 = arith.constant 0 : i32
      %dma_wait3A_374 = tpu.memref_slice %arg8[%add3A_372, %dma_wait3A_373] : memref<80x128xi32, #tpu.memory_space<vmem>> -> memref<1x128xi32, #tpu.memory_space<vmem>>
      %dma_wait3A_375 = tpu.memref_squeeze %dma_wait3A_374 : memref<1x128xi32, #tpu.memory_space<vmem>> -> memref<128xi32, #tpu.memory_space<vmem>>
      %dma_wait3A_376 = arith.constant 0 : i32
      %dma_wait3A_377 = arith.constant 0 : i32
      %dma_wait3A_378 = tpu.memref_slice %arg9[%dma_wait3A_376, %dma_wait3A_377] : memref<10240x32xf32, #tpu.memory_space<vmem_shared>> -> memref<10240x32xf32, #tpu.memory_space<vmem_shared>>
      tpu.wait_indirect_dma semaphore(%arg27 : memref<!tpu.dma_semaphore, #tpu.memory_space<semaphore_mem>>) src(%arg17 : memref<128x32xf32, #tpu.memory_space<vmem>>) dst(%dma_wait3A_378 : memref<10240x32xf32, #tpu.memory_space<vmem_shared>>)
      %add3A_379 = arith.constant 2 : i32
      %add3A_380 = arith.addi %add3A_274, %add3A_379 : i32
      %mul3A_381 = arith.constant 4 : i32
      %mul3A_382 = arith.muli %add3A_380, %mul3A_381 : i32
      %min3A_383 = arith.constant 76 : i32
      %min3A_384 = arith.minsi %mul3A_382, %min3A_383 : i32
      %add3A_385 = arith.constant 0 : i32
      %add3A_386 = arith.addi %min3A_384, %add3A_385 : i32
      %dma_start3A_387 = arith.constant 0 : i32
      %dma_start3A_388 = tpu.memref_slice %arg7[%add3A_386, %dma_start3A_387] : memref<80x128xi32, #tpu.memory_space<vmem>> -> memref<1x128xi32, #tpu.memory_space<vmem>>
      %dma_start3A_389 = tpu.memref_squeeze %dma_start3A_388 : memref<1x128xi32, #tpu.memory_space<vmem>> -> memref<128xi32, #tpu.memory_space<vmem>>
      %dma_start3A_390 = arith.constant 0 : i32
      %dma_start3A_391 = arith.constant 0 : i32
      %dma_start3A_392 = tpu.memref_slice %arg2[%dma_start3A_390, %dma_start3A_391] : memref<10240x32xf32, #tpu.memory_space<hbm>> -> memref<10240x32xf32, #tpu.memory_space<hbm>>
      tpu.enqueue_indirect_dma source(%dma_start3A_392 : memref<10240x32xf32, #tpu.memory_space<hbm>>) target(%arg14 : memref<128x32xf32, #tpu.memory_space<vmem>>) offsets(%dma_start3A_389 : memref<128xi32, #tpu.memory_space<vmem>>) semaphore(%arg22 : memref<!tpu.dma_semaphore, #tpu.memory_space<semaphore_mem>>)
      %add3A_393 = arith.constant 1 : i32
      %add3A_394 = arith.addi %min3A_384, %add3A_393 : i32
      %dma_start3A_395 = arith.constant 0 : i32
      %dma_start3A_396 = tpu.memref_slice %arg7[%add3A_394, %dma_start3A_395] : memref<80x128xi32, #tpu.memory_space<vmem>> -> memref<1x128xi32, #tpu.memory_space<vmem>>
      %dma_start3A_397 = tpu.memref_squeeze %dma_start3A_396 : memref<1x128xi32, #tpu.memory_space<vmem>> -> memref<128xi32, #tpu.memory_space<vmem>>
      %dma_start3A_398 = arith.constant 0 : i32
      %dma_start3A_399 = arith.constant 0 : i32
      %dma_start3A_400 = tpu.memref_slice %arg2[%dma_start3A_398, %dma_start3A_399] : memref<10240x32xf32, #tpu.memory_space<hbm>> -> memref<10240x32xf32, #tpu.memory_space<hbm>>
      tpu.enqueue_indirect_dma source(%dma_start3A_400 : memref<10240x32xf32, #tpu.memory_space<hbm>>) target(%arg15 : memref<128x32xf32, #tpu.memory_space<vmem>>) offsets(%dma_start3A_397 : memref<128xi32, #tpu.memory_space<vmem>>) semaphore(%arg23 : memref<!tpu.dma_semaphore, #tpu.memory_space<semaphore_mem>>)
      %add3A_401 = arith.constant 2 : i32
      %add3A_402 = arith.addi %min3A_384, %add3A_401 : i32
      %dma_start3A_403 = arith.constant 0 : i32
      %dma_start3A_404 = tpu.memref_slice %arg7[%add3A_402, %dma_start3A_403] : memref<80x128xi32, #tpu.memory_space<vmem>> -> memref<1x128xi32, #tpu.memory_space<vmem>>
      %dma_start3A_405 = tpu.memref_squeeze %dma_start3A_404 : memref<1x128xi32, #tpu.memory_space<vmem>> -> memref<128xi32, #tpu.memory_space<vmem>>
      %dma_start3A_406 = arith.constant 0 : i32
      %dma_start3A_407 = arith.constant 0 : i32
      %dma_start3A_408 = tpu.memref_slice %arg2[%dma_start3A_406, %dma_start3A_407] : memref<10240x32xf32, #tpu.memory_space<hbm>> -> memref<10240x32xf32, #tpu.memory_space<hbm>>
      tpu.enqueue_indirect_dma source(%dma_start3A_408 : memref<10240x32xf32, #tpu.memory_space<hbm>>) target(%arg16 : memref<128x32xf32, #tpu.memory_space<vmem>>) offsets(%dma_start3A_405 : memref<128xi32, #tpu.memory_space<vmem>>) semaphore(%arg24 : memref<!tpu.dma_semaphore, #tpu.memory_space<semaphore_mem>>)
      %add3A_409 = arith.constant 3 : i32
      %add3A_410 = arith.addi %min3A_384, %add3A_409 : i32
      %dma_start3A_411 = arith.constant 0 : i32
      %dma_start3A_412 = tpu.memref_slice %arg7[%add3A_410, %dma_start3A_411] : memref<80x128xi32, #tpu.memory_space<vmem>> -> memref<1x128xi32, #tpu.memory_space<vmem>>
      %dma_start3A_413 = tpu.memref_squeeze %dma_start3A_412 : memref<1x128xi32, #tpu.memory_space<vmem>> -> memref<128xi32, #tpu.memory_space<vmem>>
      %dma_start3A_414 = arith.constant 0 : i32
      %dma_start3A_415 = arith.constant 0 : i32
      %dma_start3A_416 = tpu.memref_slice %arg2[%dma_start3A_414, %dma_start3A_415] : memref<10240x32xf32, #tpu.memory_space<hbm>> -> memref<10240x32xf32, #tpu.memory_space<hbm>>
      tpu.enqueue_indirect_dma source(%dma_start3A_416 : memref<10240x32xf32, #tpu.memory_space<hbm>>) target(%arg17 : memref<128x32xf32, #tpu.memory_space<vmem>>) offsets(%dma_start3A_413 : memref<128xi32, #tpu.memory_space<vmem>>) semaphore(%arg25 : memref<!tpu.dma_semaphore, #tpu.memory_space<semaphore_mem>>)
    }
    %scan3A_64 = arith.constant 10 : i32
    %dma_wait3A = arith.constant 76 : i32
    %dma_wait3A_65 = arith.constant 0 : i32
    %dma_wait3A_66 = tpu.memref_slice %arg7[%dma_wait3A, %dma_wait3A_65] : memref<80x128xi32, #tpu.memory_space<vmem>> -> memref<1x128xi32, #tpu.memory_space<vmem>>
    %dma_wait3A_67 = tpu.memref_squeeze %dma_wait3A_66 : memref<1x128xi32, #tpu.memory_space<vmem>> -> memref<128xi32, #tpu.memory_space<vmem>>
    %dma_wait3A_68 = arith.constant 0 : i32
    %dma_wait3A_69 = arith.constant 0 : i32
    %dma_wait3A_70 = tpu.memref_slice %arg2[%dma_wait3A_68, %dma_wait3A_69] : memref<10240x32xf32, #tpu.memory_space<hbm>> -> memref<10240x32xf32, #tpu.memory_space<hbm>>
    tpu.wait_indirect_dma semaphore(%arg18 : memref<!tpu.dma_semaphore, #tpu.memory_space<semaphore_mem>>) src(%dma_wait3A_70 : memref<10240x32xf32, #tpu.memory_space<hbm>>) dst(%arg10 : memref<128x32xf32, #tpu.memory_space<vmem>>)
    %dma_wait3A_71 = arith.constant 77 : i32
    %dma_wait3A_72 = arith.constant 0 : i32
    %dma_wait3A_73 = tpu.memref_slice %arg7[%dma_wait3A_71, %dma_wait3A_72] : memref<80x128xi32, #tpu.memory_space<vmem>> -> memref<1x128xi32, #tpu.memory_space<vmem>>
    %dma_wait3A_74 = tpu.memref_squeeze %dma_wait3A_73 : memref<1x128xi32, #tpu.memory_space<vmem>> -> memref<128xi32, #tpu.memory_space<vmem>>
    %dma_wait3A_75 = arith.constant 0 : i32
    %dma_wait3A_76 = arith.constant 0 : i32
    %dma_wait3A_77 = tpu.memref_slice %arg2[%dma_wait3A_75, %dma_wait3A_76] : memref<10240x32xf32, #tpu.memory_space<hbm>> -> memref<10240x32xf32, #tpu.memory_space<hbm>>
    tpu.wait_indirect_dma semaphore(%arg19 : memref<!tpu.dma_semaphore, #tpu.memory_space<semaphore_mem>>) src(%dma_wait3A_77 : memref<10240x32xf32, #tpu.memory_space<hbm>>) dst(%arg11 : memref<128x32xf32, #tpu.memory_space<vmem>>)
    %dma_wait3A_78 = arith.constant 78 : i32
    %dma_wait3A_79 = arith.constant 0 : i32
    %dma_wait3A_80 = tpu.memref_slice %arg7[%dma_wait3A_78, %dma_wait3A_79] : memref<80x128xi32, #tpu.memory_space<vmem>> -> memref<1x128xi32, #tpu.memory_space<vmem>>
    %dma_wait3A_81 = tpu.memref_squeeze %dma_wait3A_80 : memref<1x128xi32, #tpu.memory_space<vmem>> -> memref<128xi32, #tpu.memory_space<vmem>>
    %dma_wait3A_82 = arith.constant 0 : i32
    %dma_wait3A_83 = arith.constant 0 : i32
    %dma_wait3A_84 = tpu.memref_slice %arg2[%dma_wait3A_82, %dma_wait3A_83] : memref<10240x32xf32, #tpu.memory_space<hbm>> -> memref<10240x32xf32, #tpu.memory_space<hbm>>
    tpu.wait_indirect_dma semaphore(%arg20 : memref<!tpu.dma_semaphore, #tpu.memory_space<semaphore_mem>>) src(%dma_wait3A_84 : memref<10240x32xf32, #tpu.memory_space<hbm>>) dst(%arg12 : memref<128x32xf32, #tpu.memory_space<vmem>>)
    %dma_wait3A_85 = arith.constant 79 : i32
    %dma_wait3A_86 = arith.constant 0 : i32
    %dma_wait3A_87 = tpu.memref_slice %arg7[%dma_wait3A_85, %dma_wait3A_86] : memref<80x128xi32, #tpu.memory_space<vmem>> -> memref<1x128xi32, #tpu.memory_space<vmem>>
    %dma_wait3A_88 = tpu.memref_squeeze %dma_wait3A_87 : memref<1x128xi32, #tpu.memory_space<vmem>> -> memref<128xi32, #tpu.memory_space<vmem>>
    %dma_wait3A_89 = arith.constant 0 : i32
    %dma_wait3A_90 = arith.constant 0 : i32
    %dma_wait3A_91 = tpu.memref_slice %arg2[%dma_wait3A_89, %dma_wait3A_90] : memref<10240x32xf32, #tpu.memory_space<hbm>> -> memref<10240x32xf32, #tpu.memory_space<hbm>>
    tpu.wait_indirect_dma semaphore(%arg21 : memref<!tpu.dma_semaphore, #tpu.memory_space<semaphore_mem>>) src(%dma_wait3A_91 : memref<10240x32xf32, #tpu.memory_space<hbm>>) dst(%arg13 : memref<128x32xf32, #tpu.memory_space<vmem>>)
    %dma_wait3A_92 = arith.constant 76 : i32
    %dma_wait3A_93 = arith.constant 0 : i32
    %dma_wait3A_94 = tpu.memref_slice %arg7[%dma_wait3A_92, %dma_wait3A_93] : memref<80x128xi32, #tpu.memory_space<vmem>> -> memref<1x128xi32, #tpu.memory_space<vmem>>
    %dma_wait3A_95 = tpu.memref_squeeze %dma_wait3A_94 : memref<1x128xi32, #tpu.memory_space<vmem>> -> memref<128xi32, #tpu.memory_space<vmem>>
    %dma_wait3A_96 = arith.constant 0 : i32
    %dma_wait3A_97 = arith.constant 0 : i32
    %dma_wait3A_98 = tpu.memref_slice %arg2[%dma_wait3A_96, %dma_wait3A_97] : memref<10240x32xf32, #tpu.memory_space<hbm>> -> memref<10240x32xf32, #tpu.memory_space<hbm>>
    tpu.wait_indirect_dma semaphore(%arg22 : memref<!tpu.dma_semaphore, #tpu.memory_space<semaphore_mem>>) src(%dma_wait3A_98 : memref<10240x32xf32, #tpu.memory_space<hbm>>) dst(%arg14 : memref<128x32xf32, #tpu.memory_space<vmem>>)
    %dma_wait3A_99 = arith.constant 77 : i32
    %dma_wait3A_100 = arith.constant 0 : i32
    %dma_wait3A_101 = tpu.memref_slice %arg7[%dma_wait3A_99, %dma_wait3A_100] : memref<80x128xi32, #tpu.memory_space<vmem>> -> memref<1x128xi32, #tpu.memory_space<vmem>>
    %dma_wait3A_102 = tpu.memref_squeeze %dma_wait3A_101 : memref<1x128xi32, #tpu.memory_space<vmem>> -> memref<128xi32, #tpu.memory_space<vmem>>
    %dma_wait3A_103 = arith.constant 0 : i32
    %dma_wait3A_104 = arith.constant 0 : i32
    %dma_wait3A_105 = tpu.memref_slice %arg2[%dma_wait3A_103, %dma_wait3A_104] : memref<10240x32xf32, #tpu.memory_space<hbm>> -> memref<10240x32xf32, #tpu.memory_space<hbm>>
    tpu.wait_indirect_dma semaphore(%arg23 : memref<!tpu.dma_semaphore, #tpu.memory_space<semaphore_mem>>) src(%dma_wait3A_105 : memref<10240x32xf32, #tpu.memory_space<hbm>>) dst(%arg15 : memref<128x32xf32, #tpu.memory_space<vmem>>)
    %dma_wait3A_106 = arith.constant 78 : i32
    %dma_wait3A_107 = arith.constant 0 : i32
    %dma_wait3A_108 = tpu.memref_slice %arg7[%dma_wait3A_106, %dma_wait3A_107] : memref<80x128xi32, #tpu.memory_space<vmem>> -> memref<1x128xi32, #tpu.memory_space<vmem>>
    %dma_wait3A_109 = tpu.memref_squeeze %dma_wait3A_108 : memref<1x128xi32, #tpu.memory_space<vmem>> -> memref<128xi32, #tpu.memory_space<vmem>>
    %dma_wait3A_110 = arith.constant 0 : i32
    %dma_wait3A_111 = arith.constant 0 : i32
    %dma_wait3A_112 = tpu.memref_slice %arg2[%dma_wait3A_110, %dma_wait3A_111] : memref<10240x32xf32, #tpu.memory_space<hbm>> -> memref<10240x32xf32, #tpu.memory_space<hbm>>
    tpu.wait_indirect_dma semaphore(%arg24 : memref<!tpu.dma_semaphore, #tpu.memory_space<semaphore_mem>>) src(%dma_wait3A_112 : memref<10240x32xf32, #tpu.memory_space<hbm>>) dst(%arg16 : memref<128x32xf32, #tpu.memory_space<vmem>>)
    %dma_wait3A_113 = arith.constant 79 : i32
    %dma_wait3A_114 = arith.constant 0 : i32
    %dma_wait3A_115 = tpu.memref_slice %arg7[%dma_wait3A_113, %dma_wait3A_114] : memref<80x128xi32, #tpu.memory_space<vmem>> -> memref<1x128xi32, #tpu.memory_space<vmem>>
    %dma_wait3A_116 = tpu.memref_squeeze %dma_wait3A_115 : memref<1x128xi32, #tpu.memory_space<vmem>> -> memref<128xi32, #tpu.memory_space<vmem>>
    %dma_wait3A_117 = arith.constant 0 : i32
    %dma_wait3A_118 = arith.constant 0 : i32
    %dma_wait3A_119 = tpu.memref_slice %arg2[%dma_wait3A_117, %dma_wait3A_118] : memref<10240x32xf32, #tpu.memory_space<hbm>> -> memref<10240x32xf32, #tpu.memory_space<hbm>>
    tpu.wait_indirect_dma semaphore(%arg25 : memref<!tpu.dma_semaphore, #tpu.memory_space<semaphore_mem>>) src(%dma_wait3A_119 : memref<10240x32xf32, #tpu.memory_space<hbm>>) dst(%arg17 : memref<128x32xf32, #tpu.memory_space<vmem>>)
    %barrier3A_120 = arith.constant 0 : index
    tpu.barrier barrier_id(%barrier3A_120)
    %mul3A_121 = arith.constant 640 : i32
    %mul3A_122 = arith.muli %arg1, %mul3A_121 : i32
    %mul3A_123 = arith.constant 640 : i32
    %mul3A_124 = arith.muli %arg1, %mul3A_123 : i32
    "tpu.region"() ({
      %run_scoped3A = tpu.sem_alloc : memref<!tpu.dma_semaphore, #tpu.memory_space<semaphore_mem>>
      %dma_start3A_125 = arith.constant 0 : i32
      %dma_start3A_126 = tpu.memref_slice %arg6[%arg0, %mul3A_124, %dma_start3A_125] : memref<2x10240x32xf32, #tpu.memory_space<hbm>> -> memref<1x640x32xf32, #tpu.memory_space<hbm>>
      %dma_start3A_127 = tpu.memref_squeeze %dma_start3A_126 : memref<1x640x32xf32, #tpu.memory_space<hbm>> -> memref<640x32xf32, #tpu.memory_space<hbm>>
      %dma_start3A_128 = arith.constant 0 : i32
      %dma_start3A_129 = tpu.memref_slice %arg9[%mul3A_122, %dma_start3A_128] : memref<10240x32xf32, #tpu.memory_space<vmem_shared>> -> memref<640x32xf32, #tpu.memory_space<vmem_shared>>
      tpu.enqueue_dma source(%dma_start3A_129 : memref<640x32xf32, #tpu.memory_space<vmem_shared>>) target(%dma_start3A_127 : memref<640x32xf32, #tpu.memory_space<hbm>>) target_semaphore(%run_scoped3A : memref<!tpu.dma_semaphore, #tpu.memory_space<semaphore_mem>>)
      %dma_wait3A_130 = arith.constant 0 : i32
      %dma_wait3A_131 = tpu.memref_slice %arg6[%arg0, %mul3A_124, %dma_wait3A_130] : memref<2x10240x32xf32, #tpu.memory_space<hbm>> -> memref<1x640x32xf32, #tpu.memory_space<hbm>>
      %dma_wait3A_132 = tpu.memref_squeeze %dma_wait3A_131 : memref<1x640x32xf32, #tpu.memory_space<hbm>> -> memref<640x32xf32, #tpu.memory_space<hbm>>
      %dma_wait3A_133 = arith.constant 0 : i32
      %dma_wait3A_134 = tpu.memref_slice %arg9[%mul3A_122, %dma_wait3A_133] : memref<10240x32xf32, #tpu.memory_space<vmem_shared>> -> memref<640x32xf32, #tpu.memory_space<vmem_shared>>
      tpu.wait_dma2 semaphore(%run_scoped3A : memref<!tpu.dma_semaphore, #tpu.memory_space<semaphore_mem>>) src(%dma_wait3A_134 : memref<640x32xf32, #tpu.memory_space<vmem_shared>>) dst(%dma_wait3A_132 : memref<640x32xf32, #tpu.memory_space<hbm>>)
      tpu.yield
    }) : () -> ()
    return
  }
}

#map = affine_map<(d0, d1) -> (0, 0)>
#map1 = affine_map<(d0, d1) -> (0, 0, 0)>
module attributes {stable_mosaic.version = 14 : i64} {
  func.func @conv_kernel(%arg0: i32, %arg1: i32, %arg2: memref<10240x32xf32, #tpu.memory_space<hbm>>, %arg3: memref<32x80x128xi32, #tpu.memory_space<hbm>>, %arg4: memref<32x80x128xi32, #tpu.memory_space<hbm>>, %arg5: memref<10240x32xf32, #tpu.memory_space<hbm>>, %arg6: memref<2x10240x32xf32, #tpu.memory_space<hbm>>, %arg7: memref<80x128xi32, #tpu.memory_space<vmem>>, %arg8: memref<80x128xi32, #tpu.memory_space<vmem>>, %arg9: memref<10240x32xf32, #tpu.memory_space<vmem_shared>>, %arg10: memref<128x32xf32, #tpu.memory_space<vmem>>, %arg11: memref<128x32xf32, #tpu.memory_space<vmem>>, %arg12: memref<128x32xf32, #tpu.memory_space<vmem>>, %arg13: memref<128x32xf32, #tpu.memory_space<vmem>>, %arg14: memref<128x32xf32, #tpu.memory_space<vmem>>, %arg15: memref<128x32xf32, #tpu.memory_space<vmem>>, %arg16: memref<128x32xf32, #tpu.memory_space<vmem>>, %arg17: memref<128x32xf32, #tpu.memory_space<vmem>>, %arg18: memref<!tpu.dma_semaphore, #tpu.memory_space<semaphore_mem>>, %arg19: memref<!tpu.dma_semaphore, #tpu.memory_space<semaphore_mem>>, %arg20: memref<!tpu.dma_semaphore, #tpu.memory_space<semaphore_mem>>, %arg21: memref<!tpu.dma_semaphore, #tpu.memory_space<semaphore_mem>>, %arg22: memref<!tpu.dma_semaphore, #tpu.memory_space<semaphore_mem>>, %arg23: memref<!tpu.dma_semaphore, #tpu.memory_space<semaphore_mem>>, %arg24: memref<!tpu.dma_semaphore, #tpu.memory_space<semaphore_mem>>, %arg25: memref<!tpu.dma_semaphore, #tpu.memory_space<semaphore_mem>>, %arg26: memref<!tpu.dma_semaphore, #tpu.memory_space<semaphore_mem>>, %arg27: memref<!tpu.dma_semaphore, #tpu.memory_space<semaphore_mem>>) attributes {dimension_semantics = [#tpu.dimension_semantics<core_parallel>, #tpu.dimension_semantics<subcore_parallel>], iteration_bounds = array<i64: 2, 16>, scalar_prefetch = 0 : i64, scratch_operands = 21 : i64, tpu.core_type = #tpu.core_type<sc_vector_subcore>, window_params = [{transform_indices = #map}, {transform_indices = #map1}, {transform_indices = #map1}, {transform_indices = #map}, {transform_indices = #map1}]} {
    %mul3A = arith.constant 16 : i32
    %mul3A_0 = arith.muli %arg0, %mul3A : i32
    %add3A = arith.addi %mul3A_0, %arg1 : i32
    "tpu.region"() ({
      %run_scoped3A = tpu.sem_alloc : memref<!tpu.dma_semaphore, #tpu.memory_space<semaphore_mem>>
      %dma_start3A_125 = arith.constant 0 : i32
      %dma_start3A_126 = arith.constant 0 : i32
      %dma_start3A_127 = tpu.memref_slice %arg3[%add3A, %dma_start3A_125, %dma_start3A_126] : memref<32x80x128xi32, #tpu.memory_space<hbm>> -> memref<1x80x128xi32, #tpu.memory_space<hbm>>
      %dma_start3A_128 = tpu.memref_squeeze %dma_start3A_127 : memref<1x80x128xi32, #tpu.memory_space<hbm>> -> memref<80x128xi32, #tpu.memory_space<hbm>>
      %dma_start3A_129 = arith.constant 0 : i32
      %dma_start3A_130 = arith.constant 0 : i32
      %dma_start3A_131 = tpu.memref_slice %arg3[%add3A, %dma_start3A_129, %dma_start3A_130] : memref<32x80x128xi32, #tpu.memory_space<hbm>> -> memref<1x80x128xi32, #tpu.memory_space<hbm>>
      %dma_start3A_132 = tpu.memref_squeeze %dma_start3A_131 : memref<1x80x128xi32, #tpu.memory_space<hbm>> -> memref<80x128xi32, #tpu.memory_space<hbm>>
      tpu.enqueue_dma source(%dma_start3A_132 : memref<80x128xi32, #tpu.memory_space<hbm>>) target(%arg7 : memref<80x128xi32, #tpu.memory_space<vmem>>) target_semaphore(%run_scoped3A : memref<!tpu.dma_semaphore, #tpu.memory_space<semaphore_mem>>)
      %dma_wait3A_133 = arith.constant 0 : i32
      %dma_wait3A_134 = arith.constant 0 : i32
      %dma_wait3A_135 = tpu.memref_slice %arg3[%add3A, %dma_wait3A_133, %dma_wait3A_134] : memref<32x80x128xi32, #tpu.memory_space<hbm>> -> memref<1x80x128xi32, #tpu.memory_space<hbm>>
      %dma_wait3A_136 = tpu.memref_squeeze %dma_wait3A_135 : memref<1x80x128xi32, #tpu.memory_space<hbm>> -> memref<80x128xi32, #tpu.memory_space<hbm>>
      %dma_wait3A_137 = arith.constant 0 : i32
      %dma_wait3A_138 = arith.constant 0 : i32
      %dma_wait3A_139 = tpu.memref_slice %arg3[%add3A, %dma_wait3A_137, %dma_wait3A_138] : memref<32x80x128xi32, #tpu.memory_space<hbm>> -> memref<1x80x128xi32, #tpu.memory_space<hbm>>
      %dma_wait3A_140 = tpu.memref_squeeze %dma_wait3A_139 : memref<1x80x128xi32, #tpu.memory_space<hbm>> -> memref<80x128xi32, #tpu.memory_space<hbm>>
      tpu.wait_dma2 semaphore(%run_scoped3A : memref<!tpu.dma_semaphore, #tpu.memory_space<semaphore_mem>>) src(%dma_wait3A_140 : memref<80x128xi32, #tpu.memory_space<hbm>>) dst(%arg7 : memref<80x128xi32, #tpu.memory_space<vmem>>)
      tpu.yield
    }) : () -> ()
    "tpu.region"() ({
      %run_scoped3A = tpu.sem_alloc : memref<!tpu.dma_semaphore, #tpu.memory_space<semaphore_mem>>
      %dma_start3A_125 = arith.constant 0 : i32
      %dma_start3A_126 = arith.constant 0 : i32
      %dma_start3A_127 = tpu.memref_slice %arg4[%add3A, %dma_start3A_125, %dma_start3A_126] : memref<32x80x128xi32, #tpu.memory_space<hbm>> -> memref<1x80x128xi32, #tpu.memory_space<hbm>>
      %dma_start3A_128 = tpu.memref_squeeze %dma_start3A_127 : memref<1x80x128xi32, #tpu.memory_space<hbm>> -> memref<80x128xi32, #tpu.memory_space<hbm>>
      %dma_start3A_129 = arith.constant 0 : i32
      %dma_start3A_130 = arith.constant 0 : i32
      %dma_start3A_131 = tpu.memref_slice %arg4[%add3A, %dma_start3A_129, %dma_start3A_130] : memref<32x80x128xi32, #tpu.memory_space<hbm>> -> memref<1x80x128xi32, #tpu.memory_space<hbm>>
      %dma_start3A_132 = tpu.memref_squeeze %dma_start3A_131 : memref<1x80x128xi32, #tpu.memory_space<hbm>> -> memref<80x128xi32, #tpu.memory_space<hbm>>
      tpu.enqueue_dma source(%dma_start3A_132 : memref<80x128xi32, #tpu.memory_space<hbm>>) target(%arg8 : memref<80x128xi32, #tpu.memory_space<vmem>>) target_semaphore(%run_scoped3A : memref<!tpu.dma_semaphore, #tpu.memory_space<semaphore_mem>>)
      %dma_wait3A_133 = arith.constant 0 : i32
      %dma_wait3A_134 = arith.constant 0 : i32
      %dma_wait3A_135 = tpu.memref_slice %arg4[%add3A, %dma_wait3A_133, %dma_wait3A_134] : memref<32x80x128xi32, #tpu.memory_space<hbm>> -> memref<1x80x128xi32, #tpu.memory_space<hbm>>
      %dma_wait3A_136 = tpu.memref_squeeze %dma_wait3A_135 : memref<1x80x128xi32, #tpu.memory_space<hbm>> -> memref<80x128xi32, #tpu.memory_space<hbm>>
      %dma_wait3A_137 = arith.constant 0 : i32
      %dma_wait3A_138 = arith.constant 0 : i32
      %dma_wait3A_139 = tpu.memref_slice %arg4[%add3A, %dma_wait3A_137, %dma_wait3A_138] : memref<32x80x128xi32, #tpu.memory_space<hbm>> -> memref<1x80x128xi32, #tpu.memory_space<hbm>>
      %dma_wait3A_140 = tpu.memref_squeeze %dma_wait3A_139 : memref<1x80x128xi32, #tpu.memory_space<hbm>> -> memref<80x128xi32, #tpu.memory_space<hbm>>
      tpu.wait_dma2 semaphore(%run_scoped3A : memref<!tpu.dma_semaphore, #tpu.memory_space<semaphore_mem>>) src(%dma_wait3A_140 : memref<80x128xi32, #tpu.memory_space<hbm>>) dst(%arg8 : memref<80x128xi32, #tpu.memory_space<vmem>>)
      tpu.yield
    }) : () -> ()
    %mul3A_1 = arith.constant 640 : i32
    %mul3A_2 = arith.muli %arg1, %mul3A_1 : i32
    %mul3A_3 = arith.constant 640 : i32
    %mul3A_4 = arith.muli %arg1, %mul3A_3 : i32
    "tpu.region"() ({
      %run_scoped3A = tpu.sem_alloc : memref<!tpu.dma_semaphore, #tpu.memory_space<semaphore_mem>>
      %dma_start3A_125 = arith.constant 0 : i32
      %dma_start3A_126 = tpu.memref_slice %arg9[%mul3A_4, %dma_start3A_125] : memref<10240x32xf32, #tpu.memory_space<vmem_shared>> -> memref<640x32xf32, #tpu.memory_space<vmem_shared>>
      %dma_start3A_127 = arith.constant 0 : i32
      %dma_start3A_128 = tpu.memref_slice %arg5[%mul3A_2, %dma_start3A_127] : memref<10240x32xf32, #tpu.memory_space<hbm>> -> memref<640x32xf32, #tpu.memory_space<hbm>>
      tpu.enqueue_dma source(%dma_start3A_128 : memref<640x32xf32, #tpu.memory_space<hbm>>) target(%dma_start3A_126 : memref<640x32xf32, #tpu.memory_space<vmem_shared>>) target_semaphore(%run_scoped3A : memref<!tpu.dma_semaphore, #tpu.memory_space<semaphore_mem>>)
      %dma_wait3A_129 = arith.constant 0 : i32
      %dma_wait3A_130 = tpu.memref_slice %arg9[%mul3A_4, %dma_wait3A_129] : memref<10240x32xf32, #tpu.memory_space<vmem_shared>> -> memref<640x32xf32, #tpu.memory_space<vmem_shared>>
      %dma_wait3A_131 = arith.constant 0 : i32
      %dma_wait3A_132 = tpu.memref_slice %arg5[%mul3A_2, %dma_wait3A_131] : memref<10240x32xf32, #tpu.memory_space<hbm>> -> memref<640x32xf32, #tpu.memory_space<hbm>>
      tpu.wait_dma2 semaphore(%run_scoped3A : memref<!tpu.dma_semaphore, #tpu.memory_space<semaphore_mem>>) src(%dma_wait3A_132 : memref<640x32xf32, #tpu.memory_space<hbm>>) dst(%dma_wait3A_130 : memref<640x32xf32, #tpu.memory_space<vmem_shared>>)
      tpu.yield
    }) : () -> ()
    %barrier3A = arith.constant 0 : index
    tpu.barrier barrier_id(%barrier3A)
    %dma_start3A = arith.constant 0 : i32
    %dma_start3A_5 = arith.constant 0 : i32
    %dma_start3A_6 = tpu.memref_slice %arg7[%dma_start3A, %dma_start3A_5] : memref<80x128xi32, #tpu.memory_space<vmem>> -> memref<1x128xi32, #tpu.memory_space<vmem>>
    %dma_start3A_7 = tpu.memref_squeeze %dma_start3A_6 : memref<1x128xi32, #tpu.memory_space<vmem>> -> memref<128xi32, #tpu.memory_space<vmem>>
    %dma_start3A_8 = arith.constant 0 : i32
    %dma_start3A_9 = arith.constant 0 : i32
    %dma_start3A_10 = tpu.memref_slice %arg2[%dma_start3A_8, %dma_start3A_9] : memref<10240x32xf32, #tpu.memory_space<hbm>> -> memref<10240x32xf32, #tpu.memory_space<hbm>>
    tpu.enqueue_indirect_dma source(%dma_start3A_10 : memref<10240x32xf32, #tpu.memory_space<hbm>>) target(%arg10 : memref<128x32xf32, #tpu.memory_space<vmem>>) offsets(%dma_start3A_7 : memref<128xi32, #tpu.memory_space<vmem>>) semaphore(%arg18 : memref<!tpu.dma_semaphore, #tpu.memory_space<semaphore_mem>>)
    %dma_start3A_11 = arith.constant 1 : i32
    %dma_start3A_12 = arith.constant 0 : i32
    %dma_start3A_13 = tpu.memref_slice %arg7[%dma_start3A_11, %dma_start3A_12] : memref<80x128xi32, #tpu.memory_space<vmem>> -> memref<1x128xi32, #tpu.memory_space<vmem>>
    %dma_start3A_14 = tpu.memref_squeeze %dma_start3A_13 : memref<1x128xi32, #tpu.memory_space<vmem>> -> memref<128xi32, #tpu.memory_space<vmem>>
    %dma_start3A_15 = arith.constant 0 : i32
    %dma_start3A_16 = arith.constant 0 : i32
    %dma_start3A_17 = tpu.memref_slice %arg2[%dma_start3A_15, %dma_start3A_16] : memref<10240x32xf32, #tpu.memory_space<hbm>> -> memref<10240x32xf32, #tpu.memory_space<hbm>>
    tpu.enqueue_indirect_dma source(%dma_start3A_17 : memref<10240x32xf32, #tpu.memory_space<hbm>>) target(%arg11 : memref<128x32xf32, #tpu.memory_space<vmem>>) offsets(%dma_start3A_14 : memref<128xi32, #tpu.memory_space<vmem>>) semaphore(%arg19 : memref<!tpu.dma_semaphore, #tpu.memory_space<semaphore_mem>>)
    %dma_start3A_18 = arith.constant 2 : i32
    %dma_start3A_19 = arith.constant 0 : i32
    %dma_start3A_20 = tpu.memref_slice %arg7[%dma_start3A_18, %dma_start3A_19] : memref<80x128xi32, #tpu.memory_space<vmem>> -> memref<1x128xi32, #tpu.memory_space<vmem>>
    %dma_start3A_21 = tpu.memref_squeeze %dma_start3A_20 : memref<1x128xi32, #tpu.memory_space<vmem>> -> memref<128xi32, #tpu.memory_space<vmem>>
    %dma_start3A_22 = arith.constant 0 : i32
    %dma_start3A_23 = arith.constant 0 : i32
    %dma_start3A_24 = tpu.memref_slice %arg2[%dma_start3A_22, %dma_start3A_23] : memref<10240x32xf32, #tpu.memory_space<hbm>> -> memref<10240x32xf32, #tpu.memory_space<hbm>>
    tpu.enqueue_indirect_dma source(%dma_start3A_24 : memref<10240x32xf32, #tpu.memory_space<hbm>>) target(%arg12 : memref<128x32xf32, #tpu.memory_space<vmem>>) offsets(%dma_start3A_21 : memref<128xi32, #tpu.memory_space<vmem>>) semaphore(%arg20 : memref<!tpu.dma_semaphore, #tpu.memory_space<semaphore_mem>>)
    %dma_start3A_25 = arith.constant 3 : i32
    %dma_start3A_26 = arith.constant 0 : i32
    %dma_start3A_27 = tpu.memref_slice %arg7[%dma_start3A_25, %dma_start3A_26] : memref<80x128xi32, #tpu.memory_space<vmem>> -> memref<1x128xi32, #tpu.memory_space<vmem>>
    %dma_start3A_28 = tpu.memref_squeeze %dma_start3A_27 : memref<1x128xi32, #tpu.memory_space<vmem>> -> memref<128xi32, #tpu.memory_space<vmem>>
    %dma_start3A_29 = arith.constant 0 : i32
    %dma_start3A_30 = arith.constant 0 : i32
    %dma_start3A_31 = tpu.memref_slice %arg2[%dma_start3A_29, %dma_start3A_30] : memref<10240x32xf32, #tpu.memory_space<hbm>> -> memref<10240x32xf32, #tpu.memory_space<hbm>>
    tpu.enqueue_indirect_dma source(%dma_start3A_31 : memref<10240x32xf32, #tpu.memory_space<hbm>>) target(%arg13 : memref<128x32xf32, #tpu.memory_space<vmem>>) offsets(%dma_start3A_28 : memref<128xi32, #tpu.memory_space<vmem>>) semaphore(%arg21 : memref<!tpu.dma_semaphore, #tpu.memory_space<semaphore_mem>>)
    %dma_start3A_32 = arith.constant 4 : i32
    %dma_start3A_33 = arith.constant 0 : i32
    %dma_start3A_34 = tpu.memref_slice %arg7[%dma_start3A_32, %dma_start3A_33] : memref<80x128xi32, #tpu.memory_space<vmem>> -> memref<1x128xi32, #tpu.memory_space<vmem>>
    %dma_start3A_35 = tpu.memref_squeeze %dma_start3A_34 : memref<1x128xi32, #tpu.memory_space<vmem>> -> memref<128xi32, #tpu.memory_space<vmem>>
    %dma_start3A_36 = arith.constant 0 : i32
    %dma_start3A_37 = arith.constant 0 : i32
    %dma_start3A_38 = tpu.memref_slice %arg2[%dma_start3A_36, %dma_start3A_37] : memref<10240x32xf32, #tpu.memory_space<hbm>> -> memref<10240x32xf32, #tpu.memory_space<hbm>>
    tpu.enqueue_indirect_dma source(%dma_start3A_38 : memref<10240x32xf32, #tpu.memory_space<hbm>>) target(%arg14 : memref<128x32xf32, #tpu.memory_space<vmem>>) offsets(%dma_start3A_35 : memref<128xi32, #tpu.memory_space<vmem>>) semaphore(%arg22 : memref<!tpu.dma_semaphore, #tpu.memory_space<semaphore_mem>>)
    %dma_start3A_39 = arith.constant 5 : i32
    %dma_start3A_40 = arith.constant 0 : i32
    %dma_start3A_41 = tpu.memref_slice %arg7[%dma_start3A_39, %dma_start3A_40] : memref<80x128xi32, #tpu.memory_space<vmem>> -> memref<1x128xi32, #tpu.memory_space<vmem>>
    %dma_start3A_42 = tpu.memref_squeeze %dma_start3A_41 : memref<1x128xi32, #tpu.memory_space<vmem>> -> memref<128xi32, #tpu.memory_space<vmem>>
    %dma_start3A_43 = arith.constant 0 : i32
    %dma_start3A_44 = arith.constant 0 : i32
    %dma_start3A_45 = tpu.memref_slice %arg2[%dma_start3A_43, %dma_start3A_44] : memref<10240x32xf32, #tpu.memory_space<hbm>> -> memref<10240x32xf32, #tpu.memory_space<hbm>>
    tpu.enqueue_indirect_dma source(%dma_start3A_45 : memref<10240x32xf32, #tpu.memory_space<hbm>>) target(%arg15 : memref<128x32xf32, #tpu.memory_space<vmem>>) offsets(%dma_start3A_42 : memref<128xi32, #tpu.memory_space<vmem>>) semaphore(%arg23 : memref<!tpu.dma_semaphore, #tpu.memory_space<semaphore_mem>>)
    %dma_start3A_46 = arith.constant 6 : i32
    %dma_start3A_47 = arith.constant 0 : i32
    %dma_start3A_48 = tpu.memref_slice %arg7[%dma_start3A_46, %dma_start3A_47] : memref<80x128xi32, #tpu.memory_space<vmem>> -> memref<1x128xi32, #tpu.memory_space<vmem>>
    %dma_start3A_49 = tpu.memref_squeeze %dma_start3A_48 : memref<1x128xi32, #tpu.memory_space<vmem>> -> memref<128xi32, #tpu.memory_space<vmem>>
    %dma_start3A_50 = arith.constant 0 : i32
    %dma_start3A_51 = arith.constant 0 : i32
    %dma_start3A_52 = tpu.memref_slice %arg2[%dma_start3A_50, %dma_start3A_51] : memref<10240x32xf32, #tpu.memory_space<hbm>> -> memref<10240x32xf32, #tpu.memory_space<hbm>>
    tpu.enqueue_indirect_dma source(%dma_start3A_52 : memref<10240x32xf32, #tpu.memory_space<hbm>>) target(%arg16 : memref<128x32xf32, #tpu.memory_space<vmem>>) offsets(%dma_start3A_49 : memref<128xi32, #tpu.memory_space<vmem>>) semaphore(%arg24 : memref<!tpu.dma_semaphore, #tpu.memory_space<semaphore_mem>>)
    %dma_start3A_53 = arith.constant 7 : i32
    %dma_start3A_54 = arith.constant 0 : i32
    %dma_start3A_55 = tpu.memref_slice %arg7[%dma_start3A_53, %dma_start3A_54] : memref<80x128xi32, #tpu.memory_space<vmem>> -> memref<1x128xi32, #tpu.memory_space<vmem>>
    %dma_start3A_56 = tpu.memref_squeeze %dma_start3A_55 : memref<1x128xi32, #tpu.memory_space<vmem>> -> memref<128xi32, #tpu.memory_space<vmem>>
    %dma_start3A_57 = arith.constant 0 : i32
    %dma_start3A_58 = arith.constant 0 : i32
    %dma_start3A_59 = tpu.memref_slice %arg2[%dma_start3A_57, %dma_start3A_58] : memref<10240x32xf32, #tpu.memory_space<hbm>> -> memref<10240x32xf32, #tpu.memory_space<hbm>>
    tpu.enqueue_indirect_dma source(%dma_start3A_59 : memref<10240x32xf32, #tpu.memory_space<hbm>>) target(%arg17 : memref<128x32xf32, #tpu.memory_space<vmem>>) offsets(%dma_start3A_56 : memref<128xi32, #tpu.memory_space<vmem>>) semaphore(%arg25 : memref<!tpu.dma_semaphore, #tpu.memory_space<semaphore_mem>>)
    %scan3A = arith.constant 0 : i32
    %scan3A_60 = arith.constant 0 : i32
    %scan3A_61 = arith.constant 10 : i32
    %scan3A_62 = arith.addi %scan3A_60, %scan3A_61 : i32
    %scan3A_63 = arith.constant 1 : i32
    scf.for %scan3A_125 = %scan3A_60 to %scan3A_62 step %scan3A_63  : i32 {
      %mul3A_126 = arith.constant 2 : i32
      %mul3A_127 = arith.muli %mul3A_126, %scan3A_125 : i32
      %add3A_128 = arith.constant 0 : i32
      %add3A_129 = arith.addi %mul3A_127, %add3A_128 : i32
      %mul3A_130 = arith.constant 4 : i32
      %mul3A_131 = arith.muli %add3A_129, %mul3A_130 : i32
      %add3A_132 = arith.constant 0 : i32
      %add3A_133 = arith.addi %mul3A_131, %add3A_132 : i32
      %dma_wait3A_134 = arith.constant 0 : i32
      %dma_wait3A_135 = tpu.memref_slice %arg7[%add3A_133, %dma_wait3A_134] : memref<80x128xi32, #tpu.memory_space<vmem>> -> memref<1x128xi32, #tpu.memory_space<vmem>>
      %dma_wait3A_136 = tpu.memref_squeeze %dma_wait3A_135 : memref<1x128xi32, #tpu.memory_space<vmem>> -> memref<128xi32, #tpu.memory_space<vmem>>
      %dma_wait3A_137 = arith.constant 0 : i32
      %dma_wait3A_138 = arith.constant 0 : i32
      %dma_wait3A_139 = tpu.memref_slice %arg2[%dma_wait3A_137, %dma_wait3A_138] : memref<10240x32xf32, #tpu.memory_space<hbm>> -> memref<10240x32xf32, #tpu.memory_space<hbm>>
      tpu.wait_indirect_dma semaphore(%arg18 : memref<!tpu.dma_semaphore, #tpu.memory_space<semaphore_mem>>) src(%dma_wait3A_139 : memref<10240x32xf32, #tpu.memory_space<hbm>>) dst(%arg10 : memref<128x32xf32, #tpu.memory_space<vmem>>)
      %dma_start3A_140 = arith.constant 0 : i32
      %dma_start3A_141 = tpu.memref_slice %arg8[%add3A_133, %dma_start3A_140] : memref<80x128xi32, #tpu.memory_space<vmem>> -> memref<1x128xi32, #tpu.memory_space<vmem>>
      %dma_start3A_142 = tpu.memref_squeeze %dma_start3A_141 : memref<1x128xi32, #tpu.memory_space<vmem>> -> memref<128xi32, #tpu.memory_space<vmem>>
      %dma_start3A_143 = arith.constant 0 : i32
      %dma_start3A_144 = arith.constant 0 : i32
      %dma_start3A_145 = tpu.memref_slice %arg9[%dma_start3A_143, %dma_start3A_144] : memref<10240x32xf32, #tpu.memory_space<vmem_shared>> -> memref<10240x32xf32, #tpu.memory_space<vmem_shared>>
      tpu.enqueue_indirect_dma source(%arg10 : memref<128x32xf32, #tpu.memory_space<vmem>>) target(%dma_start3A_145 : memref<10240x32xf32, #tpu.memory_space<vmem_shared>>) offsets(%dma_start3A_142 : memref<128xi32, #tpu.memory_space<vmem>>) semaphore(%arg26 : memref<!tpu.dma_semaphore, #tpu.memory_space<semaphore_mem>>) {add = true}
      %mul3A_146 = arith.constant 4 : i32
      %mul3A_147 = arith.muli %add3A_129, %mul3A_146 : i32
      %add3A_148 = arith.constant 1 : i32
      %add3A_149 = arith.addi %mul3A_147, %add3A_148 : i32
      %dma_wait3A_150 = arith.constant 0 : i32
      %dma_wait3A_151 = tpu.memref_slice %arg7[%add3A_149, %dma_wait3A_150] : memref<80x128xi32, #tpu.memory_space<vmem>> -> memref<1x128xi32, #tpu.memory_space<vmem>>
      %dma_wait3A_152 = tpu.memref_squeeze %dma_wait3A_151 : memref<1x128xi32, #tpu.memory_space<vmem>> -> memref<128xi32, #tpu.memory_space<vmem>>
      %dma_wait3A_153 = arith.constant 0 : i32
      %dma_wait3A_154 = arith.constant 0 : i32
      %dma_wait3A_155 = tpu.memref_slice %arg2[%dma_wait3A_153, %dma_wait3A_154] : memref<10240x32xf32, #tpu.memory_space<hbm>> -> memref<10240x32xf32, #tpu.memory_space<hbm>>
      tpu.wait_indirect_dma semaphore(%arg19 : memref<!tpu.dma_semaphore, #tpu.memory_space<semaphore_mem>>) src(%dma_wait3A_155 : memref<10240x32xf32, #tpu.memory_space<hbm>>) dst(%arg11 : memref<128x32xf32, #tpu.memory_space<vmem>>)
      %dma_start3A_156 = arith.constant 0 : i32
      %dma_start3A_157 = tpu.memref_slice %arg8[%add3A_149, %dma_start3A_156] : memref<80x128xi32, #tpu.memory_space<vmem>> -> memref<1x128xi32, #tpu.memory_space<vmem>>
      %dma_start3A_158 = tpu.memref_squeeze %dma_start3A_157 : memref<1x128xi32, #tpu.memory_space<vmem>> -> memref<128xi32, #tpu.memory_space<vmem>>
      %dma_start3A_159 = arith.constant 0 : i32
      %dma_start3A_160 = arith.constant 0 : i32
      %dma_start3A_161 = tpu.memref_slice %arg9[%dma_start3A_159, %dma_start3A_160] : memref<10240x32xf32, #tpu.memory_space<vmem_shared>> -> memref<10240x32xf32, #tpu.memory_space<vmem_shared>>
      tpu.enqueue_indirect_dma source(%arg11 : memref<128x32xf32, #tpu.memory_space<vmem>>) target(%dma_start3A_161 : memref<10240x32xf32, #tpu.memory_space<vmem_shared>>) offsets(%dma_start3A_158 : memref<128xi32, #tpu.memory_space<vmem>>) semaphore(%arg26 : memref<!tpu.dma_semaphore, #tpu.memory_space<semaphore_mem>>) {add = true}
      %mul3A_162 = arith.constant 4 : i32
      %mul3A_163 = arith.muli %add3A_129, %mul3A_162 : i32
      %add3A_164 = arith.constant 2 : i32
      %add3A_165 = arith.addi %mul3A_163, %add3A_164 : i32
      %dma_wait3A_166 = arith.constant 0 : i32
      %dma_wait3A_167 = tpu.memref_slice %arg7[%add3A_165, %dma_wait3A_166] : memref<80x128xi32, #tpu.memory_space<vmem>> -> memref<1x128xi32, #tpu.memory_space<vmem>>
      %dma_wait3A_168 = tpu.memref_squeeze %dma_wait3A_167 : memref<1x128xi32, #tpu.memory_space<vmem>> -> memref<128xi32, #tpu.memory_space<vmem>>
      %dma_wait3A_169 = arith.constant 0 : i32
      %dma_wait3A_170 = arith.constant 0 : i32
      %dma_wait3A_171 = tpu.memref_slice %arg2[%dma_wait3A_169, %dma_wait3A_170] : memref<10240x32xf32, #tpu.memory_space<hbm>> -> memref<10240x32xf32, #tpu.memory_space<hbm>>
      tpu.wait_indirect_dma semaphore(%arg20 : memref<!tpu.dma_semaphore, #tpu.memory_space<semaphore_mem>>) src(%dma_wait3A_171 : memref<10240x32xf32, #tpu.memory_space<hbm>>) dst(%arg12 : memref<128x32xf32, #tpu.memory_space<vmem>>)
      %dma_start3A_172 = arith.constant 0 : i32
      %dma_start3A_173 = tpu.memref_slice %arg8[%add3A_165, %dma_start3A_172] : memref<80x128xi32, #tpu.memory_space<vmem>> -> memref<1x128xi32, #tpu.memory_space<vmem>>
      %dma_start3A_174 = tpu.memref_squeeze %dma_start3A_173 : memref<1x128xi32, #tpu.memory_space<vmem>> -> memref<128xi32, #tpu.memory_space<vmem>>
      %dma_start3A_175 = arith.constant 0 : i32
      %dma_start3A_176 = arith.constant 0 : i32
      %dma_start3A_177 = tpu.memref_slice %arg9[%dma_start3A_175, %dma_start3A_176] : memref<10240x32xf32, #tpu.memory_space<vmem_shared>> -> memref<10240x32xf32, #tpu.memory_space<vmem_shared>>
      tpu.enqueue_indirect_dma source(%arg12 : memref<128x32xf32, #tpu.memory_space<vmem>>) target(%dma_start3A_177 : memref<10240x32xf32, #tpu.memory_space<vmem_shared>>) offsets(%dma_start3A_174 : memref<128xi32, #tpu.memory_space<vmem>>) semaphore(%arg26 : memref<!tpu.dma_semaphore, #tpu.memory_space<semaphore_mem>>) {add = true}
      %mul3A_178 = arith.constant 4 : i32
      %mul3A_179 = arith.muli %add3A_129, %mul3A_178 : i32
      %add3A_180 = arith.constant 3 : i32
      %add3A_181 = arith.addi %mul3A_179, %add3A_180 : i32
      %dma_wait3A_182 = arith.constant 0 : i32
      %dma_wait3A_183 = tpu.memref_slice %arg7[%add3A_181, %dma_wait3A_182] : memref<80x128xi32, #tpu.memory_space<vmem>> -> memref<1x128xi32, #tpu.memory_space<vmem>>
      %dma_wait3A_184 = tpu.memref_squeeze %dma_wait3A_183 : memref<1x128xi32, #tpu.memory_space<vmem>> -> memref<128xi32, #tpu.memory_space<vmem>>
      %dma_wait3A_185 = arith.constant 0 : i32
      %dma_wait3A_186 = arith.constant 0 : i32
      %dma_wait3A_187 = tpu.memref_slice %arg2[%dma_wait3A_185, %dma_wait3A_186] : memref<10240x32xf32, #tpu.memory_space<hbm>> -> memref<10240x32xf32, #tpu.memory_space<hbm>>
      tpu.wait_indirect_dma semaphore(%arg21 : memref<!tpu.dma_semaphore, #tpu.memory_space<semaphore_mem>>) src(%dma_wait3A_187 : memref<10240x32xf32, #tpu.memory_space<hbm>>) dst(%arg13 : memref<128x32xf32, #tpu.memory_space<vmem>>)
      %dma_start3A_188 = arith.constant 0 : i32
      %dma_start3A_189 = tpu.memref_slice %arg8[%add3A_181, %dma_start3A_188] : memref<80x128xi32, #tpu.memory_space<vmem>> -> memref<1x128xi32, #tpu.memory_space<vmem>>
      %dma_start3A_190 = tpu.memref_squeeze %dma_start3A_189 : memref<1x128xi32, #tpu.memory_space<vmem>> -> memref<128xi32, #tpu.memory_space<vmem>>
      %dma_start3A_191 = arith.constant 0 : i32
      %dma_start3A_192 = arith.constant 0 : i32
      %dma_start3A_193 = tpu.memref_slice %arg9[%dma_start3A_191, %dma_start3A_192] : memref<10240x32xf32, #tpu.memory_space<vmem_shared>> -> memref<10240x32xf32, #tpu.memory_space<vmem_shared>>
      tpu.enqueue_indirect_dma source(%arg13 : memref<128x32xf32, #tpu.memory_space<vmem>>) target(%dma_start3A_193 : memref<10240x32xf32, #tpu.memory_space<vmem_shared>>) offsets(%dma_start3A_190 : memref<128xi32, #tpu.memory_space<vmem>>) semaphore(%arg26 : memref<!tpu.dma_semaphore, #tpu.memory_space<semaphore_mem>>) {add = true}
      %mul3A_194 = arith.constant 4 : i32
      %mul3A_195 = arith.muli %add3A_129, %mul3A_194 : i32
      %add3A_196 = arith.constant 0 : i32
      %add3A_197 = arith.addi %mul3A_195, %add3A_196 : i32
      %dma_wait3A_198 = arith.constant 0 : i32
      %dma_wait3A_199 = tpu.memref_slice %arg8[%add3A_197, %dma_wait3A_198] : memref<80x128xi32, #tpu.memory_space<vmem>> -> memref<1x128xi32, #tpu.memory_space<vmem>>
      %dma_wait3A_200 = tpu.memref_squeeze %dma_wait3A_199 : memref<1x128xi32, #tpu.memory_space<vmem>> -> memref<128xi32, #tpu.memory_space<vmem>>
      %dma_wait3A_201 = arith.constant 0 : i32
      %dma_wait3A_202 = arith.constant 0 : i32
      %dma_wait3A_203 = tpu.memref_slice %arg9[%dma_wait3A_201, %dma_wait3A_202] : memref<10240x32xf32, #tpu.memory_space<vmem_shared>> -> memref<10240x32xf32, #tpu.memory_space<vmem_shared>>
      tpu.wait_indirect_dma semaphore(%arg26 : memref<!tpu.dma_semaphore, #tpu.memory_space<semaphore_mem>>) src(%arg10 : memref<128x32xf32, #tpu.memory_space<vmem>>) dst(%dma_wait3A_203 : memref<10240x32xf32, #tpu.memory_space<vmem_shared>>)
      %mul3A_204 = arith.constant 4 : i32
      %mul3A_205 = arith.muli %add3A_129, %mul3A_204 : i32
      %add3A_206 = arith.constant 1 : i32
      %add3A_207 = arith.addi %mul3A_205, %add3A_206 : i32
      %dma_wait3A_208 = arith.constant 0 : i32
      %dma_wait3A_209 = tpu.memref_slice %arg8[%add3A_207, %dma_wait3A_208] : memref<80x128xi32, #tpu.memory_space<vmem>> -> memref<1x128xi32, #tpu.memory_space<vmem>>
      %dma_wait3A_210 = tpu.memref_squeeze %dma_wait3A_209 : memref<1x128xi32, #tpu.memory_space<vmem>> -> memref<128xi32, #tpu.memory_space<vmem>>
      %dma_wait3A_211 = arith.constant 0 : i32
      %dma_wait3A_212 = arith.constant 0 : i32
      %dma_wait3A_213 = tpu.memref_slice %arg9[%dma_wait3A_211, %dma_wait3A_212] : memref<10240x32xf32, #tpu.memory_space<vmem_shared>> -> memref<10240x32xf32, #tpu.memory_space<vmem_shared>>
      tpu.wait_indirect_dma semaphore(%arg26 : memref<!tpu.dma_semaphore, #tpu.memory_space<semaphore_mem>>) src(%arg11 : memref<128x32xf32, #tpu.memory_space<vmem>>) dst(%dma_wait3A_213 : memref<10240x32xf32, #tpu.memory_space<vmem_shared>>)
      %mul3A_214 = arith.constant 4 : i32
      %mul3A_215 = arith.muli %add3A_129, %mul3A_214 : i32
      %add3A_216 = arith.constant 2 : i32
      %add3A_217 = arith.addi %mul3A_215, %add3A_216 : i32
      %dma_wait3A_218 = arith.constant 0 : i32
      %dma_wait3A_219 = tpu.memref_slice %arg8[%add3A_217, %dma_wait3A_218] : memref<80x128xi32, #tpu.memory_space<vmem>> -> memref<1x128xi32, #tpu.memory_space<vmem>>
      %dma_wait3A_220 = tpu.memref_squeeze %dma_wait3A_219 : memref<1x128xi32, #tpu.memory_space<vmem>> -> memref<128xi32, #tpu.memory_space<vmem>>
      %dma_wait3A_221 = arith.constant 0 : i32
      %dma_wait3A_222 = arith.constant 0 : i32
      %dma_wait3A_223 = tpu.memref_slice %arg9[%dma_wait3A_221, %dma_wait3A_222] : memref<10240x32xf32, #tpu.memory_space<vmem_shared>> -> memref<10240x32xf32, #tpu.memory_space<vmem_shared>>
      tpu.wait_indirect_dma semaphore(%arg26 : memref<!tpu.dma_semaphore, #tpu.memory_space<semaphore_mem>>) src(%arg12 : memref<128x32xf32, #tpu.memory_space<vmem>>) dst(%dma_wait3A_223 : memref<10240x32xf32, #tpu.memory_space<vmem_shared>>)
      %mul3A_224 = arith.constant 4 : i32
      %mul3A_225 = arith.muli %add3A_129, %mul3A_224 : i32
      %add3A_226 = arith.constant 3 : i32
      %add3A_227 = arith.addi %mul3A_225, %add3A_226 : i32
      %dma_wait3A_228 = arith.constant 0 : i32
      %dma_wait3A_229 = tpu.memref_slice %arg8[%add3A_227, %dma_wait3A_228] : memref<80x128xi32, #tpu.memory_space<vmem>> -> memref<1x128xi32, #tpu.memory_space<vmem>>
      %dma_wait3A_230 = tpu.memref_squeeze %dma_wait3A_229 : memref<1x128xi32, #tpu.memory_space<vmem>> -> memref<128xi32, #tpu.memory_space<vmem>>
      %dma_wait3A_231 = arith.constant 0 : i32
      %dma_wait3A_232 = arith.constant 0 : i32
      %dma_wait3A_233 = tpu.memref_slice %arg9[%dma_wait3A_231, %dma_wait3A_232] : memref<10240x32xf32, #tpu.memory_space<vmem_shared>> -> memref<10240x32xf32, #tpu.memory_space<vmem_shared>>
      tpu.wait_indirect_dma semaphore(%arg26 : memref<!tpu.dma_semaphore, #tpu.memory_space<semaphore_mem>>) src(%arg13 : memref<128x32xf32, #tpu.memory_space<vmem>>) dst(%dma_wait3A_233 : memref<10240x32xf32, #tpu.memory_space<vmem_shared>>)
      %add3A_234 = arith.constant 2 : i32
      %add3A_235 = arith.addi %add3A_129, %add3A_234 : i32
      %mul3A_236 = arith.constant 4 : i32
      %mul3A_237 = arith.muli %add3A_235, %mul3A_236 : i32
      %min3A = arith.constant 76 : i32
      %min3A_238 = arith.minsi %mul3A_237, %min3A : i32
      %add3A_239 = arith.constant 0 : i32
      %add3A_240 = arith.addi %min3A_238, %add3A_239 : i32
      %dma_start3A_241 = arith.constant 0 : i32
      %dma_start3A_242 = tpu.memref_slice %arg7[%add3A_240, %dma_start3A_241] : memref<80x128xi32, #tpu.memory_space<vmem>> -> memref<1x128xi32, #tpu.memory_space<vmem>>
      %dma_start3A_243 = tpu.memref_squeeze %dma_start3A_242 : memref<1x128xi32, #tpu.memory_space<vmem>> -> memref<128xi32, #tpu.memory_space<vmem>>
      %dma_start3A_244 = arith.constant 0 : i32
      %dma_start3A_245 = arith.constant 0 : i32
      %dma_start3A_246 = tpu.memref_slice %arg2[%dma_start3A_244, %dma_start3A_245] : memref<10240x32xf32, #tpu.memory_space<hbm>> -> memref<10240x32xf32, #tpu.memory_space<hbm>>
      tpu.enqueue_indirect_dma source(%dma_start3A_246 : memref<10240x32xf32, #tpu.memory_space<hbm>>) target(%arg10 : memref<128x32xf32, #tpu.memory_space<vmem>>) offsets(%dma_start3A_243 : memref<128xi32, #tpu.memory_space<vmem>>) semaphore(%arg18 : memref<!tpu.dma_semaphore, #tpu.memory_space<semaphore_mem>>)
      %add3A_247 = arith.constant 1 : i32
      %add3A_248 = arith.addi %min3A_238, %add3A_247 : i32
      %dma_start3A_249 = arith.constant 0 : i32
      %dma_start3A_250 = tpu.memref_slice %arg7[%add3A_248, %dma_start3A_249] : memref<80x128xi32, #tpu.memory_space<vmem>> -> memref<1x128xi32, #tpu.memory_space<vmem>>
      %dma_start3A_251 = tpu.memref_squeeze %dma_start3A_250 : memref<1x128xi32, #tpu.memory_space<vmem>> -> memref<128xi32, #tpu.memory_space<vmem>>
      %dma_start3A_252 = arith.constant 0 : i32
      %dma_start3A_253 = arith.constant 0 : i32
      %dma_start3A_254 = tpu.memref_slice %arg2[%dma_start3A_252, %dma_start3A_253] : memref<10240x32xf32, #tpu.memory_space<hbm>> -> memref<10240x32xf32, #tpu.memory_space<hbm>>
      tpu.enqueue_indirect_dma source(%dma_start3A_254 : memref<10240x32xf32, #tpu.memory_space<hbm>>) target(%arg11 : memref<128x32xf32, #tpu.memory_space<vmem>>) offsets(%dma_start3A_251 : memref<128xi32, #tpu.memory_space<vmem>>) semaphore(%arg19 : memref<!tpu.dma_semaphore, #tpu.memory_space<semaphore_mem>>)
      %add3A_255 = arith.constant 2 : i32
      %add3A_256 = arith.addi %min3A_238, %add3A_255 : i32
      %dma_start3A_257 = arith.constant 0 : i32
      %dma_start3A_258 = tpu.memref_slice %arg7[%add3A_256, %dma_start3A_257] : memref<80x128xi32, #tpu.memory_space<vmem>> -> memref<1x128xi32, #tpu.memory_space<vmem>>
      %dma_start3A_259 = tpu.memref_squeeze %dma_start3A_258 : memref<1x128xi32, #tpu.memory_space<vmem>> -> memref<128xi32, #tpu.memory_space<vmem>>
      %dma_start3A_260 = arith.constant 0 : i32
      %dma_start3A_261 = arith.constant 0 : i32
      %dma_start3A_262 = tpu.memref_slice %arg2[%dma_start3A_260, %dma_start3A_261] : memref<10240x32xf32, #tpu.memory_space<hbm>> -> memref<10240x32xf32, #tpu.memory_space<hbm>>
      tpu.enqueue_indirect_dma source(%dma_start3A_262 : memref<10240x32xf32, #tpu.memory_space<hbm>>) target(%arg12 : memref<128x32xf32, #tpu.memory_space<vmem>>) offsets(%dma_start3A_259 : memref<128xi32, #tpu.memory_space<vmem>>) semaphore(%arg20 : memref<!tpu.dma_semaphore, #tpu.memory_space<semaphore_mem>>)
      %add3A_263 = arith.constant 3 : i32
      %add3A_264 = arith.addi %min3A_238, %add3A_263 : i32
      %dma_start3A_265 = arith.constant 0 : i32
      %dma_start3A_266 = tpu.memref_slice %arg7[%add3A_264, %dma_start3A_265] : memref<80x128xi32, #tpu.memory_space<vmem>> -> memref<1x128xi32, #tpu.memory_space<vmem>>
      %dma_start3A_267 = tpu.memref_squeeze %dma_start3A_266 : memref<1x128xi32, #tpu.memory_space<vmem>> -> memref<128xi32, #tpu.memory_space<vmem>>
      %dma_start3A_268 = arith.constant 0 : i32
      %dma_start3A_269 = arith.constant 0 : i32
      %dma_start3A_270 = tpu.memref_slice %arg2[%dma_start3A_268, %dma_start3A_269] : memref<10240x32xf32, #tpu.memory_space<hbm>> -> memref<10240x32xf32, #tpu.memory_space<hbm>>
      tpu.enqueue_indirect_dma source(%dma_start3A_270 : memref<10240x32xf32, #tpu.memory_space<hbm>>) target(%arg13 : memref<128x32xf32, #tpu.memory_space<vmem>>) offsets(%dma_start3A_267 : memref<128xi32, #tpu.memory_space<vmem>>) semaphore(%arg21 : memref<!tpu.dma_semaphore, #tpu.memory_space<semaphore_mem>>)
      %mul3A_271 = arith.constant 2 : i32
      %mul3A_272 = arith.muli %mul3A_271, %scan3A_125 : i32
      %add3A_273 = arith.constant 1 : i32
      %add3A_274 = arith.addi %mul3A_272, %add3A_273 : i32
      %mul3A_275 = arith.constant 4 : i32
      %mul3A_276 = arith.muli %add3A_274, %mul3A_275 : i32
      %add3A_277 = arith.constant 0 : i32
      %add3A_278 = arith.addi %mul3A_276, %add3A_277 : i32
      %dma_wait3A_279 = arith.constant 0 : i32
      %dma_wait3A_280 = tpu.memref_slice %arg7[%add3A_278, %dma_wait3A_279] : memref<80x128xi32, #tpu.memory_space<vmem>> -> memref<1x128xi32, #tpu.memory_space<vmem>>
      %dma_wait3A_281 = tpu.memref_squeeze %dma_wait3A_280 : memref<1x128xi32, #tpu.memory_space<vmem>> -> memref<128xi32, #tpu.memory_space<vmem>>
      %dma_wait3A_282 = arith.constant 0 : i32
      %dma_wait3A_283 = arith.constant 0 : i32
      %dma_wait3A_284 = tpu.memref_slice %arg2[%dma_wait3A_282, %dma_wait3A_283] : memref<10240x32xf32, #tpu.memory_space<hbm>> -> memref<10240x32xf32, #tpu.memory_space<hbm>>
      tpu.wait_indirect_dma semaphore(%arg22 : memref<!tpu.dma_semaphore, #tpu.memory_space<semaphore_mem>>) src(%dma_wait3A_284 : memref<10240x32xf32, #tpu.memory_space<hbm>>) dst(%arg14 : memref<128x32xf32, #tpu.memory_space<vmem>>)
      %dma_start3A_285 = arith.constant 0 : i32
      %dma_start3A_286 = tpu.memref_slice %arg8[%add3A_278, %dma_start3A_285] : memref<80x128xi32, #tpu.memory_space<vmem>> -> memref<1x128xi32, #tpu.memory_space<vmem>>
      %dma_start3A_287 = tpu.memref_squeeze %dma_start3A_286 : memref<1x128xi32, #tpu.memory_space<vmem>> -> memref<128xi32, #tpu.memory_space<vmem>>
      %dma_start3A_288 = arith.constant 0 : i32
      %dma_start3A_289 = arith.constant 0 : i32
      %dma_start3A_290 = tpu.memref_slice %arg9[%dma_start3A_288, %dma_start3A_289] : memref<10240x32xf32, #tpu.memory_space<vmem_shared>> -> memref<10240x32xf32, #tpu.memory_space<vmem_shared>>
      tpu.enqueue_indirect_dma source(%arg14 : memref<128x32xf32, #tpu.memory_space<vmem>>) target(%dma_start3A_290 : memref<10240x32xf32, #tpu.memory_space<vmem_shared>>) offsets(%dma_start3A_287 : memref<128xi32, #tpu.memory_space<vmem>>) semaphore(%arg27 : memref<!tpu.dma_semaphore, #tpu.memory_space<semaphore_mem>>) {add = true}
      %mul3A_291 = arith.constant 4 : i32
      %mul3A_292 = arith.muli %add3A_274, %mul3A_291 : i32
      %add3A_293 = arith.constant 1 : i32
      %add3A_294 = arith.addi %mul3A_292, %add3A_293 : i32
      %dma_wait3A_295 = arith.constant 0 : i32
      %dma_wait3A_296 = tpu.memref_slice %arg7[%add3A_294, %dma_wait3A_295] : memref<80x128xi32, #tpu.memory_space<vmem>> -> memref<1x128xi32, #tpu.memory_space<vmem>>
      %dma_wait3A_297 = tpu.memref_squeeze %dma_wait3A_296 : memref<1x128xi32, #tpu.memory_space<vmem>> -> memref<128xi32, #tpu.memory_space<vmem>>
      %dma_wait3A_298 = arith.constant 0 : i32
      %dma_wait3A_299 = arith.constant 0 : i32
      %dma_wait3A_300 = tpu.memref_slice %arg2[%dma_wait3A_298, %dma_wait3A_299] : memref<10240x32xf32, #tpu.memory_space<hbm>> -> memref<10240x32xf32, #tpu.memory_space<hbm>>
      tpu.wait_indirect_dma semaphore(%arg23 : memref<!tpu.dma_semaphore, #tpu.memory_space<semaphore_mem>>) src(%dma_wait3A_300 : memref<10240x32xf32, #tpu.memory_space<hbm>>) dst(%arg15 : memref<128x32xf32, #tpu.memory_space<vmem>>)
      %dma_start3A_301 = arith.constant 0 : i32
      %dma_start3A_302 = tpu.memref_slice %arg8[%add3A_294, %dma_start3A_301] : memref<80x128xi32, #tpu.memory_space<vmem>> -> memref<1x128xi32, #tpu.memory_space<vmem>>
      %dma_start3A_303 = tpu.memref_squeeze %dma_start3A_302 : memref<1x128xi32, #tpu.memory_space<vmem>> -> memref<128xi32, #tpu.memory_space<vmem>>
      %dma_start3A_304 = arith.constant 0 : i32
      %dma_start3A_305 = arith.constant 0 : i32
      %dma_start3A_306 = tpu.memref_slice %arg9[%dma_start3A_304, %dma_start3A_305] : memref<10240x32xf32, #tpu.memory_space<vmem_shared>> -> memref<10240x32xf32, #tpu.memory_space<vmem_shared>>
      tpu.enqueue_indirect_dma source(%arg15 : memref<128x32xf32, #tpu.memory_space<vmem>>) target(%dma_start3A_306 : memref<10240x32xf32, #tpu.memory_space<vmem_shared>>) offsets(%dma_start3A_303 : memref<128xi32, #tpu.memory_space<vmem>>) semaphore(%arg27 : memref<!tpu.dma_semaphore, #tpu.memory_space<semaphore_mem>>) {add = true}
      %mul3A_307 = arith.constant 4 : i32
      %mul3A_308 = arith.muli %add3A_274, %mul3A_307 : i32
      %add3A_309 = arith.constant 2 : i32
      %add3A_310 = arith.addi %mul3A_308, %add3A_309 : i32
      %dma_wait3A_311 = arith.constant 0 : i32
      %dma_wait3A_312 = tpu.memref_slice %arg7[%add3A_310, %dma_wait3A_311] : memref<80x128xi32, #tpu.memory_space<vmem>> -> memref<1x128xi32, #tpu.memory_space<vmem>>
      %dma_wait3A_313 = tpu.memref_squeeze %dma_wait3A_312 : memref<1x128xi32, #tpu.memory_space<vmem>> -> memref<128xi32, #tpu.memory_space<vmem>>
      %dma_wait3A_314 = arith.constant 0 : i32
      %dma_wait3A_315 = arith.constant 0 : i32
      %dma_wait3A_316 = tpu.memref_slice %arg2[%dma_wait3A_314, %dma_wait3A_315] : memref<10240x32xf32, #tpu.memory_space<hbm>> -> memref<10240x32xf32, #tpu.memory_space<hbm>>
      tpu.wait_indirect_dma semaphore(%arg24 : memref<!tpu.dma_semaphore, #tpu.memory_space<semaphore_mem>>) src(%dma_wait3A_316 : memref<10240x32xf32, #tpu.memory_space<hbm>>) dst(%arg16 : memref<128x32xf32, #tpu.memory_space<vmem>>)
      %dma_start3A_317 = arith.constant 0 : i32
      %dma_start3A_318 = tpu.memref_slice %arg8[%add3A_310, %dma_start3A_317] : memref<80x128xi32, #tpu.memory_space<vmem>> -> memref<1x128xi32, #tpu.memory_space<vmem>>
      %dma_start3A_319 = tpu.memref_squeeze %dma_start3A_318 : memref<1x128xi32, #tpu.memory_space<vmem>> -> memref<128xi32, #tpu.memory_space<vmem>>
      %dma_start3A_320 = arith.constant 0 : i32
      %dma_start3A_321 = arith.constant 0 : i32
      %dma_start3A_322 = tpu.memref_slice %arg9[%dma_start3A_320, %dma_start3A_321] : memref<10240x32xf32, #tpu.memory_space<vmem_shared>> -> memref<10240x32xf32, #tpu.memory_space<vmem_shared>>
      tpu.enqueue_indirect_dma source(%arg16 : memref<128x32xf32, #tpu.memory_space<vmem>>) target(%dma_start3A_322 : memref<10240x32xf32, #tpu.memory_space<vmem_shared>>) offsets(%dma_start3A_319 : memref<128xi32, #tpu.memory_space<vmem>>) semaphore(%arg27 : memref<!tpu.dma_semaphore, #tpu.memory_space<semaphore_mem>>) {add = true}
      %mul3A_323 = arith.constant 4 : i32
      %mul3A_324 = arith.muli %add3A_274, %mul3A_323 : i32
      %add3A_325 = arith.constant 3 : i32
      %add3A_326 = arith.addi %mul3A_324, %add3A_325 : i32
      %dma_wait3A_327 = arith.constant 0 : i32
      %dma_wait3A_328 = tpu.memref_slice %arg7[%add3A_326, %dma_wait3A_327] : memref<80x128xi32, #tpu.memory_space<vmem>> -> memref<1x128xi32, #tpu.memory_space<vmem>>
      %dma_wait3A_329 = tpu.memref_squeeze %dma_wait3A_328 : memref<1x128xi32, #tpu.memory_space<vmem>> -> memref<128xi32, #tpu.memory_space<vmem>>
      %dma_wait3A_330 = arith.constant 0 : i32
      %dma_wait3A_331 = arith.constant 0 : i32
      %dma_wait3A_332 = tpu.memref_slice %arg2[%dma_wait3A_330, %dma_wait3A_331] : memref<10240x32xf32, #tpu.memory_space<hbm>> -> memref<10240x32xf32, #tpu.memory_space<hbm>>
      tpu.wait_indirect_dma semaphore(%arg25 : memref<!tpu.dma_semaphore, #tpu.memory_space<semaphore_mem>>) src(%dma_wait3A_332 : memref<10240x32xf32, #tpu.memory_space<hbm>>) dst(%arg17 : memref<128x32xf32, #tpu.memory_space<vmem>>)
      %dma_start3A_333 = arith.constant 0 : i32
      %dma_start3A_334 = tpu.memref_slice %arg8[%add3A_326, %dma_start3A_333] : memref<80x128xi32, #tpu.memory_space<vmem>> -> memref<1x128xi32, #tpu.memory_space<vmem>>
      %dma_start3A_335 = tpu.memref_squeeze %dma_start3A_334 : memref<1x128xi32, #tpu.memory_space<vmem>> -> memref<128xi32, #tpu.memory_space<vmem>>
      %dma_start3A_336 = arith.constant 0 : i32
      %dma_start3A_337 = arith.constant 0 : i32
      %dma_start3A_338 = tpu.memref_slice %arg9[%dma_start3A_336, %dma_start3A_337] : memref<10240x32xf32, #tpu.memory_space<vmem_shared>> -> memref<10240x32xf32, #tpu.memory_space<vmem_shared>>
      tpu.enqueue_indirect_dma source(%arg17 : memref<128x32xf32, #tpu.memory_space<vmem>>) target(%dma_start3A_338 : memref<10240x32xf32, #tpu.memory_space<vmem_shared>>) offsets(%dma_start3A_335 : memref<128xi32, #tpu.memory_space<vmem>>) semaphore(%arg27 : memref<!tpu.dma_semaphore, #tpu.memory_space<semaphore_mem>>) {add = true}
      %mul3A_339 = arith.constant 4 : i32
      %mul3A_340 = arith.muli %add3A_274, %mul3A_339 : i32
      %add3A_341 = arith.constant 0 : i32
      %add3A_342 = arith.addi %mul3A_340, %add3A_341 : i32
      %dma_wait3A_343 = arith.constant 0 : i32
      %dma_wait3A_344 = tpu.memref_slice %arg8[%add3A_342, %dma_wait3A_343] : memref<80x128xi32, #tpu.memory_space<vmem>> -> memref<1x128xi32, #tpu.memory_space<vmem>>
      %dma_wait3A_345 = tpu.memref_squeeze %dma_wait3A_344 : memref<1x128xi32, #tpu.memory_space<vmem>> -> memref<128xi32, #tpu.memory_space<vmem>>
      %dma_wait3A_346 = arith.constant 0 : i32
      %dma_wait3A_347 = arith.constant 0 : i32
      %dma_wait3A_348 = tpu.memref_slice %arg9[%dma_wait3A_346, %dma_wait3A_347] : memref<10240x32xf32, #tpu.memory_space<vmem_shared>> -> memref<10240x32xf32, #tpu.memory_space<vmem_shared>>
      tpu.wait_indirect_dma semaphore(%arg27 : memref<!tpu.dma_semaphore, #tpu.memory_space<semaphore_mem>>) src(%arg14 : memref<128x32xf32, #tpu.memory_space<vmem>>) dst(%dma_wait3A_348 : memref<10240x32xf32, #tpu.memory_space<vmem_shared>>)
      %mul3A_349 = arith.constant 4 : i32
      %mul3A_350 = arith.muli %add3A_274, %mul3A_349 : i32
      %add3A_351 = arith.constant 1 : i32
      %add3A_352 = arith.addi %mul3A_350, %add3A_351 : i32
      %dma_wait3A_353 = arith.constant 0 : i32
      %dma_wait3A_354 = tpu.memref_slice %arg8[%add3A_352, %dma_wait3A_353] : memref<80x128xi32, #tpu.memory_space<vmem>> -> memref<1x128xi32, #tpu.memory_space<vmem>>
      %dma_wait3A_355 = tpu.memref_squeeze %dma_wait3A_354 : memref<1x128xi32, #tpu.memory_space<vmem>> -> memref<128xi32, #tpu.memory_space<vmem>>
      %dma_wait3A_356 = arith.constant 0 : i32
      %dma_wait3A_357 = arith.constant 0 : i32
      %dma_wait3A_358 = tpu.memref_slice %arg9[%dma_wait3A_356, %dma_wait3A_357] : memref<10240x32xf32, #tpu.memory_space<vmem_shared>> -> memref<10240x32xf32, #tpu.memory_space<vmem_shared>>
      tpu.wait_indirect_dma semaphore(%arg27 : memref<!tpu.dma_semaphore, #tpu.memory_space<semaphore_mem>>) src(%arg15 : memref<128x32xf32, #tpu.memory_space<vmem>>) dst(%dma_wait3A_358 : memref<10240x32xf32, #tpu.memory_space<vmem_shared>>)
      %mul3A_359 = arith.constant 4 : i32
      %mul3A_360 = arith.muli %add3A_274, %mul3A_359 : i32
      %add3A_361 = arith.constant 2 : i32
      %add3A_362 = arith.addi %mul3A_360, %add3A_361 : i32
      %dma_wait3A_363 = arith.constant 0 : i32
      %dma_wait3A_364 = tpu.memref_slice %arg8[%add3A_362, %dma_wait3A_363] : memref<80x128xi32, #tpu.memory_space<vmem>> -> memref<1x128xi32, #tpu.memory_space<vmem>>
      %dma_wait3A_365 = tpu.memref_squeeze %dma_wait3A_364 : memref<1x128xi32, #tpu.memory_space<vmem>> -> memref<128xi32, #tpu.memory_space<vmem>>
      %dma_wait3A_366 = arith.constant 0 : i32
      %dma_wait3A_367 = arith.constant 0 : i32
      %dma_wait3A_368 = tpu.memref_slice %arg9[%dma_wait3A_366, %dma_wait3A_367] : memref<10240x32xf32, #tpu.memory_space<vmem_shared>> -> memref<10240x32xf32, #tpu.memory_space<vmem_shared>>
      tpu.wait_indirect_dma semaphore(%arg27 : memref<!tpu.dma_semaphore, #tpu.memory_space<semaphore_mem>>) src(%arg16 : memref<128x32xf32, #tpu.memory_space<vmem>>) dst(%dma_wait3A_368 : memref<10240x32xf32, #tpu.memory_space<vmem_shared>>)
      %mul3A_369 = arith.constant 4 : i32
      %mul3A_370 = arith.muli %add3A_274, %mul3A_369 : i32
      %add3A_371 = arith.constant 3 : i32
      %add3A_372 = arith.addi %mul3A_370, %add3A_371 : i32
      %dma_wait3A_373 = arith.constant 0 : i32
      %dma_wait3A_374 = tpu.memref_slice %arg8[%add3A_372, %dma_wait3A_373] : memref<80x128xi32, #tpu.memory_space<vmem>> -> memref<1x128xi32, #tpu.memory_space<vmem>>
      %dma_wait3A_375 = tpu.memref_squeeze %dma_wait3A_374 : memref<1x128xi32, #tpu.memory_space<vmem>> -> memref<128xi32, #tpu.memory_space<vmem>>
      %dma_wait3A_376 = arith.constant 0 : i32
      %dma_wait3A_377 = arith.constant 0 : i32
      %dma_wait3A_378 = tpu.memref_slice %arg9[%dma_wait3A_376, %dma_wait3A_377] : memref<10240x32xf32, #tpu.memory_space<vmem_shared>> -> memref<10240x32xf32, #tpu.memory_space<vmem_shared>>
      tpu.wait_indirect_dma semaphore(%arg27 : memref<!tpu.dma_semaphore, #tpu.memory_space<semaphore_mem>>) src(%arg17 : memref<128x32xf32, #tpu.memory_space<vmem>>) dst(%dma_wait3A_378 : memref<10240x32xf32, #tpu.memory_space<vmem_shared>>)
      %add3A_379 = arith.constant 2 : i32
      %add3A_380 = arith.addi %add3A_274, %add3A_379 : i32
      %mul3A_381 = arith.constant 4 : i32
      %mul3A_382 = arith.muli %add3A_380, %mul3A_381 : i32
      %min3A_383 = arith.constant 76 : i32
      %min3A_384 = arith.minsi %mul3A_382, %min3A_383 : i32
      %add3A_385 = arith.constant 0 : i32
      %add3A_386 = arith.addi %min3A_384, %add3A_385 : i32
      %dma_start3A_387 = arith.constant 0 : i32
      %dma_start3A_388 = tpu.memref_slice %arg7[%add3A_386, %dma_start3A_387] : memref<80x128xi32, #tpu.memory_space<vmem>> -> memref<1x128xi32, #tpu.memory_space<vmem>>
      %dma_start3A_389 = tpu.memref_squeeze %dma_start3A_388 : memref<1x128xi32, #tpu.memory_space<vmem>> -> memref<128xi32, #tpu.memory_space<vmem>>
      %dma_start3A_390 = arith.constant 0 : i32
      %dma_start3A_391 = arith.constant 0 : i32
      %dma_start3A_392 = tpu.memref_slice %arg2[%dma_start3A_390, %dma_start3A_391] : memref<10240x32xf32, #tpu.memory_space<hbm>> -> memref<10240x32xf32, #tpu.memory_space<hbm>>
      tpu.enqueue_indirect_dma source(%dma_start3A_392 : memref<10240x32xf32, #tpu.memory_space<hbm>>) target(%arg14 : memref<128x32xf32, #tpu.memory_space<vmem>>) offsets(%dma_start3A_389 : memref<128xi32, #tpu.memory_space<vmem>>) semaphore(%arg22 : memref<!tpu.dma_semaphore, #tpu.memory_space<semaphore_mem>>)
      %add3A_393 = arith.constant 1 : i32
      %add3A_394 = arith.addi %min3A_384, %add3A_393 : i32
      %dma_start3A_395 = arith.constant 0 : i32
      %dma_start3A_396 = tpu.memref_slice %arg7[%add3A_394, %dma_start3A_395] : memref<80x128xi32, #tpu.memory_space<vmem>> -> memref<1x128xi32, #tpu.memory_space<vmem>>
      %dma_start3A_397 = tpu.memref_squeeze %dma_start3A_396 : memref<1x128xi32, #tpu.memory_space<vmem>> -> memref<128xi32, #tpu.memory_space<vmem>>
      %dma_start3A_398 = arith.constant 0 : i32
      %dma_start3A_399 = arith.constant 0 : i32
      %dma_start3A_400 = tpu.memref_slice %arg2[%dma_start3A_398, %dma_start3A_399] : memref<10240x32xf32, #tpu.memory_space<hbm>> -> memref<10240x32xf32, #tpu.memory_space<hbm>>
      tpu.enqueue_indirect_dma source(%dma_start3A_400 : memref<10240x32xf32, #tpu.memory_space<hbm>>) target(%arg15 : memref<128x32xf32, #tpu.memory_space<vmem>>) offsets(%dma_start3A_397 : memref<128xi32, #tpu.memory_space<vmem>>) semaphore(%arg23 : memref<!tpu.dma_semaphore, #tpu.memory_space<semaphore_mem>>)
      %add3A_401 = arith.constant 2 : i32
      %add3A_402 = arith.addi %min3A_384, %add3A_401 : i32
      %dma_start3A_403 = arith.constant 0 : i32
      %dma_start3A_404 = tpu.memref_slice %arg7[%add3A_402, %dma_start3A_403] : memref<80x128xi32, #tpu.memory_space<vmem>> -> memref<1x128xi32, #tpu.memory_space<vmem>>
      %dma_start3A_405 = tpu.memref_squeeze %dma_start3A_404 : memref<1x128xi32, #tpu.memory_space<vmem>> -> memref<128xi32, #tpu.memory_space<vmem>>
      %dma_start3A_406 = arith.constant 0 : i32
      %dma_start3A_407 = arith.constant 0 : i32
      %dma_start3A_408 = tpu.memref_slice %arg2[%dma_start3A_406, %dma_start3A_407] : memref<10240x32xf32, #tpu.memory_space<hbm>> -> memref<10240x32xf32, #tpu.memory_space<hbm>>
      tpu.enqueue_indirect_dma source(%dma_start3A_408 : memref<10240x32xf32, #tpu.memory_space<hbm>>) target(%arg16 : memref<128x32xf32, #tpu.memory_space<vmem>>) offsets(%dma_start3A_405 : memref<128xi32, #tpu.memory_space<vmem>>) semaphore(%arg24 : memref<!tpu.dma_semaphore, #tpu.memory_space<semaphore_mem>>)
      %add3A_409 = arith.constant 3 : i32
      %add3A_410 = arith.addi %min3A_384, %add3A_409 : i32
      %dma_start3A_411 = arith.constant 0 : i32
      %dma_start3A_412 = tpu.memref_slice %arg7[%add3A_410, %dma_start3A_411] : memref<80x128xi32, #tpu.memory_space<vmem>> -> memref<1x128xi32, #tpu.memory_space<vmem>>
      %dma_start3A_413 = tpu.memref_squeeze %dma_start3A_412 : memref<1x128xi32, #tpu.memory_space<vmem>> -> memref<128xi32, #tpu.memory_space<vmem>>
      %dma_start3A_414 = arith.constant 0 : i32
      %dma_start3A_415 = arith.constant 0 : i32
      %dma_start3A_416 = tpu.memref_slice %arg2[%dma_start3A_414, %dma_start3A_415] : memref<10240x32xf32, #tpu.memory_space<hbm>> -> memref<10240x32xf32, #tpu.memory_space<hbm>>
      tpu.enqueue_indirect_dma source(%dma_start3A_416 : memref<10240x32xf32, #tpu.memory_space<hbm>>) target(%arg17 : memref<128x32xf32, #tpu.memory_space<vmem>>) offsets(%dma_start3A_413 : memref<128xi32, #tpu.memory_space<vmem>>) semaphore(%arg25 : memref<!tpu.dma_semaphore, #tpu.memory_space<semaphore_mem>>)
    }
    %scan3A_64 = arith.constant 10 : i32
    %dma_wait3A = arith.constant 76 : i32
    %dma_wait3A_65 = arith.constant 0 : i32
    %dma_wait3A_66 = tpu.memref_slice %arg7[%dma_wait3A, %dma_wait3A_65] : memref<80x128xi32, #tpu.memory_space<vmem>> -> memref<1x128xi32, #tpu.memory_space<vmem>>
    %dma_wait3A_67 = tpu.memref_squeeze %dma_wait3A_66 : memref<1x128xi32, #tpu.memory_space<vmem>> -> memref<128xi32, #tpu.memory_space<vmem>>
    %dma_wait3A_68 = arith.constant 0 : i32
    %dma_wait3A_69 = arith.constant 0 : i32
    %dma_wait3A_70 = tpu.memref_slice %arg2[%dma_wait3A_68, %dma_wait3A_69] : memref<10240x32xf32, #tpu.memory_space<hbm>> -> memref<10240x32xf32, #tpu.memory_space<hbm>>
    tpu.wait_indirect_dma semaphore(%arg18 : memref<!tpu.dma_semaphore, #tpu.memory_space<semaphore_mem>>) src(%dma_wait3A_70 : memref<10240x32xf32, #tpu.memory_space<hbm>>) dst(%arg10 : memref<128x32xf32, #tpu.memory_space<vmem>>)
    %dma_wait3A_71 = arith.constant 77 : i32
    %dma_wait3A_72 = arith.constant 0 : i32
    %dma_wait3A_73 = tpu.memref_slice %arg7[%dma_wait3A_71, %dma_wait3A_72] : memref<80x128xi32, #tpu.memory_space<vmem>> -> memref<1x128xi32, #tpu.memory_space<vmem>>
    %dma_wait3A_74 = tpu.memref_squeeze %dma_wait3A_73 : memref<1x128xi32, #tpu.memory_space<vmem>> -> memref<128xi32, #tpu.memory_space<vmem>>
    %dma_wait3A_75 = arith.constant 0 : i32
    %dma_wait3A_76 = arith.constant 0 : i32
    %dma_wait3A_77 = tpu.memref_slice %arg2[%dma_wait3A_75, %dma_wait3A_76] : memref<10240x32xf32, #tpu.memory_space<hbm>> -> memref<10240x32xf32, #tpu.memory_space<hbm>>
    tpu.wait_indirect_dma semaphore(%arg19 : memref<!tpu.dma_semaphore, #tpu.memory_space<semaphore_mem>>) src(%dma_wait3A_77 : memref<10240x32xf32, #tpu.memory_space<hbm>>) dst(%arg11 : memref<128x32xf32, #tpu.memory_space<vmem>>)
    %dma_wait3A_78 = arith.constant 78 : i32
    %dma_wait3A_79 = arith.constant 0 : i32
    %dma_wait3A_80 = tpu.memref_slice %arg7[%dma_wait3A_78, %dma_wait3A_79] : memref<80x128xi32, #tpu.memory_space<vmem>> -> memref<1x128xi32, #tpu.memory_space<vmem>>
    %dma_wait3A_81 = tpu.memref_squeeze %dma_wait3A_80 : memref<1x128xi32, #tpu.memory_space<vmem>> -> memref<128xi32, #tpu.memory_space<vmem>>
    %dma_wait3A_82 = arith.constant 0 : i32
    %dma_wait3A_83 = arith.constant 0 : i32
    %dma_wait3A_84 = tpu.memref_slice %arg2[%dma_wait3A_82, %dma_wait3A_83] : memref<10240x32xf32, #tpu.memory_space<hbm>> -> memref<10240x32xf32, #tpu.memory_space<hbm>>
    tpu.wait_indirect_dma semaphore(%arg20 : memref<!tpu.dma_semaphore, #tpu.memory_space<semaphore_mem>>) src(%dma_wait3A_84 : memref<10240x32xf32, #tpu.memory_space<hbm>>) dst(%arg12 : memref<128x32xf32, #tpu.memory_space<vmem>>)
    %dma_wait3A_85 = arith.constant 79 : i32
    %dma_wait3A_86 = arith.constant 0 : i32
    %dma_wait3A_87 = tpu.memref_slice %arg7[%dma_wait3A_85, %dma_wait3A_86] : memref<80x128xi32, #tpu.memory_space<vmem>> -> memref<1x128xi32, #tpu.memory_space<vmem>>
    %dma_wait3A_88 = tpu.memref_squeeze %dma_wait3A_87 : memref<1x128xi32, #tpu.memory_space<vmem>> -> memref<128xi32, #tpu.memory_space<vmem>>
    %dma_wait3A_89 = arith.constant 0 : i32
    %dma_wait3A_90 = arith.constant 0 : i32
    %dma_wait3A_91 = tpu.memref_slice %arg2[%dma_wait3A_89, %dma_wait3A_90] : memref<10240x32xf32, #tpu.memory_space<hbm>> -> memref<10240x32xf32, #tpu.memory_space<hbm>>
    tpu.wait_indirect_dma semaphore(%arg21 : memref<!tpu.dma_semaphore, #tpu.memory_space<semaphore_mem>>) src(%dma_wait3A_91 : memref<10240x32xf32, #tpu.memory_space<hbm>>) dst(%arg13 : memref<128x32xf32, #tpu.memory_space<vmem>>)
    %dma_wait3A_92 = arith.constant 76 : i32
    %dma_wait3A_93 = arith.constant 0 : i32
    %dma_wait3A_94 = tpu.memref_slice %arg7[%dma_wait3A_92, %dma_wait3A_93] : memref<80x128xi32, #tpu.memory_space<vmem>> -> memref<1x128xi32, #tpu.memory_space<vmem>>
    %dma_wait3A_95 = tpu.memref_squeeze %dma_wait3A_94 : memref<1x128xi32, #tpu.memory_space<vmem>> -> memref<128xi32, #tpu.memory_space<vmem>>
    %dma_wait3A_96 = arith.constant 0 : i32
    %dma_wait3A_97 = arith.constant 0 : i32
    %dma_wait3A_98 = tpu.memref_slice %arg2[%dma_wait3A_96, %dma_wait3A_97] : memref<10240x32xf32, #tpu.memory_space<hbm>> -> memref<10240x32xf32, #tpu.memory_space<hbm>>
    tpu.wait_indirect_dma semaphore(%arg22 : memref<!tpu.dma_semaphore, #tpu.memory_space<semaphore_mem>>) src(%dma_wait3A_98 : memref<10240x32xf32, #tpu.memory_space<hbm>>) dst(%arg14 : memref<128x32xf32, #tpu.memory_space<vmem>>)
    %dma_wait3A_99 = arith.constant 77 : i32
    %dma_wait3A_100 = arith.constant 0 : i32
    %dma_wait3A_101 = tpu.memref_slice %arg7[%dma_wait3A_99, %dma_wait3A_100] : memref<80x128xi32, #tpu.memory_space<vmem>> -> memref<1x128xi32, #tpu.memory_space<vmem>>
    %dma_wait3A_102 = tpu.memref_squeeze %dma_wait3A_101 : memref<1x128xi32, #tpu.memory_space<vmem>> -> memref<128xi32, #tpu.memory_space<vmem>>
    %dma_wait3A_103 = arith.constant 0 : i32
    %dma_wait3A_104 = arith.constant 0 : i32
    %dma_wait3A_105 = tpu.memref_slice %arg2[%dma_wait3A_103, %dma_wait3A_104] : memref<10240x32xf32, #tpu.memory_space<hbm>> -> memref<10240x32xf32, #tpu.memory_space<hbm>>
    tpu.wait_indirect_dma semaphore(%arg23 : memref<!tpu.dma_semaphore, #tpu.memory_space<semaphore_mem>>) src(%dma_wait3A_105 : memref<10240x32xf32, #tpu.memory_space<hbm>>) dst(%arg15 : memref<128x32xf32, #tpu.memory_space<vmem>>)
    %dma_wait3A_106 = arith.constant 78 : i32
    %dma_wait3A_107 = arith.constant 0 : i32
    %dma_wait3A_108 = tpu.memref_slice %arg7[%dma_wait3A_106, %dma_wait3A_107] : memref<80x128xi32, #tpu.memory_space<vmem>> -> memref<1x128xi32, #tpu.memory_space<vmem>>
    %dma_wait3A_109 = tpu.memref_squeeze %dma_wait3A_108 : memref<1x128xi32, #tpu.memory_space<vmem>> -> memref<128xi32, #tpu.memory_space<vmem>>
    %dma_wait3A_110 = arith.constant 0 : i32
    %dma_wait3A_111 = arith.constant 0 : i32
    %dma_wait3A_112 = tpu.memref_slice %arg2[%dma_wait3A_110, %dma_wait3A_111] : memref<10240x32xf32, #tpu.memory_space<hbm>> -> memref<10240x32xf32, #tpu.memory_space<hbm>>
    tpu.wait_indirect_dma semaphore(%arg24 : memref<!tpu.dma_semaphore, #tpu.memory_space<semaphore_mem>>) src(%dma_wait3A_112 : memref<10240x32xf32, #tpu.memory_space<hbm>>) dst(%arg16 : memref<128x32xf32, #tpu.memory_space<vmem>>)
    %dma_wait3A_113 = arith.constant 79 : i32
    %dma_wait3A_114 = arith.constant 0 : i32
    %dma_wait3A_115 = tpu.memref_slice %arg7[%dma_wait3A_113, %dma_wait3A_114] : memref<80x128xi32, #tpu.memory_space<vmem>> -> memref<1x128xi32, #tpu.memory_space<vmem>>
    %dma_wait3A_116 = tpu.memref_squeeze %dma_wait3A_115 : memref<1x128xi32, #tpu.memory_space<vmem>> -> memref<128xi32, #tpu.memory_space<vmem>>
    %dma_wait3A_117 = arith.constant 0 : i32
    %dma_wait3A_118 = arith.constant 0 : i32
    %dma_wait3A_119 = tpu.memref_slice %arg2[%dma_wait3A_117, %dma_wait3A_118] : memref<10240x32xf32, #tpu.memory_space<hbm>> -> memref<10240x32xf32, #tpu.memory_space<hbm>>
    tpu.wait_indirect_dma semaphore(%arg25 : memref<!tpu.dma_semaphore, #tpu.memory_space<semaphore_mem>>) src(%dma_wait3A_119 : memref<10240x32xf32, #tpu.memory_space<hbm>>) dst(%arg17 : memref<128x32xf32, #tpu.memory_space<vmem>>)
    %barrier3A_120 = arith.constant 0 : index
    tpu.barrier barrier_id(%barrier3A_120)
    %mul3A_121 = arith.constant 640 : i32
    %mul3A_122 = arith.muli %arg1, %mul3A_121 : i32
    %mul3A_123 = arith.constant 640 : i32
    %mul3A_124 = arith.muli %arg1, %mul3A_123 : i32
    "tpu.region"() ({
      %run_scoped3A = tpu.sem_alloc : memref<!tpu.dma_semaphore, #tpu.memory_space<semaphore_mem>>
      %dma_start3A_125 = arith.constant 0 : i32
      %dma_start3A_126 = tpu.memref_slice %arg6[%arg0, %mul3A_124, %dma_start3A_125] : memref<2x10240x32xf32, #tpu.memory_space<hbm>> -> memref<1x640x32xf32, #tpu.memory_space<hbm>>
      %dma_start3A_127 = tpu.memref_squeeze %dma_start3A_126 : memref<1x640x32xf32, #tpu.memory_space<hbm>> -> memref<640x32xf32, #tpu.memory_space<hbm>>
      %dma_start3A_128 = arith.constant 0 : i32
      %dma_start3A_129 = tpu.memref_slice %arg9[%mul3A_122, %dma_start3A_128] : memref<10240x32xf32, #tpu.memory_space<vmem_shared>> -> memref<640x32xf32, #tpu.memory_space<vmem_shared>>
      tpu.enqueue_dma source(%dma_start3A_129 : memref<640x32xf32, #tpu.memory_space<vmem_shared>>) target(%dma_start3A_127 : memref<640x32xf32, #tpu.memory_space<hbm>>) target_semaphore(%run_scoped3A : memref<!tpu.dma_semaphore, #tpu.memory_space<semaphore_mem>>)
      %dma_wait3A_130 = arith.constant 0 : i32
      %dma_wait3A_131 = tpu.memref_slice %arg6[%arg0, %mul3A_124, %dma_wait3A_130] : memref<2x10240x32xf32, #tpu.memory_space<hbm>> -> memref<1x640x32xf32, #tpu.memory_space<hbm>>
      %dma_wait3A_132 = tpu.memref_squeeze %dma_wait3A_131 : memref<1x640x32xf32, #tpu.memory_space<hbm>> -> memref<640x32xf32, #tpu.memory_space<hbm>>
      %dma_wait3A_133 = arith.constant 0 : i32
      %dma_wait3A_134 = tpu.memref_slice %arg9[%mul3A_122, %dma_wait3A_133] : memref<10240x32xf32, #tpu.memory_space<vmem_shared>> -> memref<640x32xf32, #tpu.memory_space<vmem_shared>>
      tpu.wait_dma2 semaphore(%run_scoped3A : memref<!tpu.dma_semaphore, #tpu.memory_space<semaphore_mem>>) src(%dma_wait3A_134 : memref<640x32xf32, #tpu.memory_space<vmem_shared>>) dst(%dma_wait3A_132 : memref<640x32xf32, #tpu.memory_space<hbm>>)
      tpu.yield
    }) : () -> ()
    return
  }
}

module attributes {stable_mosaic.version = 14 : i64} {
  func.func @_tc1_body(%arg0: i32, %arg1: memref<320x512xf32, #tpu.memory_space<vmem>>, %arg2: memref<512x128xf32, #tpu.memory_space<vmem>>, %arg3: memref<2x320x128xf32, #tpu.memory_space<vmem>>, %arg4: memref<320x128xf32, #tpu.memory_space<vmem>>, %arg5: memref<320x128xf32, #tpu.memory_space<vmem>>) attributes {dimension_semantics = [#tpu.dimension_semantics<arbitrary>], iteration_bounds = array<i64: 8>, scalar_prefetch = 0 : i64, scratch_operands = 0 : i64, tpu.core_type = #tpu.core_type<tc>, window_params = [{transform_indices = @transform_0, window_bounds = array<i64: 320, 512>}, {pipeline_mode = #tpu.pipeline_mode<synchronous>, transform_indices = @transform_1, window_bounds = array<i64: 512, 128>}, {transform_indices = @transform_2, window_bounds = array<i64: 2, 320, 128>}, {transform_indices = @transform_3, window_bounds = array<i64: 320, 128>}, {transform_indices = @transform_4, window_bounds = array<i64: 320, 128>}]} {
    %get3A = arith.constant 0 : index
    %get3A_0 = arith.constant 0 : index
    %get3A_1 = arith.constant 0 : index
    %get3A_2 = vector.load %arg3[%get3A, %get3A_0, %get3A_1] : memref<2x320x128xf32, #tpu.memory_space<vmem>>, vector<1x320x128xf32>
    %get3A_3 = vector.shape_cast %get3A_2 : vector<1x320x128xf32> to vector<320x128xf32>
    %add3A = arith.constant 1.000000e+00 : f32
    %add3A_4 = vector.broadcast %add3A : f32 to vector<320x128xf32>
    %add3A_5 = arith.addf %add3A_4, %get3A_3 : vector<320x128xf32>
    %get3A_6 = arith.constant 1 : index
    %get3A_7 = arith.constant 0 : index
    %get3A_8 = arith.constant 0 : index
    %get3A_9 = vector.load %arg3[%get3A_6, %get3A_7, %get3A_8] : memref<2x320x128xf32, #tpu.memory_space<vmem>>, vector<1x320x128xf32>
    %get3A_10 = vector.shape_cast %get3A_9 : vector<1x320x128xf32> to vector<320x128xf32>
    %add3A_11 = arith.addf %add3A_5, %get3A_10 : vector<320x128xf32>
    %rsqrt3A = math.rsqrt %add3A_11 : vector<320x128xf32>
    %get3A_12 = arith.constant 0 : index
    %get3A_13 = arith.constant 0 : index
    %get3A_14 = vector.load %arg1[%get3A_12, %get3A_13] : memref<320x512xf32, #tpu.memory_space<vmem>>, vector<320x512xf32>
    %get3A_15 = arith.constant 0 : index
    %get3A_16 = arith.constant 0 : index
    %get3A_17 = vector.load %arg2[%get3A_15, %get3A_16] : memref<512x128xf32, #tpu.memory_space<vmem>>, vector<512x128xf32>
    %dot_general3A = arith.constant dense<0.000000e+00> : vector<320x128xf32>
    %dot_general3A_18 = tpu.matmul %get3A_14, %get3A_17, %dot_general3A {dimension_numbers = #tpu.dot_dimension_numbers<[1], [0], [0], [1], [0, 0, 1, 1], [], []>, transpose_lhs_hint = false} : vector<320x512xf32>, vector<512x128xf32>, vector<320x128xf32> -> vector<320x128xf32>
    %swap3A = arith.constant 0 : index
    %swap3A_19 = arith.constant 0 : index
    %swap3A_20 = vector.load %arg5[%swap3A, %swap3A_19] : memref<320x128xf32, #tpu.memory_space<vmem>>, vector<320x128xf32>
    tpu.vector_store %arg5[%swap3A, %swap3A_19], %rsqrt3A {strides = array<i32>} : memref<320x128xf32, #tpu.memory_space<vmem>>, vector<320x128xf32>,
    %mul3A = arith.mulf %dot_general3A_18, %rsqrt3A : vector<320x128xf32>
    %swap3A_21 = arith.constant 0 : index
    %swap3A_22 = arith.constant 0 : index
    %swap3A_23 = vector.load %arg4[%swap3A_21, %swap3A_22] : memref<320x128xf32, #tpu.memory_space<vmem>>, vector<320x128xf32>
    tpu.vector_store %arg4[%swap3A_21, %swap3A_22], %mul3A {strides = array<i32>} : memref<320x128xf32, #tpu.memory_space<vmem>>, vector<320x128xf32>,
    return
  }
  func.func @transform_0(%arg0: i32) -> (i32, i32) {
    %c0_i32 = arith.constant 0 : i32
    %c0_i32_0 = arith.constant 0 : i32
    return %arg0, %c0_i32 : i32, i32
  }
  func.func @transform_1(%arg0: i32) -> (i32, i32) {
    %c0_i32 = arith.constant 0 : i32
    %c0_i32_0 = arith.constant 0 : i32
    %c0_i32_1 = arith.constant 0 : i32
    return %c0_i32, %c0_i32_0 : i32, i32
  }
  func.func @transform_2(%arg0: i32) -> (i32, i32, i32) {
    %c0_i32 = arith.constant 0 : i32
    %c0_i32_0 = arith.constant 0 : i32
    %c0_i32_1 = arith.constant 0 : i32
    return %c0_i32, %arg0, %c0_i32_0 : i32, i32, i32
  }
  func.func @transform_3(%arg0: i32) -> (i32, i32) {
    %c0_i32 = arith.constant 0 : i32
    %c0_i32_0 = arith.constant 0 : i32
    return %arg0, %c0_i32 : i32, i32
  }
  func.func @transform_4(%arg0: i32) -> (i32, i32) {
    %c0_i32 = arith.constant 0 : i32
    %c0_i32_0 = arith.constant 0 : i32
    return %arg0, %c0_i32 : i32, i32
  }
}

module attributes {stable_mosaic.version = 14 : i64} {
  func.func @_tc2_body(%arg0: i32, %arg1: memref<320x128xf32, #tpu.memory_space<vmem>>, %arg2: memref<2x320x128xf32, #tpu.memory_space<vmem>>, %arg3: memref<320x128xf32, #tpu.memory_space<vmem>>, %arg4: memref<1x128xf32, #tpu.memory_space<vmem>>, %arg5: memref<128x128xf32, #tpu.memory_space<vmem>>, %arg6: memref<320x128xf32, #tpu.memory_space<vmem>>) attributes {dimension_semantics = [#tpu.dimension_semantics<arbitrary>], iteration_bounds = array<i64: 8>, scalar_prefetch = 0 : i64, scratch_operands = 0 : i64, tpu.core_type = #tpu.core_type<tc>, window_params = [{transform_indices = @transform_0, window_bounds = array<i64: 320, 128>}, {transform_indices = @transform_1, window_bounds = array<i64: 2, 320, 128>}, {transform_indices = @transform_2, window_bounds = array<i64: 320, 128>}, {pipeline_mode = #tpu.pipeline_mode<synchronous>, transform_indices = @transform_3, window_bounds = array<i64: 1, 128>}, {pipeline_mode = #tpu.pipeline_mode<synchronous>, transform_indices = @transform_4, window_bounds = array<i64: 128, 128>}, {transform_indices = @transform_5, window_bounds = array<i64: 320, 128>}]} {
    %get3A = arith.constant 0 : index
    %get3A_0 = arith.constant 0 : index
    %get3A_1 = vector.load %arg1[%get3A, %get3A_0] : memref<320x128xf32, #tpu.memory_space<vmem>>, vector<320x128xf32>
    %get3A_2 = arith.constant 0 : index
    %get3A_3 = arith.constant 0 : index
    %get3A_4 = arith.constant 0 : index
    %get3A_5 = vector.load %arg2[%get3A_2, %get3A_3, %get3A_4] : memref<2x320x128xf32, #tpu.memory_space<vmem>>, vector<1x320x128xf32>
    %get3A_6 = vector.shape_cast %get3A_5 : vector<1x320x128xf32> to vector<320x128xf32>
    %get3A_7 = arith.constant 1 : index
    %get3A_8 = arith.constant 0 : index
    %get3A_9 = arith.constant 0 : index
    %get3A_10 = vector.load %arg2[%get3A_7, %get3A_8, %get3A_9] : memref<2x320x128xf32, #tpu.memory_space<vmem>>, vector<1x320x128xf32>
    %get3A_11 = vector.shape_cast %get3A_10 : vector<1x320x128xf32> to vector<320x128xf32>
    %add3A = arith.addf %get3A_6, %get3A_11 : vector<320x128xf32>
    %get3A_12 = arith.constant 0 : index
    %get3A_13 = arith.constant 0 : index
    %get3A_14 = vector.load %arg3[%get3A_12, %get3A_13] : memref<320x128xf32, #tpu.memory_space<vmem>>, vector<320x128xf32>
    %add3A_15 = arith.addf %add3A, %get3A_14 : vector<320x128xf32>
    %mul3A = arith.mulf %get3A_1, %add3A_15 : vector<320x128xf32>
    %get3A_16 = arith.constant 0 : index
    %get3A_17 = arith.constant 0 : index
    %get3A_18 = vector.load %arg4[%get3A_16, %get3A_17] : memref<1x128xf32, #tpu.memory_space<vmem>>, vector<1x128xf32>
    %add3A_19 = vector.broadcast %get3A_18 : vector<1x128xf32> to vector<320x128xf32>
    %add3A_20 = arith.addf %mul3A, %add3A_19 : vector<320x128xf32>
    %max3A = arith.constant 0.000000e+00 : f32
    %max3A_21 = vector.broadcast %max3A : f32 to vector<320x128xf32>
    %max3A_22 = arith.maximumf %add3A_20, %max3A_21 : vector<320x128xf32>
    %get3A_23 = arith.constant 0 : index
    %get3A_24 = arith.constant 0 : index
    %get3A_25 = vector.load %arg5[%get3A_23, %get3A_24] : memref<128x128xf32, #tpu.memory_space<vmem>>, vector<128x128xf32>
    %dot_general3A = arith.constant dense<0.000000e+00> : vector<320x128xf32>
    %dot_general3A_26 = tpu.matmul %max3A_22, %get3A_25, %dot_general3A {dimension_numbers = #tpu.dot_dimension_numbers<[1], [0], [0], [1], [0, 0, 1, 1], [], []>, transpose_lhs_hint = false} : vector<320x128xf32>, vector<128x128xf32>, vector<320x128xf32> -> vector<320x128xf32>
    %mul3A_27 = arith.mulf %dot_general3A_26, %get3A_1 : vector<320x128xf32>
    %swap3A = arith.constant 0 : index
    %swap3A_28 = arith.constant 0 : index
    %swap3A_29 = vector.load %arg6[%swap3A, %swap3A_28] : memref<320x128xf32, #tpu.memory_space<vmem>>, vector<320x128xf32>
    tpu.vector_store %arg6[%swap3A, %swap3A_28], %mul3A_27 {strides = array<i32>} : memref<320x128xf32, #tpu.memory_space<vmem>>, vector<320x128xf32>,
    return
  }
  func.func @transform_0(%arg0: i32) -> (i32, i32) {
    %c0_i32 = arith.constant 0 : i32
    %c0_i32_0 = arith.constant 0 : i32
    return %arg0, %c0_i32 : i32, i32
  }
  func.func @transform_1(%arg0: i32) -> (i32, i32, i32) {
    %c0_i32 = arith.constant 0 : i32
    %c0_i32_0 = arith.constant 0 : i32
    %c0_i32_1 = arith.constant 0 : i32
    return %c0_i32, %arg0, %c0_i32_0 : i32, i32, i32
  }
  func.func @transform_2(%arg0: i32) -> (i32, i32) {
    %c0_i32 = arith.constant 0 : i32
    %c0_i32_0 = arith.constant 0 : i32
    return %arg0, %c0_i32 : i32, i32
  }
  func.func @transform_3(%arg0: i32) -> (i32, i32) {
    %c0_i32 = arith.constant 0 : i32
    %c0_i32_0 = arith.constant 0 : i32
    %c0_i32_1 = arith.constant 0 : i32
    return %c0_i32, %c0_i32_0 : i32, i32
  }
  func.func @transform_4(%arg0: i32) -> (i32, i32) {
    %c0_i32 = arith.constant 0 : i32
    %c0_i32_0 = arith.constant 0 : i32
    %c0_i32_1 = arith.constant 0 : i32
    return %c0_i32, %c0_i32_0 : i32, i32
  }
  func.func @transform_5(%arg0: i32) -> (i32, i32) {
    %c0_i32 = arith.constant 0 : i32
    %c0_i32_0 = arith.constant 0 : i32
    return %arg0, %c0_i32 : i32, i32
  }
}

module attributes {stable_mosaic.version = 14 : i64} {
  func.func @_tc3_body(%arg0: i32, %arg1: memref<512x128xf32, #tpu.memory_space<vmem>>, %arg2: memref<2x512x128xf32, #tpu.memory_space<vmem>>, %arg3: memref<512x128xf32, #tpu.memory_space<vmem>>, %arg4: memref<1x128xf32, #tpu.memory_space<vmem>>, %arg5: memref<96x32xf32, #tpu.memory_space<vmem>>, %arg6: memref<96x32xf32, #tpu.memory_space<vmem>>, %arg7: memref<16x32xf32, #tpu.memory_space<vmem>>, %arg8: memref<96x1xf32, #tpu.memory_space<vmem>>, %arg9: memref<96x1xf32, #tpu.memory_space<vmem>>, %arg10: memref<16x1xf32, #tpu.memory_space<vmem>>, %arg11: memref<4x16x4x512xf32, #tpu.memory_space<vmem>>) attributes {dimension_semantics = [#tpu.dimension_semantics<arbitrary>], iteration_bounds = array<i64: 5>, scalar_prefetch = 0 : i64, scratch_operands = 0 : i64, tpu.core_type = #tpu.core_type<tc>, window_params = [{transform_indices = @transform_0, window_bounds = array<i64: 512, 128>}, {transform_indices = @transform_1, window_bounds = array<i64: 2, 512, 128>}, {transform_indices = @transform_2, window_bounds = array<i64: 512, 128>}, {pipeline_mode = #tpu.pipeline_mode<synchronous>, transform_indices = @transform_3, window_bounds = array<i64: 1, 128>}, {pipeline_mode = #tpu.pipeline_mode<synchronous>, transform_indices = @transform_4, window_bounds = array<i64: 96, 32>}, {pipeline_mode = #tpu.pipeline_mode<synchronous>, transform_indices = @transform_5, window_bounds = array<i64: 96, 32>}, {pipeline_mode = #tpu.pipeline_mode<synchronous>, transform_indices = @transform_6, window_bounds = array<i64: 16, 32>}, {pipeline_mode = #tpu.pipeline_mode<synchronous>, transform_indices = @transform_7, window_bounds = array<i64: 96, 1>}, {pipeline_mode = #tpu.pipeline_mode<synchronous>, transform_indices = @transform_8, window_bounds = array<i64: 96, 1>}, {pipeline_mode = #tpu.pipeline_mode<synchronous>, transform_indices = @transform_9, window_bounds = array<i64: 16, 1>}, {transform_indices = @transform_10, window_bounds = array<i64: 4, 16, 4, 512>}]} {
    %get3A = arith.constant 0 : index
    %get3A_0 = arith.constant 0 : index
    %get3A_1 = vector.load %arg1[%get3A, %get3A_0] : memref<512x128xf32, #tpu.memory_space<vmem>>, vector<512x128xf32>
    %get3A_2 = arith.constant 0 : index
    %get3A_3 = arith.constant 0 : index
    %get3A_4 = arith.constant 0 : index
    %get3A_5 = vector.load %arg2[%get3A_2, %get3A_3, %get3A_4] : memref<2x512x128xf32, #tpu.memory_space<vmem>>, vector<1x512x128xf32>
    %get3A_6 = vector.shape_cast %get3A_5 : vector<1x512x128xf32> to vector<512x128xf32>
    %get3A_7 = arith.constant 1 : index
    %get3A_8 = arith.constant 0 : index
    %get3A_9 = arith.constant 0 : index
    %get3A_10 = vector.load %arg2[%get3A_7, %get3A_8, %get3A_9] : memref<2x512x128xf32, #tpu.memory_space<vmem>>, vector<1x512x128xf32>
    %get3A_11 = vector.shape_cast %get3A_10 : vector<1x512x128xf32> to vector<512x128xf32>
    %add3A = arith.addf %get3A_6, %get3A_11 : vector<512x128xf32>
    %get3A_12 = arith.constant 0 : index
    %get3A_13 = arith.constant 0 : index
    %get3A_14 = vector.load %arg3[%get3A_12, %get3A_13] : memref<512x128xf32, #tpu.memory_space<vmem>>, vector<512x128xf32>
    %add3A_15 = arith.addf %add3A, %get3A_14 : vector<512x128xf32>
    %mul3A = arith.mulf %get3A_1, %add3A_15 : vector<512x128xf32>
    %get3A_16 = arith.constant 0 : index
    %get3A_17 = arith.constant 0 : index
    %get3A_18 = vector.load %arg4[%get3A_16, %get3A_17] : memref<1x128xf32, #tpu.memory_space<vmem>>, vector<1x128xf32>
    %add3A_19 = vector.broadcast %get3A_18 : vector<1x128xf32> to vector<512x128xf32>
    %add3A_20 = arith.addf %mul3A, %add3A_19 : vector<512x128xf32>
    %tanh3A = math.tanh %add3A_20 : vector<512x128xf32>
    %slice3A = vector.extract_strided_slice %tanh3A {offsets = [0, 0], sizes = [512, 32], strides = [1, 1]} : vector<512x128xf32> to vector<512x32xf32>
    %get3A_21 = arith.constant 0 : index
    %get3A_22 = arith.constant 0 : index
    %get3A_23 = vector.load %arg5[%get3A_21, %get3A_22] : memref<96x32xf32, #tpu.memory_space<vmem>>, vector<96x32xf32>
    %dot_general3A = arith.constant dense<0.000000e+00> : vector<96x512xf32>
    %dot_general3A_24 = tpu.matmul %get3A_23, %slice3A, %dot_general3A {dimension_numbers = #tpu.dot_dimension_numbers<[1], [1], [0], [0], [0, 0, 1, 0], [], []>, transpose_lhs_hint = false} : vector<96x32xf32>, vector<512x32xf32>, vector<96x512xf32> -> vector<96x512xf32>
    %get3A_25 = arith.constant 0 : index
    %get3A_26 = arith.constant 0 : index
    %get3A_27 = vector.load %arg8[%get3A_25, %get3A_26] : memref<96x1xf32, #tpu.memory_space<vmem>>, vector<96x1xf32>
    %add3A_28 = vector.broadcast %get3A_27 : vector<96x1xf32> to vector<96x512xf32>
    %add3A_29 = arith.addf %dot_general3A_24, %add3A_28 : vector<96x512xf32>
    %broadcast_in_dim3A = arith.constant 0.000000e+00 : f32
    %broadcast_in_dim3A_30 = vector.broadcast %broadcast_in_dim3A : f32 to vector<32x512xf32>
    %get3A_31 = arith.constant 0 : index
    %get3A_32 = arith.constant 0 : index
    %get3A_33 = vector.load %arg6[%get3A_31, %get3A_32] : memref<96x32xf32, #tpu.memory_space<vmem>>, vector<96x32xf32>
    %dot_general3A_34 = arith.constant dense<0.000000e+00> : vector<96x512xf32>
    %dot_general3A_35 = tpu.matmul %get3A_33, %broadcast_in_dim3A_30, %dot_general3A_34 {dimension_numbers = #tpu.dot_dimension_numbers<[1], [0], [0], [1], [0, 0, 1, 1], [], []>, transpose_lhs_hint = false} : vector<96x32xf32>, vector<32x512xf32>, vector<96x512xf32> -> vector<96x512xf32>
    %get3A_36 = arith.constant 0 : index
    %get3A_37 = arith.constant 0 : index
    %get3A_38 = vector.load %arg9[%get3A_36, %get3A_37] : memref<96x1xf32, #tpu.memory_space<vmem>>, vector<96x1xf32>
    %add3A_39 = vector.broadcast %get3A_38 : vector<96x1xf32> to vector<96x512xf32>
    %add3A_40 = arith.addf %dot_general3A_35, %add3A_39 : vector<96x512xf32>
    %slice3A_41 = vector.extract_strided_slice %add3A_29 {offsets = [0, 0], sizes = [32, 512], strides = [1, 1]} : vector<96x512xf32> to vector<32x512xf32>
    %slice3A_42 = vector.extract_strided_slice %add3A_40 {offsets = [0, 0], sizes = [32, 512], strides = [1, 1]} : vector<96x512xf32> to vector<32x512xf32>
    %add3A_43 = arith.addf %slice3A_41, %slice3A_42 : vector<32x512xf32>
    %logistic3A = arith.negf %add3A_43 : vector<32x512xf32>
    %logistic3A_44 = math.exp %logistic3A : vector<32x512xf32>
    %logistic3A_45 = arith.constant 1.000000e+00 : f32
    %logistic3A_46 = vector.broadcast %logistic3A_45 : f32 to vector<32x512xf32>
    %logistic3A_47 = arith.addf %logistic3A_46, %logistic3A_44 : vector<32x512xf32>
    %logistic3A_48 = arith.divf %logistic3A_46, %logistic3A_47 : vector<32x512xf32>
    %slice3A_49 = vector.extract_strided_slice %add3A_29 {offsets = [32, 0], sizes = [32, 512], strides = [1, 1]} : vector<96x512xf32> to vector<32x512xf32>
    %slice3A_50 = vector.extract_strided_slice %add3A_40 {offsets = [32, 0], sizes = [32, 512], strides = [1, 1]} : vector<96x512xf32> to vector<32x512xf32>
    %add3A_51 = arith.addf %slice3A_49, %slice3A_50 : vector<32x512xf32>
    %logistic3A_52 = arith.negf %add3A_51 : vector<32x512xf32>
    %logistic3A_53 = math.exp %logistic3A_52 : vector<32x512xf32>
    %logistic3A_54 = arith.constant 1.000000e+00 : f32
    %logistic3A_55 = vector.broadcast %logistic3A_54 : f32 to vector<32x512xf32>
    %logistic3A_56 = arith.addf %logistic3A_55, %logistic3A_53 : vector<32x512xf32>
    %logistic3A_57 = arith.divf %logistic3A_55, %logistic3A_56 : vector<32x512xf32>
    %slice3A_58 = vector.extract_strided_slice %add3A_29 {offsets = [64, 0], sizes = [32, 512], strides = [1, 1]} : vector<96x512xf32> to vector<32x512xf32>
    %slice3A_59 = vector.extract_strided_slice %add3A_40 {offsets = [64, 0], sizes = [32, 512], strides = [1, 1]} : vector<96x512xf32> to vector<32x512xf32>
    %mul3A_60 = arith.mulf %logistic3A_48, %slice3A_59 : vector<32x512xf32>
    %add3A_61 = arith.addf %slice3A_58, %mul3A_60 : vector<32x512xf32>
    %tanh3A_62 = math.tanh %add3A_61 : vector<32x512xf32>
    %sub3A = arith.constant 1.000000e+00 : f32
    %sub3A_63 = vector.broadcast %sub3A : f32 to vector<32x512xf32>
    %sub3A_64 = arith.subf %sub3A_63, %logistic3A_57 : vector<32x512xf32>
    %mul3A_65 = arith.mulf %sub3A_64, %tanh3A_62 : vector<32x512xf32>
    %mul3A_66 = arith.mulf %logistic3A_57, %broadcast_in_dim3A_30 : vector<32x512xf32>
    %add3A_67 = arith.addf %mul3A_65, %mul3A_66 : vector<32x512xf32>
    %get3A_68 = arith.constant 0 : index
    %get3A_69 = arith.constant 0 : index
    %get3A_70 = vector.load %arg7[%get3A_68, %get3A_69] : memref<16x32xf32, #tpu.memory_space<vmem>>, vector<16x32xf32>
    %dot_general3A_71 = arith.constant dense<0.000000e+00> : vector<16x512xf32>
    %dot_general3A_72 = tpu.matmul %get3A_70, %add3A_67, %dot_general3A_71 {dimension_numbers = #tpu.dot_dimension_numbers<[1], [0], [0], [1], [0, 0, 1, 1], [], []>, transpose_lhs_hint = false} : vector<16x32xf32>, vector<32x512xf32>, vector<16x512xf32> -> vector<16x512xf32>
    %get3A_73 = arith.constant 0 : index
    %get3A_74 = arith.constant 0 : index
    %get3A_75 = vector.load %arg10[%get3A_73, %get3A_74] : memref<16x1xf32, #tpu.memory_space<vmem>>, vector<16x1xf32>
    %add3A_76 = vector.broadcast %get3A_75 : vector<16x1xf32> to vector<16x512xf32>
    %add3A_77 = arith.addf %dot_general3A_72, %add3A_76 : vector<16x512xf32>
    %swap3A = arith.constant 0 : index
    %swap3A_78 = arith.constant 0 : index
    %swap3A_79 = arith.constant 0 : index
    %swap3A_80 = arith.constant 0 : index
    %swap3A_81 = vector.load %arg11[%swap3A, %swap3A_78, %swap3A_79, %swap3A_80] : memref<4x16x4x512xf32, #tpu.memory_space<vmem>>, vector<1x16x1x512xf32>
    %swap3A_82 = vector.shape_cast %swap3A_81 : vector<1x16x1x512xf32> to vector<16x512xf32>
    %swap3A_83 = vector.shape_cast %add3A_77 : vector<16x512xf32> to vector<1x16x1x512xf32>
    tpu.vector_store %arg11[%swap3A, %swap3A_78, %swap3A_79, %swap3A_80], %swap3A_83 {strides = array<i32>} : memref<4x16x4x512xf32, #tpu.memory_space<vmem>>, vector<1x16x1x512xf32>,
    %get3A_84 = arith.constant 0 : index
    %get3A_85 = arith.constant 0 : index
    %get3A_86 = vector.load %arg6[%get3A_84, %get3A_85] : memref<96x32xf32, #tpu.memory_space<vmem>>, vector<96x32xf32>
    %dot_general3A_87 = arith.constant dense<0.000000e+00> : vector<96x512xf32>
    %dot_general3A_88 = tpu.matmul %get3A_86, %add3A_67, %dot_general3A_87 {dimension_numbers = #tpu.dot_dimension_numbers<[1], [0], [0], [1], [0, 0, 1, 1], [], []>, transpose_lhs_hint = false} : vector<96x32xf32>, vector<32x512xf32>, vector<96x512xf32> -> vector<96x512xf32>
    %get3A_89 = arith.constant 0 : index
    %get3A_90 = arith.constant 0 : index
    %get3A_91 = vector.load %arg9[%get3A_89, %get3A_90] : memref<96x1xf32, #tpu.memory_space<vmem>>, vector<96x1xf32>
    %add3A_92 = vector.broadcast %get3A_91 : vector<96x1xf32> to vector<96x512xf32>
    %add3A_93 = arith.addf %dot_general3A_88, %add3A_92 : vector<96x512xf32>
    %slice3A_94 = vector.extract_strided_slice %add3A_29 {offsets = [0, 0], sizes = [32, 512], strides = [1, 1]} : vector<96x512xf32> to vector<32x512xf32>
    %slice3A_95 = vector.extract_strided_slice %add3A_93 {offsets = [0, 0], sizes = [32, 512], strides = [1, 1]} : vector<96x512xf32> to vector<32x512xf32>
    %add3A_96 = arith.addf %slice3A_94, %slice3A_95 : vector<32x512xf32>
    %logistic3A_97 = arith.negf %add3A_96 : vector<32x512xf32>
    %logistic3A_98 = math.exp %logistic3A_97 : vector<32x512xf32>
    %logistic3A_99 = arith.constant 1.000000e+00 : f32
    %logistic3A_100 = vector.broadcast %logistic3A_99 : f32 to vector<32x512xf32>
    %logistic3A_101 = arith.addf %logistic3A_100, %logistic3A_98 : vector<32x512xf32>
    %logistic3A_102 = arith.divf %logistic3A_100, %logistic3A_101 : vector<32x512xf32>
    %slice3A_103 = vector.extract_strided_slice %add3A_29 {offsets = [32, 0], sizes = [32, 512], strides = [1, 1]} : vector<96x512xf32> to vector<32x512xf32>
    %slice3A_104 = vector.extract_strided_slice %add3A_93 {offsets = [32, 0], sizes = [32, 512], strides = [1, 1]} : vector<96x512xf32> to vector<32x512xf32>
    %add3A_105 = arith.addf %slice3A_103, %slice3A_104 : vector<32x512xf32>
    %logistic3A_106 = arith.negf %add3A_105 : vector<32x512xf32>
    %logistic3A_107 = math.exp %logistic3A_106 : vector<32x512xf32>
    %logistic3A_108 = arith.constant 1.000000e+00 : f32
    %logistic3A_109 = vector.broadcast %logistic3A_108 : f32 to vector<32x512xf32>
    %logistic3A_110 = arith.addf %logistic3A_109, %logistic3A_107 : vector<32x512xf32>
    %logistic3A_111 = arith.divf %logistic3A_109, %logistic3A_110 : vector<32x512xf32>
    %slice3A_112 = vector.extract_strided_slice %add3A_29 {offsets = [64, 0], sizes = [32, 512], strides = [1, 1]} : vector<96x512xf32> to vector<32x512xf32>
    %slice3A_113 = vector.extract_strided_slice %add3A_93 {offsets = [64, 0], sizes = [32, 512], strides = [1, 1]} : vector<96x512xf32> to vector<32x512xf32>
    %mul3A_114 = arith.mulf %logistic3A_102, %slice3A_113 : vector<32x512xf32>
    %add3A_115 = arith.addf %slice3A_112, %mul3A_114 : vector<32x512xf32>
    %tanh3A_116 = math.tanh %add3A_115 : vector<32x512xf32>
    %sub3A_117 = arith.constant 1.000000e+00 : f32
    %sub3A_118 = vector.broadcast %sub3A_117 : f32 to vector<32x512xf32>
    %sub3A_119 = arith.subf %sub3A_118, %logistic3A_111 : vector<32x512xf32>
    %mul3A_120 = arith.mulf %sub3A_119, %tanh3A_116 : vector<32x512xf32>
    %mul3A_121 = arith.mulf %logistic3A_111, %add3A_67 : vector<32x512xf32>
    %add3A_122 = arith.addf %mul3A_120, %mul3A_121 : vector<32x512xf32>
    %get3A_123 = arith.constant 0 : index
    %get3A_124 = arith.constant 0 : index
    %get3A_125 = vector.load %arg7[%get3A_123, %get3A_124] : memref<16x32xf32, #tpu.memory_space<vmem>>, vector<16x32xf32>
    %dot_general3A_126 = arith.constant dense<0.000000e+00> : vector<16x512xf32>
    %dot_general3A_127 = tpu.matmul %get3A_125, %add3A_122, %dot_general3A_126 {dimension_numbers = #tpu.dot_dimension_numbers<[1], [0], [0], [1], [0, 0, 1, 1], [], []>, transpose_lhs_hint = false} : vector<16x32xf32>, vector<32x512xf32>, vector<16x512xf32> -> vector<16x512xf32>
    %get3A_128 = arith.constant 0 : index
    %get3A_129 = arith.constant 0 : index
    %get3A_130 = vector.load %arg10[%get3A_128, %get3A_129] : memref<16x1xf32, #tpu.memory_space<vmem>>, vector<16x1xf32>
    %add3A_131 = vector.broadcast %get3A_130 : vector<16x1xf32> to vector<16x512xf32>
    %add3A_132 = arith.addf %dot_general3A_127, %add3A_131 : vector<16x512xf32>
    %swap3A_133 = arith.constant 1 : index
    %swap3A_134 = arith.constant 0 : index
    %swap3A_135 = arith.constant 0 : index
    %swap3A_136 = arith.constant 0 : index
    %swap3A_137 = vector.load %arg11[%swap3A_133, %swap3A_134, %swap3A_135, %swap3A_136] : memref<4x16x4x512xf32, #tpu.memory_space<vmem>>, vector<1x16x1x512xf32>
    %swap3A_138 = vector.shape_cast %swap3A_137 : vector<1x16x1x512xf32> to vector<16x512xf32>
    %swap3A_139 = vector.shape_cast %add3A_132 : vector<16x512xf32> to vector<1x16x1x512xf32>
    tpu.vector_store %arg11[%swap3A_133, %swap3A_134, %swap3A_135, %swap3A_136], %swap3A_139 {strides = array<i32>} : memref<4x16x4x512xf32, #tpu.memory_space<vmem>>, vector<1x16x1x512xf32>,
    %get3A_140 = arith.constant 0 : index
    %get3A_141 = arith.constant 0 : index
    %get3A_142 = vector.load %arg6[%get3A_140, %get3A_141] : memref<96x32xf32, #tpu.memory_space<vmem>>, vector<96x32xf32>
    %dot_general3A_143 = arith.constant dense<0.000000e+00> : vector<96x512xf32>
    %dot_general3A_144 = tpu.matmul %get3A_142, %add3A_122, %dot_general3A_143 {dimension_numbers = #tpu.dot_dimension_numbers<[1], [0], [0], [1], [0, 0, 1, 1], [], []>, transpose_lhs_hint = false} : vector<96x32xf32>, vector<32x512xf32>, vector<96x512xf32> -> vector<96x512xf32>
    %get3A_145 = arith.constant 0 : index
    %get3A_146 = arith.constant 0 : index
    %get3A_147 = vector.load %arg9[%get3A_145, %get3A_146] : memref<96x1xf32, #tpu.memory_space<vmem>>, vector<96x1xf32>
    %add3A_148 = vector.broadcast %get3A_147 : vector<96x1xf32> to vector<96x512xf32>
    %add3A_149 = arith.addf %dot_general3A_144, %add3A_148 : vector<96x512xf32>
    %slice3A_150 = vector.extract_strided_slice %add3A_29 {offsets = [0, 0], sizes = [32, 512], strides = [1, 1]} : vector<96x512xf32> to vector<32x512xf32>
    %slice3A_151 = vector.extract_strided_slice %add3A_149 {offsets = [0, 0], sizes = [32, 512], strides = [1, 1]} : vector<96x512xf32> to vector<32x512xf32>
    %add3A_152 = arith.addf %slice3A_150, %slice3A_151 : vector<32x512xf32>
    %logistic3A_153 = arith.negf %add3A_152 : vector<32x512xf32>
    %logistic3A_154 = math.exp %logistic3A_153 : vector<32x512xf32>
    %logistic3A_155 = arith.constant 1.000000e+00 : f32
    %logistic3A_156 = vector.broadcast %logistic3A_155 : f32 to vector<32x512xf32>
    %logistic3A_157 = arith.addf %logistic3A_156, %logistic3A_154 : vector<32x512xf32>
    %logistic3A_158 = arith.divf %logistic3A_156, %logistic3A_157 : vector<32x512xf32>
    %slice3A_159 = vector.extract_strided_slice %add3A_29 {offsets = [32, 0], sizes = [32, 512], strides = [1, 1]} : vector<96x512xf32> to vector<32x512xf32>
    %slice3A_160 = vector.extract_strided_slice %add3A_149 {offsets = [32, 0], sizes = [32, 512], strides = [1, 1]} : vector<96x512xf32> to vector<32x512xf32>
    %add3A_161 = arith.addf %slice3A_159, %slice3A_160 : vector<32x512xf32>
    %logistic3A_162 = arith.negf %add3A_161 : vector<32x512xf32>
    %logistic3A_163 = math.exp %logistic3A_162 : vector<32x512xf32>
    %logistic3A_164 = arith.constant 1.000000e+00 : f32
    %logistic3A_165 = vector.broadcast %logistic3A_164 : f32 to vector<32x512xf32>
    %logistic3A_166 = arith.addf %logistic3A_165, %logistic3A_163 : vector<32x512xf32>
    %logistic3A_167 = arith.divf %logistic3A_165, %logistic3A_166 : vector<32x512xf32>
    %slice3A_168 = vector.extract_strided_slice %add3A_29 {offsets = [64, 0], sizes = [32, 512], strides = [1, 1]} : vector<96x512xf32> to vector<32x512xf32>
    %slice3A_169 = vector.extract_strided_slice %add3A_149 {offsets = [64, 0], sizes = [32, 512], strides = [1, 1]} : vector<96x512xf32> to vector<32x512xf32>
    %mul3A_170 = arith.mulf %logistic3A_158, %slice3A_169 : vector<32x512xf32>
    %add3A_171 = arith.addf %slice3A_168, %mul3A_170 : vector<32x512xf32>
    %tanh3A_172 = math.tanh %add3A_171 : vector<32x512xf32>
    %sub3A_173 = arith.constant 1.000000e+00 : f32
    %sub3A_174 = vector.broadcast %sub3A_173 : f32 to vector<32x512xf32>
    %sub3A_175 = arith.subf %sub3A_174, %logistic3A_167 : vector<32x512xf32>
    %mul3A_176 = arith.mulf %sub3A_175, %tanh3A_172 : vector<32x512xf32>
    %mul3A_177 = arith.mulf %logistic3A_167, %add3A_122 : vector<32x512xf32>
    %add3A_178 = arith.addf %mul3A_176, %mul3A_177 : vector<32x512xf32>
    %get3A_179 = arith.constant 0 : index
    %get3A_180 = arith.constant 0 : index
    %get3A_181 = vector.load %arg7[%get3A_179, %get3A_180] : memref<16x32xf32, #tpu.memory_space<vmem>>, vector<16x32xf32>
    %dot_general3A_182 = arith.constant dense<0.000000e+00> : vector<16x512xf32>
    %dot_general3A_183 = tpu.matmul %get3A_181, %add3A_178, %dot_general3A_182 {dimension_numbers = #tpu.dot_dimension_numbers<[1], [0], [0], [1], [0, 0, 1, 1], [], []>, transpose_lhs_hint = false} : vector<16x32xf32>, vector<32x512xf32>, vector<16x512xf32> -> vector<16x512xf32>
    %get3A_184 = arith.constant 0 : index
    %get3A_185 = arith.constant 0 : index
    %get3A_186 = vector.load %arg10[%get3A_184, %get3A_185] : memref<16x1xf32, #tpu.memory_space<vmem>>, vector<16x1xf32>
    %add3A_187 = vector.broadcast %get3A_186 : vector<16x1xf32> to vector<16x512xf32>
    %add3A_188 = arith.addf %dot_general3A_183, %add3A_187 : vector<16x512xf32>
    %swap3A_189 = arith.constant 2 : index
    %swap3A_190 = arith.constant 0 : index
    %swap3A_191 = arith.constant 0 : index
    %swap3A_192 = arith.constant 0 : index
    %swap3A_193 = vector.load %arg11[%swap3A_189, %swap3A_190, %swap3A_191, %swap3A_192] : memref<4x16x4x512xf32, #tpu.memory_space<vmem>>, vector<1x16x1x512xf32>
    %swap3A_194 = vector.shape_cast %swap3A_193 : vector<1x16x1x512xf32> to vector<16x512xf32>
    %swap3A_195 = vector.shape_cast %add3A_188 : vector<16x512xf32> to vector<1x16x1x512xf32>
    tpu.vector_store %arg11[%swap3A_189, %swap3A_190, %swap3A_191, %swap3A_192], %swap3A_195 {strides = array<i32>} : memref<4x16x4x512xf32, #tpu.memory_space<vmem>>, vector<1x16x1x512xf32>,
    %get3A_196 = arith.constant 0 : index
    %get3A_197 = arith.constant 0 : index
    %get3A_198 = vector.load %arg6[%get3A_196, %get3A_197] : memref<96x32xf32, #tpu.memory_space<vmem>>, vector<96x32xf32>
    %dot_general3A_199 = arith.constant dense<0.000000e+00> : vector<96x512xf32>
    %dot_general3A_200 = tpu.matmul %get3A_198, %add3A_178, %dot_general3A_199 {dimension_numbers = #tpu.dot_dimension_numbers<[1], [0], [0], [1], [0, 0, 1, 1], [], []>, transpose_lhs_hint = false} : vector<96x32xf32>, vector<32x512xf32>, vector<96x512xf32> -> vector<96x512xf32>
    %get3A_201 = arith.constant 0 : index
    %get3A_202 = arith.constant 0 : index
    %get3A_203 = vector.load %arg9[%get3A_201, %get3A_202] : memref<96x1xf32, #tpu.memory_space<vmem>>, vector<96x1xf32>
    %add3A_204 = vector.broadcast %get3A_203 : vector<96x1xf32> to vector<96x512xf32>
    %add3A_205 = arith.addf %dot_general3A_200, %add3A_204 : vector<96x512xf32>
    %slice3A_206 = vector.extract_strided_slice %add3A_29 {offsets = [0, 0], sizes = [32, 512], strides = [1, 1]} : vector<96x512xf32> to vector<32x512xf32>
    %slice3A_207 = vector.extract_strided_slice %add3A_205 {offsets = [0, 0], sizes = [32, 512], strides = [1, 1]} : vector<96x512xf32> to vector<32x512xf32>
    %add3A_208 = arith.addf %slice3A_206, %slice3A_207 : vector<32x512xf32>
    %logistic3A_209 = arith.negf %add3A_208 : vector<32x512xf32>
    %logistic3A_210 = math.exp %logistic3A_209 : vector<32x512xf32>
    %logistic3A_211 = arith.constant 1.000000e+00 : f32
    %logistic3A_212 = vector.broadcast %logistic3A_211 : f32 to vector<32x512xf32>
    %logistic3A_213 = arith.addf %logistic3A_212, %logistic3A_210 : vector<32x512xf32>
    %logistic3A_214 = arith.divf %logistic3A_212, %logistic3A_213 : vector<32x512xf32>
    %slice3A_215 = vector.extract_strided_slice %add3A_29 {offsets = [32, 0], sizes = [32, 512], strides = [1, 1]} : vector<96x512xf32> to vector<32x512xf32>
    %slice3A_216 = vector.extract_strided_slice %add3A_205 {offsets = [32, 0], sizes = [32, 512], strides = [1, 1]} : vector<96x512xf32> to vector<32x512xf32>
    %add3A_217 = arith.addf %slice3A_215, %slice3A_216 : vector<32x512xf32>
    %logistic3A_218 = arith.negf %add3A_217 : vector<32x512xf32>
    %logistic3A_219 = math.exp %logistic3A_218 : vector<32x512xf32>
    %logistic3A_220 = arith.constant 1.000000e+00 : f32
    %logistic3A_221 = vector.broadcast %logistic3A_220 : f32 to vector<32x512xf32>
    %logistic3A_222 = arith.addf %logistic3A_221, %logistic3A_219 : vector<32x512xf32>
    %logistic3A_223 = arith.divf %logistic3A_221, %logistic3A_222 : vector<32x512xf32>
    %slice3A_224 = vector.extract_strided_slice %add3A_29 {offsets = [64, 0], sizes = [32, 512], strides = [1, 1]} : vector<96x512xf32> to vector<32x512xf32>
    %slice3A_225 = vector.extract_strided_slice %add3A_205 {offsets = [64, 0], sizes = [32, 512], strides = [1, 1]} : vector<96x512xf32> to vector<32x512xf32>
    %mul3A_226 = arith.mulf %logistic3A_214, %slice3A_225 : vector<32x512xf32>
    %add3A_227 = arith.addf %slice3A_224, %mul3A_226 : vector<32x512xf32>
    %tanh3A_228 = math.tanh %add3A_227 : vector<32x512xf32>
    %sub3A_229 = arith.constant 1.000000e+00 : f32
    %sub3A_230 = vector.broadcast %sub3A_229 : f32 to vector<32x512xf32>
    %sub3A_231 = arith.subf %sub3A_230, %logistic3A_223 : vector<32x512xf32>
    %mul3A_232 = arith.mulf %sub3A_231, %tanh3A_228 : vector<32x512xf32>
    %mul3A_233 = arith.mulf %logistic3A_223, %add3A_178 : vector<32x512xf32>
    %add3A_234 = arith.addf %mul3A_232, %mul3A_233 : vector<32x512xf32>
    %get3A_235 = arith.constant 0 : index
    %get3A_236 = arith.constant 0 : index
    %get3A_237 = vector.load %arg7[%get3A_235, %get3A_236] : memref<16x32xf32, #tpu.memory_space<vmem>>, vector<16x32xf32>
    %dot_general3A_238 = arith.constant dense<0.000000e+00> : vector<16x512xf32>
    %dot_general3A_239 = tpu.matmul %get3A_237, %add3A_234, %dot_general3A_238 {dimension_numbers = #tpu.dot_dimension_numbers<[1], [0], [0], [1], [0, 0, 1, 1], [], []>, transpose_lhs_hint = false} : vector<16x32xf32>, vector<32x512xf32>, vector<16x512xf32> -> vector<16x512xf32>
    %get3A_240 = arith.constant 0 : index
    %get3A_241 = arith.constant 0 : index
    %get3A_242 = vector.load %arg10[%get3A_240, %get3A_241] : memref<16x1xf32, #tpu.memory_space<vmem>>, vector<16x1xf32>
    %add3A_243 = vector.broadcast %get3A_242 : vector<16x1xf32> to vector<16x512xf32>
    %add3A_244 = arith.addf %dot_general3A_239, %add3A_243 : vector<16x512xf32>
    %swap3A_245 = arith.constant 3 : index
    %swap3A_246 = arith.constant 0 : index
    %swap3A_247 = arith.constant 0 : index
    %swap3A_248 = arith.constant 0 : index
    %swap3A_249 = vector.load %arg11[%swap3A_245, %swap3A_246, %swap3A_247, %swap3A_248] : memref<4x16x4x512xf32, #tpu.memory_space<vmem>>, vector<1x16x1x512xf32>
    %swap3A_250 = vector.shape_cast %swap3A_249 : vector<1x16x1x512xf32> to vector<16x512xf32>
    %swap3A_251 = vector.shape_cast %add3A_244 : vector<16x512xf32> to vector<1x16x1x512xf32>
    tpu.vector_store %arg11[%swap3A_245, %swap3A_246, %swap3A_247, %swap3A_248], %swap3A_251 {strides = array<i32>} : memref<4x16x4x512xf32, #tpu.memory_space<vmem>>, vector<1x16x1x512xf32>,
    %slice3A_252 = vector.extract_strided_slice %tanh3A {offsets = [0, 32], sizes = [512, 32], strides = [1, 1]} : vector<512x128xf32> to vector<512x32xf32>
    %get3A_253 = arith.constant 0 : index
    %get3A_254 = arith.constant 0 : index
    %get3A_255 = vector.load %arg5[%get3A_253, %get3A_254] : memref<96x32xf32, #tpu.memory_space<vmem>>, vector<96x32xf32>
    %dot_general3A_256 = arith.constant dense<0.000000e+00> : vector<96x512xf32>
    %dot_general3A_257 = tpu.matmul %get3A_255, %slice3A_252, %dot_general3A_256 {dimension_numbers = #tpu.dot_dimension_numbers<[1], [1], [0], [0], [0, 0, 1, 0], [], []>, transpose_lhs_hint = false} : vector<96x32xf32>, vector<512x32xf32>, vector<96x512xf32> -> vector<96x512xf32>
    %get3A_258 = arith.constant 0 : index
    %get3A_259 = arith.constant 0 : index
    %get3A_260 = vector.load %arg8[%get3A_258, %get3A_259] : memref<96x1xf32, #tpu.memory_space<vmem>>, vector<96x1xf32>
    %add3A_261 = vector.broadcast %get3A_260 : vector<96x1xf32> to vector<96x512xf32>
    %add3A_262 = arith.addf %dot_general3A_257, %add3A_261 : vector<96x512xf32>
    %broadcast_in_dim3A_263 = arith.constant 0.000000e+00 : f32
    %broadcast_in_dim3A_264 = vector.broadcast %broadcast_in_dim3A_263 : f32 to vector<32x512xf32>
    %get3A_265 = arith.constant 0 : index
    %get3A_266 = arith.constant 0 : index
    %get3A_267 = vector.load %arg6[%get3A_265, %get3A_266] : memref<96x32xf32, #tpu.memory_space<vmem>>, vector<96x32xf32>
    %dot_general3A_268 = arith.constant dense<0.000000e+00> : vector<96x512xf32>
    %dot_general3A_269 = tpu.matmul %get3A_267, %broadcast_in_dim3A_264, %dot_general3A_268 {dimension_numbers = #tpu.dot_dimension_numbers<[1], [0], [0], [1], [0, 0, 1, 1], [], []>, transpose_lhs_hint = false} : vector<96x32xf32>, vector<32x512xf32>, vector<96x512xf32> -> vector<96x512xf32>
    %get3A_270 = arith.constant 0 : index
    %get3A_271 = arith.constant 0 : index
    %get3A_272 = vector.load %arg9[%get3A_270, %get3A_271] : memref<96x1xf32, #tpu.memory_space<vmem>>, vector<96x1xf32>
    %add3A_273 = vector.broadcast %get3A_272 : vector<96x1xf32> to vector<96x512xf32>
    %add3A_274 = arith.addf %dot_general3A_269, %add3A_273 : vector<96x512xf32>
    %slice3A_275 = vector.extract_strided_slice %add3A_262 {offsets = [0, 0], sizes = [32, 512], strides = [1, 1]} : vector<96x512xf32> to vector<32x512xf32>
    %slice3A_276 = vector.extract_strided_slice %add3A_274 {offsets = [0, 0], sizes = [32, 512], strides = [1, 1]} : vector<96x512xf32> to vector<32x512xf32>
    %add3A_277 = arith.addf %slice3A_275, %slice3A_276 : vector<32x512xf32>
    %logistic3A_278 = arith.negf %add3A_277 : vector<32x512xf32>
    %logistic3A_279 = math.exp %logistic3A_278 : vector<32x512xf32>
    %logistic3A_280 = arith.constant 1.000000e+00 : f32
    %logistic3A_281 = vector.broadcast %logistic3A_280 : f32 to vector<32x512xf32>
    %logistic3A_282 = arith.addf %logistic3A_281, %logistic3A_279 : vector<32x512xf32>
    %logistic3A_283 = arith.divf %logistic3A_281, %logistic3A_282 : vector<32x512xf32>
    %slice3A_284 = vector.extract_strided_slice %add3A_262 {offsets = [32, 0], sizes = [32, 512], strides = [1, 1]} : vector<96x512xf32> to vector<32x512xf32>
    %slice3A_285 = vector.extract_strided_slice %add3A_274 {offsets = [32, 0], sizes = [32, 512], strides = [1, 1]} : vector<96x512xf32> to vector<32x512xf32>
    %add3A_286 = arith.addf %slice3A_284, %slice3A_285 : vector<32x512xf32>
    %logistic3A_287 = arith.negf %add3A_286 : vector<32x512xf32>
    %logistic3A_288 = math.exp %logistic3A_287 : vector<32x512xf32>
    %logistic3A_289 = arith.constant 1.000000e+00 : f32
    %logistic3A_290 = vector.broadcast %logistic3A_289 : f32 to vector<32x512xf32>
    %logistic3A_291 = arith.addf %logistic3A_290, %logistic3A_288 : vector<32x512xf32>
    %logistic3A_292 = arith.divf %logistic3A_290, %logistic3A_291 : vector<32x512xf32>
    %slice3A_293 = vector.extract_strided_slice %add3A_262 {offsets = [64, 0], sizes = [32, 512], strides = [1, 1]} : vector<96x512xf32> to vector<32x512xf32>
    %slice3A_294 = vector.extract_strided_slice %add3A_274 {offsets = [64, 0], sizes = [32, 512], strides = [1, 1]} : vector<96x512xf32> to vector<32x512xf32>
    %mul3A_295 = arith.mulf %logistic3A_283, %slice3A_294 : vector<32x512xf32>
    %add3A_296 = arith.addf %slice3A_293, %mul3A_295 : vector<32x512xf32>
    %tanh3A_297 = math.tanh %add3A_296 : vector<32x512xf32>
    %sub3A_298 = arith.constant 1.000000e+00 : f32
    %sub3A_299 = vector.broadcast %sub3A_298 : f32 to vector<32x512xf32>
    %sub3A_300 = arith.subf %sub3A_299, %logistic3A_292 : vector<32x512xf32>
    %mul3A_301 = arith.mulf %sub3A_300, %tanh3A_297 : vector<32x512xf32>
    %mul3A_302 = arith.mulf %logistic3A_292, %broadcast_in_dim3A_264 : vector<32x512xf32>
    %add3A_303 = arith.addf %mul3A_301, %mul3A_302 : vector<32x512xf32>
    %get3A_304 = arith.constant 0 : index
    %get3A_305 = arith.constant 0 : index
    %get3A_306 = vector.load %arg7[%get3A_304, %get3A_305] : memref<16x32xf32, #tpu.memory_space<vmem>>, vector<16x32xf32>
    %dot_general3A_307 = arith.constant dense<0.000000e+00> : vector<16x512xf32>
    %dot_general3A_308 = tpu.matmul %get3A_306, %add3A_303, %dot_general3A_307 {dimension_numbers = #tpu.dot_dimension_numbers<[1], [0], [0], [1], [0, 0, 1, 1], [], []>, transpose_lhs_hint = false} : vector<16x32xf32>, vector<32x512xf32>, vector<16x512xf32> -> vector<16x512xf32>
    %get3A_309 = arith.constant 0 : index
    %get3A_310 = arith.constant 0 : index
    %get3A_311 = vector.load %arg10[%get3A_309, %get3A_310] : memref<16x1xf32, #tpu.memory_space<vmem>>, vector<16x1xf32>
    %add3A_312 = vector.broadcast %get3A_311 : vector<16x1xf32> to vector<16x512xf32>
    %add3A_313 = arith.addf %dot_general3A_308, %add3A_312 : vector<16x512xf32>
    %swap3A_314 = arith.constant 0 : index
    %swap3A_315 = arith.constant 0 : index
    %swap3A_316 = arith.constant 1 : index
    %swap3A_317 = arith.constant 0 : index
    %swap3A_318 = vector.load %arg11[%swap3A_314, %swap3A_315, %swap3A_316, %swap3A_317] : memref<4x16x4x512xf32, #tpu.memory_space<vmem>>, vector<1x16x1x512xf32>
    %swap3A_319 = vector.shape_cast %swap3A_318 : vector<1x16x1x512xf32> to vector<16x512xf32>
    %swap3A_320 = vector.shape_cast %add3A_313 : vector<16x512xf32> to vector<1x16x1x512xf32>
    tpu.vector_store %arg11[%swap3A_314, %swap3A_315, %swap3A_316, %swap3A_317], %swap3A_320 {strides = array<i32>} : memref<4x16x4x512xf32, #tpu.memory_space<vmem>>, vector<1x16x1x512xf32>,
    %get3A_321 = arith.constant 0 : index
    %get3A_322 = arith.constant 0 : index
    %get3A_323 = vector.load %arg6[%get3A_321, %get3A_322] : memref<96x32xf32, #tpu.memory_space<vmem>>, vector<96x32xf32>
    %dot_general3A_324 = arith.constant dense<0.000000e+00> : vector<96x512xf32>
    %dot_general3A_325 = tpu.matmul %get3A_323, %add3A_303, %dot_general3A_324 {dimension_numbers = #tpu.dot_dimension_numbers<[1], [0], [0], [1], [0, 0, 1, 1], [], []>, transpose_lhs_hint = false} : vector<96x32xf32>, vector<32x512xf32>, vector<96x512xf32> -> vector<96x512xf32>
    %get3A_326 = arith.constant 0 : index
    %get3A_327 = arith.constant 0 : index
    %get3A_328 = vector.load %arg9[%get3A_326, %get3A_327] : memref<96x1xf32, #tpu.memory_space<vmem>>, vector<96x1xf32>
    %add3A_329 = vector.broadcast %get3A_328 : vector<96x1xf32> to vector<96x512xf32>
    %add3A_330 = arith.addf %dot_general3A_325, %add3A_329 : vector<96x512xf32>
    %slice3A_331 = vector.extract_strided_slice %add3A_262 {offsets = [0, 0], sizes = [32, 512], strides = [1, 1]} : vector<96x512xf32> to vector<32x512xf32>
    %slice3A_332 = vector.extract_strided_slice %add3A_330 {offsets = [0, 0], sizes = [32, 512], strides = [1, 1]} : vector<96x512xf32> to vector<32x512xf32>
    %add3A_333 = arith.addf %slice3A_331, %slice3A_332 : vector<32x512xf32>
    %logistic3A_334 = arith.negf %add3A_333 : vector<32x512xf32>
    %logistic3A_335 = math.exp %logistic3A_334 : vector<32x512xf32>
    %logistic3A_336 = arith.constant 1.000000e+00 : f32
    %logistic3A_337 = vector.broadcast %logistic3A_336 : f32 to vector<32x512xf32>
    %logistic3A_338 = arith.addf %logistic3A_337, %logistic3A_335 : vector<32x512xf32>
    %logistic3A_339 = arith.divf %logistic3A_337, %logistic3A_338 : vector<32x512xf32>
    %slice3A_340 = vector.extract_strided_slice %add3A_262 {offsets = [32, 0], sizes = [32, 512], strides = [1, 1]} : vector<96x512xf32> to vector<32x512xf32>
    %slice3A_341 = vector.extract_strided_slice %add3A_330 {offsets = [32, 0], sizes = [32, 512], strides = [1, 1]} : vector<96x512xf32> to vector<32x512xf32>
    %add3A_342 = arith.addf %slice3A_340, %slice3A_341 : vector<32x512xf32>
    %logistic3A_343 = arith.negf %add3A_342 : vector<32x512xf32>
    %logistic3A_344 = math.exp %logistic3A_343 : vector<32x512xf32>
    %logistic3A_345 = arith.constant 1.000000e+00 : f32
    %logistic3A_346 = vector.broadcast %logistic3A_345 : f32 to vector<32x512xf32>
    %logistic3A_347 = arith.addf %logistic3A_346, %logistic3A_344 : vector<32x512xf32>
    %logistic3A_348 = arith.divf %logistic3A_346, %logistic3A_347 : vector<32x512xf32>
    %slice3A_349 = vector.extract_strided_slice %add3A_262 {offsets = [64, 0], sizes = [32, 512], strides = [1, 1]} : vector<96x512xf32> to vector<32x512xf32>
    %slice3A_350 = vector.extract_strided_slice %add3A_330 {offsets = [64, 0], sizes = [32, 512], strides = [1, 1]} : vector<96x512xf32> to vector<32x512xf32>
    %mul3A_351 = arith.mulf %logistic3A_339, %slice3A_350 : vector<32x512xf32>
    %add3A_352 = arith.addf %slice3A_349, %mul3A_351 : vector<32x512xf32>
    %tanh3A_353 = math.tanh %add3A_352 : vector<32x512xf32>
    %sub3A_354 = arith.constant 1.000000e+00 : f32
    %sub3A_355 = vector.broadcast %sub3A_354 : f32 to vector<32x512xf32>
    %sub3A_356 = arith.subf %sub3A_355, %logistic3A_348 : vector<32x512xf32>
    %mul3A_357 = arith.mulf %sub3A_356, %tanh3A_353 : vector<32x512xf32>
    %mul3A_358 = arith.mulf %logistic3A_348, %add3A_303 : vector<32x512xf32>
    %add3A_359 = arith.addf %mul3A_357, %mul3A_358 : vector<32x512xf32>
    %get3A_360 = arith.constant 0 : index
    %get3A_361 = arith.constant 0 : index
    %get3A_362 = vector.load %arg7[%get3A_360, %get3A_361] : memref<16x32xf32, #tpu.memory_space<vmem>>, vector<16x32xf32>
    %dot_general3A_363 = arith.constant dense<0.000000e+00> : vector<16x512xf32>
    %dot_general3A_364 = tpu.matmul %get3A_362, %add3A_359, %dot_general3A_363 {dimension_numbers = #tpu.dot_dimension_numbers<[1], [0], [0], [1], [0, 0, 1, 1], [], []>, transpose_lhs_hint = false} : vector<16x32xf32>, vector<32x512xf32>, vector<16x512xf32> -> vector<16x512xf32>
    %get3A_365 = arith.constant 0 : index
    %get3A_366 = arith.constant 0 : index
    %get3A_367 = vector.load %arg10[%get3A_365, %get3A_366] : memref<16x1xf32, #tpu.memory_space<vmem>>, vector<16x1xf32>
    %add3A_368 = vector.broadcast %get3A_367 : vector<16x1xf32> to vector<16x512xf32>
    %add3A_369 = arith.addf %dot_general3A_364, %add3A_368 : vector<16x512xf32>
    %swap3A_370 = arith.constant 1 : index
    %swap3A_371 = arith.constant 0 : index
    %swap3A_372 = arith.constant 1 : index
    %swap3A_373 = arith.constant 0 : index
    %swap3A_374 = vector.load %arg11[%swap3A_370, %swap3A_371, %swap3A_372, %swap3A_373] : memref<4x16x4x512xf32, #tpu.memory_space<vmem>>, vector<1x16x1x512xf32>
    %swap3A_375 = vector.shape_cast %swap3A_374 : vector<1x16x1x512xf32> to vector<16x512xf32>
    %swap3A_376 = vector.shape_cast %add3A_369 : vector<16x512xf32> to vector<1x16x1x512xf32>
    tpu.vector_store %arg11[%swap3A_370, %swap3A_371, %swap3A_372, %swap3A_373], %swap3A_376 {strides = array<i32>} : memref<4x16x4x512xf32, #tpu.memory_space<vmem>>, vector<1x16x1x512xf32>,
    %get3A_377 = arith.constant 0 : index
    %get3A_378 = arith.constant 0 : index
    %get3A_379 = vector.load %arg6[%get3A_377, %get3A_378] : memref<96x32xf32, #tpu.memory_space<vmem>>, vector<96x32xf32>
    %dot_general3A_380 = arith.constant dense<0.000000e+00> : vector<96x512xf32>
    %dot_general3A_381 = tpu.matmul %get3A_379, %add3A_359, %dot_general3A_380 {dimension_numbers = #tpu.dot_dimension_numbers<[1], [0], [0], [1], [0, 0, 1, 1], [], []>, transpose_lhs_hint = false} : vector<96x32xf32>, vector<32x512xf32>, vector<96x512xf32> -> vector<96x512xf32>
    %get3A_382 = arith.constant 0 : index
    %get3A_383 = arith.constant 0 : index
    %get3A_384 = vector.load %arg9[%get3A_382, %get3A_383] : memref<96x1xf32, #tpu.memory_space<vmem>>, vector<96x1xf32>
    %add3A_385 = vector.broadcast %get3A_384 : vector<96x1xf32> to vector<96x512xf32>
    %add3A_386 = arith.addf %dot_general3A_381, %add3A_385 : vector<96x512xf32>
    %slice3A_387 = vector.extract_strided_slice %add3A_262 {offsets = [0, 0], sizes = [32, 512], strides = [1, 1]} : vector<96x512xf32> to vector<32x512xf32>
    %slice3A_388 = vector.extract_strided_slice %add3A_386 {offsets = [0, 0], sizes = [32, 512], strides = [1, 1]} : vector<96x512xf32> to vector<32x512xf32>
    %add3A_389 = arith.addf %slice3A_387, %slice3A_388 : vector<32x512xf32>
    %logistic3A_390 = arith.negf %add3A_389 : vector<32x512xf32>
    %logistic3A_391 = math.exp %logistic3A_390 : vector<32x512xf32>
    %logistic3A_392 = arith.constant 1.000000e+00 : f32
    %logistic3A_393 = vector.broadcast %logistic3A_392 : f32 to vector<32x512xf32>
    %logistic3A_394 = arith.addf %logistic3A_393, %logistic3A_391 : vector<32x512xf32>
    %logistic3A_395 = arith.divf %logistic3A_393, %logistic3A_394 : vector<32x512xf32>
    %slice3A_396 = vector.extract_strided_slice %add3A_262 {offsets = [32, 0], sizes = [32, 512], strides = [1, 1]} : vector<96x512xf32> to vector<32x512xf32>
    %slice3A_397 = vector.extract_strided_slice %add3A_386 {offsets = [32, 0], sizes = [32, 512], strides = [1, 1]} : vector<96x512xf32> to vector<32x512xf32>
    %add3A_398 = arith.addf %slice3A_396, %slice3A_397 : vector<32x512xf32>
    %logistic3A_399 = arith.negf %add3A_398 : vector<32x512xf32>
    %logistic3A_400 = math.exp %logistic3A_399 : vector<32x512xf32>
    %logistic3A_401 = arith.constant 1.000000e+00 : f32
    %logistic3A_402 = vector.broadcast %logistic3A_401 : f32 to vector<32x512xf32>
    %logistic3A_403 = arith.addf %logistic3A_402, %logistic3A_400 : vector<32x512xf32>
    %logistic3A_404 = arith.divf %logistic3A_402, %logistic3A_403 : vector<32x512xf32>
    %slice3A_405 = vector.extract_strided_slice %add3A_262 {offsets = [64, 0], sizes = [32, 512], strides = [1, 1]} : vector<96x512xf32> to vector<32x512xf32>
    %slice3A_406 = vector.extract_strided_slice %add3A_386 {offsets = [64, 0], sizes = [32, 512], strides = [1, 1]} : vector<96x512xf32> to vector<32x512xf32>
    %mul3A_407 = arith.mulf %logistic3A_395, %slice3A_406 : vector<32x512xf32>
    %add3A_408 = arith.addf %slice3A_405, %mul3A_407 : vector<32x512xf32>
    %tanh3A_409 = math.tanh %add3A_408 : vector<32x512xf32>
    %sub3A_410 = arith.constant 1.000000e+00 : f32
    %sub3A_411 = vector.broadcast %sub3A_410 : f32 to vector<32x512xf32>
    %sub3A_412 = arith.subf %sub3A_411, %logistic3A_404 : vector<32x512xf32>
    %mul3A_413 = arith.mulf %sub3A_412, %tanh3A_409 : vector<32x512xf32>
    %mul3A_414 = arith.mulf %logistic3A_404, %add3A_359 : vector<32x512xf32>
    %add3A_415 = arith.addf %mul3A_413, %mul3A_414 : vector<32x512xf32>
    %get3A_416 = arith.constant 0 : index
    %get3A_417 = arith.constant 0 : index
    %get3A_418 = vector.load %arg7[%get3A_416, %get3A_417] : memref<16x32xf32, #tpu.memory_space<vmem>>, vector<16x32xf32>
    %dot_general3A_419 = arith.constant dense<0.000000e+00> : vector<16x512xf32>
    %dot_general3A_420 = tpu.matmul %get3A_418, %add3A_415, %dot_general3A_419 {dimension_numbers = #tpu.dot_dimension_numbers<[1], [0], [0], [1], [0, 0, 1, 1], [], []>, transpose_lhs_hint = false} : vector<16x32xf32>, vector<32x512xf32>, vector<16x512xf32> -> vector<16x512xf32>
    %get3A_421 = arith.constant 0 : index
    %get3A_422 = arith.constant 0 : index
    %get3A_423 = vector.load %arg10[%get3A_421, %get3A_422] : memref<16x1xf32, #tpu.memory_space<vmem>>, vector<16x1xf32>
    %add3A_424 = vector.broadcast %get3A_423 : vector<16x1xf32> to vector<16x512xf32>
    %add3A_425 = arith.addf %dot_general3A_420, %add3A_424 : vector<16x512xf32>
    %swap3A_426 = arith.constant 2 : index
    %swap3A_427 = arith.constant 0 : index
    %swap3A_428 = arith.constant 1 : index
    %swap3A_429 = arith.constant 0 : index
    %swap3A_430 = vector.load %arg11[%swap3A_426, %swap3A_427, %swap3A_428, %swap3A_429] : memref<4x16x4x512xf32, #tpu.memory_space<vmem>>, vector<1x16x1x512xf32>
    %swap3A_431 = vector.shape_cast %swap3A_430 : vector<1x16x1x512xf32> to vector<16x512xf32>
    %swap3A_432 = vector.shape_cast %add3A_425 : vector<16x512xf32> to vector<1x16x1x512xf32>
    tpu.vector_store %arg11[%swap3A_426, %swap3A_427, %swap3A_428, %swap3A_429], %swap3A_432 {strides = array<i32>} : memref<4x16x4x512xf32, #tpu.memory_space<vmem>>, vector<1x16x1x512xf32>,
    %get3A_433 = arith.constant 0 : index
    %get3A_434 = arith.constant 0 : index
    %get3A_435 = vector.load %arg6[%get3A_433, %get3A_434] : memref<96x32xf32, #tpu.memory_space<vmem>>, vector<96x32xf32>
    %dot_general3A_436 = arith.constant dense<0.000000e+00> : vector<96x512xf32>
    %dot_general3A_437 = tpu.matmul %get3A_435, %add3A_415, %dot_general3A_436 {dimension_numbers = #tpu.dot_dimension_numbers<[1], [0], [0], [1], [0, 0, 1, 1], [], []>, transpose_lhs_hint = false} : vector<96x32xf32>, vector<32x512xf32>, vector<96x512xf32> -> vector<96x512xf32>
    %get3A_438 = arith.constant 0 : index
    %get3A_439 = arith.constant 0 : index
    %get3A_440 = vector.load %arg9[%get3A_438, %get3A_439] : memref<96x1xf32, #tpu.memory_space<vmem>>, vector<96x1xf32>
    %add3A_441 = vector.broadcast %get3A_440 : vector<96x1xf32> to vector<96x512xf32>
    %add3A_442 = arith.addf %dot_general3A_437, %add3A_441 : vector<96x512xf32>
    %slice3A_443 = vector.extract_strided_slice %add3A_262 {offsets = [0, 0], sizes = [32, 512], strides = [1, 1]} : vector<96x512xf32> to vector<32x512xf32>
    %slice3A_444 = vector.extract_strided_slice %add3A_442 {offsets = [0, 0], sizes = [32, 512], strides = [1, 1]} : vector<96x512xf32> to vector<32x512xf32>
    %add3A_445 = arith.addf %slice3A_443, %slice3A_444 : vector<32x512xf32>
    %logistic3A_446 = arith.negf %add3A_445 : vector<32x512xf32>
    %logistic3A_447 = math.exp %logistic3A_446 : vector<32x512xf32>
    %logistic3A_448 = arith.constant 1.000000e+00 : f32
    %logistic3A_449 = vector.broadcast %logistic3A_448 : f32 to vector<32x512xf32>
    %logistic3A_450 = arith.addf %logistic3A_449, %logistic3A_447 : vector<32x512xf32>
    %logistic3A_451 = arith.divf %logistic3A_449, %logistic3A_450 : vector<32x512xf32>
    %slice3A_452 = vector.extract_strided_slice %add3A_262 {offsets = [32, 0], sizes = [32, 512], strides = [1, 1]} : vector<96x512xf32> to vector<32x512xf32>
    %slice3A_453 = vector.extract_strided_slice %add3A_442 {offsets = [32, 0], sizes = [32, 512], strides = [1, 1]} : vector<96x512xf32> to vector<32x512xf32>
    %add3A_454 = arith.addf %slice3A_452, %slice3A_453 : vector<32x512xf32>
    %logistic3A_455 = arith.negf %add3A_454 : vector<32x512xf32>
    %logistic3A_456 = math.exp %logistic3A_455 : vector<32x512xf32>
    %logistic3A_457 = arith.constant 1.000000e+00 : f32
    %logistic3A_458 = vector.broadcast %logistic3A_457 : f32 to vector<32x512xf32>
    %logistic3A_459 = arith.addf %logistic3A_458, %logistic3A_456 : vector<32x512xf32>
    %logistic3A_460 = arith.divf %logistic3A_458, %logistic3A_459 : vector<32x512xf32>
    %slice3A_461 = vector.extract_strided_slice %add3A_262 {offsets = [64, 0], sizes = [32, 512], strides = [1, 1]} : vector<96x512xf32> to vector<32x512xf32>
    %slice3A_462 = vector.extract_strided_slice %add3A_442 {offsets = [64, 0], sizes = [32, 512], strides = [1, 1]} : vector<96x512xf32> to vector<32x512xf32>
    %mul3A_463 = arith.mulf %logistic3A_451, %slice3A_462 : vector<32x512xf32>
    %add3A_464 = arith.addf %slice3A_461, %mul3A_463 : vector<32x512xf32>
    %tanh3A_465 = math.tanh %add3A_464 : vector<32x512xf32>
    %sub3A_466 = arith.constant 1.000000e+00 : f32
    %sub3A_467 = vector.broadcast %sub3A_466 : f32 to vector<32x512xf32>
    %sub3A_468 = arith.subf %sub3A_467, %logistic3A_460 : vector<32x512xf32>
    %mul3A_469 = arith.mulf %sub3A_468, %tanh3A_465 : vector<32x512xf32>
    %mul3A_470 = arith.mulf %logistic3A_460, %add3A_415 : vector<32x512xf32>
    %add3A_471 = arith.addf %mul3A_469, %mul3A_470 : vector<32x512xf32>
    %get3A_472 = arith.constant 0 : index
    %get3A_473 = arith.constant 0 : index
    %get3A_474 = vector.load %arg7[%get3A_472, %get3A_473] : memref<16x32xf32, #tpu.memory_space<vmem>>, vector<16x32xf32>
    %dot_general3A_475 = arith.constant dense<0.000000e+00> : vector<16x512xf32>
    %dot_general3A_476 = tpu.matmul %get3A_474, %add3A_471, %dot_general3A_475 {dimension_numbers = #tpu.dot_dimension_numbers<[1], [0], [0], [1], [0, 0, 1, 1], [], []>, transpose_lhs_hint = false} : vector<16x32xf32>, vector<32x512xf32>, vector<16x512xf32> -> vector<16x512xf32>
    %get3A_477 = arith.constant 0 : index
    %get3A_478 = arith.constant 0 : index
    %get3A_479 = vector.load %arg10[%get3A_477, %get3A_478] : memref<16x1xf32, #tpu.memory_space<vmem>>, vector<16x1xf32>
    %add3A_480 = vector.broadcast %get3A_479 : vector<16x1xf32> to vector<16x512xf32>
    %add3A_481 = arith.addf %dot_general3A_476, %add3A_480 : vector<16x512xf32>
    %swap3A_482 = arith.constant 3 : index
    %swap3A_483 = arith.constant 0 : index
    %swap3A_484 = arith.constant 1 : index
    %swap3A_485 = arith.constant 0 : index
    %swap3A_486 = vector.load %arg11[%swap3A_482, %swap3A_483, %swap3A_484, %swap3A_485] : memref<4x16x4x512xf32, #tpu.memory_space<vmem>>, vector<1x16x1x512xf32>
    %swap3A_487 = vector.shape_cast %swap3A_486 : vector<1x16x1x512xf32> to vector<16x512xf32>
    %swap3A_488 = vector.shape_cast %add3A_481 : vector<16x512xf32> to vector<1x16x1x512xf32>
    tpu.vector_store %arg11[%swap3A_482, %swap3A_483, %swap3A_484, %swap3A_485], %swap3A_488 {strides = array<i32>} : memref<4x16x4x512xf32, #tpu.memory_space<vmem>>, vector<1x16x1x512xf32>,
    %slice3A_489 = vector.extract_strided_slice %tanh3A {offsets = [0, 64], sizes = [512, 32], strides = [1, 1]} : vector<512x128xf32> to vector<512x32xf32>
    %get3A_490 = arith.constant 0 : index
    %get3A_491 = arith.constant 0 : index
    %get3A_492 = vector.load %arg5[%get3A_490, %get3A_491] : memref<96x32xf32, #tpu.memory_space<vmem>>, vector<96x32xf32>
    %dot_general3A_493 = arith.constant dense<0.000000e+00> : vector<96x512xf32>
    %dot_general3A_494 = tpu.matmul %get3A_492, %slice3A_489, %dot_general3A_493 {dimension_numbers = #tpu.dot_dimension_numbers<[1], [1], [0], [0], [0, 0, 1, 0], [], []>, transpose_lhs_hint = false} : vector<96x32xf32>, vector<512x32xf32>, vector<96x512xf32> -> vector<96x512xf32>
    %get3A_495 = arith.constant 0 : index
    %get3A_496 = arith.constant 0 : index
    %get3A_497 = vector.load %arg8[%get3A_495, %get3A_496] : memref<96x1xf32, #tpu.memory_space<vmem>>, vector<96x1xf32>
    %add3A_498 = vector.broadcast %get3A_497 : vector<96x1xf32> to vector<96x512xf32>
    %add3A_499 = arith.addf %dot_general3A_494, %add3A_498 : vector<96x512xf32>
    %broadcast_in_dim3A_500 = arith.constant 0.000000e+00 : f32
    %broadcast_in_dim3A_501 = vector.broadcast %broadcast_in_dim3A_500 : f32 to vector<32x512xf32>
    %get3A_502 = arith.constant 0 : index
    %get3A_503 = arith.constant 0 : index
    %get3A_504 = vector.load %arg6[%get3A_502, %get3A_503] : memref<96x32xf32, #tpu.memory_space<vmem>>, vector<96x32xf32>
    %dot_general3A_505 = arith.constant dense<0.000000e+00> : vector<96x512xf32>
    %dot_general3A_506 = tpu.matmul %get3A_504, %broadcast_in_dim3A_501, %dot_general3A_505 {dimension_numbers = #tpu.dot_dimension_numbers<[1], [0], [0], [1], [0, 0, 1, 1], [], []>, transpose_lhs_hint = false} : vector<96x32xf32>, vector<32x512xf32>, vector<96x512xf32> -> vector<96x512xf32>
    %get3A_507 = arith.constant 0 : index
    %get3A_508 = arith.constant 0 : index
    %get3A_509 = vector.load %arg9[%get3A_507, %get3A_508] : memref<96x1xf32, #tpu.memory_space<vmem>>, vector<96x1xf32>
    %add3A_510 = vector.broadcast %get3A_509 : vector<96x1xf32> to vector<96x512xf32>
    %add3A_511 = arith.addf %dot_general3A_506, %add3A_510 : vector<96x512xf32>
    %slice3A_512 = vector.extract_strided_slice %add3A_499 {offsets = [0, 0], sizes = [32, 512], strides = [1, 1]} : vector<96x512xf32> to vector<32x512xf32>
    %slice3A_513 = vector.extract_strided_slice %add3A_511 {offsets = [0, 0], sizes = [32, 512], strides = [1, 1]} : vector<96x512xf32> to vector<32x512xf32>
    %add3A_514 = arith.addf %slice3A_512, %slice3A_513 : vector<32x512xf32>
    %logistic3A_515 = arith.negf %add3A_514 : vector<32x512xf32>
    %logistic3A_516 = math.exp %logistic3A_515 : vector<32x512xf32>
    %logistic3A_517 = arith.constant 1.000000e+00 : f32
    %logistic3A_518 = vector.broadcast %logistic3A_517 : f32 to vector<32x512xf32>
    %logistic3A_519 = arith.addf %logistic3A_518, %logistic3A_516 : vector<32x512xf32>
    %logistic3A_520 = arith.divf %logistic3A_518, %logistic3A_519 : vector<32x512xf32>
    %slice3A_521 = vector.extract_strided_slice %add3A_499 {offsets = [32, 0], sizes = [32, 512], strides = [1, 1]} : vector<96x512xf32> to vector<32x512xf32>
    %slice3A_522 = vector.extract_strided_slice %add3A_511 {offsets = [32, 0], sizes = [32, 512], strides = [1, 1]} : vector<96x512xf32> to vector<32x512xf32>
    %add3A_523 = arith.addf %slice3A_521, %slice3A_522 : vector<32x512xf32>
    %logistic3A_524 = arith.negf %add3A_523 : vector<32x512xf32>
    %logistic3A_525 = math.exp %logistic3A_524 : vector<32x512xf32>
    %logistic3A_526 = arith.constant 1.000000e+00 : f32
    %logistic3A_527 = vector.broadcast %logistic3A_526 : f32 to vector<32x512xf32>
    %logistic3A_528 = arith.addf %logistic3A_527, %logistic3A_525 : vector<32x512xf32>
    %logistic3A_529 = arith.divf %logistic3A_527, %logistic3A_528 : vector<32x512xf32>
    %slice3A_530 = vector.extract_strided_slice %add3A_499 {offsets = [64, 0], sizes = [32, 512], strides = [1, 1]} : vector<96x512xf32> to vector<32x512xf32>
    %slice3A_531 = vector.extract_strided_slice %add3A_511 {offsets = [64, 0], sizes = [32, 512], strides = [1, 1]} : vector<96x512xf32> to vector<32x512xf32>
    %mul3A_532 = arith.mulf %logistic3A_520, %slice3A_531 : vector<32x512xf32>
    %add3A_533 = arith.addf %slice3A_530, %mul3A_532 : vector<32x512xf32>
    %tanh3A_534 = math.tanh %add3A_533 : vector<32x512xf32>
    %sub3A_535 = arith.constant 1.000000e+00 : f32
    %sub3A_536 = vector.broadcast %sub3A_535 : f32 to vector<32x512xf32>
    %sub3A_537 = arith.subf %sub3A_536, %logistic3A_529 : vector<32x512xf32>
    %mul3A_538 = arith.mulf %sub3A_537, %tanh3A_534 : vector<32x512xf32>
    %mul3A_539 = arith.mulf %logistic3A_529, %broadcast_in_dim3A_501 : vector<32x512xf32>
    %add3A_540 = arith.addf %mul3A_538, %mul3A_539 : vector<32x512xf32>
    %get3A_541 = arith.constant 0 : index
    %get3A_542 = arith.constant 0 : index
    %get3A_543 = vector.load %arg7[%get3A_541, %get3A_542] : memref<16x32xf32, #tpu.memory_space<vmem>>, vector<16x32xf32>
    %dot_general3A_544 = arith.constant dense<0.000000e+00> : vector<16x512xf32>
    %dot_general3A_545 = tpu.matmul %get3A_543, %add3A_540, %dot_general3A_544 {dimension_numbers = #tpu.dot_dimension_numbers<[1], [0], [0], [1], [0, 0, 1, 1], [], []>, transpose_lhs_hint = false} : vector<16x32xf32>, vector<32x512xf32>, vector<16x512xf32> -> vector<16x512xf32>
    %get3A_546 = arith.constant 0 : index
    %get3A_547 = arith.constant 0 : index
    %get3A_548 = vector.load %arg10[%get3A_546, %get3A_547] : memref<16x1xf32, #tpu.memory_space<vmem>>, vector<16x1xf32>
    %add3A_549 = vector.broadcast %get3A_548 : vector<16x1xf32> to vector<16x512xf32>
    %add3A_550 = arith.addf %dot_general3A_545, %add3A_549 : vector<16x512xf32>
    %swap3A_551 = arith.constant 0 : index
    %swap3A_552 = arith.constant 0 : index
    %swap3A_553 = arith.constant 2 : index
    %swap3A_554 = arith.constant 0 : index
    %swap3A_555 = vector.load %arg11[%swap3A_551, %swap3A_552, %swap3A_553, %swap3A_554] : memref<4x16x4x512xf32, #tpu.memory_space<vmem>>, vector<1x16x1x512xf32>
    %swap3A_556 = vector.shape_cast %swap3A_555 : vector<1x16x1x512xf32> to vector<16x512xf32>
    %swap3A_557 = vector.shape_cast %add3A_550 : vector<16x512xf32> to vector<1x16x1x512xf32>
    tpu.vector_store %arg11[%swap3A_551, %swap3A_552, %swap3A_553, %swap3A_554], %swap3A_557 {strides = array<i32>} : memref<4x16x4x512xf32, #tpu.memory_space<vmem>>, vector<1x16x1x512xf32>,
    %get3A_558 = arith.constant 0 : index
    %get3A_559 = arith.constant 0 : index
    %get3A_560 = vector.load %arg6[%get3A_558, %get3A_559] : memref<96x32xf32, #tpu.memory_space<vmem>>, vector<96x32xf32>
    %dot_general3A_561 = arith.constant dense<0.000000e+00> : vector<96x512xf32>
    %dot_general3A_562 = tpu.matmul %get3A_560, %add3A_540, %dot_general3A_561 {dimension_numbers = #tpu.dot_dimension_numbers<[1], [0], [0], [1], [0, 0, 1, 1], [], []>, transpose_lhs_hint = false} : vector<96x32xf32>, vector<32x512xf32>, vector<96x512xf32> -> vector<96x512xf32>
    %get3A_563 = arith.constant 0 : index
    %get3A_564 = arith.constant 0 : index
    %get3A_565 = vector.load %arg9[%get3A_563, %get3A_564] : memref<96x1xf32, #tpu.memory_space<vmem>>, vector<96x1xf32>
    %add3A_566 = vector.broadcast %get3A_565 : vector<96x1xf32> to vector<96x512xf32>
    %add3A_567 = arith.addf %dot_general3A_562, %add3A_566 : vector<96x512xf32>
    %slice3A_568 = vector.extract_strided_slice %add3A_499 {offsets = [0, 0], sizes = [32, 512], strides = [1, 1]} : vector<96x512xf32> to vector<32x512xf32>
    %slice3A_569 = vector.extract_strided_slice %add3A_567 {offsets = [0, 0], sizes = [32, 512], strides = [1, 1]} : vector<96x512xf32> to vector<32x512xf32>
    %add3A_570 = arith.addf %slice3A_568, %slice3A_569 : vector<32x512xf32>
    %logistic3A_571 = arith.negf %add3A_570 : vector<32x512xf32>
    %logistic3A_572 = math.exp %logistic3A_571 : vector<32x512xf32>
    %logistic3A_573 = arith.constant 1.000000e+00 : f32
    %logistic3A_574 = vector.broadcast %logistic3A_573 : f32 to vector<32x512xf32>
    %logistic3A_575 = arith.addf %logistic3A_574, %logistic3A_572 : vector<32x512xf32>
    %logistic3A_576 = arith.divf %logistic3A_574, %logistic3A_575 : vector<32x512xf32>
    %slice3A_577 = vector.extract_strided_slice %add3A_499 {offsets = [32, 0], sizes = [32, 512], strides = [1, 1]} : vector<96x512xf32> to vector<32x512xf32>
    %slice3A_578 = vector.extract_strided_slice %add3A_567 {offsets = [32, 0], sizes = [32, 512], strides = [1, 1]} : vector<96x512xf32> to vector<32x512xf32>
    %add3A_579 = arith.addf %slice3A_577, %slice3A_578 : vector<32x512xf32>
    %logistic3A_580 = arith.negf %add3A_579 : vector<32x512xf32>
    %logistic3A_581 = math.exp %logistic3A_580 : vector<32x512xf32>
    %logistic3A_582 = arith.constant 1.000000e+00 : f32
    %logistic3A_583 = vector.broadcast %logistic3A_582 : f32 to vector<32x512xf32>
    %logistic3A_584 = arith.addf %logistic3A_583, %logistic3A_581 : vector<32x512xf32>
    %logistic3A_585 = arith.divf %logistic3A_583, %logistic3A_584 : vector<32x512xf32>
    %slice3A_586 = vector.extract_strided_slice %add3A_499 {offsets = [64, 0], sizes = [32, 512], strides = [1, 1]} : vector<96x512xf32> to vector<32x512xf32>
    %slice3A_587 = vector.extract_strided_slice %add3A_567 {offsets = [64, 0], sizes = [32, 512], strides = [1, 1]} : vector<96x512xf32> to vector<32x512xf32>
    %mul3A_588 = arith.mulf %logistic3A_576, %slice3A_587 : vector<32x512xf32>
    %add3A_589 = arith.addf %slice3A_586, %mul3A_588 : vector<32x512xf32>
    %tanh3A_590 = math.tanh %add3A_589 : vector<32x512xf32>
    %sub3A_591 = arith.constant 1.000000e+00 : f32
    %sub3A_592 = vector.broadcast %sub3A_591 : f32 to vector<32x512xf32>
    %sub3A_593 = arith.subf %sub3A_592, %logistic3A_585 : vector<32x512xf32>
    %mul3A_594 = arith.mulf %sub3A_593, %tanh3A_590 : vector<32x512xf32>
    %mul3A_595 = arith.mulf %logistic3A_585, %add3A_540 : vector<32x512xf32>
    %add3A_596 = arith.addf %mul3A_594, %mul3A_595 : vector<32x512xf32>
    %get3A_597 = arith.constant 0 : index
    %get3A_598 = arith.constant 0 : index
    %get3A_599 = vector.load %arg7[%get3A_597, %get3A_598] : memref<16x32xf32, #tpu.memory_space<vmem>>, vector<16x32xf32>
    %dot_general3A_600 = arith.constant dense<0.000000e+00> : vector<16x512xf32>
    %dot_general3A_601 = tpu.matmul %get3A_599, %add3A_596, %dot_general3A_600 {dimension_numbers = #tpu.dot_dimension_numbers<[1], [0], [0], [1], [0, 0, 1, 1], [], []>, transpose_lhs_hint = false} : vector<16x32xf32>, vector<32x512xf32>, vector<16x512xf32> -> vector<16x512xf32>
    %get3A_602 = arith.constant 0 : index
    %get3A_603 = arith.constant 0 : index
    %get3A_604 = vector.load %arg10[%get3A_602, %get3A_603] : memref<16x1xf32, #tpu.memory_space<vmem>>, vector<16x1xf32>
    %add3A_605 = vector.broadcast %get3A_604 : vector<16x1xf32> to vector<16x512xf32>
    %add3A_606 = arith.addf %dot_general3A_601, %add3A_605 : vector<16x512xf32>
    %swap3A_607 = arith.constant 1 : index
    %swap3A_608 = arith.constant 0 : index
    %swap3A_609 = arith.constant 2 : index
    %swap3A_610 = arith.constant 0 : index
    %swap3A_611 = vector.load %arg11[%swap3A_607, %swap3A_608, %swap3A_609, %swap3A_610] : memref<4x16x4x512xf32, #tpu.memory_space<vmem>>, vector<1x16x1x512xf32>
    %swap3A_612 = vector.shape_cast %swap3A_611 : vector<1x16x1x512xf32> to vector<16x512xf32>
    %swap3A_613 = vector.shape_cast %add3A_606 : vector<16x512xf32> to vector<1x16x1x512xf32>
    tpu.vector_store %arg11[%swap3A_607, %swap3A_608, %swap3A_609, %swap3A_610], %swap3A_613 {strides = array<i32>} : memref<4x16x4x512xf32, #tpu.memory_space<vmem>>, vector<1x16x1x512xf32>,
    %get3A_614 = arith.constant 0 : index
    %get3A_615 = arith.constant 0 : index
    %get3A_616 = vector.load %arg6[%get3A_614, %get3A_615] : memref<96x32xf32, #tpu.memory_space<vmem>>, vector<96x32xf32>
    %dot_general3A_617 = arith.constant dense<0.000000e+00> : vector<96x512xf32>
    %dot_general3A_618 = tpu.matmul %get3A_616, %add3A_596, %dot_general3A_617 {dimension_numbers = #tpu.dot_dimension_numbers<[1], [0], [0], [1], [0, 0, 1, 1], [], []>, transpose_lhs_hint = false} : vector<96x32xf32>, vector<32x512xf32>, vector<96x512xf32> -> vector<96x512xf32>
    %get3A_619 = arith.constant 0 : index
    %get3A_620 = arith.constant 0 : index
    %get3A_621 = vector.load %arg9[%get3A_619, %get3A_620] : memref<96x1xf32, #tpu.memory_space<vmem>>, vector<96x1xf32>
    %add3A_622 = vector.broadcast %get3A_621 : vector<96x1xf32> to vector<96x512xf32>
    %add3A_623 = arith.addf %dot_general3A_618, %add3A_622 : vector<96x512xf32>
    %slice3A_624 = vector.extract_strided_slice %add3A_499 {offsets = [0, 0], sizes = [32, 512], strides = [1, 1]} : vector<96x512xf32> to vector<32x512xf32>
    %slice3A_625 = vector.extract_strided_slice %add3A_623 {offsets = [0, 0], sizes = [32, 512], strides = [1, 1]} : vector<96x512xf32> to vector<32x512xf32>
    %add3A_626 = arith.addf %slice3A_624, %slice3A_625 : vector<32x512xf32>
    %logistic3A_627 = arith.negf %add3A_626 : vector<32x512xf32>
    %logistic3A_628 = math.exp %logistic3A_627 : vector<32x512xf32>
    %logistic3A_629 = arith.constant 1.000000e+00 : f32
    %logistic3A_630 = vector.broadcast %logistic3A_629 : f32 to vector<32x512xf32>
    %logistic3A_631 = arith.addf %logistic3A_630, %logistic3A_628 : vector<32x512xf32>
    %logistic3A_632 = arith.divf %logistic3A_630, %logistic3A_631 : vector<32x512xf32>
    %slice3A_633 = vector.extract_strided_slice %add3A_499 {offsets = [32, 0], sizes = [32, 512], strides = [1, 1]} : vector<96x512xf32> to vector<32x512xf32>
    %slice3A_634 = vector.extract_strided_slice %add3A_623 {offsets = [32, 0], sizes = [32, 512], strides = [1, 1]} : vector<96x512xf32> to vector<32x512xf32>
    %add3A_635 = arith.addf %slice3A_633, %slice3A_634 : vector<32x512xf32>
    %logistic3A_636 = arith.negf %add3A_635 : vector<32x512xf32>
    %logistic3A_637 = math.exp %logistic3A_636 : vector<32x512xf32>
    %logistic3A_638 = arith.constant 1.000000e+00 : f32
    %logistic3A_639 = vector.broadcast %logistic3A_638 : f32 to vector<32x512xf32>
    %logistic3A_640 = arith.addf %logistic3A_639, %logistic3A_637 : vector<32x512xf32>
    %logistic3A_641 = arith.divf %logistic3A_639, %logistic3A_640 : vector<32x512xf32>
    %slice3A_642 = vector.extract_strided_slice %add3A_499 {offsets = [64, 0], sizes = [32, 512], strides = [1, 1]} : vector<96x512xf32> to vector<32x512xf32>
    %slice3A_643 = vector.extract_strided_slice %add3A_623 {offsets = [64, 0], sizes = [32, 512], strides = [1, 1]} : vector<96x512xf32> to vector<32x512xf32>
    %mul3A_644 = arith.mulf %logistic3A_632, %slice3A_643 : vector<32x512xf32>
    %add3A_645 = arith.addf %slice3A_642, %mul3A_644 : vector<32x512xf32>
    %tanh3A_646 = math.tanh %add3A_645 : vector<32x512xf32>
    %sub3A_647 = arith.constant 1.000000e+00 : f32
    %sub3A_648 = vector.broadcast %sub3A_647 : f32 to vector<32x512xf32>
    %sub3A_649 = arith.subf %sub3A_648, %logistic3A_641 : vector<32x512xf32>
    %mul3A_650 = arith.mulf %sub3A_649, %tanh3A_646 : vector<32x512xf32>
    %mul3A_651 = arith.mulf %logistic3A_641, %add3A_596 : vector<32x512xf32>
    %add3A_652 = arith.addf %mul3A_650, %mul3A_651 : vector<32x512xf32>
    %get3A_653 = arith.constant 0 : index
    %get3A_654 = arith.constant 0 : index
    %get3A_655 = vector.load %arg7[%get3A_653, %get3A_654] : memref<16x32xf32, #tpu.memory_space<vmem>>, vector<16x32xf32>
    %dot_general3A_656 = arith.constant dense<0.000000e+00> : vector<16x512xf32>
    %dot_general3A_657 = tpu.matmul %get3A_655, %add3A_652, %dot_general3A_656 {dimension_numbers = #tpu.dot_dimension_numbers<[1], [0], [0], [1], [0, 0, 1, 1], [], []>, transpose_lhs_hint = false} : vector<16x32xf32>, vector<32x512xf32>, vector<16x512xf32> -> vector<16x512xf32>
    %get3A_658 = arith.constant 0 : index
    %get3A_659 = arith.constant 0 : index
    %get3A_660 = vector.load %arg10[%get3A_658, %get3A_659] : memref<16x1xf32, #tpu.memory_space<vmem>>, vector<16x1xf32>
    %add3A_661 = vector.broadcast %get3A_660 : vector<16x1xf32> to vector<16x512xf32>
    %add3A_662 = arith.addf %dot_general3A_657, %add3A_661 : vector<16x512xf32>
    %swap3A_663 = arith.constant 2 : index
    %swap3A_664 = arith.constant 0 : index
    %swap3A_665 = arith.constant 2 : index
    %swap3A_666 = arith.constant 0 : index
    %swap3A_667 = vector.load %arg11[%swap3A_663, %swap3A_664, %swap3A_665, %swap3A_666] : memref<4x16x4x512xf32, #tpu.memory_space<vmem>>, vector<1x16x1x512xf32>
    %swap3A_668 = vector.shape_cast %swap3A_667 : vector<1x16x1x512xf32> to vector<16x512xf32>
    %swap3A_669 = vector.shape_cast %add3A_662 : vector<16x512xf32> to vector<1x16x1x512xf32>
    tpu.vector_store %arg11[%swap3A_663, %swap3A_664, %swap3A_665, %swap3A_666], %swap3A_669 {strides = array<i32>} : memref<4x16x4x512xf32, #tpu.memory_space<vmem>>, vector<1x16x1x512xf32>,
    %get3A_670 = arith.constant 0 : index
    %get3A_671 = arith.constant 0 : index
    %get3A_672 = vector.load %arg6[%get3A_670, %get3A_671] : memref<96x32xf32, #tpu.memory_space<vmem>>, vector<96x32xf32>
    %dot_general3A_673 = arith.constant dense<0.000000e+00> : vector<96x512xf32>
    %dot_general3A_674 = tpu.matmul %get3A_672, %add3A_652, %dot_general3A_673 {dimension_numbers = #tpu.dot_dimension_numbers<[1], [0], [0], [1], [0, 0, 1, 1], [], []>, transpose_lhs_hint = false} : vector<96x32xf32>, vector<32x512xf32>, vector<96x512xf32> -> vector<96x512xf32>
    %get3A_675 = arith.constant 0 : index
    %get3A_676 = arith.constant 0 : index
    %get3A_677 = vector.load %arg9[%get3A_675, %get3A_676] : memref<96x1xf32, #tpu.memory_space<vmem>>, vector<96x1xf32>
    %add3A_678 = vector.broadcast %get3A_677 : vector<96x1xf32> to vector<96x512xf32>
    %add3A_679 = arith.addf %dot_general3A_674, %add3A_678 : vector<96x512xf32>
    %slice3A_680 = vector.extract_strided_slice %add3A_499 {offsets = [0, 0], sizes = [32, 512], strides = [1, 1]} : vector<96x512xf32> to vector<32x512xf32>
    %slice3A_681 = vector.extract_strided_slice %add3A_679 {offsets = [0, 0], sizes = [32, 512], strides = [1, 1]} : vector<96x512xf32> to vector<32x512xf32>
    %add3A_682 = arith.addf %slice3A_680, %slice3A_681 : vector<32x512xf32>
    %logistic3A_683 = arith.negf %add3A_682 : vector<32x512xf32>
    %logistic3A_684 = math.exp %logistic3A_683 : vector<32x512xf32>
    %logistic3A_685 = arith.constant 1.000000e+00 : f32
    %logistic3A_686 = vector.broadcast %logistic3A_685 : f32 to vector<32x512xf32>
    %logistic3A_687 = arith.addf %logistic3A_686, %logistic3A_684 : vector<32x512xf32>
    %logistic3A_688 = arith.divf %logistic3A_686, %logistic3A_687 : vector<32x512xf32>
    %slice3A_689 = vector.extract_strided_slice %add3A_499 {offsets = [32, 0], sizes = [32, 512], strides = [1, 1]} : vector<96x512xf32> to vector<32x512xf32>
    %slice3A_690 = vector.extract_strided_slice %add3A_679 {offsets = [32, 0], sizes = [32, 512], strides = [1, 1]} : vector<96x512xf32> to vector<32x512xf32>
    %add3A_691 = arith.addf %slice3A_689, %slice3A_690 : vector<32x512xf32>
    %logistic3A_692 = arith.negf %add3A_691 : vector<32x512xf32>
    %logistic3A_693 = math.exp %logistic3A_692 : vector<32x512xf32>
    %logistic3A_694 = arith.constant 1.000000e+00 : f32
    %logistic3A_695 = vector.broadcast %logistic3A_694 : f32 to vector<32x512xf32>
    %logistic3A_696 = arith.addf %logistic3A_695, %logistic3A_693 : vector<32x512xf32>
    %logistic3A_697 = arith.divf %logistic3A_695, %logistic3A_696 : vector<32x512xf32>
    %slice3A_698 = vector.extract_strided_slice %add3A_499 {offsets = [64, 0], sizes = [32, 512], strides = [1, 1]} : vector<96x512xf32> to vector<32x512xf32>
    %slice3A_699 = vector.extract_strided_slice %add3A_679 {offsets = [64, 0], sizes = [32, 512], strides = [1, 1]} : vector<96x512xf32> to vector<32x512xf32>
    %mul3A_700 = arith.mulf %logistic3A_688, %slice3A_699 : vector<32x512xf32>
    %add3A_701 = arith.addf %slice3A_698, %mul3A_700 : vector<32x512xf32>
    %tanh3A_702 = math.tanh %add3A_701 : vector<32x512xf32>
    %sub3A_703 = arith.constant 1.000000e+00 : f32
    %sub3A_704 = vector.broadcast %sub3A_703 : f32 to vector<32x512xf32>
    %sub3A_705 = arith.subf %sub3A_704, %logistic3A_697 : vector<32x512xf32>
    %mul3A_706 = arith.mulf %sub3A_705, %tanh3A_702 : vector<32x512xf32>
    %mul3A_707 = arith.mulf %logistic3A_697, %add3A_652 : vector<32x512xf32>
    %add3A_708 = arith.addf %mul3A_706, %mul3A_707 : vector<32x512xf32>
    %get3A_709 = arith.constant 0 : index
    %get3A_710 = arith.constant 0 : index
    %get3A_711 = vector.load %arg7[%get3A_709, %get3A_710] : memref<16x32xf32, #tpu.memory_space<vmem>>, vector<16x32xf32>
    %dot_general3A_712 = arith.constant dense<0.000000e+00> : vector<16x512xf32>
    %dot_general3A_713 = tpu.matmul %get3A_711, %add3A_708, %dot_general3A_712 {dimension_numbers = #tpu.dot_dimension_numbers<[1], [0], [0], [1], [0, 0, 1, 1], [], []>, transpose_lhs_hint = false} : vector<16x32xf32>, vector<32x512xf32>, vector<16x512xf32> -> vector<16x512xf32>
    %get3A_714 = arith.constant 0 : index
    %get3A_715 = arith.constant 0 : index
    %get3A_716 = vector.load %arg10[%get3A_714, %get3A_715] : memref<16x1xf32, #tpu.memory_space<vmem>>, vector<16x1xf32>
    %add3A_717 = vector.broadcast %get3A_716 : vector<16x1xf32> to vector<16x512xf32>
    %add3A_718 = arith.addf %dot_general3A_713, %add3A_717 : vector<16x512xf32>
    %swap3A_719 = arith.constant 3 : index
    %swap3A_720 = arith.constant 0 : index
    %swap3A_721 = arith.constant 2 : index
    %swap3A_722 = arith.constant 0 : index
    %swap3A_723 = vector.load %arg11[%swap3A_719, %swap3A_720, %swap3A_721, %swap3A_722] : memref<4x16x4x512xf32, #tpu.memory_space<vmem>>, vector<1x16x1x512xf32>
    %swap3A_724 = vector.shape_cast %swap3A_723 : vector<1x16x1x512xf32> to vector<16x512xf32>
    %swap3A_725 = vector.shape_cast %add3A_718 : vector<16x512xf32> to vector<1x16x1x512xf32>
    tpu.vector_store %arg11[%swap3A_719, %swap3A_720, %swap3A_721, %swap3A_722], %swap3A_725 {strides = array<i32>} : memref<4x16x4x512xf32, #tpu.memory_space<vmem>>, vector<1x16x1x512xf32>,
    %slice3A_726 = vector.extract_strided_slice %tanh3A {offsets = [0, 96], sizes = [512, 32], strides = [1, 1]} : vector<512x128xf32> to vector<512x32xf32>
    %get3A_727 = arith.constant 0 : index
    %get3A_728 = arith.constant 0 : index
    %get3A_729 = vector.load %arg5[%get3A_727, %get3A_728] : memref<96x32xf32, #tpu.memory_space<vmem>>, vector<96x32xf32>
    %dot_general3A_730 = arith.constant dense<0.000000e+00> : vector<96x512xf32>
    %dot_general3A_731 = tpu.matmul %get3A_729, %slice3A_726, %dot_general3A_730 {dimension_numbers = #tpu.dot_dimension_numbers<[1], [1], [0], [0], [0, 0, 1, 0], [], []>, transpose_lhs_hint = false} : vector<96x32xf32>, vector<512x32xf32>, vector<96x512xf32> -> vector<96x512xf32>
    %get3A_732 = arith.constant 0 : index
    %get3A_733 = arith.constant 0 : index
    %get3A_734 = vector.load %arg8[%get3A_732, %get3A_733] : memref<96x1xf32, #tpu.memory_space<vmem>>, vector<96x1xf32>
    %add3A_735 = vector.broadcast %get3A_734 : vector<96x1xf32> to vector<96x512xf32>
    %add3A_736 = arith.addf %dot_general3A_731, %add3A_735 : vector<96x512xf32>
    %broadcast_in_dim3A_737 = arith.constant 0.000000e+00 : f32
    %broadcast_in_dim3A_738 = vector.broadcast %broadcast_in_dim3A_737 : f32 to vector<32x512xf32>
    %get3A_739 = arith.constant 0 : index
    %get3A_740 = arith.constant 0 : index
    %get3A_741 = vector.load %arg6[%get3A_739, %get3A_740] : memref<96x32xf32, #tpu.memory_space<vmem>>, vector<96x32xf32>
    %dot_general3A_742 = arith.constant dense<0.000000e+00> : vector<96x512xf32>
    %dot_general3A_743 = tpu.matmul %get3A_741, %broadcast_in_dim3A_738, %dot_general3A_742 {dimension_numbers = #tpu.dot_dimension_numbers<[1], [0], [0], [1], [0, 0, 1, 1], [], []>, transpose_lhs_hint = false} : vector<96x32xf32>, vector<32x512xf32>, vector<96x512xf32> -> vector<96x512xf32>
    %get3A_744 = arith.constant 0 : index
    %get3A_745 = arith.constant 0 : index
    %get3A_746 = vector.load %arg9[%get3A_744, %get3A_745] : memref<96x1xf32, #tpu.memory_space<vmem>>, vector<96x1xf32>
    %add3A_747 = vector.broadcast %get3A_746 : vector<96x1xf32> to vector<96x512xf32>
    %add3A_748 = arith.addf %dot_general3A_743, %add3A_747 : vector<96x512xf32>
    %slice3A_749 = vector.extract_strided_slice %add3A_736 {offsets = [0, 0], sizes = [32, 512], strides = [1, 1]} : vector<96x512xf32> to vector<32x512xf32>
    %slice3A_750 = vector.extract_strided_slice %add3A_748 {offsets = [0, 0], sizes = [32, 512], strides = [1, 1]} : vector<96x512xf32> to vector<32x512xf32>
    %add3A_751 = arith.addf %slice3A_749, %slice3A_750 : vector<32x512xf32>
    %logistic3A_752 = arith.negf %add3A_751 : vector<32x512xf32>
    %logistic3A_753 = math.exp %logistic3A_752 : vector<32x512xf32>
    %logistic3A_754 = arith.constant 1.000000e+00 : f32
    %logistic3A_755 = vector.broadcast %logistic3A_754 : f32 to vector<32x512xf32>
    %logistic3A_756 = arith.addf %logistic3A_755, %logistic3A_753 : vector<32x512xf32>
    %logistic3A_757 = arith.divf %logistic3A_755, %logistic3A_756 : vector<32x512xf32>
    %slice3A_758 = vector.extract_strided_slice %add3A_736 {offsets = [32, 0], sizes = [32, 512], strides = [1, 1]} : vector<96x512xf32> to vector<32x512xf32>
    %slice3A_759 = vector.extract_strided_slice %add3A_748 {offsets = [32, 0], sizes = [32, 512], strides = [1, 1]} : vector<96x512xf32> to vector<32x512xf32>
    %add3A_760 = arith.addf %slice3A_758, %slice3A_759 : vector<32x512xf32>
    %logistic3A_761 = arith.negf %add3A_760 : vector<32x512xf32>
    %logistic3A_762 = math.exp %logistic3A_761 : vector<32x512xf32>
    %logistic3A_763 = arith.constant 1.000000e+00 : f32
    %logistic3A_764 = vector.broadcast %logistic3A_763 : f32 to vector<32x512xf32>
    %logistic3A_765 = arith.addf %logistic3A_764, %logistic3A_762 : vector<32x512xf32>
    %logistic3A_766 = arith.divf %logistic3A_764, %logistic3A_765 : vector<32x512xf32>
    %slice3A_767 = vector.extract_strided_slice %add3A_736 {offsets = [64, 0], sizes = [32, 512], strides = [1, 1]} : vector<96x512xf32> to vector<32x512xf32>
    %slice3A_768 = vector.extract_strided_slice %add3A_748 {offsets = [64, 0], sizes = [32, 512], strides = [1, 1]} : vector<96x512xf32> to vector<32x512xf32>
    %mul3A_769 = arith.mulf %logistic3A_757, %slice3A_768 : vector<32x512xf32>
    %add3A_770 = arith.addf %slice3A_767, %mul3A_769 : vector<32x512xf32>
    %tanh3A_771 = math.tanh %add3A_770 : vector<32x512xf32>
    %sub3A_772 = arith.constant 1.000000e+00 : f32
    %sub3A_773 = vector.broadcast %sub3A_772 : f32 to vector<32x512xf32>
    %sub3A_774 = arith.subf %sub3A_773, %logistic3A_766 : vector<32x512xf32>
    %mul3A_775 = arith.mulf %sub3A_774, %tanh3A_771 : vector<32x512xf32>
    %mul3A_776 = arith.mulf %logistic3A_766, %broadcast_in_dim3A_738 : vector<32x512xf32>
    %add3A_777 = arith.addf %mul3A_775, %mul3A_776 : vector<32x512xf32>
    %get3A_778 = arith.constant 0 : index
    %get3A_779 = arith.constant 0 : index
    %get3A_780 = vector.load %arg7[%get3A_778, %get3A_779] : memref<16x32xf32, #tpu.memory_space<vmem>>, vector<16x32xf32>
    %dot_general3A_781 = arith.constant dense<0.000000e+00> : vector<16x512xf32>
    %dot_general3A_782 = tpu.matmul %get3A_780, %add3A_777, %dot_general3A_781 {dimension_numbers = #tpu.dot_dimension_numbers<[1], [0], [0], [1], [0, 0, 1, 1], [], []>, transpose_lhs_hint = false} : vector<16x32xf32>, vector<32x512xf32>, vector<16x512xf32> -> vector<16x512xf32>
    %get3A_783 = arith.constant 0 : index
    %get3A_784 = arith.constant 0 : index
    %get3A_785 = vector.load %arg10[%get3A_783, %get3A_784] : memref<16x1xf32, #tpu.memory_space<vmem>>, vector<16x1xf32>
    %add3A_786 = vector.broadcast %get3A_785 : vector<16x1xf32> to vector<16x512xf32>
    %add3A_787 = arith.addf %dot_general3A_782, %add3A_786 : vector<16x512xf32>
    %swap3A_788 = arith.constant 0 : index
    %swap3A_789 = arith.constant 0 : index
    %swap3A_790 = arith.constant 3 : index
    %swap3A_791 = arith.constant 0 : index
    %swap3A_792 = vector.load %arg11[%swap3A_788, %swap3A_789, %swap3A_790, %swap3A_791] : memref<4x16x4x512xf32, #tpu.memory_space<vmem>>, vector<1x16x1x512xf32>
    %swap3A_793 = vector.shape_cast %swap3A_792 : vector<1x16x1x512xf32> to vector<16x512xf32>
    %swap3A_794 = vector.shape_cast %add3A_787 : vector<16x512xf32> to vector<1x16x1x512xf32>
    tpu.vector_store %arg11[%swap3A_788, %swap3A_789, %swap3A_790, %swap3A_791], %swap3A_794 {strides = array<i32>} : memref<4x16x4x512xf32, #tpu.memory_space<vmem>>, vector<1x16x1x512xf32>,
    %get3A_795 = arith.constant 0 : index
    %get3A_796 = arith.constant 0 : index
    %get3A_797 = vector.load %arg6[%get3A_795, %get3A_796] : memref<96x32xf32, #tpu.memory_space<vmem>>, vector<96x32xf32>
    %dot_general3A_798 = arith.constant dense<0.000000e+00> : vector<96x512xf32>
    %dot_general3A_799 = tpu.matmul %get3A_797, %add3A_777, %dot_general3A_798 {dimension_numbers = #tpu.dot_dimension_numbers<[1], [0], [0], [1], [0, 0, 1, 1], [], []>, transpose_lhs_hint = false} : vector<96x32xf32>, vector<32x512xf32>, vector<96x512xf32> -> vector<96x512xf32>
    %get3A_800 = arith.constant 0 : index
    %get3A_801 = arith.constant 0 : index
    %get3A_802 = vector.load %arg9[%get3A_800, %get3A_801] : memref<96x1xf32, #tpu.memory_space<vmem>>, vector<96x1xf32>
    %add3A_803 = vector.broadcast %get3A_802 : vector<96x1xf32> to vector<96x512xf32>
    %add3A_804 = arith.addf %dot_general3A_799, %add3A_803 : vector<96x512xf32>
    %slice3A_805 = vector.extract_strided_slice %add3A_736 {offsets = [0, 0], sizes = [32, 512], strides = [1, 1]} : vector<96x512xf32> to vector<32x512xf32>
    %slice3A_806 = vector.extract_strided_slice %add3A_804 {offsets = [0, 0], sizes = [32, 512], strides = [1, 1]} : vector<96x512xf32> to vector<32x512xf32>
    %add3A_807 = arith.addf %slice3A_805, %slice3A_806 : vector<32x512xf32>
    %logistic3A_808 = arith.negf %add3A_807 : vector<32x512xf32>
    %logistic3A_809 = math.exp %logistic3A_808 : vector<32x512xf32>
    %logistic3A_810 = arith.constant 1.000000e+00 : f32
    %logistic3A_811 = vector.broadcast %logistic3A_810 : f32 to vector<32x512xf32>
    %logistic3A_812 = arith.addf %logistic3A_811, %logistic3A_809 : vector<32x512xf32>
    %logistic3A_813 = arith.divf %logistic3A_811, %logistic3A_812 : vector<32x512xf32>
    %slice3A_814 = vector.extract_strided_slice %add3A_736 {offsets = [32, 0], sizes = [32, 512], strides = [1, 1]} : vector<96x512xf32> to vector<32x512xf32>
    %slice3A_815 = vector.extract_strided_slice %add3A_804 {offsets = [32, 0], sizes = [32, 512], strides = [1, 1]} : vector<96x512xf32> to vector<32x512xf32>
    %add3A_816 = arith.addf %slice3A_814, %slice3A_815 : vector<32x512xf32>
    %logistic3A_817 = arith.negf %add3A_816 : vector<32x512xf32>
    %logistic3A_818 = math.exp %logistic3A_817 : vector<32x512xf32>
    %logistic3A_819 = arith.constant 1.000000e+00 : f32
    %logistic3A_820 = vector.broadcast %logistic3A_819 : f32 to vector<32x512xf32>
    %logistic3A_821 = arith.addf %logistic3A_820, %logistic3A_818 : vector<32x512xf32>
    %logistic3A_822 = arith.divf %logistic3A_820, %logistic3A_821 : vector<32x512xf32>
    %slice3A_823 = vector.extract_strided_slice %add3A_736 {offsets = [64, 0], sizes = [32, 512], strides = [1, 1]} : vector<96x512xf32> to vector<32x512xf32>
    %slice3A_824 = vector.extract_strided_slice %add3A_804 {offsets = [64, 0], sizes = [32, 512], strides = [1, 1]} : vector<96x512xf32> to vector<32x512xf32>
    %mul3A_825 = arith.mulf %logistic3A_813, %slice3A_824 : vector<32x512xf32>
    %add3A_826 = arith.addf %slice3A_823, %mul3A_825 : vector<32x512xf32>
    %tanh3A_827 = math.tanh %add3A_826 : vector<32x512xf32>
    %sub3A_828 = arith.constant 1.000000e+00 : f32
    %sub3A_829 = vector.broadcast %sub3A_828 : f32 to vector<32x512xf32>
    %sub3A_830 = arith.subf %sub3A_829, %logistic3A_822 : vector<32x512xf32>
    %mul3A_831 = arith.mulf %sub3A_830, %tanh3A_827 : vector<32x512xf32>
    %mul3A_832 = arith.mulf %logistic3A_822, %add3A_777 : vector<32x512xf32>
    %add3A_833 = arith.addf %mul3A_831, %mul3A_832 : vector<32x512xf32>
    %get3A_834 = arith.constant 0 : index
    %get3A_835 = arith.constant 0 : index
    %get3A_836 = vector.load %arg7[%get3A_834, %get3A_835] : memref<16x32xf32, #tpu.memory_space<vmem>>, vector<16x32xf32>
    %dot_general3A_837 = arith.constant dense<0.000000e+00> : vector<16x512xf32>
    %dot_general3A_838 = tpu.matmul %get3A_836, %add3A_833, %dot_general3A_837 {dimension_numbers = #tpu.dot_dimension_numbers<[1], [0], [0], [1], [0, 0, 1, 1], [], []>, transpose_lhs_hint = false} : vector<16x32xf32>, vector<32x512xf32>, vector<16x512xf32> -> vector<16x512xf32>
    %get3A_839 = arith.constant 0 : index
    %get3A_840 = arith.constant 0 : index
    %get3A_841 = vector.load %arg10[%get3A_839, %get3A_840] : memref<16x1xf32, #tpu.memory_space<vmem>>, vector<16x1xf32>
    %add3A_842 = vector.broadcast %get3A_841 : vector<16x1xf32> to vector<16x512xf32>
    %add3A_843 = arith.addf %dot_general3A_838, %add3A_842 : vector<16x512xf32>
    %swap3A_844 = arith.constant 1 : index
    %swap3A_845 = arith.constant 0 : index
    %swap3A_846 = arith.constant 3 : index
    %swap3A_847 = arith.constant 0 : index
    %swap3A_848 = vector.load %arg11[%swap3A_844, %swap3A_845, %swap3A_846, %swap3A_847] : memref<4x16x4x512xf32, #tpu.memory_space<vmem>>, vector<1x16x1x512xf32>
    %swap3A_849 = vector.shape_cast %swap3A_848 : vector<1x16x1x512xf32> to vector<16x512xf32>
    %swap3A_850 = vector.shape_cast %add3A_843 : vector<16x512xf32> to vector<1x16x1x512xf32>
    tpu.vector_store %arg11[%swap3A_844, %swap3A_845, %swap3A_846, %swap3A_847], %swap3A_850 {strides = array<i32>} : memref<4x16x4x512xf32, #tpu.memory_space<vmem>>, vector<1x16x1x512xf32>,
    %get3A_851 = arith.constant 0 : index
    %get3A_852 = arith.constant 0 : index
    %get3A_853 = vector.load %arg6[%get3A_851, %get3A_852] : memref<96x32xf32, #tpu.memory_space<vmem>>, vector<96x32xf32>
    %dot_general3A_854 = arith.constant dense<0.000000e+00> : vector<96x512xf32>
    %dot_general3A_855 = tpu.matmul %get3A_853, %add3A_833, %dot_general3A_854 {dimension_numbers = #tpu.dot_dimension_numbers<[1], [0], [0], [1], [0, 0, 1, 1], [], []>, transpose_lhs_hint = false} : vector<96x32xf32>, vector<32x512xf32>, vector<96x512xf32> -> vector<96x512xf32>
    %get3A_856 = arith.constant 0 : index
    %get3A_857 = arith.constant 0 : index
    %get3A_858 = vector.load %arg9[%get3A_856, %get3A_857] : memref<96x1xf32, #tpu.memory_space<vmem>>, vector<96x1xf32>
    %add3A_859 = vector.broadcast %get3A_858 : vector<96x1xf32> to vector<96x512xf32>
    %add3A_860 = arith.addf %dot_general3A_855, %add3A_859 : vector<96x512xf32>
    %slice3A_861 = vector.extract_strided_slice %add3A_736 {offsets = [0, 0], sizes = [32, 512], strides = [1, 1]} : vector<96x512xf32> to vector<32x512xf32>
    %slice3A_862 = vector.extract_strided_slice %add3A_860 {offsets = [0, 0], sizes = [32, 512], strides = [1, 1]} : vector<96x512xf32> to vector<32x512xf32>
    %add3A_863 = arith.addf %slice3A_861, %slice3A_862 : vector<32x512xf32>
    %logistic3A_864 = arith.negf %add3A_863 : vector<32x512xf32>
    %logistic3A_865 = math.exp %logistic3A_864 : vector<32x512xf32>
    %logistic3A_866 = arith.constant 1.000000e+00 : f32
    %logistic3A_867 = vector.broadcast %logistic3A_866 : f32 to vector<32x512xf32>
    %logistic3A_868 = arith.addf %logistic3A_867, %logistic3A_865 : vector<32x512xf32>
    %logistic3A_869 = arith.divf %logistic3A_867, %logistic3A_868 : vector<32x512xf32>
    %slice3A_870 = vector.extract_strided_slice %add3A_736 {offsets = [32, 0], sizes = [32, 512], strides = [1, 1]} : vector<96x512xf32> to vector<32x512xf32>
    %slice3A_871 = vector.extract_strided_slice %add3A_860 {offsets = [32, 0], sizes = [32, 512], strides = [1, 1]} : vector<96x512xf32> to vector<32x512xf32>
    %add3A_872 = arith.addf %slice3A_870, %slice3A_871 : vector<32x512xf32>
    %logistic3A_873 = arith.negf %add3A_872 : vector<32x512xf32>
    %logistic3A_874 = math.exp %logistic3A_873 : vector<32x512xf32>
    %logistic3A_875 = arith.constant 1.000000e+00 : f32
    %logistic3A_876 = vector.broadcast %logistic3A_875 : f32 to vector<32x512xf32>
    %logistic3A_877 = arith.addf %logistic3A_876, %logistic3A_874 : vector<32x512xf32>
    %logistic3A_878 = arith.divf %logistic3A_876, %logistic3A_877 : vector<32x512xf32>
    %slice3A_879 = vector.extract_strided_slice %add3A_736 {offsets = [64, 0], sizes = [32, 512], strides = [1, 1]} : vector<96x512xf32> to vector<32x512xf32>
    %slice3A_880 = vector.extract_strided_slice %add3A_860 {offsets = [64, 0], sizes = [32, 512], strides = [1, 1]} : vector<96x512xf32> to vector<32x512xf32>
    %mul3A_881 = arith.mulf %logistic3A_869, %slice3A_880 : vector<32x512xf32>
    %add3A_882 = arith.addf %slice3A_879, %mul3A_881 : vector<32x512xf32>
    %tanh3A_883 = math.tanh %add3A_882 : vector<32x512xf32>
    %sub3A_884 = arith.constant 1.000000e+00 : f32
    %sub3A_885 = vector.broadcast %sub3A_884 : f32 to vector<32x512xf32>
    %sub3A_886 = arith.subf %sub3A_885, %logistic3A_878 : vector<32x512xf32>
    %mul3A_887 = arith.mulf %sub3A_886, %tanh3A_883 : vector<32x512xf32>
    %mul3A_888 = arith.mulf %logistic3A_878, %add3A_833 : vector<32x512xf32>
    %add3A_889 = arith.addf %mul3A_887, %mul3A_888 : vector<32x512xf32>
    %get3A_890 = arith.constant 0 : index
    %get3A_891 = arith.constant 0 : index
    %get3A_892 = vector.load %arg7[%get3A_890, %get3A_891] : memref<16x32xf32, #tpu.memory_space<vmem>>, vector<16x32xf32>
    %dot_general3A_893 = arith.constant dense<0.000000e+00> : vector<16x512xf32>
    %dot_general3A_894 = tpu.matmul %get3A_892, %add3A_889, %dot_general3A_893 {dimension_numbers = #tpu.dot_dimension_numbers<[1], [0], [0], [1], [0, 0, 1, 1], [], []>, transpose_lhs_hint = false} : vector<16x32xf32>, vector<32x512xf32>, vector<16x512xf32> -> vector<16x512xf32>
    %get3A_895 = arith.constant 0 : index
    %get3A_896 = arith.constant 0 : index
    %get3A_897 = vector.load %arg10[%get3A_895, %get3A_896] : memref<16x1xf32, #tpu.memory_space<vmem>>, vector<16x1xf32>
    %add3A_898 = vector.broadcast %get3A_897 : vector<16x1xf32> to vector<16x512xf32>
    %add3A_899 = arith.addf %dot_general3A_894, %add3A_898 : vector<16x512xf32>
    %swap3A_900 = arith.constant 2 : index
    %swap3A_901 = arith.constant 0 : index
    %swap3A_902 = arith.constant 3 : index
    %swap3A_903 = arith.constant 0 : index
    %swap3A_904 = vector.load %arg11[%swap3A_900, %swap3A_901, %swap3A_902, %swap3A_903] : memref<4x16x4x512xf32, #tpu.memory_space<vmem>>, vector<1x16x1x512xf32>
    %swap3A_905 = vector.shape_cast %swap3A_904 : vector<1x16x1x512xf32> to vector<16x512xf32>
    %swap3A_906 = vector.shape_cast %add3A_899 : vector<16x512xf32> to vector<1x16x1x512xf32>
    tpu.vector_store %arg11[%swap3A_900, %swap3A_901, %swap3A_902, %swap3A_903], %swap3A_906 {strides = array<i32>} : memref<4x16x4x512xf32, #tpu.memory_space<vmem>>, vector<1x16x1x512xf32>,
    %get3A_907 = arith.constant 0 : index
    %get3A_908 = arith.constant 0 : index
    %get3A_909 = vector.load %arg6[%get3A_907, %get3A_908] : memref<96x32xf32, #tpu.memory_space<vmem>>, vector<96x32xf32>
    %dot_general3A_910 = arith.constant dense<0.000000e+00> : vector<96x512xf32>
    %dot_general3A_911 = tpu.matmul %get3A_909, %add3A_889, %dot_general3A_910 {dimension_numbers = #tpu.dot_dimension_numbers<[1], [0], [0], [1], [0, 0, 1, 1], [], []>, transpose_lhs_hint = false} : vector<96x32xf32>, vector<32x512xf32>, vector<96x512xf32> -> vector<96x512xf32>
    %get3A_912 = arith.constant 0 : index
    %get3A_913 = arith.constant 0 : index
    %get3A_914 = vector.load %arg9[%get3A_912, %get3A_913] : memref<96x1xf32, #tpu.memory_space<vmem>>, vector<96x1xf32>
    %add3A_915 = vector.broadcast %get3A_914 : vector<96x1xf32> to vector<96x512xf32>
    %add3A_916 = arith.addf %dot_general3A_911, %add3A_915 : vector<96x512xf32>
    %slice3A_917 = vector.extract_strided_slice %add3A_736 {offsets = [0, 0], sizes = [32, 512], strides = [1, 1]} : vector<96x512xf32> to vector<32x512xf32>
    %slice3A_918 = vector.extract_strided_slice %add3A_916 {offsets = [0, 0], sizes = [32, 512], strides = [1, 1]} : vector<96x512xf32> to vector<32x512xf32>
    %add3A_919 = arith.addf %slice3A_917, %slice3A_918 : vector<32x512xf32>
    %logistic3A_920 = arith.negf %add3A_919 : vector<32x512xf32>
    %logistic3A_921 = math.exp %logistic3A_920 : vector<32x512xf32>
    %logistic3A_922 = arith.constant 1.000000e+00 : f32
    %logistic3A_923 = vector.broadcast %logistic3A_922 : f32 to vector<32x512xf32>
    %logistic3A_924 = arith.addf %logistic3A_923, %logistic3A_921 : vector<32x512xf32>
    %logistic3A_925 = arith.divf %logistic3A_923, %logistic3A_924 : vector<32x512xf32>
    %slice3A_926 = vector.extract_strided_slice %add3A_736 {offsets = [32, 0], sizes = [32, 512], strides = [1, 1]} : vector<96x512xf32> to vector<32x512xf32>
    %slice3A_927 = vector.extract_strided_slice %add3A_916 {offsets = [32, 0], sizes = [32, 512], strides = [1, 1]} : vector<96x512xf32> to vector<32x512xf32>
    %add3A_928 = arith.addf %slice3A_926, %slice3A_927 : vector<32x512xf32>
    %logistic3A_929 = arith.negf %add3A_928 : vector<32x512xf32>
    %logistic3A_930 = math.exp %logistic3A_929 : vector<32x512xf32>
    %logistic3A_931 = arith.constant 1.000000e+00 : f32
    %logistic3A_932 = vector.broadcast %logistic3A_931 : f32 to vector<32x512xf32>
    %logistic3A_933 = arith.addf %logistic3A_932, %logistic3A_930 : vector<32x512xf32>
    %logistic3A_934 = arith.divf %logistic3A_932, %logistic3A_933 : vector<32x512xf32>
    %slice3A_935 = vector.extract_strided_slice %add3A_736 {offsets = [64, 0], sizes = [32, 512], strides = [1, 1]} : vector<96x512xf32> to vector<32x512xf32>
    %slice3A_936 = vector.extract_strided_slice %add3A_916 {offsets = [64, 0], sizes = [32, 512], strides = [1, 1]} : vector<96x512xf32> to vector<32x512xf32>
    %mul3A_937 = arith.mulf %logistic3A_925, %slice3A_936 : vector<32x512xf32>
    %add3A_938 = arith.addf %slice3A_935, %mul3A_937 : vector<32x512xf32>
    %tanh3A_939 = math.tanh %add3A_938 : vector<32x512xf32>
    %sub3A_940 = arith.constant 1.000000e+00 : f32
    %sub3A_941 = vector.broadcast %sub3A_940 : f32 to vector<32x512xf32>
    %sub3A_942 = arith.subf %sub3A_941, %logistic3A_934 : vector<32x512xf32>
    %mul3A_943 = arith.mulf %sub3A_942, %tanh3A_939 : vector<32x512xf32>
    %mul3A_944 = arith.mulf %logistic3A_934, %add3A_889 : vector<32x512xf32>
    %add3A_945 = arith.addf %mul3A_943, %mul3A_944 : vector<32x512xf32>
    %get3A_946 = arith.constant 0 : index
    %get3A_947 = arith.constant 0 : index
    %get3A_948 = vector.load %arg7[%get3A_946, %get3A_947] : memref<16x32xf32, #tpu.memory_space<vmem>>, vector<16x32xf32>
    %dot_general3A_949 = arith.constant dense<0.000000e+00> : vector<16x512xf32>
    %dot_general3A_950 = tpu.matmul %get3A_948, %add3A_945, %dot_general3A_949 {dimension_numbers = #tpu.dot_dimension_numbers<[1], [0], [0], [1], [0, 0, 1, 1], [], []>, transpose_lhs_hint = false} : vector<16x32xf32>, vector<32x512xf32>, vector<16x512xf32> -> vector<16x512xf32>
    %get3A_951 = arith.constant 0 : index
    %get3A_952 = arith.constant 0 : index
    %get3A_953 = vector.load %arg10[%get3A_951, %get3A_952] : memref<16x1xf32, #tpu.memory_space<vmem>>, vector<16x1xf32>
    %add3A_954 = vector.broadcast %get3A_953 : vector<16x1xf32> to vector<16x512xf32>
    %add3A_955 = arith.addf %dot_general3A_950, %add3A_954 : vector<16x512xf32>
    %swap3A_956 = arith.constant 3 : index
    %swap3A_957 = arith.constant 0 : index
    %swap3A_958 = arith.constant 3 : index
    %swap3A_959 = arith.constant 0 : index
    %swap3A_960 = vector.load %arg11[%swap3A_956, %swap3A_957, %swap3A_958, %swap3A_959] : memref<4x16x4x512xf32, #tpu.memory_space<vmem>>, vector<1x16x1x512xf32>
    %swap3A_961 = vector.shape_cast %swap3A_960 : vector<1x16x1x512xf32> to vector<16x512xf32>
    %swap3A_962 = vector.shape_cast %add3A_955 : vector<16x512xf32> to vector<1x16x1x512xf32>
    tpu.vector_store %arg11[%swap3A_956, %swap3A_957, %swap3A_958, %swap3A_959], %swap3A_962 {strides = array<i32>} : memref<4x16x4x512xf32, #tpu.memory_space<vmem>>, vector<1x16x1x512xf32>,
    return
  }
  func.func @transform_0(%arg0: i32) -> (i32, i32) {
    %c0_i32 = arith.constant 0 : i32
    %c0_i32_0 = arith.constant 0 : i32
    return %arg0, %c0_i32 : i32, i32
  }
  func.func @transform_1(%arg0: i32) -> (i32, i32, i32) {
    %c0_i32 = arith.constant 0 : i32
    %c0_i32_0 = arith.constant 0 : i32
    %c0_i32_1 = arith.constant 0 : i32
    return %c0_i32, %arg0, %c0_i32_0 : i32, i32, i32
  }
  func.func @transform_2(%arg0: i32) -> (i32, i32) {
    %c0_i32 = arith.constant 0 : i32
    %c0_i32_0 = arith.constant 0 : i32
    return %arg0, %c0_i32 : i32, i32
  }
  func.func @transform_3(%arg0: i32) -> (i32, i32) {
    %c0_i32 = arith.constant 0 : i32
    %c0_i32_0 = arith.constant 0 : i32
    %c0_i32_1 = arith.constant 0 : i32
    return %c0_i32, %c0_i32_0 : i32, i32
  }
  func.func @transform_4(%arg0: i32) -> (i32, i32) {
    %c0_i32 = arith.constant 0 : i32
    %c0_i32_0 = arith.constant 0 : i32
    %c0_i32_1 = arith.constant 0 : i32
    return %c0_i32, %c0_i32_0 : i32, i32
  }
  func.func @transform_5(%arg0: i32) -> (i32, i32) {
    %c0_i32 = arith.constant 0 : i32
    %c0_i32_0 = arith.constant 0 : i32
    %c0_i32_1 = arith.constant 0 : i32
    return %c0_i32, %c0_i32_0 : i32, i32
  }
  func.func @transform_6(%arg0: i32) -> (i32, i32) {
    %c0_i32 = arith.constant 0 : i32
    %c0_i32_0 = arith.constant 0 : i32
    %c0_i32_1 = arith.constant 0 : i32
    return %c0_i32, %c0_i32_0 : i32, i32
  }
  func.func @transform_7(%arg0: i32) -> (i32, i32) {
    %c0_i32 = arith.constant 0 : i32
    %c0_i32_0 = arith.constant 0 : i32
    %c0_i32_1 = arith.constant 0 : i32
    return %c0_i32, %c0_i32_0 : i32, i32
  }
  func.func @transform_8(%arg0: i32) -> (i32, i32) {
    %c0_i32 = arith.constant 0 : i32
    %c0_i32_0 = arith.constant 0 : i32
    %c0_i32_1 = arith.constant 0 : i32
    return %c0_i32, %c0_i32_0 : i32, i32
  }
  func.func @transform_9(%arg0: i32) -> (i32, i32) {
    %c0_i32 = arith.constant 0 : i32
    %c0_i32_0 = arith.constant 0 : i32
    %c0_i32_1 = arith.constant 0 : i32
    return %c0_i32, %c0_i32_0 : i32, i32
  }
  func.func @transform_10(%arg0: i32) -> (i32, i32, i32, i32) {
    %c0_i32 = arith.constant 0 : i32
    %c0_i32_0 = arith.constant 0 : i32
    %c0_i32_1 = arith.constant 0 : i32
    %c0_i32_2 = arith.constant 0 : i32
    return %c0_i32, %c0_i32_0, %c0_i32_1, %arg0 : i32, i32, i32, i32
  }
}

</mosaic_0001>

<sc_bundles>
// kernel: kernel.11.cloned.1.call-start
scs
__scs_entry_jumppad:
0x0: {  	(pc) =	sbr.rel $0x88, $3  }
0x1: {  	(tag) =	ssettag $0x0;
	lr =	simm.s32 $0x1  }
0x2: {  	[smem:$0x3F95] =	sst lr;
	_ =	strace $0xD0000000  }
0x3: {  	_ = 	snop  }
0x4: {  	_ = 	snop  }
0x5: {  	_ = 	snop  }
0x6: {  	_ = 	snop  }
0x7: {  	_ = 	snop  }
__scs_overlays_trampoline_lowered:
0x8: {  	[smem:$0x3FA4] =	sst s0  }
0x9: {  	[smem:$0x3FA5] =	sst s1  }
0xa: {  	[smem:$0x3FA6] =	sst s2  }
0xb: {  	[smem:$0x3FA7] =	sst s3  }
0xc: {  	[smem:$0x3FA8] =	sst s4  }
0xd: {  	[smem:$0x3FA9] =	sst s5  }
0xe: {  	[smem:$0x3FAA] =	sst s6  }
0xf: {  	[smem:$0x3FAB] =	sst s7  }
0x10: {  	[smem:$0x3FAC] =	sst s8  }
0x11: {  	[smem:$0x3FAD] =	sst s9;
	s0 =	simm.s32 @!p0 $0x0  }
0x12: {  	s1 =	sld [smem:$0x3F93];
	s0 =	simm.s32 @p0 $0x1  }
0x13: {  	[smem:$0x3FAE] =	sst s0;
	s0 =	simm.s32 @!p1 $0x0  }
0x14: {  	s2 =	sld [smem:$0x3F92];
	s0 =	simm.s32 @p1 $0x1  }
0x15: {  	[smem:$0x3FAF] =	sst s0;
	s0 =	simm.s32 @!p2 $0x0  }
0x16: {  	s3 =	sld [smem:$0x3FDB];
	s0 =	simm.s32 @p2 $0x1  }
0x17: {  	s4 =	simm.s32 $0x1BF5;
	[smem:$0x3FB1] =	sst s0  }
0x18: {  	s0 =	sld [smem:$0x3F94];
	_ =	swait.ge [sflag:s4], $0x0  }
0x19: {  	s7 =	sld [smem:$0x3F95]  }
0x1a: {  	s8 =	sadd.s32 $0xFFFFE003, lr  }
0x1b: {  	s9 =	sadd.s32 $0xFFFFFEF7, lr;
	s5 =	simm.s32 $0xFFFFFFFF;
	p2 =	slt.u32 s8, $0xFFFFF086  }
0x1c: {  	p1 =	slt.u32 s9, $0xF7A;
	s5 =	simm.s32 @!p2 $0x0  }
0x1d: {  	s5 =	simm.s32 @p1 $0x1;
	p0 =	seq.s32 s7, s2  }
0x1e: {  	s7 =	smul.u32 @!p0 $0xF7A, s2;
	p2 =	seq.s32 @!p0 s5, $0x0  }
0x1f: {  	s9 =	smul.u32 $0xF7A, s1;
	s8 =	simm.s32 @!p0 $0x1BF5;
	p2 =	por !p2, p0  }
0x20: {  	[sflag:s8] =	ssyncset.s32 @!p0 $0xFFFFF086;
	s6 =	sadd.s32 @!p0 s3, s7;
	s7 =	simm.s32 @!p0 $0x108  }
0x21: {  	s3 =	sadd.s32 s3, s9;
	s6 =	sadd.s32 @!p0 $0x88, s6;
	s7 =	simm.s32 @p2 $0x1082  }
0x22: {  	[simem:s7], [sflag:s8] =	dma.local @!p0 [hbm:s6], $0xF7A  }
0x23: {  	s9 =	sor.u32 $0xD0000000, s2;
	s6 =	simm.s32 $0x108;
	_ =	swait.ge @!p0 [sflag:s8], $0x0  }
0x24: {  	s3 =	sadd.s32 $0x88, s3;
	s6 =	simm.s32 @!p1 $0x1082;
	[sflag:s4] =	ssyncset.s32 $0xFFFFF086  }
0x25: {  	[simem:s6], [sflag:s4] =	dma.local [hbm:s3], $0xF7A  }
0x26: {  	[smem:$0x3F95] =	sst s1;
	(tag) =	ssettag s2;
	_ =	strace s9  }
0x27: {  	s1 =	sld [smem:$0x3FA5]  }
0x28: {  	s2 =	sld [smem:$0x3FA6]  }
0x29: {  	s4 =	sld [smem:$0x3FA8]  }
0x2a: {  	p0 =	seq.s32 s5, $0x0;
	s5 =	sld [smem:$0x3FA9]  }
0x2b: {  	s6 =	sld [smem:$0x3FAA]  }
0x2c: {  	s7 =	sld [smem:$0x3FAB]  }
0x2d: {  	s3 =	simm.s32 $0x108;
	s8 =	sld [smem:$0x3FAC]  }
0x2e: {  	s3 =	simm.s32 @!p0 $0x1082;
	s9 =	sld [smem:$0x3FAD]  }
0x2f: {  	lr =	sadd.s32 s0, s3;
	s0 =	sld [smem:$0x3FA4]  }
0x30: {  	s3 =	sld [smem:$0x3FA7]  }
0x31: {  	[smem:$0x3FB0] =	sst s10  }
0x32: {  	s10 =	sld [smem:$0x3FAE];
	_ =	sdelay $0x3  }
0x33: {  	p0 =	seq.s32 s10, $0x1;
	s10 =	sld [smem:$0x3FB0];
	_ =	sdelay $0x3  }
0x34: {  	[smem:$0x3FB0] =	sst s10  }
0x35: {  	s10 =	sld [smem:$0x3FAF];
	_ =	sdelay $0x3  }
0x36: {  	p1 =	seq.s32 s10, $0x1;
	s10 =	sld [smem:$0x3FB0];
	_ =	sdelay $0x3  }
0x37: {  	[smem:$0x3FB0] =	sst s10  }
0x38: {  	s10 =	sld [smem:$0x3FB1]  }
0x39: {  	_ = 	snop;
	(pc) =	sbr.ind lr, $3  }
0x3a: {  	_ = 	snop  }
0x3b: {  	_ = 	snop  }
0x3c: {  	p2 =	seq.s32 s10, $0x1;
	s10 =	sld [smem:$0x3FB0]  }
0x3d: {  	_ =	shalt  }
0x3e: {  	_ =	shalt  }
0x3f: {  	_ =	shalt  }
0x40: {  	_ =	shalt  }
0x41: {  	_ =	shalt  }
0x42: {  	_ =	shalt  }
0x43: {  	_ =	shalt  }
0x44: {  	_ =	shalt  }
0x45: {  	_ =	shalt  }
0x46: {  	_ =	shalt  }
0x47: {  	_ =	shalt  }
0x48: {  	_ =	shalt  }
0x49: {  	_ =	shalt  }
0x4a: {  	_ =	shalt  }
0x4b: {  	_ =	shalt  }
0x4c: {  	_ =	shalt  }
0x4d: {  	_ =	shalt  }
0x4e: {  	_ =	shalt  }
0x4f: {  	_ =	shalt  }
0x50: {  	_ =	shalt  }
0x51: {  	_ =	shalt  }
0x52: {  	_ =	shalt  }
0x53: {  	_ =	shalt  }
0x54: {  	_ =	shalt  }
0x55: {  	_ =	shalt  }
0x56: {  	_ =	shalt  }
0x57: {  	_ =	shalt  }
0x58: {  	_ =	shalt  }
0x59: {  	_ =	shalt  }
0x5a: {  	_ =	shalt  }
0x5b: {  	_ =	shalt  }
0x5c: {  	_ =	shalt  }
0x5d: {  	_ =	shalt  }
0x5e: {  	_ =	shalt  }
0x5f: {  	_ =	shalt  }
0x60: {  	_ =	shalt  }
0x61: {  	_ =	shalt  }
0x62: {  	_ =	shalt  }
0x63: {  	_ =	shalt  }
0x64: {  	_ =	shalt  }
0x65: {  	_ =	shalt  }
0x66: {  	_ =	shalt  }
0x67: {  	_ =	shalt  }
0x68: {  	_ =	shalt  }
0x69: {  	_ =	shalt  }
0x6a: {  	_ =	shalt  }
0x6b: {  	_ =	shalt  }
0x6c: {  	_ =	shalt  }
0x6d: {  	_ =	shalt  }
0x6e: {  	_ =	shalt  }
0x6f: {  	_ =	shalt  }
0x70: {  	_ =	shalt  }
0x71: {  	_ =	shalt  }
0x72: {  	_ =	shalt  }
0x73: {  	_ =	shalt  }
0x74: {  	_ =	shalt  }
0x75: {  	_ =	shalt  }
0x76: {  	_ =	shalt  }
0x77: {  	_ =	shalt  }
0x78: {  	_ =	shalt  }
0x79: {  	_ =	shalt  }
0x7a: {  	_ =	shalt  }
0x7b: {  	_ =	shalt  }
0x7c: {  	_ =	shalt  }
0x7d: {  	_ =	shalt  }
0x7e: {  	_ =	shalt  }
0x7f: {  	_ =	shalt  }
0x80: {  	_ =	shalt  }
0x81: {  	_ =	shalt  }
0x82: {  	_ =	shalt  }
0x83: {  	_ =	shalt  }
0x84: {  	_ =	shalt  }
0x85: {  	_ =	shalt  }
0x86: {  	_ =	shalt  }
0x87: {  	_ =	shalt  }
.Lfunc_end0:
.L_simem_size_0:
called_computation.1_lowered:
.L_overlay_start_0:
0x88: {  	s2 =	sld [smem:$0x3FD9]  }
0x89: {  	s3 =	sld [smem:$0x3FFE];
	_ =	sdelay $0x1  }
0x8a: {  	s1 =	srdreg.scid  }
0x8b: {  	s0 =	sand.u32 $0x1, s1  }
0x8c: {  	s17 =	sshll.u32 s0, $0xA;
	s2 =	sadd.s32 s3, s2  }
0x8d: {  	s2 =	sadd.s32 s2, s17  }
0x8e: {  	[smem:$0x3FBC] =	sst s2  }
0x8f: {  	_ = 	snop  }
0x90: {  	s2 =	sld [smem:$0x3FD0];
	(tm) =	ssettm $0x1  }
0x91: {  	s18 =	sld [smem:$0x3FFB];
	_ =	sdelay $0x3  }
0x92: {  	_ =	strace s18  }
0x93: {  	s3 =	sld [smem:$0x3FFC];
	_ =	sdelay $0x3  }
0x94: {  	_ =	strace s3  }
0x95: {  	s3 =	sld [smem:$0x3FFD];
	_ =	sdelay $0x3  }
0x96: {  	_ =	strace s3  }
0x97: {  	_ =	strace $0x8FFFFFFF  }
0x98: {  	s19 =	sld [smem:$0x3FDB];
	_ =	sdelay $0x1  }
0x99: {  	s4 =	simm.s32 $_scs_section_size  }
0x9a: {  	s5 =	simm.s32 $_size__tile_overlayer_lowered;
	s6 =	simm.s32 $_tile_overlayer_lowered  }
0x9b: {  	s22 =	simm.s32 $0x1BFF;
	s21 =	sshll.u32 s6, $0x1;
	s3 =	sadd.s32 s4, s19  }
0x9c: {  	s7 =	simm.s32 $0x0;
	s20 =	sshll.u32 s5, $0x1;
	s5 =	sadd.s32 s21, s3  }
0x9d: {  	[timem:s7], [sflag:s22] =	dma.local [hbm:s5], s20  }
0x9e: {  	_ =	swait.ge [sflag:s22], s20  }
0x9f: {  	s4 =	ssub.s32 $0x0, s20;
	[sflag:s22] =	ssyncset.done $0x0  }
0xa0: {  	[sflag:s22] =	ssyncadd.s32 s4;
	_ =	sdelay $0x1  }
0xa1: {  	s23 =	simm.s32 $0x1B8B  }
0xa2: {  	_ =	swait.ge [sflag:s23], $0x1  }
0xa3: {  	[sflag:s23] =	ssyncset.done $0x0  }
0xa4: {  	s25 =	simm.s32 $0x1B8E;
	s24 =	sld [smem:$0x3FFE];
	[sflag:s23] =	ssyncadd.s32 $0xFFFFFFFF  }
0xa5: {  	s26 =	simm.s32 $execute0_lowered;
	[smem:$0x3FD2] =	sst s25  }
0xa6: {  	s5 =	sshll.u32 s26, $0x1;
	_ =	strace $0x80000049;
	[dreg:$0x1] =	wrdreg $0xFFFFFFFF  }
0xa7: {  	s28 =	simm.s32 $_size_execute0_lowered;
	s3 =	sadd.s32 s3, s5;
	[dreg:$0x0] =	wrdreg $0x0  }
0xa8: {  	s5 =	sshll.u32 s28, $0x1;
	[dreg:$0x2] =	wrdreg s3  }
0xa9: {  	[dreg:$0x3] =	wrdreg s5  }
0xaa: {  	[dreg:$0x4] =	wrdreg $0xC0  }
0xab: {  	_ =	task [dreg:s7], $0x5FFFF  }
0xac: {  	[dreg:$0x1] =	wrdreg $0xFFFFFFFF  }
0xad: {  	[dreg:$0x0] =	wrdreg $0x60  }
0xae: {  	[dreg:$0x2] =	wrdreg s24  }
0xaf: {  	[dreg:$0x3] =	wrdreg s2  }
0xb0: {  	[dreg:$0x4] =	wrdreg $0x50000  }
0xb1: {  	[dreg:$0x5] =	wrdreg $0x9  }
0xb2: {  	_ =	task.clear_ibuf [dreg:s7], $0x6FFFF;
	_ =	strace $0x90000049  }
0xb3: {  	s29 =	simm.s32 $0x9;
	_ =	strace $0x8000004B  }
0xb4: {  	_ =	swait.ge [sflag:s29], $0x1  }
0xb5: {  	[sflag:s29] =	ssyncadd.s32 $0xFFFFFFFF  }
0xb6: {  	_ =	strace $0x9000004B  }
0xb7: {  	_ =	sfence  }
0xb8: {  	s30 =	sld [smem:$0x0];
	_ =	sdelay $0x2  }
0xb9: {  	s31 =	sshll.u32 s1, $0xD;
	s1 =	sshrl.u32 s1, $0x2  }
0xba: {  	s3 =	sand.u32 $0x4000, s31;
	s1 =	sadd.s32 s1, s30  }
0xbb: {  	s0 =	sor.u32 s3, s0;
	s1 =	sshll.u32 s1, $0x11  }
0xbc: {  	s0 =	sor.u32 s1, s0  }
0xbd: {  	s0 =	sadd.s32 $0x8F2B, s0  }
0xbe: {  	[sflag:s0] =	ssyncadd.remote.s32 $0x1  }
0xbf: {  	_ =	sfence.sel $0xFFFF  }
0xc0: {  	[dreg:$0x0] =	wrdreg $0xFFFFFFFF;
	(pc) =	sbr.abs _section_cstart, $3  }
0xc1: {  	[dreg:$0x1] =	wrdreg $0xFFFFFFFF  }
0xc2: {  	_ =	task.clear_ibuf [dreg:s7], $0x2FFFF;
	_ =	strace $0x9FFFFFFF  }
0xc3: {  	(tm) =	ssettm $0x7FFFFFFF  }
tec
execute0_lowered:
.L_overlay_start_1:
0x0: {  	(tag) =	ssettag $0x1  }
0x1: {  	s0 =	srdreg.scid;
	s1 =	rddreg [dreg:$0x0]  }
0x2: {  	s11 =	stileid.u32;
	s3 =	rddreg [dreg:$0x1];
	s23 =	simm.s32 $0x0  }
0x3: {  	s14 =	simm.s32 $0x80;
	s15 =	simm.s32 $0xA000;
	s16 =	simm.s32 $0xB000  }
0x4: {  	s18 =	simm.s32 $0xC000;
	s20 =	simm.s32 $0xD000;
	s22 =	simm.s32 $0xE000  }
0x5: {  	s29 =	simm.s32 $0x11000;
	s30 =	simm.s32 $0x1;
	s31 =	simm.s32 $0x2  }
0x6: {  	s17 =	simm.s32 $0x5;
	s19 =	simm.s32 $0x6;
	s21 =	simm.s32 $0x7  }
0x7: {  	s0 =	sand.u32 $0x1, s0;
	s6 =	smul.u32 $0x5000, s11;
	[smem:$0x7FF] =	sst s23  }
0x8: {  	s28 =	sshll.u32 s11, $0x6;
	s23 =	simm.s32 $0x8;
	s2 =	sshll.u32 s0, $0x4  }
0x9: {  	s7 =	smul.u32 $0x50000, s0;
	s0 =	ssub.s32 $0x2, s0;
	s12 =	sor.u32 $0x1C0B, s28  }
0xa: {  	s4 =	sor.u32 s11, s2;
	s2 =	rddreg [dreg:$0x2];
	_ =	strace $0x8000004A  }
0xb: {  	s9 =	sshrl.u32 s6, $0x3;
	s10 =	sshrl.u32 s0, $0x1;
	s11 =	simm.s32 $0x9  }
0xc: {  	s5 =	smul.u32 $0x500, s4;
	s4 =	sadd.s32 $0x17600, s1;
	s7 =	sadd.s32 s6, s7  }
0xd: {  	s9 =	sadd.s32 s9, s1;
	s0 =	ssub.s32 s0, s10;
	s25 =	sadd.s32 s6, s2  }
0xe: {  	s10 =	simm.s32 $0xB;
	s6 =	simm.s32 $0x2700;
	s7 =	sshrl.u32 s7, $0x3  }
0xf: {  	s26 =	sadd.s32 $0xD600, s9;
	s0 =	smax.u32 s0, $0x1;
	s13 =	sshrl.u32 s25, $0x3  }
0x10: {  	s25 =	simm.s32 $0xA;
	s8 =	sadd.s32 s5, s1;
	[dreg:$0x6] =	wrdreg s26  }
0x11: {  	s1 =	sadd.s32 s7, s1;
	s3 =	sadd.s32 s3, s5;
	[dreg:$0x8] =	wrdreg s0  }
0x12: {  	s26 =	simm.s32 $0x10000;
	s0 =	simm.s32 $0x4;
	s5 =	simm.s32 $0x2680  }
0x13: {  	s7 =	simm.s32 $0x2780;
	[dreg:$0x4] =	wrdreg s3;
	s24 =	sadd.s32 $0x3400, s8  }
0x14: {  	s1 =	sadd.s32 $0x21600, s1;
	s8 =	simm.s32 $0x0;
	[dreg:$0x5] =	wrdreg s24  }
0x15: {  	[dreg:$0x7] =	wrdreg s1;
	s24 =	simm.s32 $0xF000;
	s1 =	simm.s32 $0x3  }
.LBB2_1:
0x16: {  	s3 =	simm.s32 $0x0;
	s9 =	rddreg [dreg:$0x4]  }
0x17: {  	[tilespmem:s3], [sflag:$0xB] =	stream.linear.gather [hbm4b:s9+s3], $0x2800, $0x38;
	[tilespmem:$0x12000] =	vst v63  }
0x18: {  	_ =	swait.ge [sflag:s10], $0x2800  }
0x19: {  	[sflag:s10] =	ssyncset.done $0x0  }
0x1a: {  	s28 =	simm.s32 $0x2800;
	s9 =	rddreg [dreg:$0x5];
	[sflag:s10] =	ssyncadd.s32 $0xFFFFD800  }
0x1b: {  	[tilespmem:s28], [sflag:$0xB] =	stream.linear.gather [hbm4b:s9+s3], $0x2800, $0x38;
	[tilespmem:$0x12000] =	vst v63  }
0x1c: {  	_ =	swait.ge [sflag:s10], $0x2800  }
0x1d: {  	[sflag:s10] =	ssyncset.done $0x0  }
0x1e: {  	s28 =	rddreg [dreg:$0x6];
	[sflag:s10] =	ssyncadd.s32 $0xFFFFD800  }
0x1f: {  	[spmem:s13], [sflag:s12] =	dma.local [hbm:s28], $0xA00  }
0x20: {  	_ =	swait.ge [sflag:s10], $0xA00  }
0x21: {  	[sflag:s10] =	ssyncset.done $0x0  }
0x22: {  	[sflag:s10] =	ssyncadd.s32 $0xFFFFF600  }
0x23: {  	[bflag:$0x0] =	sbarrier.arrive $0xFFFF  }
0x24: {  	[tilespmem:s15], [sflag:$0x1] =	stream.indirect.gather [hbm4b:s4+s14], $0x20, s3, s14, $0xb8;
	[tilespmem:$0x12000] =	vst v63  }
0x25: {  	_ = 	snop  }
0x26: {  	[tilespmem:s16], [sflag:$0x2] =	stream.indirect.gather [hbm4b:s4+s14], $0x20, s14, s14, $0xb8;
	[tilespmem:$0x12000] =	vst v63  }
0x27: {  	s28 =	simm.s32 $0x100  }
0x28: {  	[tilespmem:s18], [sflag:$0x3] =	stream.indirect.gather [hbm4b:s4+s14], $0x20, s28, s14, $0xb8;
	[tilespmem:$0x12000] =	vst v63  }
0x29: {  	s9 =	simm.s32 $0x180  }
0x2a: {  	[tilespmem:s20], [sflag:$0x4] =	stream.indirect.gather [hbm4b:s4+s14], $0x20, s9, s14, $0xb8;
	[tilespmem:$0x12000] =	vst v63  }
0x2b: {  	s28 =	simm.s32 $0x200  }
0x2c: {  	[tilespmem:s22], [sflag:$0x5] =	stream.indirect.gather [hbm4b:s4+s14], $0x20, s28, s14, $0xb8;
	[tilespmem:$0x12000] =	vst v63  }
0x2d: {  	s9 =	simm.s32 $0x280  }
0x2e: {  	[tilespmem:s24], [sflag:$0x6] =	stream.indirect.gather [hbm4b:s4+s14], $0x20, s9, s14, $0xb8;
	[tilespmem:$0x12000] =	vst v63  }
0x2f: {  	s28 =	simm.s32 $0x300  }
0x30: {  	[tilespmem:s26], [sflag:$0x7] =	stream.indirect.gather [hbm4b:s4+s14], $0x20, s28, s14, $0xb8;
	[tilespmem:$0x12000] =	vst v63  }
0x31: {  	s9 =	simm.s32 $0x380  }
0x32: {  	[tilespmem:s29], [sflag:$0x8] =	stream.indirect.gather [hbm4b:s4+s14], $0x20, s9, s14, $0xb8;
	[tilespmem:$0x12000] =	vst v63  }
0x33: {  	_ =	swait.ge [sflag:s30], $0x1000  }
0x34: {  	[sflag:s30] =	ssyncset.done $0x0  }
0x35: {  	s28 =	simm.s32 $0x2800;
	[sflag:s30] =	ssyncadd.s32 $0xFFFFF000  }
0x36: {  	[spmem:s2] =	stream.indirect.scatter.add.f32 [tilespmem:s15], [sflag:$0x9], $0x20, s28, s14, $0xb8;
	[tilespmem:$0x12000] =	vst v63  }
0x37: {  	_ =	swait.ge [sflag:s31], $0x1000  }
0x38: {  	[sflag:s31] =	ssyncset.done $0x0  }
0x39: {  	s9 =	simm.s32 $0x2880;
	[sflag:s31] =	ssyncadd.s32 $0xFFFFF000  }
0x3a: {  	[spmem:s2] =	stream.indirect.scatter.add.f32 [tilespmem:s16], [sflag:$0x9], $0x20, s9, s14, $0xb8;
	[tilespmem:$0x12000] =	vst v63  }
0x3b: {  	_ =	swait.ge [sflag:s1], $0x1000  }
0x3c: {  	[sflag:s1] =	ssyncset.done $0x0  }
0x3d: {  	s28 =	simm.s32 $0x2900;
	[sflag:s1] =	ssyncadd.s32 $0xFFFFF000  }
0x3e: {  	[spmem:s2] =	stream.indirect.scatter.add.f32 [tilespmem:s18], [sflag:$0x9], $0x20, s28, s14, $0xb8;
	[tilespmem:$0x12000] =	vst v63  }
0x3f: {  	_ =	swait.ge [sflag:s0], $0x1000  }
0x40: {  	[sflag:s0] =	ssyncset.done $0x0  }
0x41: {  	s9 =	simm.s32 $0x2980;
	[sflag:s0] =	ssyncadd.s32 $0xFFFFF000  }
0x42: {  	[spmem:s2] =	stream.indirect.scatter.add.f32 [tilespmem:s20], [sflag:$0x9], $0x20, s9, s14, $0xb8;
	[tilespmem:$0x12000] =	vst v63  }
0x43: {  	_ =	swait.ge [sflag:s11], $0x1000  }
0x44: {  	[sflag:s11] =	ssyncset.done $0x0  }
0x45: {  	[sflag:s11] =	ssyncadd.s32 $0xFFFFF000  }
0x46: {  	_ =	swait.ge [sflag:s11], $0x1000  }
0x47: {  	[sflag:s11] =	ssyncset.done $0x0  }
0x48: {  	[sflag:s11] =	ssyncadd.s32 $0xFFFFF000  }
0x49: {  	_ =	swait.ge [sflag:s11], $0x1000  }
0x4a: {  	[sflag:s11] =	ssyncset.done $0x0  }
0x4b: {  	[sflag:s11] =	ssyncadd.s32 $0xFFFFF000  }
0x4c: {  	_ =	swait.ge [sflag:s11], $0x1000  }
0x4d: {  	[sflag:s11] =	ssyncset.done $0x0  }
0x4e: {  	s28 =	simm.s32 $0x400;
	[sflag:s11] =	ssyncadd.s32 $0xFFFFF000  }
0x4f: {  	[tilespmem:s15], [sflag:$0x1] =	stream.indirect.gather [hbm4b:s4+s14], $0x20, s28, s14, $0xb8;
	[tilespmem:$0x12000] =	vst v63  }
0x50: {  	s9 =	simm.s32 $0x480  }
0x51: {  	[tilespmem:s16], [sflag:$0x2] =	stream.indirect.gather [hbm4b:s4+s14], $0x20, s9, s14, $0xb8;
	[tilespmem:$0x12000] =	vst v63  }
0x52: {  	s28 =	simm.s32 $0x500  }
0x53: {  	[tilespmem:s18], [sflag:$0x3] =	stream.indirect.gather [hbm4b:s4+s14], $0x20, s28, s14, $0xb8;
	[tilespmem:$0x12000] =	vst v63  }
0x54: {  	s9 =	simm.s32 $0x580  }
0x55: {  	[tilespmem:s20], [sflag:$0x4] =	stream.indirect.gather [hbm4b:s4+s14], $0x20, s9, s14, $0xb8;
	[tilespmem:$0x12000] =	vst v63  }
0x56: {  	_ =	swait.ge [sflag:s17], $0x1000  }
0x57: {  	[sflag:s17] =	ssyncset.done $0x0  }
0x58: {  	s28 =	simm.s32 $0x2A00;
	[sflag:s17] =	ssyncadd.s32 $0xFFFFF000  }
0x59: {  	[spmem:s2] =	stream.indirect.scatter.add.f32 [tilespmem:s22], [sflag:$0xA], $0x20, s28, s14, $0xb8;
	[tilespmem:$0x12000] =	vst v63  }
0x5a: {  	_ =	swait.ge [sflag:s19], $0x1000  }
0x5b: {  	[sflag:s19] =	ssyncset.done $0x0  }
0x5c: {  	s9 =	simm.s32 $0x2A80;
	[sflag:s19] =	ssyncadd.s32 $0xFFFFF000  }
0x5d: {  	[spmem:s2] =	stream.indirect.scatter.add.f32 [tilespmem:s24], [sflag:$0xA], $0x20, s9, s14, $0xb8;
	[tilespmem:$0x12000] =	vst v63  }
0x5e: {  	_ =	swait.ge [sflag:s21], $0x1000  }
0x5f: {  	[sflag:s21] =	ssyncset.done $0x0  }
0x60: {  	s28 =	simm.s32 $0x2B00;
	[sflag:s21] =	ssyncadd.s32 $0xFFFFF000  }
0x61: {  	[spmem:s2] =	stream.indirect.scatter.add.f32 [tilespmem:s26], [sflag:$0xA], $0x20, s28, s14, $0xb8;
	[tilespmem:$0x12000] =	vst v63  }
0x62: {  	_ =	swait.ge [sflag:s23], $0x1000  }
0x63: {  	[sflag:s23] =	ssyncset.done $0x0  }
0x64: {  	s9 =	simm.s32 $0x2B80;
	[sflag:s23] =	ssyncadd.s32 $0xFFFFF000  }
0x65: {  	[spmem:s2] =	stream.indirect.scatter.add.f32 [tilespmem:s29], [sflag:$0xA], $0x20, s9, s14, $0xb8;
	[tilespmem:$0x12000] =	vst v63  }
0x66: {  	_ =	swait.ge [sflag:s25], $0x1000  }
0x67: {  	[sflag:s25] =	ssyncset.done $0x0  }
0x68: {  	[sflag:s25] =	ssyncadd.s32 $0xFFFFF000  }
0x69: {  	_ =	swait.ge [sflag:s25], $0x1000  }
0x6a: {  	[sflag:s25] =	ssyncset.done $0x0  }
0x6b: {  	[sflag:s25] =	ssyncadd.s32 $0xFFFFF000  }
0x6c: {  	_ =	swait.ge [sflag:s25], $0x1000  }
0x6d: {  	[sflag:s25] =	ssyncset.done $0x0  }
0x6e: {  	[sflag:s25] =	ssyncadd.s32 $0xFFFFF000  }
0x6f: {  	_ =	swait.ge [sflag:s25], $0x1000  }
0x70: {  	[sflag:s25] =	ssyncset.done $0x0  }
0x71: {  	s28 =	simm.s32 $0x600;
	[sflag:s25] =	ssyncadd.s32 $0xFFFFF000  }
0x72: {  	[tilespmem:s22], [sflag:$0x5] =	stream.indirect.gather [hbm4b:s4+s14], $0x20, s28, s14, $0xb8;
	[tilespmem:$0x12000] =	vst v63  }
0x73: {  	s9 =	simm.s32 $0x680  }
0x74: {  	[tilespmem:s24], [sflag:$0x6] =	stream.indirect.gather [hbm4b:s4+s14], $0x20, s9, s14, $0xb8;
	[tilespmem:$0x12000] =	vst v63  }
0x75: {  	s3 =	simm.s32 $0x780;
	s28 =	simm.s32 $0x700;
	s9 =	simm.s32 $0x1000  }
0x76: {  	[tilespmem:s26], [sflag:$0x7] =	stream.indirect.gather [hbm4b:s4+s14], $0x20, s28, s14, $0xb8;
	[tilespmem:$0x12000] =	vst v63  }
.LBB2_2:
0x77: {  	[tilespmem:s29], [sflag:$0x8] =	stream.indirect.gather [hbm4b:s4+s14], $0x20, s3, s14, $0xb8;
	[tilespmem:$0x12000] =	vst v63  }
0x78: {  	s3 =	smov.u32 s9  }
0x79: {  	p0 =	sne.s32 s9, $0x7000;
	s9 =	sadd.s32 $0x1000, s9;
	_ =	swait.ge [sflag:s30], $0x1000  }
0x7a: {  	s3 =	sshra.s32 s3, $0x2;
	[sflag:s30] =	ssyncset.done $0x0  }
0x7b: {  	s28 =	sadd.s32 $0x2800, s3;
	[sflag:s30] =	ssyncadd.s32 $0xFFFFF000  }
0x7c: {  	[spmem:s2] =	stream.indirect.scatter.add.f32 [tilespmem:s15], [sflag:$0x9], $0x20, s28, s14, $0xb8;
	[tilespmem:$0x12000] =	vst v63  }
0x7d: {  	_ =	swait.ge [sflag:s31], $0x1000  }
0x7e: {  	[sflag:s31] =	ssyncset.done $0x0  }
0x7f: {  	s28 =	sadd.s32 $0x2880, s3;
	[sflag:s31] =	ssyncadd.s32 $0xFFFFF000  }
0x80: {  	[spmem:s2] =	stream.indirect.scatter.add.f32 [tilespmem:s16], [sflag:$0x9], $0x20, s28, s14, $0xb8;
	[tilespmem:$0x12000] =	vst v63  }
0x81: {  	_ =	swait.ge [sflag:s1], $0x1000  }
0x82: {  	[sflag:s1] =	ssyncset.done $0x0  }
0x83: {  	s28 =	sadd.s32 $0x2900, s3;
	[sflag:s1] =	ssyncadd.s32 $0xFFFFF000  }
0x84: {  	[spmem:s2] =	stream.indirect.scatter.add.f32 [tilespmem:s18], [sflag:$0x9], $0x20, s28, s14, $0xb8;
	[tilespmem:$0x12000] =	vst v63  }
0x85: {  	_ =	swait.ge [sflag:s0], $0x1000  }
0x86: {  	[sflag:s0] =	ssyncset.done $0x0  }
0x87: {  	s28 =	sadd.s32 $0x2980, s3;
	[sflag:s0] =	ssyncadd.s32 $0xFFFFF000  }
0x88: {  	[spmem:s2] =	stream.indirect.scatter.add.f32 [tilespmem:s20], [sflag:$0x9], $0x20, s28, s14, $0xb8;
	[tilespmem:$0x12000] =	vst v63  }
0x89: {  	_ =	swait.ge [sflag:s11], $0x1000  }
0x8a: {  	[sflag:s11] =	ssyncset.done $0x0  }
0x8b: {  	[sflag:s11] =	ssyncadd.s32 $0xFFFFF000  }
0x8c: {  	_ =	swait.ge [sflag:s11], $0x1000  }
0x8d: {  	[sflag:s11] =	ssyncset.done $0x0  }
0x8e: {  	[sflag:s11] =	ssyncadd.s32 $0xFFFFF000  }
0x8f: {  	_ =	swait.ge [sflag:s11], $0x1000  }
0x90: {  	[sflag:s11] =	ssyncset.done $0x0  }
0x91: {  	[sflag:s11] =	ssyncadd.s32 $0xFFFFF000  }
0x92: {  	_ =	swait.ge [sflag:s11], $0x1000  }
0x93: {  	[sflag:s11] =	ssyncset.done $0x0  }
0x94: {  	s28 =	sadd.s32 $0x400, s3;
	[sflag:s11] =	ssyncadd.s32 $0xFFFFF000  }
0x95: {  	[tilespmem:s15], [sflag:$0x1] =	stream.indirect.gather [hbm4b:s4+s14], $0x20, s28, s14, $0xb8;
	[tilespmem:$0x12000] =	vst v63  }
0x96: {  	s28 =	sadd.s32 $0x480, s3  }
0x97: {  	[tilespmem:s16], [sflag:$0x2] =	stream.indirect.gather [hbm4b:s4+s14], $0x20, s28, s14, $0xb8;
	[tilespmem:$0x12000] =	vst v63  }
0x98: {  	s28 =	sadd.s32 $0x500, s3  }
0x99: {  	[tilespmem:s18], [sflag:$0x3] =	stream.indirect.gather [hbm4b:s4+s14], $0x20, s28, s14, $0xb8;
	[tilespmem:$0x12000] =	vst v63  }
0x9a: {  	s28 =	sadd.s32 $0x580, s3  }
0x9b: {  	[tilespmem:s20], [sflag:$0x4] =	stream.indirect.gather [hbm4b:s4+s14], $0x20, s28, s14, $0xb8;
	[tilespmem:$0x12000] =	vst v63  }
0x9c: {  	_ =	swait.ge [sflag:s17], $0x1000  }
0x9d: {  	[sflag:s17] =	ssyncset.done $0x0  }
0x9e: {  	s28 =	sadd.s32 $0x2A00, s3;
	[sflag:s17] =	ssyncadd.s32 $0xFFFFF000  }
0x9f: {  	[spmem:s2] =	stream.indirect.scatter.add.f32 [tilespmem:s22], [sflag:$0xA], $0x20, s28, s14, $0xb8;
	[tilespmem:$0x12000] =	vst v63  }
0xa0: {  	_ =	swait.ge [sflag:s19], $0x1000  }
0xa1: {  	[sflag:s19] =	ssyncset.done $0x0  }
0xa2: {  	s28 =	sadd.s32 $0x2A80, s3;
	[sflag:s19] =	ssyncadd.s32 $0xFFFFF000  }
0xa3: {  	[spmem:s2] =	stream.indirect.scatter.add.f32 [tilespmem:s24], [sflag:$0xA], $0x20, s28, s14, $0xb8;
	[tilespmem:$0x12000] =	vst v63  }
0xa4: {  	_ =	swait.ge [sflag:s21], $0x1000  }
0xa5: {  	[sflag:s21] =	ssyncset.done $0x0  }
0xa6: {  	s28 =	sadd.s32 $0x2B00, s3;
	[sflag:s21] =	ssyncadd.s32 $0xFFFFF000  }
0xa7: {  	[spmem:s2] =	stream.indirect.scatter.add.f32 [tilespmem:s26], [sflag:$0xA], $0x20, s28, s14, $0xb8;
	[tilespmem:$0x12000] =	vst v63  }
0xa8: {  	_ =	swait.ge [sflag:s23], $0x1000  }
0xa9: {  	[sflag:s23] =	ssyncset.done $0x0  }
0xaa: {  	s28 =	sadd.s32 $0x2B80, s3;
	[sflag:s23] =	ssyncadd.s32 $0xFFFFF000  }
0xab: {  	[spmem:s2] =	stream.indirect.scatter.add.f32 [tilespmem:s29], [sflag:$0xA], $0x20, s28, s14, $0xb8;
	[tilespmem:$0x12000] =	vst v63  }
0xac: {  	_ =	swait.ge [sflag:s25], $0x1000  }
0xad: {  	[sflag:s25] =	ssyncset.done $0x0  }
0xae: {  	[sflag:s25] =	ssyncadd.s32 $0xFFFFF000  }
0xaf: {  	_ =	swait.ge [sflag:s25], $0x1000  }
0xb0: {  	[sflag:s25] =	ssyncset.done $0x0  }
0xb1: {  	[sflag:s25] =	ssyncadd.s32 $0xFFFFF000  }
0xb2: {  	_ =	swait.ge [sflag:s25], $0x1000  }
0xb3: {  	[sflag:s25] =	ssyncset.done $0x0  }
0xb4: {  	[sflag:s25] =	ssyncadd.s32 $0xFFFFF000  }
0xb5: {  	_ =	swait.ge [sflag:s25], $0x1000  }
0xb6: {  	[sflag:s25] =	ssyncset.done $0x0  }
0xb7: {  	s28 =	sadd.s32 $0x600, s3;
	[sflag:s25] =	ssyncadd.s32 $0xFFFFF000  }
0xb8: {  	[tilespmem:s22], [sflag:$0x5] =	stream.indirect.gather [hbm4b:s4+s14], $0x20, s28, s14, $0xb8;
	[tilespmem:$0x12000] =	vst v63  }
.Ltmp0:
0xb9: {  	s28 =	sadd.s32 $0x680, s3;
	(pc) =	sbr.rel @p0 .LBB2_2-.Ltmp0, $4  }
0xba: {  	[tilespmem:s24], [sflag:$0x6] =	stream.indirect.gather [hbm4b:s4+s14], $0x20, s28, s14, $0xb8;
	[tilespmem:$0x12000] =	vst v63  }
0xbb: {  	s28 =	sadd.s32 $0x700, s3  }
0xbc: {  	[tilespmem:s26], [sflag:$0x7] =	stream.indirect.gather [hbm4b:s4+s14], $0x20, s28, s14, $0xb8;
	[tilespmem:$0x12000] =	vst v63  }
0xbd: {  	s3 =	sadd.s32 $0x780, s3  }
0xbe: {  	[tilespmem:s29], [sflag:$0x8] =	stream.indirect.gather [hbm4b:s4+s14], $0x20, s3, s14, $0xb8;
	[tilespmem:$0x12000] =	vst v63  }
0xbf: {  	_ =	swait.ge [sflag:s30], $0x1000  }
0xc0: {  	[sflag:s30] =	ssyncset.done $0x0  }
0xc1: {  	s28 =	simm.s32 $0x4800;
	[sflag:s30] =	ssyncadd.s32 $0xFFFFF000  }
0xc2: {  	[spmem:s2] =	stream.indirect.scatter.add.f32 [tilespmem:s15], [sflag:$0x9], $0x20, s28, s14, $0xb8;
	[tilespmem:$0x12000] =	vst v63  }
0xc3: {  	_ =	swait.ge [sflag:s31], $0x1000  }
0xc4: {  	[sflag:s31] =	ssyncset.done $0x0  }
0xc5: {  	s9 =	simm.s32 $0x4880;
	[sflag:s31] =	ssyncadd.s32 $0xFFFFF000  }
0xc6: {  	[spmem:s2] =	stream.indirect.scatter.add.f32 [tilespmem:s16], [sflag:$0x9], $0x20, s9, s14, $0xb8;
	[tilespmem:$0x12000] =	vst v63  }
0xc7: {  	_ =	swait.ge [sflag:s1], $0x1000  }
0xc8: {  	[sflag:s1] =	ssyncset.done $0x0  }
0xc9: {  	s28 =	simm.s32 $0x4900;
	[sflag:s1] =	ssyncadd.s32 $0xFFFFF000  }
0xca: {  	[spmem:s2] =	stream.indirect.scatter.add.f32 [tilespmem:s18], [sflag:$0x9], $0x20, s28, s14, $0xb8;
	[tilespmem:$0x12000] =	vst v63  }
0xcb: {  	_ =	swait.ge [sflag:s0], $0x1000  }
0xcc: {  	[sflag:s0] =	ssyncset.done $0x0  }
0xcd: {  	s9 =	simm.s32 $0x4980;
	[sflag:s0] =	ssyncadd.s32 $0xFFFFF000  }
0xce: {  	[spmem:s2] =	stream.indirect.scatter.add.f32 [tilespmem:s20], [sflag:$0x9], $0x20, s9, s14, $0xb8;
	[tilespmem:$0x12000] =	vst v63  }
0xcf: {  	_ =	swait.ge [sflag:s11], $0x1000  }
0xd0: {  	[sflag:s11] =	ssyncset.done $0x0  }
0xd1: {  	[sflag:s11] =	ssyncadd.s32 $0xFFFFF000  }
0xd2: {  	_ =	swait.ge [sflag:s11], $0x1000  }
0xd3: {  	[sflag:s11] =	ssyncset.done $0x0  }
0xd4: {  	[sflag:s11] =	ssyncadd.s32 $0xFFFFF000  }
0xd5: {  	_ =	swait.ge [sflag:s11], $0x1000  }
0xd6: {  	[sflag:s11] =	ssyncset.done $0x0  }
0xd7: {  	[sflag:s11] =	ssyncadd.s32 $0xFFFFF000  }
0xd8: {  	_ =	swait.ge [sflag:s11], $0x1000  }
0xd9: {  	[sflag:s11] =	ssyncset.done $0x0  }
0xda: {  	s28 =	simm.s32 $0x2400;
	[sflag:s11] =	ssyncadd.s32 $0xFFFFF000  }
0xdb: {  	[tilespmem:s15], [sflag:$0x1] =	stream.indirect.gather [hbm4b:s4+s14], $0x20, s28, s14, $0xb8;
	[tilespmem:$0x12000] =	vst v63  }
0xdc: {  	s9 =	simm.s32 $0x2480  }
0xdd: {  	[tilespmem:s16], [sflag:$0x2] =	stream.indirect.gather [hbm4b:s4+s14], $0x20, s9, s14, $0xb8;
	[tilespmem:$0x12000] =	vst v63  }
0xde: {  	s28 =	simm.s32 $0x2500  }
0xdf: {  	[tilespmem:s18], [sflag:$0x3] =	stream.indirect.gather [hbm4b:s4+s14], $0x20, s28, s14, $0xb8;
	[tilespmem:$0x12000] =	vst v63  }
0xe0: {  	s9 =	simm.s32 $0x2580  }
0xe1: {  	[tilespmem:s20], [sflag:$0x4] =	stream.indirect.gather [hbm4b:s4+s14], $0x20, s9, s14, $0xb8;
	[tilespmem:$0x12000] =	vst v63  }
0xe2: {  	_ =	swait.ge [sflag:s17], $0x1000  }
0xe3: {  	[sflag:s17] =	ssyncset.done $0x0  }
0xe4: {  	s28 =	simm.s32 $0x4A00;
	[sflag:s17] =	ssyncadd.s32 $0xFFFFF000  }
0xe5: {  	[spmem:s2] =	stream.indirect.scatter.add.f32 [tilespmem:s22], [sflag:$0xA], $0x20, s28, s14, $0xb8;
	[tilespmem:$0x12000] =	vst v63  }
0xe6: {  	_ =	swait.ge [sflag:s19], $0x1000  }
0xe7: {  	[sflag:s19] =	ssyncset.done $0x0  }
0xe8: {  	s9 =	simm.s32 $0x4A80;
	[sflag:s19] =	ssyncadd.s32 $0xFFFFF000  }
0xe9: {  	[spmem:s2] =	stream.indirect.scatter.add.f32 [tilespmem:s24], [sflag:$0xA], $0x20, s9, s14, $0xb8;
	[tilespmem:$0x12000] =	vst v63  }
0xea: {  	_ =	swait.ge [sflag:s21], $0x1000  }
0xeb: {  	[sflag:s21] =	ssyncset.done $0x0  }
0xec: {  	s28 =	simm.s32 $0x4B00;
	[sflag:s21] =	ssyncadd.s32 $0xFFFFF000  }
0xed: {  	[spmem:s2] =	stream.indirect.scatter.add.f32 [tilespmem:s26], [sflag:$0xA], $0x20, s28, s14, $0xb8;
	[tilespmem:$0x12000] =	vst v63  }
0xee: {  	_ =	swait.ge [sflag:s23], $0x1000  }
0xef: {  	[sflag:s23] =	ssyncset.done $0x0  }
0xf0: {  	s9 =	simm.s32 $0x4B80;
	[sflag:s23] =	ssyncadd.s32 $0xFFFFF000  }
0xf1: {  	[spmem:s2] =	stream.indirect.scatter.add.f32 [tilespmem:s29], [sflag:$0xA], $0x20, s9, s14, $0xb8;
	[tilespmem:$0x12000] =	vst v63  }
0xf2: {  	_ =	swait.ge [sflag:s25], $0x1000  }
0xf3: {  	[sflag:s25] =	ssyncset.done $0x0  }
0xf4: {  	[sflag:s25] =	ssyncadd.s32 $0xFFFFF000  }
0xf5: {  	_ =	swait.ge [sflag:s25], $0x1000  }
0xf6: {  	[sflag:s25] =	ssyncset.done $0x0  }
0xf7: {  	[sflag:s25] =	ssyncadd.s32 $0xFFFFF000  }
0xf8: {  	_ =	swait.ge [sflag:s25], $0x1000  }
0xf9: {  	[sflag:s25] =	ssyncset.done $0x0  }
0xfa: {  	[sflag:s25] =	ssyncadd.s32 $0xFFFFF000  }
0xfb: {  	_ =	swait.ge [sflag:s25], $0x1000  }
0xfc: {  	[sflag:s25] =	ssyncset.done $0x0  }
0xfd: {  	s3 =	simm.s32 $0x2600;
	[sflag:s25] =	ssyncadd.s32 $0xFFFFF000  }
0xfe: {  	[tilespmem:s22], [sflag:$0x5] =	stream.indirect.gather [hbm4b:s4+s14], $0x20, s3, s14, $0xb8;
	[tilespmem:$0x12000] =	vst v63  }
0xff: {  	_ = 	snop  }
0x100: {  	[tilespmem:s24], [sflag:$0x6] =	stream.indirect.gather [hbm4b:s4+s14], $0x20, s5, s14, $0xb8;
	[tilespmem:$0x12000] =	vst v63  }
0x101: {  	_ = 	snop  }
0x102: {  	[tilespmem:s26], [sflag:$0x7] =	stream.indirect.gather [hbm4b:s4+s14], $0x20, s6, s14, $0xb8;
	[tilespmem:$0x12000] =	vst v63  }
0x103: {  	_ = 	snop  }
0x104: {  	[tilespmem:s29], [sflag:$0x8] =	stream.indirect.gather [hbm4b:s4+s14], $0x20, s7, s14, $0xb8;
	[tilespmem:$0x12000] =	vst v63  }
0x105: {  	_ =	swait.ge [sflag:s30], $0x1000  }
0x106: {  	[sflag:s30] =	ssyncset.done $0x0  }
0x107: {  	s9 =	simm.s32 $0x4C00;
	[sflag:s30] =	ssyncadd.s32 $0xFFFFF000  }
0x108: {  	[spmem:s2] =	stream.indirect.scatter.add.f32 [tilespmem:s15], [sflag:$0x9], $0x20, s9, s14, $0xb8;
	[tilespmem:$0x12000] =	vst v63  }
0x109: {  	_ =	swait.ge [sflag:s31], $0x1000  }
0x10a: {  	[sflag:s31] =	ssyncset.done $0x0  }
0x10b: {  	s28 =	simm.s32 $0x4C80;
	[sflag:s31] =	ssyncadd.s32 $0xFFFFF000  }
0x10c: {  	[spmem:s2] =	stream.indirect.scatter.add.f32 [tilespmem:s16], [sflag:$0x9], $0x20, s28, s14, $0xb8;
	[tilespmem:$0x12000] =	vst v63  }
0x10d: {  	_ =	swait.ge [sflag:s1], $0x1000  }
0x10e: {  	[sflag:s1] =	ssyncset.done $0x0  }
0x10f: {  	s28 =	simm.s32 $0x4D00;
	[sflag:s1] =	ssyncadd.s32 $0xFFFFF000  }
0x110: {  	[spmem:s2] =	stream.indirect.scatter.add.f32 [tilespmem:s18], [sflag:$0x9], $0x20, s28, s14, $0xb8;
	[tilespmem:$0x12000] =	vst v63  }
0x111: {  	_ =	swait.ge [sflag:s0], $0x1000  }
0x112: {  	[sflag:s0] =	ssyncset.done $0x0  }
0x113: {  	s28 =	simm.s32 $0x4D80;
	[sflag:s0] =	ssyncadd.s32 $0xFFFFF000  }
0x114: {  	[spmem:s2] =	stream.indirect.scatter.add.f32 [tilespmem:s20], [sflag:$0x9], $0x20, s28, s14, $0xb8;
	[tilespmem:$0x12000] =	vst v63  }
0x115: {  	_ =	swait.ge [sflag:s11], $0x1000  }
0x116: {  	[sflag:s11] =	ssyncset.done $0x0  }
0x117: {  	[sflag:s11] =	ssyncadd.s32 $0xFFFFF000  }
0x118: {  	_ =	swait.ge [sflag:s11], $0x1000  }
0x119: {  	[sflag:s11] =	ssyncset.done $0x0  }
0x11a: {  	[sflag:s11] =	ssyncadd.s32 $0xFFFFF000  }
0x11b: {  	_ =	swait.ge [sflag:s11], $0x1000  }
0x11c: {  	[sflag:s11] =	ssyncset.done $0x0  }
0x11d: {  	[sflag:s11] =	ssyncadd.s32 $0xFFFFF000  }
0x11e: {  	_ =	swait.ge [sflag:s11], $0x1000  }
0x11f: {  	[sflag:s11] =	ssyncset.done $0x0  }
0x120: {  	[sflag:s11] =	ssyncadd.s32 $0xFFFFF000  }
0x121: {  	[tilespmem:s15], [sflag:$0x1] =	stream.indirect.gather [hbm4b:s4+s14], $0x20, s3, s14, $0xb8;
	[tilespmem:$0x12000] =	vst v63  }
0x122: {  	_ = 	snop  }
0x123: {  	[tilespmem:s16], [sflag:$0x2] =	stream.indirect.gather [hbm4b:s4+s14], $0x20, s5, s14, $0xb8;
	[tilespmem:$0x12000] =	vst v63  }
0x124: {  	_ = 	snop  }
0x125: {  	[tilespmem:s18], [sflag:$0x3] =	stream.indirect.gather [hbm4b:s4+s14], $0x20, s6, s14, $0xb8;
	[tilespmem:$0x12000] =	vst v63  }
0x126: {  	_ = 	snop  }
0x127: {  	[tilespmem:s20], [sflag:$0x4] =	stream.indirect.gather [hbm4b:s4+s14], $0x20, s7, s14, $0xb8;
	[tilespmem:$0x12000] =	vst v63  }
0x128: {  	_ =	swait.ge [sflag:s17], $0x1000  }
0x129: {  	[sflag:s17] =	ssyncset.done $0x0  }
0x12a: {  	s28 =	simm.s32 $0x4E00;
	[sflag:s17] =	ssyncadd.s32 $0xFFFFF000  }
0x12b: {  	[spmem:s2] =	stream.indirect.scatter.add.f32 [tilespmem:s22], [sflag:$0xA], $0x20, s28, s14, $0xb8;
	[tilespmem:$0x12000] =	vst v63  }
0x12c: {  	_ =	swait.ge [sflag:s19], $0x1000  }
0x12d: {  	[sflag:s19] =	ssyncset.done $0x0  }
0x12e: {  	s28 =	simm.s32 $0x4E80;
	[sflag:s19] =	ssyncadd.s32 $0xFFFFF000  }
0x12f: {  	[spmem:s2] =	stream.indirect.scatter.add.f32 [tilespmem:s24], [sflag:$0xA], $0x20, s28, s14, $0xb8;
	[tilespmem:$0x12000] =	vst v63  }
0x130: {  	_ =	swait.ge [sflag:s21], $0x1000  }
0x131: {  	[sflag:s21] =	ssyncset.done $0x0  }
0x132: {  	s28 =	simm.s32 $0x4F00;
	[sflag:s21] =	ssyncadd.s32 $0xFFFFF000  }
0x133: {  	[spmem:s2] =	stream.indirect.scatter.add.f32 [tilespmem:s26], [sflag:$0xA], $0x20, s28, s14, $0xb8;
	[tilespmem:$0x12000] =	vst v63  }
0x134: {  	_ =	swait.ge [sflag:s23], $0x1000  }
0x135: {  	[sflag:s23] =	ssyncset.done $0x0  }
0x136: {  	s28 =	simm.s32 $0x4F80;
	[sflag:s23] =	ssyncadd.s32 $0xFFFFF000  }
0x137: {  	[spmem:s2] =	stream.indirect.scatter.add.f32 [tilespmem:s29], [sflag:$0xA], $0x20, s28, s14, $0xb8;
	[tilespmem:$0x12000] =	vst v63  }
0x138: {  	_ =	swait.ge [sflag:s25], $0x1000  }
0x139: {  	[sflag:s25] =	ssyncset.done $0x0  }
0x13a: {  	[sflag:s25] =	ssyncadd.s32 $0xFFFFF000  }
0x13b: {  	_ =	swait.ge [sflag:s25], $0x1000  }
0x13c: {  	[sflag:s25] =	ssyncset.done $0x0  }
0x13d: {  	[sflag:s25] =	ssyncadd.s32 $0xFFFFF000  }
0x13e: {  	_ =	swait.ge [sflag:s25], $0x1000  }
0x13f: {  	[sflag:s25] =	ssyncset.done $0x0  }
0x140: {  	[sflag:s25] =	ssyncadd.s32 $0xFFFFF000  }
0x141: {  	_ =	swait.ge [sflag:s25], $0x1000  }
0x142: {  	[sflag:s25] =	ssyncset.done $0x0  }
0x143: {  	[sflag:s25] =	ssyncadd.s32 $0xFFFFF000  }
0x144: {  	[tilespmem:s22], [sflag:$0x5] =	stream.indirect.gather [hbm4b:s4+s14], $0x20, s3, s14, $0xb8;
	[tilespmem:$0x12000] =	vst v63  }
0x145: {  	_ = 	snop  }
0x146: {  	[tilespmem:s24], [sflag:$0x6] =	stream.indirect.gather [hbm4b:s4+s14], $0x20, s5, s14, $0xb8;
	[tilespmem:$0x12000] =	vst v63  }
0x147: {  	_ = 	snop  }
0x148: {  	[tilespmem:s26], [sflag:$0x7] =	stream.indirect.gather [hbm4b:s4+s14], $0x20, s6, s14, $0xb8;
	[tilespmem:$0x12000] =	vst v63  }
0x149: {  	_ = 	snop  }
0x14a: {  	[tilespmem:s29], [sflag:$0x8] =	stream.indirect.gather [hbm4b:s4+s14], $0x20, s7, s14, $0xb8;
	[tilespmem:$0x12000] =	vst v63  }
0x14b: {  	_ =	swait.ge [sflag:s30], $0x1000  }
0x14c: {  	[sflag:s30] =	ssyncset.done $0x0  }
0x14d: {  	[sflag:s30] =	ssyncadd.s32 $0xFFFFF000  }
0x14e: {  	_ =	swait.ge [sflag:s31], $0x1000  }
0x14f: {  	[sflag:s31] =	ssyncset.done $0x0  }
0x150: {  	[sflag:s31] =	ssyncadd.s32 $0xFFFFF000  }
0x151: {  	_ =	swait.ge [sflag:s1], $0x1000  }
0x152: {  	[sflag:s1] =	ssyncset.done $0x0  }
0x153: {  	[sflag:s1] =	ssyncadd.s32 $0xFFFFF000  }
0x154: {  	_ =	swait.ge [sflag:s0], $0x1000  }
0x155: {  	[sflag:s0] =	ssyncset.done $0x0  }
0x156: {  	[sflag:s0] =	ssyncadd.s32 $0xFFFFF000  }
0x157: {  	_ =	swait.ge [sflag:s17], $0x1000  }
0x158: {  	[sflag:s17] =	ssyncset.done $0x0  }
0x159: {  	[sflag:s17] =	ssyncadd.s32 $0xFFFFF000  }
0x15a: {  	_ =	swait.ge [sflag:s19], $0x1000  }
0x15b: {  	[sflag:s19] =	ssyncset.done $0x0  }
0x15c: {  	[sflag:s19] =	ssyncadd.s32 $0xFFFFF000  }
0x15d: {  	_ =	swait.ge [sflag:s21], $0x1000  }
0x15e: {  	[sflag:s21] =	ssyncset.done $0x0  }
0x15f: {  	[sflag:s21] =	ssyncadd.s32 $0xFFFFF000  }
0x160: {  	_ =	swait.ge [sflag:s23], $0x1000  }
0x161: {  	[sflag:s23] =	ssyncset.done $0x0  }
0x162: {  	[sflag:s23] =	ssyncadd.s32 $0xFFFFF000  }
0x163: {  	[bflag:$0x0] =	sbarrier.arrive $0xFFFF  }
0x164: {  	s9 =	rddreg [dreg:$0x7]  }
0x165: {  	[hbm:s9], [sflag:s12] =	dma.local [spmem:s13], $0xA00  }
0x166: {  	_ =	swait.ge [sflag:s10], $0xA00  }
0x167: {  	s8 =	sadd.s32 $0x1, s8;
	s28 =	rddreg [dreg:$0x8]  }
0x168: {  	p0 =	sne.s32 s8, s28  }
.Ltmp1:
0x169: {  	_ = 	snop;
	(pc) =	sbr.rel @p0 .LBB2_1-.Ltmp1, $3  }
0x16a: {  	_ =	sdelay $0x1  }
0x16b: {  	[sflag:s10] =	ssyncset.done $0x0  }
0x16c: {  	[sflag:s10] =	ssyncadd.s32 $0xFFFFF600  }
0x16d: {  	_ =	sfence.sel $0x180000  }
0x16e: {  	[bflag:$0x0] =	sbarrier.arrive $0xFFFF  }
0x16f: {  	_ =	strace $0x9000004A  }
0x170: {  	s0 =	stileid.u32;
	[bflag:$0x2] =	sbarrier.arrive $0xFFFF  }
0x171: {  	p0 =	sne.s32 s0, $0x0;
	s0 =	rddreg [dreg:$0x3]  }
0x172: {  	s0 =	sadd.s32 @!p0 $0x100000, s0  }
0x173: {  	[sflag:s0] =	ssyncadd.tile.s32 @!p0 $0x1;
	_ =	shalt  }
.Lfunc_end2:
_tile_overlayer_lowered:
.L_overlay_start_2:
0x174: {  	(tag) =	ssettag $0x2  }
0x175: {  	s0 =	rddreg [dreg:$0x0];
	s2 =	stileid.u32  }
0x176: {  	s1 =	rddreg [dreg:$0x1];
	p0 =	sne.s32 s2, $0x0  }
0x177: {  	s3 =	rddreg [dreg:$0x2];
	[bflag:$0x3] =	sbarrier.arrive $0xFFFF;
	s2 =	simm.s32 @!p0 $0x1C0B  }
0x178: {  	[timem:s3], [sflag:s2] =	dma.local @!p0 [hbm:s0], s1  }
0x179: {  	s0 =	simm.s32 @!p0 $0xB  }
0x17a: {  	_ =	swait.ge @!p0 [sflag:s0], s1  }
0x17b: {  	s1 =	ssub.s32 @!p0 $0x0, s1;
	[sflag:s0] =	ssyncset.done @!p0 $0x0  }
0x17c: {  	[sflag:s0] =	ssyncadd.s32 @!p0 s1  }
0x17d: {  	[bflag:$0x3] =	sbarrier.arrive $0xFFFF  }
0x17e: {  	_ =	shalt  }

// kernel: kernel.14.cloned.1.call-start
scs
__scs_entry_jumppad:
0x0: {  	(pc) =	sbr.rel $0x88, $3  }
0x1: {  	(tag) =	ssettag $0x0;
	lr =	simm.s32 $0x1  }
0x2: {  	[smem:$0x3F95] =	sst lr;
	_ =	strace $0xD0000000  }
0x3: {  	_ = 	snop  }
0x4: {  	_ = 	snop  }
0x5: {  	_ = 	snop  }
0x6: {  	_ = 	snop  }
0x7: {  	_ = 	snop  }
__scs_overlays_trampoline_lowered:
0x8: {  	[smem:$0x3FA4] =	sst s0  }
0x9: {  	[smem:$0x3FA5] =	sst s1  }
0xa: {  	[smem:$0x3FA6] =	sst s2  }
0xb: {  	[smem:$0x3FA7] =	sst s3  }
0xc: {  	[smem:$0x3FA8] =	sst s4  }
0xd: {  	[smem:$0x3FA9] =	sst s5  }
0xe: {  	[smem:$0x3FAA] =	sst s6  }
0xf: {  	[smem:$0x3FAB] =	sst s7  }
0x10: {  	[smem:$0x3FAC] =	sst s8  }
0x11: {  	[smem:$0x3FAD] =	sst s9;
	s0 =	simm.s32 @!p0 $0x0  }
0x12: {  	s1 =	sld [smem:$0x3F93];
	s0 =	simm.s32 @p0 $0x1  }
0x13: {  	[smem:$0x3FAE] =	sst s0;
	s0 =	simm.s32 @!p1 $0x0  }
0x14: {  	s2 =	sld [smem:$0x3F92];
	s0 =	simm.s32 @p1 $0x1  }
0x15: {  	[smem:$0x3FAF] =	sst s0;
	s0 =	simm.s32 @!p2 $0x0  }
0x16: {  	s3 =	sld [smem:$0x3FDB];
	s0 =	simm.s32 @p2 $0x1  }
0x17: {  	s4 =	simm.s32 $0x1BF5;
	[smem:$0x3FB1] =	sst s0  }
0x18: {  	s0 =	sld [smem:$0x3F94];
	_ =	swait.ge [sflag:s4], $0x0  }
0x19: {  	s7 =	sld [smem:$0x3F95]  }
0x1a: {  	s8 =	sadd.s32 $0xFFFFE003, lr  }
0x1b: {  	s9 =	sadd.s32 $0xFFFFFEF7, lr;
	s5 =	simm.s32 $0xFFFFFFFF;
	p2 =	slt.u32 s8, $0xFFFFF086  }
0x1c: {  	p1 =	slt.u32 s9, $0xF7A;
	s5 =	simm.s32 @!p2 $0x0  }
0x1d: {  	s5 =	simm.s32 @p1 $0x1;
	p0 =	seq.s32 s7, s2  }
0x1e: {  	s7 =	smul.u32 @!p0 $0xF7A, s2;
	p2 =	seq.s32 @!p0 s5, $0x0  }
0x1f: {  	s9 =	smul.u32 $0xF7A, s1;
	s8 =	simm.s32 @!p0 $0x1BF5;
	p2 =	por !p2, p0  }
0x20: {  	[sflag:s8] =	ssyncset.s32 @!p0 $0xFFFFF086;
	s6 =	sadd.s32 @!p0 s3, s7;
	s7 =	simm.s32 @!p0 $0x108  }
0x21: {  	s3 =	sadd.s32 s3, s9;
	s6 =	sadd.s32 @!p0 $0x88, s6;
	s7 =	simm.s32 @p2 $0x1082  }
0x22: {  	[simem:s7], [sflag:s8] =	dma.local @!p0 [hbm:s6], $0xF7A  }
0x23: {  	s9 =	sor.u32 $0xD0000000, s2;
	s6 =	simm.s32 $0x108;
	_ =	swait.ge @!p0 [sflag:s8], $0x0  }
0x24: {  	s3 =	sadd.s32 $0x88, s3;
	s6 =	simm.s32 @!p1 $0x1082;
	[sflag:s4] =	ssyncset.s32 $0xFFFFF086  }
0x25: {  	[simem:s6], [sflag:s4] =	dma.local [hbm:s3], $0xF7A  }
0x26: {  	[smem:$0x3F95] =	sst s1;
	(tag) =	ssettag s2;
	_ =	strace s9  }
0x27: {  	s1 =	sld [smem:$0x3FA5]  }
0x28: {  	s2 =	sld [smem:$0x3FA6]  }
0x29: {  	s4 =	sld [smem:$0x3FA8]  }
0x2a: {  	p0 =	seq.s32 s5, $0x0;
	s5 =	sld [smem:$0x3FA9]  }
0x2b: {  	s6 =	sld [smem:$0x3FAA]  }
0x2c: {  	s7 =	sld [smem:$0x3FAB]  }
0x2d: {  	s3 =	simm.s32 $0x108;
	s8 =	sld [smem:$0x3FAC]  }
0x2e: {  	s3 =	simm.s32 @!p0 $0x1082;
	s9 =	sld [smem:$0x3FAD]  }
0x2f: {  	lr =	sadd.s32 s0, s3;
	s0 =	sld [smem:$0x3FA4]  }
0x30: {  	s3 =	sld [smem:$0x3FA7]  }
0x31: {  	[smem:$0x3FB0] =	sst s10  }
0x32: {  	s10 =	sld [smem:$0x3FAE];
	_ =	sdelay $0x3  }
0x33: {  	p0 =	seq.s32 s10, $0x1;
	s10 =	sld [smem:$0x3FB0];
	_ =	sdelay $0x3  }
0x34: {  	[smem:$0x3FB0] =	sst s10  }
0x35: {  	s10 =	sld [smem:$0x3FAF];
	_ =	sdelay $0x3  }
0x36: {  	p1 =	seq.s32 s10, $0x1;
	s10 =	sld [smem:$0x3FB0];
	_ =	sdelay $0x3  }
0x37: {  	[smem:$0x3FB0] =	sst s10  }
0x38: {  	s10 =	sld [smem:$0x3FB1]  }
0x39: {  	_ = 	snop;
	(pc) =	sbr.ind lr, $3  }
0x3a: {  	_ = 	snop  }
0x3b: {  	_ = 	snop  }
0x3c: {  	p2 =	seq.s32 s10, $0x1;
	s10 =	sld [smem:$0x3FB0]  }
0x3d: {  	_ =	shalt  }
0x3e: {  	_ =	shalt  }
0x3f: {  	_ =	shalt  }
0x40: {  	_ =	shalt  }
0x41: {  	_ =	shalt  }
0x42: {  	_ =	shalt  }
0x43: {  	_ =	shalt  }
0x44: {  	_ =	shalt  }
0x45: {  	_ =	shalt  }
0x46: {  	_ =	shalt  }
0x47: {  	_ =	shalt  }
0x48: {  	_ =	shalt  }
0x49: {  	_ =	shalt  }
0x4a: {  	_ =	shalt  }
0x4b: {  	_ =	shalt  }
0x4c: {  	_ =	shalt  }
0x4d: {  	_ =	shalt  }
0x4e: {  	_ =	shalt  }
0x4f: {  	_ =	shalt  }
0x50: {  	_ =	shalt  }
0x51: {  	_ =	shalt  }
0x52: {  	_ =	shalt  }
0x53: {  	_ =	shalt  }
0x54: {  	_ =	shalt  }
0x55: {  	_ =	shalt  }
0x56: {  	_ =	shalt  }
0x57: {  	_ =	shalt  }
0x58: {  	_ =	shalt  }
0x59: {  	_ =	shalt  }
0x5a: {  	_ =	shalt  }
0x5b: {  	_ =	shalt  }
0x5c: {  	_ =	shalt  }
0x5d: {  	_ =	shalt  }
0x5e: {  	_ =	shalt  }
0x5f: {  	_ =	shalt  }
0x60: {  	_ =	shalt  }
0x61: {  	_ =	shalt  }
0x62: {  	_ =	shalt  }
0x63: {  	_ =	shalt  }
0x64: {  	_ =	shalt  }
0x65: {  	_ =	shalt  }
0x66: {  	_ =	shalt  }
0x67: {  	_ =	shalt  }
0x68: {  	_ =	shalt  }
0x69: {  	_ =	shalt  }
0x6a: {  	_ =	shalt  }
0x6b: {  	_ =	shalt  }
0x6c: {  	_ =	shalt  }
0x6d: {  	_ =	shalt  }
0x6e: {  	_ =	shalt  }
0x6f: {  	_ =	shalt  }
0x70: {  	_ =	shalt  }
0x71: {  	_ =	shalt  }
0x72: {  	_ =	shalt  }
0x73: {  	_ =	shalt  }
0x74: {  	_ =	shalt  }
0x75: {  	_ =	shalt  }
0x76: {  	_ =	shalt  }
0x77: {  	_ =	shalt  }
0x78: {  	_ =	shalt  }
0x79: {  	_ =	shalt  }
0x7a: {  	_ =	shalt  }
0x7b: {  	_ =	shalt  }
0x7c: {  	_ =	shalt  }
0x7d: {  	_ =	shalt  }
0x7e: {  	_ =	shalt  }
0x7f: {  	_ =	shalt  }
0x80: {  	_ =	shalt  }
0x81: {  	_ =	shalt  }
0x82: {  	_ =	shalt  }
0x83: {  	_ =	shalt  }
0x84: {  	_ =	shalt  }
0x85: {  	_ =	shalt  }
0x86: {  	_ =	shalt  }
0x87: {  	_ =	shalt  }
.Lfunc_end0:
.L_simem_size_0:
called_computation.2_lowered:
.L_overlay_start_0:
0x88: {  	s2 =	sld [smem:$0x3FD9]  }
0x89: {  	s3 =	sld [smem:$0x3FFE];
	_ =	sdelay $0x1  }
0x8a: {  	s1 =	srdreg.scid  }
0x8b: {  	s0 =	sand.u32 $0x1, s1  }
0x8c: {  	s17 =	sshll.u32 s0, $0xA;
	s2 =	sadd.s32 s3, s2  }
0x8d: {  	s2 =	sadd.s32 s2, s17  }
0x8e: {  	[smem:$0x3FBC] =	sst s2  }
0x8f: {  	_ = 	snop  }
0x90: {  	s2 =	sld [smem:$0x3FD0];
	(tm) =	ssettm $0x1  }
0x91: {  	s18 =	sld [smem:$0x3FFB];
	_ =	sdelay $0x3  }
0x92: {  	_ =	strace s18  }
0x93: {  	s3 =	sld [smem:$0x3FFC];
	_ =	sdelay $0x3  }
0x94: {  	_ =	strace s3  }
0x95: {  	s3 =	sld [smem:$0x3FFD];
	_ =	sdelay $0x3  }
0x96: {  	_ =	strace s3  }
0x97: {  	_ =	strace $0x8FFFFFFF  }
0x98: {  	s19 =	sld [smem:$0x3FDB];
	_ =	sdelay $0x1  }
0x99: {  	s4 =	simm.s32 $_scs_section_size  }
0x9a: {  	s5 =	simm.s32 $_size__tile_overlayer_lowered;
	s6 =	simm.s32 $_tile_overlayer_lowered  }
0x9b: {  	s22 =	simm.s32 $0x1BFF;
	s21 =	sshll.u32 s6, $0x1;
	s3 =	sadd.s32 s4, s19  }
0x9c: {  	s7 =	simm.s32 $0x0;
	s20 =	sshll.u32 s5, $0x1;
	s5 =	sadd.s32 s21, s3  }
0x9d: {  	[timem:s7], [sflag:s22] =	dma.local [hbm:s5], s20  }
0x9e: {  	_ =	swait.ge [sflag:s22], s20  }
0x9f: {  	s4 =	ssub.s32 $0x0, s20;
	[sflag:s22] =	ssyncset.done $0x0  }
0xa0: {  	[sflag:s22] =	ssyncadd.s32 s4;
	_ =	sdelay $0x1  }
0xa1: {  	s23 =	simm.s32 $0x1B8B  }
0xa2: {  	_ =	swait.ge [sflag:s23], $0x1  }
0xa3: {  	[sflag:s23] =	ssyncset.done $0x0  }
0xa4: {  	s25 =	simm.s32 $0x1B8E;
	s24 =	sld [smem:$0x3FFE];
	[sflag:s23] =	ssyncadd.s32 $0xFFFFFFFF  }
0xa5: {  	s26 =	simm.s32 $execute0_lowered;
	[smem:$0x3FD2] =	sst s25  }
0xa6: {  	s5 =	sshll.u32 s26, $0x1;
	_ =	strace $0x8000004C;
	[dreg:$0x1] =	wrdreg $0xFFFFFFFF  }
0xa7: {  	s28 =	simm.s32 $_size_execute0_lowered;
	s3 =	sadd.s32 s3, s5;
	[dreg:$0x0] =	wrdreg $0x0  }
0xa8: {  	s5 =	sshll.u32 s28, $0x1;
	[dreg:$0x2] =	wrdreg s3  }
0xa9: {  	[dreg:$0x3] =	wrdreg s5  }
0xaa: {  	[dreg:$0x4] =	wrdreg $0xC0  }
0xab: {  	_ =	task [dreg:s7], $0x5FFFF  }
0xac: {  	[dreg:$0x1] =	wrdreg $0xFFFFFFFF  }
0xad: {  	[dreg:$0x0] =	wrdreg $0x60  }
0xae: {  	[dreg:$0x2] =	wrdreg s24  }
0xaf: {  	[dreg:$0x3] =	wrdreg s2  }
0xb0: {  	[dreg:$0x4] =	wrdreg $0x50000  }
0xb1: {  	[dreg:$0x5] =	wrdreg $0x9  }
0xb2: {  	_ =	task.clear_ibuf [dreg:s7], $0x6FFFF;
	_ =	strace $0x9000004C  }
0xb3: {  	s29 =	simm.s32 $0x9;
	_ =	strace $0x8000004E  }
0xb4: {  	_ =	swait.ge [sflag:s29], $0x1  }
0xb5: {  	[sflag:s29] =	ssyncadd.s32 $0xFFFFFFFF  }
0xb6: {  	_ =	strace $0x9000004E  }
0xb7: {  	_ =	sfence  }
0xb8: {  	s30 =	sld [smem:$0x0];
	_ =	sdelay $0x2  }
0xb9: {  	s31 =	sshll.u32 s1, $0xD;
	s1 =	sshrl.u32 s1, $0x2  }
0xba: {  	s3 =	sand.u32 $0x4000, s31;
	s1 =	sadd.s32 s1, s30  }
0xbb: {  	s0 =	sor.u32 s3, s0;
	s1 =	sshll.u32 s1, $0x11  }
0xbc: {  	s0 =	sor.u32 s1, s0  }
0xbd: {  	s0 =	sadd.s32 $0x8F2B, s0  }
0xbe: {  	[sflag:s0] =	ssyncadd.remote.s32 $0x1  }
0xbf: {  	_ =	sfence.sel $0xFFFF  }
0xc0: {  	[dreg:$0x0] =	wrdreg $0xFFFFFFFF;
	(pc) =	sbr.abs _section_cstart, $3  }
0xc1: {  	[dreg:$0x1] =	wrdreg $0xFFFFFFFF  }
0xc2: {  	_ =	task.clear_ibuf [dreg:s7], $0x2FFFF;
	_ =	strace $0x9FFFFFFF  }
0xc3: {  	(tm) =	ssettm $0x7FFFFFFF  }
tec
execute0_lowered:
.L_overlay_start_1:
0x0: {  	(tag) =	ssettag $0x1  }
0x1: {  	s0 =	srdreg.scid;
	s1 =	rddreg [dreg:$0x0]  }
0x2: {  	s11 =	stileid.u32;
	s3 =	rddreg [dreg:$0x1];
	s23 =	simm.s32 $0x0  }
0x3: {  	s14 =	simm.s32 $0x80;
	s15 =	simm.s32 $0xA000;
	s16 =	simm.s32 $0xB000  }
0x4: {  	s18 =	simm.s32 $0xC000;
	s20 =	simm.s32 $0xD000;
	s22 =	simm.s32 $0xE000  }
0x5: {  	s29 =	simm.s32 $0x11000;
	s30 =	simm.s32 $0x1;
	s31 =	simm.s32 $0x2  }
0x6: {  	s17 =	simm.s32 $0x5;
	s19 =	simm.s32 $0x6;
	s21 =	simm.s32 $0x7  }
0x7: {  	s0 =	sand.u32 $0x1, s0;
	s6 =	smul.u32 $0x5000, s11;
	[smem:$0x7FF] =	sst s23  }
0x8: {  	s28 =	sshll.u32 s11, $0x6;
	s23 =	simm.s32 $0x8;
	s2 =	sshll.u32 s0, $0x4  }
0x9: {  	s7 =	smul.u32 $0x50000, s0;
	s0 =	ssub.s32 $0x2, s0;
	s12 =	sor.u32 $0x1C0B, s28  }
0xa: {  	s4 =	sor.u32 s11, s2;
	s2 =	rddreg [dreg:$0x2];
	_ =	strace $0x8000004D  }
0xb: {  	s9 =	sshrl.u32 s6, $0x3;
	s10 =	sshrl.u32 s0, $0x1;
	s11 =	simm.s32 $0x9  }
0xc: {  	s5 =	smul.u32 $0x500, s4;
	s4 =	sadd.s32 $0x17600, s1;
	s7 =	sadd.s32 s6, s7  }
0xd: {  	s9 =	sadd.s32 s9, s1;
	s0 =	ssub.s32 s0, s10;
	s25 =	sadd.s32 s6, s2  }
0xe: {  	s10 =	simm.s32 $0xB;
	s6 =	simm.s32 $0x2700;
	s7 =	sshrl.u32 s7, $0x3  }
0xf: {  	s26 =	sadd.s32 $0xD600, s9;
	s0 =	smax.u32 s0, $0x1;
	s13 =	sshrl.u32 s25, $0x3  }
0x10: {  	s25 =	simm.s32 $0xA;
	s8 =	sadd.s32 s5, s1;
	[dreg:$0x6] =	wrdreg s26  }
0x11: {  	s1 =	sadd.s32 s7, s1;
	s3 =	sadd.s32 s3, s5;
	[dreg:$0x8] =	wrdreg s0  }
0x12: {  	s26 =	simm.s32 $0x10000;
	s0 =	simm.s32 $0x4;
	s5 =	simm.s32 $0x2680  }
0x13: {  	s7 =	simm.s32 $0x2780;
	[dreg:$0x4] =	wrdreg s3;
	s24 =	sadd.s32 $0x3400, s8  }
0x14: {  	s1 =	sadd.s32 $0x21600, s1;
	s8 =	simm.s32 $0x0;
	[dreg:$0x5] =	wrdreg s24  }
0x15: {  	[dreg:$0x7] =	wrdreg s1;
	s24 =	simm.s32 $0xF000;
	s1 =	simm.s32 $0x3  }
.LBB2_1:
0x16: {  	s3 =	simm.s32 $0x0;
	s9 =	rddreg [dreg:$0x4]  }
0x17: {  	[tilespmem:s3], [sflag:$0xB] =	stream.linear.gather [hbm4b:s9+s3], $0x2800, $0x38;
	[tilespmem:$0x12000] =	vst v63  }
0x18: {  	_ =	swait.ge [sflag:s10], $0x2800  }
0x19: {  	[sflag:s10] =	ssyncset.done $0x0  }
0x1a: {  	s28 =	simm.s32 $0x2800;
	s9 =	rddreg [dreg:$0x5];
	[sflag:s10] =	ssyncadd.s32 $0xFFFFD800  }
0x1b: {  	[tilespmem:s28], [sflag:$0xB] =	stream.linear.gather [hbm4b:s9+s3], $0x2800, $0x38;
	[tilespmem:$0x12000] =	vst v63  }
0x1c: {  	_ =	swait.ge [sflag:s10], $0x2800  }
0x1d: {  	[sflag:s10] =	ssyncset.done $0x0  }
0x1e: {  	s28 =	rddreg [dreg:$0x6];
	[sflag:s10] =	ssyncadd.s32 $0xFFFFD800  }
0x1f: {  	[spmem:s13], [sflag:s12] =	dma.local [hbm:s28], $0xA00  }
0x20: {  	_ =	swait.ge [sflag:s10], $0xA00  }
0x21: {  	[sflag:s10] =	ssyncset.done $0x0  }
0x22: {  	[sflag:s10] =	ssyncadd.s32 $0xFFFFF600  }
0x23: {  	[bflag:$0x0] =	sbarrier.arrive $0xFFFF  }
0x24: {  	[tilespmem:s15], [sflag:$0x1] =	stream.indirect.gather [hbm4b:s4+s14], $0x20, s3, s14, $0xb8;
	[tilespmem:$0x12000] =	vst v63  }
0x25: {  	_ = 	snop  }
0x26: {  	[tilespmem:s16], [sflag:$0x2] =	stream.indirect.gather [hbm4b:s4+s14], $0x20, s14, s14, $0xb8;
	[tilespmem:$0x12000] =	vst v63  }
0x27: {  	s28 =	simm.s32 $0x100  }
0x28: {  	[tilespmem:s18], [sflag:$0x3] =	stream.indirect.gather [hbm4b:s4+s14], $0x20, s28, s14, $0xb8;
	[tilespmem:$0x12000] =	vst v63  }
0x29: {  	s9 =	simm.s32 $0x180  }
0x2a: {  	[tilespmem:s20], [sflag:$0x4] =	stream.indirect.gather [hbm4b:s4+s14], $0x20, s9, s14, $0xb8;
	[tilespmem:$0x12000] =	vst v63  }
0x2b: {  	s28 =	simm.s32 $0x200  }
0x2c: {  	[tilespmem:s22], [sflag:$0x5] =	stream.indirect.gather [hbm4b:s4+s14], $0x20, s28, s14, $0xb8;
	[tilespmem:$0x12000] =	vst v63  }
0x2d: {  	s9 =	simm.s32 $0x280  }
0x2e: {  	[tilespmem:s24], [sflag:$0x6] =	stream.indirect.gather [hbm4b:s4+s14], $0x20, s9, s14, $0xb8;
	[tilespmem:$0x12000] =	vst v63  }
0x2f: {  	s28 =	simm.s32 $0x300  }
0x30: {  	[tilespmem:s26], [sflag:$0x7] =	stream.indirect.gather [hbm4b:s4+s14], $0x20, s28, s14, $0xb8;
	[tilespmem:$0x12000] =	vst v63  }
0x31: {  	s9 =	simm.s32 $0x380  }
0x32: {  	[tilespmem:s29], [sflag:$0x8] =	stream.indirect.gather [hbm4b:s4+s14], $0x20, s9, s14, $0xb8;
	[tilespmem:$0x12000] =	vst v63  }
0x33: {  	_ =	swait.ge [sflag:s30], $0x1000  }
0x34: {  	[sflag:s30] =	ssyncset.done $0x0  }
0x35: {  	s28 =	simm.s32 $0x2800;
	[sflag:s30] =	ssyncadd.s32 $0xFFFFF000  }
0x36: {  	[spmem:s2] =	stream.indirect.scatter.add.f32 [tilespmem:s15], [sflag:$0x9], $0x20, s28, s14, $0xb8;
	[tilespmem:$0x12000] =	vst v63  }
0x37: {  	_ =	swait.ge [sflag:s31], $0x1000  }
0x38: {  	[sflag:s31] =	ssyncset.done $0x0  }
0x39: {  	s9 =	simm.s32 $0x2880;
	[sflag:s31] =	ssyncadd.s32 $0xFFFFF000  }
0x3a: {  	[spmem:s2] =	stream.indirect.scatter.add.f32 [tilespmem:s16], [sflag:$0x9], $0x20, s9, s14, $0xb8;
	[tilespmem:$0x12000] =	vst v63  }
0x3b: {  	_ =	swait.ge [sflag:s1], $0x1000  }
0x3c: {  	[sflag:s1] =	ssyncset.done $0x0  }
0x3d: {  	s28 =	simm.s32 $0x2900;
	[sflag:s1] =	ssyncadd.s32 $0xFFFFF000  }
0x3e: {  	[spmem:s2] =	stream.indirect.scatter.add.f32 [tilespmem:s18], [sflag:$0x9], $0x20, s28, s14, $0xb8;
	[tilespmem:$0x12000] =	vst v63  }
0x3f: {  	_ =	swait.ge [sflag:s0], $0x1000  }
0x40: {  	[sflag:s0] =	ssyncset.done $0x0  }
0x41: {  	s9 =	simm.s32 $0x2980;
	[sflag:s0] =	ssyncadd.s32 $0xFFFFF000  }
0x42: {  	[spmem:s2] =	stream.indirect.scatter.add.f32 [tilespmem:s20], [sflag:$0x9], $0x20, s9, s14, $0xb8;
	[tilespmem:$0x12000] =	vst v63  }
0x43: {  	_ =	swait.ge [sflag:s11], $0x1000  }
0x44: {  	[sflag:s11] =	ssyncset.done $0x0  }
0x45: {  	[sflag:s11] =	ssyncadd.s32 $0xFFFFF000  }
0x46: {  	_ =	swait.ge [sflag:s11], $0x1000  }
0x47: {  	[sflag:s11] =	ssyncset.done $0x0  }
0x48: {  	[sflag:s11] =	ssyncadd.s32 $0xFFFFF000  }
0x49: {  	_ =	swait.ge [sflag:s11], $0x1000  }
0x4a: {  	[sflag:s11] =	ssyncset.done $0x0  }
0x4b: {  	[sflag:s11] =	ssyncadd.s32 $0xFFFFF000  }
0x4c: {  	_ =	swait.ge [sflag:s11], $0x1000  }
0x4d: {  	[sflag:s11] =	ssyncset.done $0x0  }
0x4e: {  	s28 =	simm.s32 $0x400;
	[sflag:s11] =	ssyncadd.s32 $0xFFFFF000  }
0x4f: {  	[tilespmem:s15], [sflag:$0x1] =	stream.indirect.gather [hbm4b:s4+s14], $0x20, s28, s14, $0xb8;
	[tilespmem:$0x12000] =	vst v63  }
0x50: {  	s9 =	simm.s32 $0x480  }
0x51: {  	[tilespmem:s16], [sflag:$0x2] =	stream.indirect.gather [hbm4b:s4+s14], $0x20, s9, s14, $0xb8;
	[tilespmem:$0x12000] =	vst v63  }
0x52: {  	s28 =	simm.s32 $0x500  }
0x53: {  	[tilespmem:s18], [sflag:$0x3] =	stream.indirect.gather [hbm4b:s4+s14], $0x20, s28, s14, $0xb8;
	[tilespmem:$0x12000] =	vst v63  }
0x54: {  	s9 =	simm.s32 $0x580  }
0x55: {  	[tilespmem:s20], [sflag:$0x4] =	stream.indirect.gather [hbm4b:s4+s14], $0x20, s9, s14, $0xb8;
	[tilespmem:$0x12000] =	vst v63  }
0x56: {  	_ =	swait.ge [sflag:s17], $0x1000  }
0x57: {  	[sflag:s17] =	ssyncset.done $0x0  }
0x58: {  	s28 =	simm.s32 $0x2A00;
	[sflag:s17] =	ssyncadd.s32 $0xFFFFF000  }
0x59: {  	[spmem:s2] =	stream.indirect.scatter.add.f32 [tilespmem:s22], [sflag:$0xA], $0x20, s28, s14, $0xb8;
	[tilespmem:$0x12000] =	vst v63  }
0x5a: {  	_ =	swait.ge [sflag:s19], $0x1000  }
0x5b: {  	[sflag:s19] =	ssyncset.done $0x0  }
0x5c: {  	s9 =	simm.s32 $0x2A80;
	[sflag:s19] =	ssyncadd.s32 $0xFFFFF000  }
0x5d: {  	[spmem:s2] =	stream.indirect.scatter.add.f32 [tilespmem:s24], [sflag:$0xA], $0x20, s9, s14, $0xb8;
	[tilespmem:$0x12000] =	vst v63  }
0x5e: {  	_ =	swait.ge [sflag:s21], $0x1000  }
0x5f: {  	[sflag:s21] =	ssyncset.done $0x0  }
0x60: {  	s28 =	simm.s32 $0x2B00;
	[sflag:s21] =	ssyncadd.s32 $0xFFFFF000  }
0x61: {  	[spmem:s2] =	stream.indirect.scatter.add.f32 [tilespmem:s26], [sflag:$0xA], $0x20, s28, s14, $0xb8;
	[tilespmem:$0x12000] =	vst v63  }
0x62: {  	_ =	swait.ge [sflag:s23], $0x1000  }
0x63: {  	[sflag:s23] =	ssyncset.done $0x0  }
0x64: {  	s9 =	simm.s32 $0x2B80;
	[sflag:s23] =	ssyncadd.s32 $0xFFFFF000  }
0x65: {  	[spmem:s2] =	stream.indirect.scatter.add.f32 [tilespmem:s29], [sflag:$0xA], $0x20, s9, s14, $0xb8;
	[tilespmem:$0x12000] =	vst v63  }
0x66: {  	_ =	swait.ge [sflag:s25], $0x1000  }
0x67: {  	[sflag:s25] =	ssyncset.done $0x0  }
0x68: {  	[sflag:s25] =	ssyncadd.s32 $0xFFFFF000  }
0x69: {  	_ =	swait.ge [sflag:s25], $0x1000  }
0x6a: {  	[sflag:s25] =	ssyncset.done $0x0  }
0x6b: {  	[sflag:s25] =	ssyncadd.s32 $0xFFFFF000  }
0x6c: {  	_ =	swait.ge [sflag:s25], $0x1000  }
0x6d: {  	[sflag:s25] =	ssyncset.done $0x0  }
0x6e: {  	[sflag:s25] =	ssyncadd.s32 $0xFFFFF000  }
0x6f: {  	_ =	swait.ge [sflag:s25], $0x1000  }
0x70: {  	[sflag:s25] =	ssyncset.done $0x0  }
0x71: {  	s28 =	simm.s32 $0x600;
	[sflag:s25] =	ssyncadd.s32 $0xFFFFF000  }
0x72: {  	[tilespmem:s22], [sflag:$0x5] =	stream.indirect.gather [hbm4b:s4+s14], $0x20, s28, s14, $0xb8;
	[tilespmem:$0x12000] =	vst v63  }
0x73: {  	s9 =	simm.s32 $0x680  }
0x74: {  	[tilespmem:s24], [sflag:$0x6] =	stream.indirect.gather [hbm4b:s4+s14], $0x20, s9, s14, $0xb8;
	[tilespmem:$0x12000] =	vst v63  }
0x75: {  	s3 =	simm.s32 $0x780;
	s28 =	simm.s32 $0x700;
	s9 =	simm.s32 $0x1000  }
0x76: {  	[tilespmem:s26], [sflag:$0x7] =	stream.indirect.gather [hbm4b:s4+s14], $0x20, s28, s14, $0xb8;
	[tilespmem:$0x12000] =	vst v63  }
.LBB2_2:
0x77: {  	[tilespmem:s29], [sflag:$0x8] =	stream.indirect.gather [hbm4b:s4+s14], $0x20, s3, s14, $0xb8;
	[tilespmem:$0x12000] =	vst v63  }
0x78: {  	s3 =	smov.u32 s9  }
0x79: {  	p0 =	sne.s32 s9, $0x7000;
	s9 =	sadd.s32 $0x1000, s9;
	_ =	swait.ge [sflag:s30], $0x1000  }
0x7a: {  	s3 =	sshra.s32 s3, $0x2;
	[sflag:s30] =	ssyncset.done $0x0  }
0x7b: {  	s28 =	sadd.s32 $0x2800, s3;
	[sflag:s30] =	ssyncadd.s32 $0xFFFFF000  }
0x7c: {  	[spmem:s2] =	stream.indirect.scatter.add.f32 [tilespmem:s15], [sflag:$0x9], $0x20, s28, s14, $0xb8;
	[tilespmem:$0x12000] =	vst v63  }
0x7d: {  	_ =	swait.ge [sflag:s31], $0x1000  }
0x7e: {  	[sflag:s31] =	ssyncset.done $0x0  }
0x7f: {  	s28 =	sadd.s32 $0x2880, s3;
	[sflag:s31] =	ssyncadd.s32 $0xFFFFF000  }
0x80: {  	[spmem:s2] =	stream.indirect.scatter.add.f32 [tilespmem:s16], [sflag:$0x9], $0x20, s28, s14, $0xb8;
	[tilespmem:$0x12000] =	vst v63  }
0x81: {  	_ =	swait.ge [sflag:s1], $0x1000  }
0x82: {  	[sflag:s1] =	ssyncset.done $0x0  }
0x83: {  	s28 =	sadd.s32 $0x2900, s3;
	[sflag:s1] =	ssyncadd.s32 $0xFFFFF000  }
0x84: {  	[spmem:s2] =	stream.indirect.scatter.add.f32 [tilespmem:s18], [sflag:$0x9], $0x20, s28, s14, $0xb8;
	[tilespmem:$0x12000] =	vst v63  }
0x85: {  	_ =	swait.ge [sflag:s0], $0x1000  }
0x86: {  	[sflag:s0] =	ssyncset.done $0x0  }
0x87: {  	s28 =	sadd.s32 $0x2980, s3;
	[sflag:s0] =	ssyncadd.s32 $0xFFFFF000  }
0x88: {  	[spmem:s2] =	stream.indirect.scatter.add.f32 [tilespmem:s20], [sflag:$0x9], $0x20, s28, s14, $0xb8;
	[tilespmem:$0x12000] =	vst v63  }
0x89: {  	_ =	swait.ge [sflag:s11], $0x1000  }
0x8a: {  	[sflag:s11] =	ssyncset.done $0x0  }
0x8b: {  	[sflag:s11] =	ssyncadd.s32 $0xFFFFF000  }
0x8c: {  	_ =	swait.ge [sflag:s11], $0x1000  }
0x8d: {  	[sflag:s11] =	ssyncset.done $0x0  }
0x8e: {  	[sflag:s11] =	ssyncadd.s32 $0xFFFFF000  }
0x8f: {  	_ =	swait.ge [sflag:s11], $0x1000  }
0x90: {  	[sflag:s11] =	ssyncset.done $0x0  }
0x91: {  	[sflag:s11] =	ssyncadd.s32 $0xFFFFF000  }
0x92: {  	_ =	swait.ge [sflag:s11], $0x1000  }
0x93: {  	[sflag:s11] =	ssyncset.done $0x0  }
0x94: {  	s28 =	sadd.s32 $0x400, s3;
	[sflag:s11] =	ssyncadd.s32 $0xFFFFF000  }
0x95: {  	[tilespmem:s15], [sflag:$0x1] =	stream.indirect.gather [hbm4b:s4+s14], $0x20, s28, s14, $0xb8;
	[tilespmem:$0x12000] =	vst v63  }
0x96: {  	s28 =	sadd.s32 $0x480, s3  }
0x97: {  	[tilespmem:s16], [sflag:$0x2] =	stream.indirect.gather [hbm4b:s4+s14], $0x20, s28, s14, $0xb8;
	[tilespmem:$0x12000] =	vst v63  }
0x98: {  	s28 =	sadd.s32 $0x500, s3  }
0x99: {  	[tilespmem:s18], [sflag:$0x3] =	stream.indirect.gather [hbm4b:s4+s14], $0x20, s28, s14, $0xb8;
	[tilespmem:$0x12000] =	vst v63  }
0x9a: {  	s28 =	sadd.s32 $0x580, s3  }
0x9b: {  	[tilespmem:s20], [sflag:$0x4] =	stream.indirect.gather [hbm4b:s4+s14], $0x20, s28, s14, $0xb8;
	[tilespmem:$0x12000] =	vst v63  }
0x9c: {  	_ =	swait.ge [sflag:s17], $0x1000  }
0x9d: {  	[sflag:s17] =	ssyncset.done $0x0  }
0x9e: {  	s28 =	sadd.s32 $0x2A00, s3;
	[sflag:s17] =	ssyncadd.s32 $0xFFFFF000  }
0x9f: {  	[spmem:s2] =	stream.indirect.scatter.add.f32 [tilespmem:s22], [sflag:$0xA], $0x20, s28, s14, $0xb8;
	[tilespmem:$0x12000] =	vst v63  }
0xa0: {  	_ =	swait.ge [sflag:s19], $0x1000  }
0xa1: {  	[sflag:s19] =	ssyncset.done $0x0  }
0xa2: {  	s28 =	sadd.s32 $0x2A80, s3;
	[sflag:s19] =	ssyncadd.s32 $0xFFFFF000  }
0xa3: {  	[spmem:s2] =	stream.indirect.scatter.add.f32 [tilespmem:s24], [sflag:$0xA], $0x20, s28, s14, $0xb8;
	[tilespmem:$0x12000] =	vst v63  }
0xa4: {  	_ =	swait.ge [sflag:s21], $0x1000  }
0xa5: {  	[sflag:s21] =	ssyncset.done $0x0  }
0xa6: {  	s28 =	sadd.s32 $0x2B00, s3;
	[sflag:s21] =	ssyncadd.s32 $0xFFFFF000  }
0xa7: {  	[spmem:s2] =	stream.indirect.scatter.add.f32 [tilespmem:s26], [sflag:$0xA], $0x20, s28, s14, $0xb8;
	[tilespmem:$0x12000] =	vst v63  }
0xa8: {  	_ =	swait.ge [sflag:s23], $0x1000  }
0xa9: {  	[sflag:s23] =	ssyncset.done $0x0  }
0xaa: {  	s28 =	sadd.s32 $0x2B80, s3;
	[sflag:s23] =	ssyncadd.s32 $0xFFFFF000  }
0xab: {  	[spmem:s2] =	stream.indirect.scatter.add.f32 [tilespmem:s29], [sflag:$0xA], $0x20, s28, s14, $0xb8;
	[tilespmem:$0x12000] =	vst v63  }
0xac: {  	_ =	swait.ge [sflag:s25], $0x1000  }
0xad: {  	[sflag:s25] =	ssyncset.done $0x0  }
0xae: {  	[sflag:s25] =	ssyncadd.s32 $0xFFFFF000  }
0xaf: {  	_ =	swait.ge [sflag:s25], $0x1000  }
0xb0: {  	[sflag:s25] =	ssyncset.done $0x0  }
0xb1: {  	[sflag:s25] =	ssyncadd.s32 $0xFFFFF000  }
0xb2: {  	_ =	swait.ge [sflag:s25], $0x1000  }
0xb3: {  	[sflag:s25] =	ssyncset.done $0x0  }
0xb4: {  	[sflag:s25] =	ssyncadd.s32 $0xFFFFF000  }
0xb5: {  	_ =	swait.ge [sflag:s25], $0x1000  }
0xb6: {  	[sflag:s25] =	ssyncset.done $0x0  }
0xb7: {  	s28 =	sadd.s32 $0x600, s3;
	[sflag:s25] =	ssyncadd.s32 $0xFFFFF000  }
0xb8: {  	[tilespmem:s22], [sflag:$0x5] =	stream.indirect.gather [hbm4b:s4+s14], $0x20, s28, s14, $0xb8;
	[tilespmem:$0x12000] =	vst v63  }
.Ltmp0:
0xb9: {  	s28 =	sadd.s32 $0x680, s3;
	(pc) =	sbr.rel @p0 .LBB2_2-.Ltmp0, $4  }
0xba: {  	[tilespmem:s24], [sflag:$0x6] =	stream.indirect.gather [hbm4b:s4+s14], $0x20, s28, s14, $0xb8;
	[tilespmem:$0x12000] =	vst v63  }
0xbb: {  	s28 =	sadd.s32 $0x700, s3  }
0xbc: {  	[tilespmem:s26], [sflag:$0x7] =	stream.indirect.gather [hbm4b:s4+s14], $0x20, s28, s14, $0xb8;
	[tilespmem:$0x12000] =	vst v63  }
0xbd: {  	s3 =	sadd.s32 $0x780, s3  }
0xbe: {  	[tilespmem:s29], [sflag:$0x8] =	stream.indirect.gather [hbm4b:s4+s14], $0x20, s3, s14, $0xb8;
	[tilespmem:$0x12000] =	vst v63  }
0xbf: {  	_ =	swait.ge [sflag:s30], $0x1000  }
0xc0: {  	[sflag:s30] =	ssyncset.done $0x0  }
0xc1: {  	s28 =	simm.s32 $0x4800;
	[sflag:s30] =	ssyncadd.s32 $0xFFFFF000  }
0xc2: {  	[spmem:s2] =	stream.indirect.scatter.add.f32 [tilespmem:s15], [sflag:$0x9], $0x20, s28, s14, $0xb8;
	[tilespmem:$0x12000] =	vst v63  }
0xc3: {  	_ =	swait.ge [sflag:s31], $0x1000  }
0xc4: {  	[sflag:s31] =	ssyncset.done $0x0  }
0xc5: {  	s9 =	simm.s32 $0x4880;
	[sflag:s31] =	ssyncadd.s32 $0xFFFFF000  }
0xc6: {  	[spmem:s2] =	stream.indirect.scatter.add.f32 [tilespmem:s16], [sflag:$0x9], $0x20, s9, s14, $0xb8;
	[tilespmem:$0x12000] =	vst v63  }
0xc7: {  	_ =	swait.ge [sflag:s1], $0x1000  }
0xc8: {  	[sflag:s1] =	ssyncset.done $0x0  }
0xc9: {  	s28 =	simm.s32 $0x4900;
	[sflag:s1] =	ssyncadd.s32 $0xFFFFF000  }
0xca: {  	[spmem:s2] =	stream.indirect.scatter.add.f32 [tilespmem:s18], [sflag:$0x9], $0x20, s28, s14, $0xb8;
	[tilespmem:$0x12000] =	vst v63  }
0xcb: {  	_ =	swait.ge [sflag:s0], $0x1000  }
0xcc: {  	[sflag:s0] =	ssyncset.done $0x0  }
0xcd: {  	s9 =	simm.s32 $0x4980;
	[sflag:s0] =	ssyncadd.s32 $0xFFFFF000  }
0xce: {  	[spmem:s2] =	stream.indirect.scatter.add.f32 [tilespmem:s20], [sflag:$0x9], $0x20, s9, s14, $0xb8;
	[tilespmem:$0x12000] =	vst v63  }
0xcf: {  	_ =	swait.ge [sflag:s11], $0x1000  }
0xd0: {  	[sflag:s11] =	ssyncset.done $0x0  }
0xd1: {  	[sflag:s11] =	ssyncadd.s32 $0xFFFFF000  }
0xd2: {  	_ =	swait.ge [sflag:s11], $0x1000  }
0xd3: {  	[sflag:s11] =	ssyncset.done $0x0  }
0xd4: {  	[sflag:s11] =	ssyncadd.s32 $0xFFFFF000  }
0xd5: {  	_ =	swait.ge [sflag:s11], $0x1000  }
0xd6: {  	[sflag:s11] =	ssyncset.done $0x0  }
0xd7: {  	[sflag:s11] =	ssyncadd.s32 $0xFFFFF000  }
0xd8: {  	_ =	swait.ge [sflag:s11], $0x1000  }
0xd9: {  	[sflag:s11] =	ssyncset.done $0x0  }
0xda: {  	s28 =	simm.s32 $0x2400;
	[sflag:s11] =	ssyncadd.s32 $0xFFFFF000  }
0xdb: {  	[tilespmem:s15], [sflag:$0x1] =	stream.indirect.gather [hbm4b:s4+s14], $0x20, s28, s14, $0xb8;
	[tilespmem:$0x12000] =	vst v63  }
0xdc: {  	s9 =	simm.s32 $0x2480  }
0xdd: {  	[tilespmem:s16], [sflag:$0x2] =	stream.indirect.gather [hbm4b:s4+s14], $0x20, s9, s14, $0xb8;
	[tilespmem:$0x12000] =	vst v63  }
0xde: {  	s28 =	simm.s32 $0x2500  }
0xdf: {  	[tilespmem:s18], [sflag:$0x3] =	stream.indirect.gather [hbm4b:s4+s14], $0x20, s28, s14, $0xb8;
	[tilespmem:$0x12000] =	vst v63  }
0xe0: {  	s9 =	simm.s32 $0x2580  }
0xe1: {  	[tilespmem:s20], [sflag:$0x4] =	stream.indirect.gather [hbm4b:s4+s14], $0x20, s9, s14, $0xb8;
	[tilespmem:$0x12000] =	vst v63  }
0xe2: {  	_ =	swait.ge [sflag:s17], $0x1000  }
0xe3: {  	[sflag:s17] =	ssyncset.done $0x0  }
0xe4: {  	s28 =	simm.s32 $0x4A00;
	[sflag:s17] =	ssyncadd.s32 $0xFFFFF000  }
0xe5: {  	[spmem:s2] =	stream.indirect.scatter.add.f32 [tilespmem:s22], [sflag:$0xA], $0x20, s28, s14, $0xb8;
	[tilespmem:$0x12000] =	vst v63  }
0xe6: {  	_ =	swait.ge [sflag:s19], $0x1000  }
0xe7: {  	[sflag:s19] =	ssyncset.done $0x0  }
0xe8: {  	s9 =	simm.s32 $0x4A80;
	[sflag:s19] =	ssyncadd.s32 $0xFFFFF000  }
0xe9: {  	[spmem:s2] =	stream.indirect.scatter.add.f32 [tilespmem:s24], [sflag:$0xA], $0x20, s9, s14, $0xb8;
	[tilespmem:$0x12000] =	vst v63  }
0xea: {  	_ =	swait.ge [sflag:s21], $0x1000  }
0xeb: {  	[sflag:s21] =	ssyncset.done $0x0  }
0xec: {  	s28 =	simm.s32 $0x4B00;
	[sflag:s21] =	ssyncadd.s32 $0xFFFFF000  }
0xed: {  	[spmem:s2] =	stream.indirect.scatter.add.f32 [tilespmem:s26], [sflag:$0xA], $0x20, s28, s14, $0xb8;
	[tilespmem:$0x12000] =	vst v63  }
0xee: {  	_ =	swait.ge [sflag:s23], $0x1000  }
0xef: {  	[sflag:s23] =	ssyncset.done $0x0  }
0xf0: {  	s9 =	simm.s32 $0x4B80;
	[sflag:s23] =	ssyncadd.s32 $0xFFFFF000  }
0xf1: {  	[spmem:s2] =	stream.indirect.scatter.add.f32 [tilespmem:s29], [sflag:$0xA], $0x20, s9, s14, $0xb8;
	[tilespmem:$0x12000] =	vst v63  }
0xf2: {  	_ =	swait.ge [sflag:s25], $0x1000  }
0xf3: {  	[sflag:s25] =	ssyncset.done $0x0  }
0xf4: {  	[sflag:s25] =	ssyncadd.s32 $0xFFFFF000  }
0xf5: {  	_ =	swait.ge [sflag:s25], $0x1000  }
0xf6: {  	[sflag:s25] =	ssyncset.done $0x0  }
0xf7: {  	[sflag:s25] =	ssyncadd.s32 $0xFFFFF000  }
0xf8: {  	_ =	swait.ge [sflag:s25], $0x1000  }
0xf9: {  	[sflag:s25] =	ssyncset.done $0x0  }
0xfa: {  	[sflag:s25] =	ssyncadd.s32 $0xFFFFF000  }
0xfb: {  	_ =	swait.ge [sflag:s25], $0x1000  }
0xfc: {  	[sflag:s25] =	ssyncset.done $0x0  }
0xfd: {  	s3 =	simm.s32 $0x2600;
	[sflag:s25] =	ssyncadd.s32 $0xFFFFF000  }
0xfe: {  	[tilespmem:s22], [sflag:$0x5] =	stream.indirect.gather [hbm4b:s4+s14], $0x20, s3, s14, $0xb8;
	[tilespmem:$0x12000] =	vst v63  }
0xff: {  	_ = 	snop  }
0x100: {  	[tilespmem:s24], [sflag:$0x6] =	stream.indirect.gather [hbm4b:s4+s14], $0x20, s5, s14, $0xb8;
	[tilespmem:$0x12000] =	vst v63  }
0x101: {  	_ = 	snop  }
0x102: {  	[tilespmem:s26], [sflag:$0x7] =	stream.indirect.gather [hbm4b:s4+s14], $0x20, s6, s14, $0xb8;
	[tilespmem:$0x12000] =	vst v63  }
0x103: {  	_ = 	snop  }
0x104: {  	[tilespmem:s29], [sflag:$0x8] =	stream.indirect.gather [hbm4b:s4+s14], $0x20, s7, s14, $0xb8;
	[tilespmem:$0x12000] =	vst v63  }
0x105: {  	_ =	swait.ge [sflag:s30], $0x1000  }
0x106: {  	[sflag:s30] =	ssyncset.done $0x0  }
0x107: {  	s9 =	simm.s32 $0x4C00;
	[sflag:s30] =	ssyncadd.s32 $0xFFFFF000  }
0x108: {  	[spmem:s2] =	stream.indirect.scatter.add.f32 [tilespmem:s15], [sflag:$0x9], $0x20, s9, s14, $0xb8;
	[tilespmem:$0x12000] =	vst v63  }
0x109: {  	_ =	swait.ge [sflag:s31], $0x1000  }
0x10a: {  	[sflag:s31] =	ssyncset.done $0x0  }
0x10b: {  	s28 =	simm.s32 $0x4C80;
	[sflag:s31] =	ssyncadd.s32 $0xFFFFF000  }
0x10c: {  	[spmem:s2] =	stream.indirect.scatter.add.f32 [tilespmem:s16], [sflag:$0x9], $0x20, s28, s14, $0xb8;
	[tilespmem:$0x12000] =	vst v63  }
0x10d: {  	_ =	swait.ge [sflag:s1], $0x1000  }
0x10e: {  	[sflag:s1] =	ssyncset.done $0x0  }
0x10f: {  	s28 =	simm.s32 $0x4D00;
	[sflag:s1] =	ssyncadd.s32 $0xFFFFF000  }
0x110: {  	[spmem:s2] =	stream.indirect.scatter.add.f32 [tilespmem:s18], [sflag:$0x9], $0x20, s28, s14, $0xb8;
	[tilespmem:$0x12000] =	vst v63  }
0x111: {  	_ =	swait.ge [sflag:s0], $0x1000  }
0x112: {  	[sflag:s0] =	ssyncset.done $0x0  }
0x113: {  	s28 =	simm.s32 $0x4D80;
	[sflag:s0] =	ssyncadd.s32 $0xFFFFF000  }
0x114: {  	[spmem:s2] =	stream.indirect.scatter.add.f32 [tilespmem:s20], [sflag:$0x9], $0x20, s28, s14, $0xb8;
	[tilespmem:$0x12000] =	vst v63  }
0x115: {  	_ =	swait.ge [sflag:s11], $0x1000  }
0x116: {  	[sflag:s11] =	ssyncset.done $0x0  }
0x117: {  	[sflag:s11] =	ssyncadd.s32 $0xFFFFF000  }
0x118: {  	_ =	swait.ge [sflag:s11], $0x1000  }
0x119: {  	[sflag:s11] =	ssyncset.done $0x0  }
0x11a: {  	[sflag:s11] =	ssyncadd.s32 $0xFFFFF000  }
0x11b: {  	_ =	swait.ge [sflag:s11], $0x1000  }
0x11c: {  	[sflag:s11] =	ssyncset.done $0x0  }
0x11d: {  	[sflag:s11] =	ssyncadd.s32 $0xFFFFF000  }
0x11e: {  	_ =	swait.ge [sflag:s11], $0x1000  }
0x11f: {  	[sflag:s11] =	ssyncset.done $0x0  }
0x120: {  	[sflag:s11] =	ssyncadd.s32 $0xFFFFF000  }
0x121: {  	[tilespmem:s15], [sflag:$0x1] =	stream.indirect.gather [hbm4b:s4+s14], $0x20, s3, s14, $0xb8;
	[tilespmem:$0x12000] =	vst v63  }
0x122: {  	_ = 	snop  }
0x123: {  	[tilespmem:s16], [sflag:$0x2] =	stream.indirect.gather [hbm4b:s4+s14], $0x20, s5, s14, $0xb8;
	[tilespmem:$0x12000] =	vst v63  }
0x124: {  	_ = 	snop  }
0x125: {  	[tilespmem:s18], [sflag:$0x3] =	stream.indirect.gather [hbm4b:s4+s14], $0x20, s6, s14, $0xb8;
	[tilespmem:$0x12000] =	vst v63  }
0x126: {  	_ = 	snop  }
0x127: {  	[tilespmem:s20], [sflag:$0x4] =	stream.indirect.gather [hbm4b:s4+s14], $0x20, s7, s14, $0xb8;
	[tilespmem:$0x12000] =	vst v63  }
0x128: {  	_ =	swait.ge [sflag:s17], $0x1000  }
0x129: {  	[sflag:s17] =	ssyncset.done $0x0  }
0x12a: {  	s28 =	simm.s32 $0x4E00;
	[sflag:s17] =	ssyncadd.s32 $0xFFFFF000  }
0x12b: {  	[spmem:s2] =	stream.indirect.scatter.add.f32 [tilespmem:s22], [sflag:$0xA], $0x20, s28, s14, $0xb8;
	[tilespmem:$0x12000] =	vst v63  }
0x12c: {  	_ =	swait.ge [sflag:s19], $0x1000  }
0x12d: {  	[sflag:s19] =	ssyncset.done $0x0  }
0x12e: {  	s28 =	simm.s32 $0x4E80;
	[sflag:s19] =	ssyncadd.s32 $0xFFFFF000  }
0x12f: {  	[spmem:s2] =	stream.indirect.scatter.add.f32 [tilespmem:s24], [sflag:$0xA], $0x20, s28, s14, $0xb8;
	[tilespmem:$0x12000] =	vst v63  }
0x130: {  	_ =	swait.ge [sflag:s21], $0x1000  }
0x131: {  	[sflag:s21] =	ssyncset.done $0x0  }
0x132: {  	s28 =	simm.s32 $0x4F00;
	[sflag:s21] =	ssyncadd.s32 $0xFFFFF000  }
0x133: {  	[spmem:s2] =	stream.indirect.scatter.add.f32 [tilespmem:s26], [sflag:$0xA], $0x20, s28, s14, $0xb8;
	[tilespmem:$0x12000] =	vst v63  }
0x134: {  	_ =	swait.ge [sflag:s23], $0x1000  }
0x135: {  	[sflag:s23] =	ssyncset.done $0x0  }
0x136: {  	s28 =	simm.s32 $0x4F80;
	[sflag:s23] =	ssyncadd.s32 $0xFFFFF000  }
0x137: {  	[spmem:s2] =	stream.indirect.scatter.add.f32 [tilespmem:s29], [sflag:$0xA], $0x20, s28, s14, $0xb8;
	[tilespmem:$0x12000] =	vst v63  }
0x138: {  	_ =	swait.ge [sflag:s25], $0x1000  }
0x139: {  	[sflag:s25] =	ssyncset.done $0x0  }
0x13a: {  	[sflag:s25] =	ssyncadd.s32 $0xFFFFF000  }
0x13b: {  	_ =	swait.ge [sflag:s25], $0x1000  }
0x13c: {  	[sflag:s25] =	ssyncset.done $0x0  }
0x13d: {  	[sflag:s25] =	ssyncadd.s32 $0xFFFFF000  }
0x13e: {  	_ =	swait.ge [sflag:s25], $0x1000  }
0x13f: {  	[sflag:s25] =	ssyncset.done $0x0  }
0x140: {  	[sflag:s25] =	ssyncadd.s32 $0xFFFFF000  }
0x141: {  	_ =	swait.ge [sflag:s25], $0x1000  }
0x142: {  	[sflag:s25] =	ssyncset.done $0x0  }
0x143: {  	[sflag:s25] =	ssyncadd.s32 $0xFFFFF000  }
0x144: {  	[tilespmem:s22], [sflag:$0x5] =	stream.indirect.gather [hbm4b:s4+s14], $0x20, s3, s14, $0xb8;
	[tilespmem:$0x12000] =	vst v63  }
0x145: {  	_ = 	snop  }
0x146: {  	[tilespmem:s24], [sflag:$0x6] =	stream.indirect.gather [hbm4b:s4+s14], $0x20, s5, s14, $0xb8;
	[tilespmem:$0x12000] =	vst v63  }
0x147: {  	_ = 	snop  }
0x148: {  	[tilespmem:s26], [sflag:$0x7] =	stream.indirect.gather [hbm4b:s4+s14], $0x20, s6, s14, $0xb8;
	[tilespmem:$0x12000] =	vst v63  }
0x149: {  	_ = 	snop  }
0x14a: {  	[tilespmem:s29], [sflag:$0x8] =	stream.indirect.gather [hbm4b:s4+s14], $0x20, s7, s14, $0xb8;
	[tilespmem:$0x12000] =	vst v63  }
0x14b: {  	_ =	swait.ge [sflag:s30], $0x1000  }
0x14c: {  	[sflag:s30] =	ssyncset.done $0x0  }
0x14d: {  	[sflag:s30] =	ssyncadd.s32 $0xFFFFF000  }
0x14e: {  	_ =	swait.ge [sflag:s31], $0x1000  }
0x14f: {  	[sflag:s31] =	ssyncset.done $0x0  }
0x150: {  	[sflag:s31] =	ssyncadd.s32 $0xFFFFF000  }
0x151: {  	_ =	swait.ge [sflag:s1], $0x1000  }
0x152: {  	[sflag:s1] =	ssyncset.done $0x0  }
0x153: {  	[sflag:s1] =	ssyncadd.s32 $0xFFFFF000  }
0x154: {  	_ =	swait.ge [sflag:s0], $0x1000  }
0x155: {  	[sflag:s0] =	ssyncset.done $0x0  }
0x156: {  	[sflag:s0] =	ssyncadd.s32 $0xFFFFF000  }
0x157: {  	_ =	swait.ge [sflag:s17], $0x1000  }
0x158: {  	[sflag:s17] =	ssyncset.done $0x0  }
0x159: {  	[sflag:s17] =	ssyncadd.s32 $0xFFFFF000  }
0x15a: {  	_ =	swait.ge [sflag:s19], $0x1000  }
0x15b: {  	[sflag:s19] =	ssyncset.done $0x0  }
0x15c: {  	[sflag:s19] =	ssyncadd.s32 $0xFFFFF000  }
0x15d: {  	_ =	swait.ge [sflag:s21], $0x1000  }
0x15e: {  	[sflag:s21] =	ssyncset.done $0x0  }
0x15f: {  	[sflag:s21] =	ssyncadd.s32 $0xFFFFF000  }
0x160: {  	_ =	swait.ge [sflag:s23], $0x1000  }
0x161: {  	[sflag:s23] =	ssyncset.done $0x0  }
0x162: {  	[sflag:s23] =	ssyncadd.s32 $0xFFFFF000  }
0x163: {  	[bflag:$0x0] =	sbarrier.arrive $0xFFFF  }
0x164: {  	s9 =	rddreg [dreg:$0x7]  }
0x165: {  	[hbm:s9], [sflag:s12] =	dma.local [spmem:s13], $0xA00  }
0x166: {  	_ =	swait.ge [sflag:s10], $0xA00  }
0x167: {  	s8 =	sadd.s32 $0x1, s8;
	s28 =	rddreg [dreg:$0x8]  }
0x168: {  	p0 =	sne.s32 s8, s28  }
.Ltmp1:
0x169: {  	_ = 	snop;
	(pc) =	sbr.rel @p0 .LBB2_1-.Ltmp1, $3  }
0x16a: {  	_ =	sdelay $0x1  }
0x16b: {  	[sflag:s10] =	ssyncset.done $0x0  }
0x16c: {  	[sflag:s10] =	ssyncadd.s32 $0xFFFFF600  }
0x16d: {  	_ =	sfence.sel $0x180000  }
0x16e: {  	[bflag:$0x0] =	sbarrier.arrive $0xFFFF  }
0x16f: {  	_ =	strace $0x9000004D  }
0x170: {  	s0 =	stileid.u32;
	[bflag:$0x2] =	sbarrier.arrive $0xFFFF  }
0x171: {  	p0 =	sne.s32 s0, $0x0;
	s0 =	rddreg [dreg:$0x3]  }
0x172: {  	s0 =	sadd.s32 @!p0 $0x100000, s0  }
0x173: {  	[sflag:s0] =	ssyncadd.tile.s32 @!p0 $0x1;
	_ =	shalt  }
.Lfunc_end2:
_tile_overlayer_lowered:
.L_overlay_start_2:
0x174: {  	(tag) =	ssettag $0x2  }
0x175: {  	s0 =	rddreg [dreg:$0x0];
	s2 =	stileid.u32  }
0x176: {  	s1 =	rddreg [dreg:$0x1];
	p0 =	sne.s32 s2, $0x0  }
0x177: {  	s3 =	rddreg [dreg:$0x2];
	[bflag:$0x3] =	sbarrier.arrive $0xFFFF;
	s2 =	simm.s32 @!p0 $0x1C0B  }
0x178: {  	[timem:s3], [sflag:s2] =	dma.local @!p0 [hbm:s0], s1  }
0x179: {  	s0 =	simm.s32 @!p0 $0xB  }
0x17a: {  	_ =	swait.ge @!p0 [sflag:s0], s1  }
0x17b: {  	s1 =	ssub.s32 @!p0 $0x0, s1;
	[sflag:s0] =	ssyncset.done @!p0 $0x0  }
0x17c: {  	[sflag:s0] =	ssyncadd.s32 @!p0 s1  }
0x17d: {  	[bflag:$0x3] =	sbarrier.arrive $0xFFFF  }
0x17e: {  	_ =	shalt  }

// kernel: kernel.8.cloned.1.call-start
scs
__scs_entry_jumppad:
0x0: {  	(pc) =	sbr.rel $0x88, $3  }
0x1: {  	(tag) =	ssettag $0x0;
	lr =	simm.s32 $0x1  }
0x2: {  	[smem:$0x3F95] =	sst lr;
	_ =	strace $0xD0000000  }
0x3: {  	_ = 	snop  }
0x4: {  	_ = 	snop  }
0x5: {  	_ = 	snop  }
0x6: {  	_ = 	snop  }
0x7: {  	_ = 	snop  }
__scs_overlays_trampoline_lowered:
0x8: {  	[smem:$0x3FA4] =	sst s0  }
0x9: {  	[smem:$0x3FA5] =	sst s1  }
0xa: {  	[smem:$0x3FA6] =	sst s2  }
0xb: {  	[smem:$0x3FA7] =	sst s3  }
0xc: {  	[smem:$0x3FA8] =	sst s4  }
0xd: {  	[smem:$0x3FA9] =	sst s5  }
0xe: {  	[smem:$0x3FAA] =	sst s6  }
0xf: {  	[smem:$0x3FAB] =	sst s7  }
0x10: {  	[smem:$0x3FAC] =	sst s8  }
0x11: {  	[smem:$0x3FAD] =	sst s9;
	s0 =	simm.s32 @!p0 $0x0  }
0x12: {  	s1 =	sld [smem:$0x3F93];
	s0 =	simm.s32 @p0 $0x1  }
0x13: {  	[smem:$0x3FAE] =	sst s0;
	s0 =	simm.s32 @!p1 $0x0  }
0x14: {  	s2 =	sld [smem:$0x3F92];
	s0 =	simm.s32 @p1 $0x1  }
0x15: {  	[smem:$0x3FAF] =	sst s0;
	s0 =	simm.s32 @!p2 $0x0  }
0x16: {  	s3 =	sld [smem:$0x3FDB];
	s0 =	simm.s32 @p2 $0x1  }
0x17: {  	s4 =	simm.s32 $0x1BF5;
	[smem:$0x3FB1] =	sst s0  }
0x18: {  	s0 =	sld [smem:$0x3F94];
	_ =	swait.ge [sflag:s4], $0x0  }
0x19: {  	s7 =	sld [smem:$0x3F95]  }
0x1a: {  	s8 =	sadd.s32 $0xFFFFE003, lr  }
0x1b: {  	s9 =	sadd.s32 $0xFFFFFEF7, lr;
	s5 =	simm.s32 $0xFFFFFFFF;
	p2 =	slt.u32 s8, $0xFFFFF086  }
0x1c: {  	p1 =	slt.u32 s9, $0xF7A;
	s5 =	simm.s32 @!p2 $0x0  }
0x1d: {  	s5 =	simm.s32 @p1 $0x1;
	p0 =	seq.s32 s7, s2  }
0x1e: {  	s7 =	smul.u32 @!p0 $0xF7A, s2;
	p2 =	seq.s32 @!p0 s5, $0x0  }
0x1f: {  	s9 =	smul.u32 $0xF7A, s1;
	s8 =	simm.s32 @!p0 $0x1BF5;
	p2 =	por !p2, p0  }
0x20: {  	[sflag:s8] =	ssyncset.s32 @!p0 $0xFFFFF086;
	s6 =	sadd.s32 @!p0 s3, s7;
	s7 =	simm.s32 @!p0 $0x108  }
0x21: {  	s3 =	sadd.s32 s3, s9;
	s6 =	sadd.s32 @!p0 $0x88, s6;
	s7 =	simm.s32 @p2 $0x1082  }
0x22: {  	[simem:s7], [sflag:s8] =	dma.local @!p0 [hbm:s6], $0xF7A  }
0x23: {  	s9 =	sor.u32 $0xD0000000, s2;
	s6 =	simm.s32 $0x108;
	_ =	swait.ge @!p0 [sflag:s8], $0x0  }
0x24: {  	s3 =	sadd.s32 $0x88, s3;
	s6 =	simm.s32 @!p1 $0x1082;
	[sflag:s4] =	ssyncset.s32 $0xFFFFF086  }
0x25: {  	[simem:s6], [sflag:s4] =	dma.local [hbm:s3], $0xF7A  }
0x26: {  	[smem:$0x3F95] =	sst s1;
	(tag) =	ssettag s2;
	_ =	strace s9  }
0x27: {  	s1 =	sld [smem:$0x3FA5]  }
0x28: {  	s2 =	sld [smem:$0x3FA6]  }
0x29: {  	s4 =	sld [smem:$0x3FA8]  }
0x2a: {  	p0 =	seq.s32 s5, $0x0;
	s5 =	sld [smem:$0x3FA9]  }
0x2b: {  	s6 =	sld [smem:$0x3FAA]  }
0x2c: {  	s7 =	sld [smem:$0x3FAB]  }
0x2d: {  	s3 =	simm.s32 $0x108;
	s8 =	sld [smem:$0x3FAC]  }
0x2e: {  	s3 =	simm.s32 @!p0 $0x1082;
	s9 =	sld [smem:$0x3FAD]  }
0x2f: {  	lr =	sadd.s32 s0, s3;
	s0 =	sld [smem:$0x3FA4]  }
0x30: {  	s3 =	sld [smem:$0x3FA7]  }
0x31: {  	[smem:$0x3FB0] =	sst s10  }
0x32: {  	s10 =	sld [smem:$0x3FAE];
	_ =	sdelay $0x3  }
0x33: {  	p0 =	seq.s32 s10, $0x1;
	s10 =	sld [smem:$0x3FB0];
	_ =	sdelay $0x3  }
0x34: {  	[smem:$0x3FB0] =	sst s10  }
0x35: {  	s10 =	sld [smem:$0x3FAF];
	_ =	sdelay $0x3  }
0x36: {  	p1 =	seq.s32 s10, $0x1;
	s10 =	sld [smem:$0x3FB0];
	_ =	sdelay $0x3  }
0x37: {  	[smem:$0x3FB0] =	sst s10  }
0x38: {  	s10 =	sld [smem:$0x3FB1]  }
0x39: {  	_ = 	snop;
	(pc) =	sbr.ind lr, $3  }
0x3a: {  	_ = 	snop  }
0x3b: {  	_ = 	snop  }
0x3c: {  	p2 =	seq.s32 s10, $0x1;
	s10 =	sld [smem:$0x3FB0]  }
0x3d: {  	_ =	shalt  }
0x3e: {  	_ =	shalt  }
0x3f: {  	_ =	shalt  }
0x40: {  	_ =	shalt  }
0x41: {  	_ =	shalt  }
0x42: {  	_ =	shalt  }
0x43: {  	_ =	shalt  }
0x44: {  	_ =	shalt  }
0x45: {  	_ =	shalt  }
0x46: {  	_ =	shalt  }
0x47: {  	_ =	shalt  }
0x48: {  	_ =	shalt  }
0x49: {  	_ =	shalt  }
0x4a: {  	_ =	shalt  }
0x4b: {  	_ =	shalt  }
0x4c: {  	_ =	shalt  }
0x4d: {  	_ =	shalt  }
0x4e: {  	_ =	shalt  }
0x4f: {  	_ =	shalt  }
0x50: {  	_ =	shalt  }
0x51: {  	_ =	shalt  }
0x52: {  	_ =	shalt  }
0x53: {  	_ =	shalt  }
0x54: {  	_ =	shalt  }
0x55: {  	_ =	shalt  }
0x56: {  	_ =	shalt  }
0x57: {  	_ =	shalt  }
0x58: {  	_ =	shalt  }
0x59: {  	_ =	shalt  }
0x5a: {  	_ =	shalt  }
0x5b: {  	_ =	shalt  }
0x5c: {  	_ =	shalt  }
0x5d: {  	_ =	shalt  }
0x5e: {  	_ =	shalt  }
0x5f: {  	_ =	shalt  }
0x60: {  	_ =	shalt  }
0x61: {  	_ =	shalt  }
0x62: {  	_ =	shalt  }
0x63: {  	_ =	shalt  }
0x64: {  	_ =	shalt  }
0x65: {  	_ =	shalt  }
0x66: {  	_ =	shalt  }
0x67: {  	_ =	shalt  }
0x68: {  	_ =	shalt  }
0x69: {  	_ =	shalt  }
0x6a: {  	_ =	shalt  }
0x6b: {  	_ =	shalt  }
0x6c: {  	_ =	shalt  }
0x6d: {  	_ =	shalt  }
0x6e: {  	_ =	shalt  }
0x6f: {  	_ =	shalt  }
0x70: {  	_ =	shalt  }
0x71: {  	_ =	shalt  }
0x72: {  	_ =	shalt  }
0x73: {  	_ =	shalt  }
0x74: {  	_ =	shalt  }
0x75: {  	_ =	shalt  }
0x76: {  	_ =	shalt  }
0x77: {  	_ =	shalt  }
0x78: {  	_ =	shalt  }
0x79: {  	_ =	shalt  }
0x7a: {  	_ =	shalt  }
0x7b: {  	_ =	shalt  }
0x7c: {  	_ =	shalt  }
0x7d: {  	_ =	shalt  }
0x7e: {  	_ =	shalt  }
0x7f: {  	_ =	shalt  }
0x80: {  	_ =	shalt  }
0x81: {  	_ =	shalt  }
0x82: {  	_ =	shalt  }
0x83: {  	_ =	shalt  }
0x84: {  	_ =	shalt  }
0x85: {  	_ =	shalt  }
0x86: {  	_ =	shalt  }
0x87: {  	_ =	shalt  }
.Lfunc_end0:
.L_simem_size_0:
called_computation_lowered:
.L_overlay_start_0:
0x88: {  	s2 =	sld [smem:$0x3FD9]  }
0x89: {  	s3 =	sld [smem:$0x3FFE];
	_ =	sdelay $0x1  }
0x8a: {  	s1 =	srdreg.scid  }
0x8b: {  	s0 =	sand.u32 $0x1, s1  }
0x8c: {  	s16 =	sshll.u32 s0, $0xA;
	s2 =	sadd.s32 s3, s2  }
0x8d: {  	s2 =	sadd.s32 s2, s16  }
0x8e: {  	[smem:$0x3FBC] =	sst s2  }
0x8f: {  	_ = 	snop  }
0x90: {  	(tm) =	ssettm $0x1  }
0x91: {  	s17 =	sld [smem:$0x3FFB];
	_ =	sdelay $0x3  }
0x92: {  	_ =	strace s17  }
0x93: {  	s2 =	sld [smem:$0x3FFC];
	_ =	sdelay $0x3  }
0x94: {  	_ =	strace s2  }
0x95: {  	s2 =	sld [smem:$0x3FFD];
	_ =	sdelay $0x3  }
0x96: {  	_ =	strace s2  }
0x97: {  	_ =	strace $0x8FFFFFFF  }
0x98: {  	s18 =	sld [smem:$0x3FDB];
	_ =	sdelay $0x1  }
0x99: {  	s19 =	simm.s32 $_scs_section_size  }
0x9a: {  	s4 =	simm.s32 $_size__tile_overlayer_lowered;
	s5 =	simm.s32 $_tile_overlayer_lowered  }
0x9b: {  	s22 =	simm.s32 $0x1BFF;
	s21 =	sshll.u32 s5, $0x1;
	s2 =	sadd.s32 s19, s18  }
0x9c: {  	s6 =	simm.s32 $0x0;
	s20 =	sshll.u32 s4, $0x1;
	s4 =	sadd.s32 s21, s2  }
0x9d: {  	[timem:s6], [sflag:s22] =	dma.local [hbm:s4], s20  }
0x9e: {  	_ =	swait.ge [sflag:s22], s20  }
0x9f: {  	s3 =	ssub.s32 $0x0, s20;
	[sflag:s22] =	ssyncset.done $0x0  }
0xa0: {  	[sflag:s22] =	ssyncadd.s32 s3;
	_ =	sdelay $0x1  }
0xa1: {  	s23 =	simm.s32 $0x1B8B  }
0xa2: {  	_ =	swait.ge [sflag:s23], $0x1  }
0xa3: {  	[sflag:s23] =	ssyncset.done $0x0  }
0xa4: {  	s25 =	simm.s32 $0x1B8E;
	s24 =	sld [smem:$0x3FFE];
	[sflag:s23] =	ssyncadd.s32 $0xFFFFFFFF  }
0xa5: {  	s26 =	simm.s32 $execute0_lowered;
	[smem:$0x3FD2] =	sst s25  }
0xa6: {  	s4 =	sshll.u32 s26, $0x1;
	_ =	strace $0x80000046;
	[dreg:$0x1] =	wrdreg $0xFFFFFFFF  }
0xa7: {  	s28 =	simm.s32 $_size_execute0_lowered;
	s2 =	sadd.s32 s2, s4;
	[dreg:$0x0] =	wrdreg $0x0  }
0xa8: {  	s4 =	sshll.u32 s28, $0x1;
	[dreg:$0x2] =	wrdreg s2  }
0xa9: {  	[dreg:$0x3] =	wrdreg s4  }
0xaa: {  	[dreg:$0x4] =	wrdreg $0xC0  }
0xab: {  	_ =	task [dreg:s6], $0x5FFFF  }
0xac: {  	[dreg:$0x1] =	wrdreg $0xFFFFFFFF  }
0xad: {  	[dreg:$0x0] =	wrdreg $0x60  }
0xae: {  	[dreg:$0x2] =	wrdreg s24  }
0xaf: {  	[dreg:$0x3] =	wrdreg $0x38000  }
0xb0: {  	[dreg:$0x4] =	wrdreg $0x9  }
0xb1: {  	_ =	task.clear_ibuf [dreg:s6], $0x5FFFF;
	_ =	strace $0x90000046  }
0xb2: {  	s29 =	simm.s32 $0x9;
	_ =	strace $0x80000048  }
0xb3: {  	_ =	swait.ge [sflag:s29], $0x1  }
0xb4: {  	[sflag:s29] =	ssyncadd.s32 $0xFFFFFFFF  }
0xb5: {  	_ =	strace $0x90000048  }
0xb6: {  	_ =	sfence  }
0xb7: {  	s30 =	sld [smem:$0x0];
	_ =	sdelay $0x2  }
0xb8: {  	s31 =	sshll.u32 s1, $0xD;
	s1 =	sshrl.u32 s1, $0x2  }
0xb9: {  	s3 =	sand.u32 $0x4000, s31;
	s1 =	sadd.s32 s1, s30  }
0xba: {  	s0 =	sor.u32 s3, s0;
	s1 =	sshll.u32 s1, $0x11  }
0xbb: {  	s0 =	sor.u32 s1, s0  }
0xbc: {  	s0 =	sadd.s32 $0x8F2B, s0  }
0xbd: {  	[sflag:s0] =	ssyncadd.remote.s32 $0x1  }
0xbe: {  	_ =	sfence.sel $0xFFFF  }
0xbf: {  	[dreg:$0x0] =	wrdreg $0xFFFFFFFF;
	(pc) =	sbr.abs _section_cstart, $3  }
0xc0: {  	[dreg:$0x1] =	wrdreg $0xFFFFFFFF  }
0xc1: {  	_ =	task.clear_ibuf [dreg:s6], $0x2FFFF;
	_ =	strace $0x9FFFFFFF  }
0xc2: {  	(tm) =	ssettm $0x7FFFFFFF  }
0xc3: {  	_ =	shalt  }
tec
execute0_lowered:
.L_overlay_start_1:
0x0: {  	(tag) =	ssettag $0x1  }
0x1: {  	s6 =	rddreg [dreg:$0x0]  }
0x2: {  	s0 =	srdreg.scid;
	s2 =	rddreg [dreg:$0x1]  }
0x3: {  	s3 =	simm.s32 $0x0;
	s5 =	sand.u32 $0x1, s0;
	s0 =	stileid.u32  }
0x4: {  	s13 =	simm.s32 $0x80;
	s14 =	simm.s32 $0x0;
	s7 =	smul.u32 $0x5000, s0  }
0x5: {  	[smem:$0x7FF] =	sst s3;
	s1 =	sshll.u32 s5, $0x4;
	s8 =	smul.u32 $0x50000, s5  }
0x6: {  	s5 =	ssub.s32 $0x2, s5;
	s31 =	sshll.u32 s0, $0x6;
	s1 =	sor.u32 s0, s1  }
0x7: {  	s11 =	sshrl.u32 s5, $0x1;
	s4 =	smul.u32 $0x500, s1;
	s1 =	rddreg [dreg:$0x2]  }
0x8: {  	_ =	strace $0x80000047;
	s8 =	sadd.s32 s7, s8;
	s10 =	sshrl.u32 s7, $0x3  }
0x9: {  	s11 =	ssub.s32 s5, s11;
	s12 =	sadd.s32 s7, s2;
	s8 =	sshrl.u32 s8, $0x3  }
0xa: {  	s10 =	sadd.s32 s10, s6;
	s12 =	sshrl.u32 s12, $0x3;
	s9 =	sadd.s32 s4, s6  }
0xb: {  	s4 =	sadd.s32 $0xD400, s6;
	s8 =	sadd.s32 s8, s6;
	s6 =	sadd.s32 $0xD600, s10  }
0xc: {  	s10 =	simm.s32 $0x2800;
	s5 =	sadd.s32 $0x3400, s9;
	s7 =	sadd.s32 $0x17600, s8  }
0xd: {  	s8 =	smax.u32 s11, $0x1;
	s9 =	simm.s32 $0x1;
	s11 =	sor.u32 $0x1C01, s31  }
.LBB2_1:
0xe: {  	[tilespmem:s3], [sflag:$0x1] =	stream.linear.gather [hbm4b:s5+s3], $0x2800, $0x38;
	[tilespmem:$0x8800] =	vst v63  }
0xf: {  	_ =	swait.ge [sflag:s9], $0x2800  }
0x10: {  	[sflag:s9] =	ssyncset.done $0x0  }
0x11: {  	[sflag:s9] =	ssyncadd.s32 $0xFFFFD800  }
0x12: {  	[tilespmem:s10], [sflag:$0x1] =	stream.linear.gather [hbm4b:s4+s3], $0x1000, $0x38;
	[tilespmem:$0x8800] =	vst v63  }
0x13: {  	_ =	swait.ge [sflag:s9], $0x1000  }
0x14: {  	[sflag:s9] =	ssyncset.done $0x0  }
0x15: {  	[sflag:s9] =	ssyncadd.s32 $0xFFFFF000  }
0x16: {  	[spmem:s12], [sflag:s11] =	dma.local [hbm:s6], $0xA00  }
0x17: {  	_ =	swait.ge [sflag:s9], $0xA00  }
0x18: {  	[sflag:s9] =	ssyncset.done $0x0  }
0x19: {  	[sflag:s9] =	ssyncadd.s32 $0xFFFFF600  }
0x1a: {  	s15 =	simm.s32 $0x0;
	[bflag:$0x0] =	sbarrier.arrive $0xFFFF  }
0x1b: {  	[spmem:s2] =	stream.indirect.scatter.add.f32 [tilespmem:s10], [sflag:$0x1], $0x20, s15, s13, $0xb8;
	[tilespmem:$0x8800] =	vst v63  }
0x1c: {  	_ =	swait.ge [sflag:s9], $0x1000  }
0x1d: {  	s15 =	simm.s32 $0x200;
	[sflag:s9] =	ssyncset.done $0x0  }
.LBB2_2:
0x1e: {  	s16 =	sshra.s32 s15, $0x2;
	[sflag:s9] =	ssyncadd.s32 $0xFFFFF000;
	p0 =	sne.s32 s15, $0x9E00  }
0x1f: {  	[spmem:s2] =	stream.indirect.scatter.add.f32 [tilespmem:s10], [sflag:$0x1], $0x20, s16, s13, $0xb8;
	[tilespmem:$0x8800] =	vst v63  }
.Ltmp0:
0x20: {  	_ = 	snop;
	(pc) =	sbr.rel @p0 .LBB2_2-.Ltmp0, $4  }
0x21: {  	_ = 	snop  }
0x22: {  	s15 =	sadd.s32 $0x200, s15  }
0x23: {  	_ =	swait.ge [sflag:s9], $0x1000  }
0x24: {  	[sflag:s9] =	ssyncset.done $0x0  }
0x25: {  	s14 =	sadd.s32 $0x1, s14  }
0x26: {  	[sflag:s9] =	ssyncadd.s32 $0xFFFFF000;
	p0 =	sne.s32 s14, s8  }
.Ltmp1:
0x27: {  	[bflag:$0x0] =	sbarrier.arrive $0xFFFF;
	(pc) =	sbr.rel @p0 .LBB2_1-.Ltmp1, $4  }
0x28: {  	[hbm:s7], [sflag:s11] =	dma.local [spmem:s12], $0xA00  }
0x29: {  	_ =	swait.ge [sflag:s9], $0xA00  }
0x2a: {  	[sflag:s9] =	ssyncset.done $0x0  }
0x2b: {  	[sflag:s9] =	ssyncadd.s32 $0xFFFFF600  }
0x2c: {  	_ =	sfence.sel $0x180000  }
0x2d: {  	[bflag:$0x0] =	sbarrier.arrive $0xFFFF  }
0x2e: {  	p0 =	sne.s32 s0, $0x0;
	_ =	strace $0x90000047  }
0x2f: {  	s0 =	sadd.s32 @!p0 $0x100000, s1;
	[bflag:$0x2] =	sbarrier.arrive $0xFFFF  }
0x30: {  	[sflag:s0] =	ssyncadd.tile.s32 @!p0 $0x1;
	_ =	shalt  }
.Lfunc_end2:
_tile_overlayer_lowered:
.L_overlay_start_2:
0x31: {  	(tag) =	ssettag $0x2  }
0x32: {  	s0 =	rddreg [dreg:$0x0];
	s2 =	stileid.u32  }
0x33: {  	s1 =	rddreg [dreg:$0x1];
	p0 =	sne.s32 s2, $0x0  }
0x34: {  	s3 =	rddreg [dreg:$0x2];
	[bflag:$0x3] =	sbarrier.arrive $0xFFFF;
	s2 =	simm.s32 @!p0 $0x1C01  }
0x35: {  	[timem:s3], [sflag:s2] =	dma.local @!p0 [hbm:s0], s1  }
0x36: {  	s0 =	simm.s32 @!p0 $0x1  }
0x37: {  	_ =	swait.ge @!p0 [sflag:s0], s1  }
0x38: {  	s1 =	ssub.s32 @!p0 $0x0, s1;
	[sflag:s0] =	ssyncset.done @!p0 $0x0  }
0x39: {  	[sflag:s0] =	ssyncadd.s32 @!p0 s1  }
0x3a: {  	[bflag:$0x3] =	sbarrier.arrive $0xFFFF  }
0x3b: {  	_ =	shalt  }

</sc_bundles>
